<compile_context>
chip_gen: v7x
topology: tpu7x:2x2x1
jax: 0.10.2.dev20260603
libtpu: 0.0.44.dev20260713+nightly
codegen_flags: <defaults>
</compile_context>

<pallas_src>
import jax
import jax.numpy as jnp
from jax import lax
from jax.experimental import pallas as pl
from jax.experimental.pallas import tpu as pltpu
from jax.experimental.pallas import tpu_sc as plsc

F32 = jnp.float32
NC, NS = 2, 16
NW = NC * NS
CH = 128
NB = 4
L = 16
NJUNK = 64

DRB = 624
DZ = 104


def _zero16():
    return jnp.zeros((L,), F32)


def _sc_mesh():
    return plsc.VectorSubcoreMesh(
        core_axis_name="c", subcore_axis_name="s", num_cores=NC,
        num_subcores=NS)


def _make_deg(n, nrows, nreal):
    npt = nrows // NW
    npad = 10240
    zchunk = npad // NS

    def body(dst2, out, idxd, ones_v, vbuf, zb, deg_sp, ssem):
        c = lax.axis_index("c")
        s = lax.axis_index("s")
        wid = s * NC + c

        @pl.loop(0, zchunk // L)
        def _(i):
            zb[pl.ds(i * L, L)] = _zero16()
        pltpu.sync_copy(zb, deg_sp.at[pl.ds(pl.multiple_of(s * zchunk, 8),
                                            zchunk)])

        @pl.loop(0, CH // L)
        def _(i):
            ones_v[pl.ds(i * L, L)] = jnp.ones((L,), F32)
        pltpu.sync_copy(dst2.at[pl.ds(pl.multiple_of(wid * npt, 8), npt), :],
                        idxd)
        plsc.subcore_barrier()

        @pl.loop(0, npt // NB)
        def _(g):
            for b in range(NB):
                j = g * NB + b

                @pl.when(wid * npt + j < nreal)
                def _():
                    pltpu.async_copy(ones_v, deg_sp.at[idxd.at[j]], ssem.at[b],
                                     add=True)
            for b in range(NB):
                j = g * NB + b

                @pl.when(wid * npt + j < nreal)
                def _():
                    pltpu.make_async_copy(ones_v, deg_sp.at[idxd.at[j]],
                                          ssem.at[b]).wait()
        plsc.subcore_barrier()

        @pl.when(s == 0)
        def _():
            pltpu.sync_copy(deg_sp.at[pl.ds(0, n)], vbuf)
            pltpu.sync_copy(vbuf, out.at[pl.ds(pl.multiple_of(c * n, 8), n)])

    return pl.kernel(
        body,
        out_type=jax.ShapeDtypeStruct((2 * n,), F32),
        mesh=_sc_mesh(),
        scratch_types=[
            pltpu.VMEM((npt, CH), jnp.int32),
            pltpu.VMEM((CH,), F32),
            pltpu.VMEM((n,), F32),
            pltpu.VMEM((zchunk,), F32),
            pltpu.VMEM_SHARED((npad,), F32),
            pltpu.SemaphoreType.DMA((NB,)),
        ])


def _make_agg(n, d, nrows, a, core_stride, IB):
    if core_stride:
        npt = core_stride // NS
    else:
        npt = nrows // NS
    nsp = n + NJUNK
    nblk = npt // IB

    def body(table, sd3, out, idxa, idxc, buf0, buf1, agg_sp, gsem, ssem,
             isem):
        c = lax.axis_index("c")
        s = lax.axis_index("s")
        ci = c if a == 2 else 0
        cb = pl.multiple_of(c * core_stride + s * npt, 8)

        @pl.loop(0, CH * (d // L))
        def _(i):
            r = i // (d // L)
            k = i % (d // L)
            buf0[r, pl.ds(k * L, L)] = _zero16()
        for q in range(DRB // DZ):
            pltpu.async_copy(
                buf0.at[pl.ds(0, DZ), :],
                agg_sp.at[pl.ds(pl.multiple_of(s * DRB + q * DZ, 8), DZ), :],
                gsem.at[q % 2])
        for q in range(DRB // DZ):
            pltpu.make_async_copy(
                buf0.at[pl.ds(0, DZ), :],
                agg_sp.at[pl.ds(pl.multiple_of(s * DRB + q * DZ, 8), DZ), :],
                gsem.at[q % 2]).wait()

        @pl.when(s == NS - 1)
        def _():
            pltpu.sync_copy(buf0.at[pl.ds(0, 16 + NJUNK), :],
                            agg_sp.at[pl.ds(NS * DRB, 16 + NJUNK), :])
        plsc.subcore_barrier()

        def g_start(idx, r, buf, sem):
            pltpu.async_copy(table.at[idx.at[r, 0]], buf, sem)

        def g_wait(idx, r, buf, sem):
            pltpu.make_async_copy(table.at[idx.at[r, 0]], buf, sem).wait()

        def s_start(idx, r, buf, sem):
            pltpu.async_copy(buf, agg_sp.at[idx.at[r, 1]], sem, add=True)

        def s_wait(idx, r, buf, sem):
            pltpu.make_async_copy(buf, agg_sp.at[idx.at[r, 1]], sem).wait()

        def idx_src(k):
            kb = pl.multiple_of(cb + k * IB, 8)
            return sd3.at[ci, pl.ds(kb, IB), :, :]

        def process_block(k, cur, nxt):
            @pl.when(k > 0)
            def _():
                pltpu.make_async_copy(idx_src(k), cur, isem).wait()

            @pl.when(k + 1 < nblk)
            def _():
                pltpu.async_copy(idx_src(k + 1), nxt, isem)
            g_start(cur, 0, buf0, gsem.at[0])

            @pl.loop(0, IB // 2)
            def _(jj):
                r = jj * 2
                g_wait(cur, r, buf0, gsem.at[0])

                @pl.when(jj > 0)
                def _():
                    s_wait(cur, r - 1, buf1, ssem.at[1])
                g_start(cur, r + 1, buf1, gsem.at[1])
                s_start(cur, r, buf0, ssem.at[0])
                g_wait(cur, r + 1, buf1, gsem.at[1])
                s_wait(cur, r, buf0, ssem.at[0])

                @pl.when(jj < IB // 2 - 1)
                def _():
                    g_start(cur, r + 2, buf0, gsem.at[0])
                s_start(cur, r + 1, buf1, ssem.at[1])
            s_wait(cur, IB - 1, buf1, ssem.at[1])

        pltpu.sync_copy(idx_src(0), idxa)

        @pl.loop(0, nblk)
        def _(k):
            @pl.when(k % 2 == 0)
            def _():
                process_block(k, idxa, idxc)

            @pl.when(k % 2 == 1)
            def _():
                process_block(k, idxc, idxa)
        plsc.subcore_barrier()

        nq = DRB // DZ
        for q in range(nq):
            r0 = pl.multiple_of(s * DRB + q * DZ, 8)
            buf = buf0 if q % 2 == 0 else buf1
            if q >= 2:
                rp = pl.multiple_of(s * DRB + (q - 2) * DZ, 8)
                pltpu.make_async_copy(
                    buf.at[pl.ds(0, DZ), :],
                    out.at[pl.ds(pl.multiple_of(c * n + rp, 8), DZ), :],
                    ssem.at[q % 2]).wait()
            pltpu.sync_copy(agg_sp.at[pl.ds(r0, DZ), :], buf.at[pl.ds(0, DZ), :])
            pltpu.async_copy(
                buf.at[pl.ds(0, DZ), :],
                out.at[pl.ds(pl.multiple_of(c * n + r0, 8), DZ), :],
                ssem.at[q % 2])
        for q in range(nq - 2, nq):
            r0 = pl.multiple_of(s * DRB + q * DZ, 8)
            buf = buf0 if q % 2 == 0 else buf1
            pltpu.make_async_copy(
                buf.at[pl.ds(0, DZ), :],
                out.at[pl.ds(pl.multiple_of(c * n + r0, 8), DZ), :],
                ssem.at[q % 2]).wait()

        @pl.when(s == NS - 1)
        def _():
            pltpu.sync_copy(agg_sp.at[pl.ds(NS * DRB, 16), :],
                            buf0.at[pl.ds(0, 16), :])
            pltpu.sync_copy(
                buf0.at[pl.ds(0, 16), :],
                out.at[pl.ds(pl.multiple_of(c * n + NS * DRB, 8), 16), :])

    return pl.kernel(
        body,
        out_type=jax.ShapeDtypeStruct((2 * n, d), F32),
        mesh=_sc_mesh(),
        scratch_types=[
            pltpu.VMEM((IB, 2, CH), jnp.int32),
            pltpu.VMEM((IB, 2, CH), jnp.int32),
            pltpu.VMEM((CH, d), F32),
            pltpu.VMEM((CH, d), F32),
            pltpu.VMEM_SHARED((nsp, d), F32),
            pltpu.SemaphoreType.DMA((2,)),
            pltpu.SemaphoreType.DMA((2,)),
            pltpu.SemaphoreType.DMA,
        ])


_R = 1000


def _stage_a(x, w1, deg2):
    n, din = x.shape
    dh = w1.shape[1]
    hd = dh // 2
    nb = n // _R

    def body(x_ref, w1_ref, dega_ref, degb_ref, hp_ref, dis_ref):
        deg = dega_ref[...] + degb_ref[...] + 1.0
        dis = lax.rsqrt(jnp.maximum(deg, 1e-12))
        h = jnp.dot(x_ref[...], w1_ref[...], preferred_element_type=F32)
        hp_ref[...] = dis * h
        dis_ref[...] = dis

    return pl.pallas_call(
        body,
        grid=(nb, 2),
        in_specs=[
            pl.BlockSpec((_R, din), lambda i, c: (i, 0)),
            pl.BlockSpec((din, hd), lambda i, c: (0, c)),
            pl.BlockSpec((_R, 1), lambda i, c: (i, 0)),
            pl.BlockSpec((_R, 1), lambda i, c: (i + nb, 0)),
        ],
        out_specs=[
            pl.BlockSpec((_R, hd), lambda i, c: (c * nb + i, 0)),
            pl.BlockSpec((_R, 1), lambda i, c: (i, 0)),
        ],
        out_shape=[
            jax.ShapeDtypeStruct((2 * n, hd), F32),
            jax.ShapeDtypeStruct((n, 1), F32),
        ],
    )(x, w1, deg2, deg2)


def _stage_b(agg1, h1p, dis, b1, w2, alpha8):
    n = dis.shape[0]
    hd = agg1.shape[1]
    dout = w2.shape[1]
    nb = n // _R

    def body(alo_ref, ahi_ref, hlo_ref, hhi_ref, dis_ref, b1_ref, w2_ref,
             a_ref, h2p_ref):
        a = a_ref[0, 0]
        dis = dis_ref[...]
        w2 = w2_ref[...]
        lo = dis * (alo_ref[...] + hlo_ref[...]) + b1_ref[:, :hd]
        lo = jnp.where(lo >= 0, lo, a * lo)
        hi = dis * (ahi_ref[...] + hhi_ref[...]) + b1_ref[:, hd:]
        hi = jnp.where(hi >= 0, hi, a * hi)
        h2 = (jnp.dot(lo, w2[:hd, :], preferred_element_type=F32)
              + jnp.dot(hi, w2[hd:, :], preferred_element_type=F32))
        h2p_ref[...] = dis * h2

    return pl.pallas_call(
        body,
        grid=(nb,),
        in_specs=[
            pl.BlockSpec((_R, hd), lambda i: (i, 0)),
            pl.BlockSpec((_R, hd), lambda i: (i + nb, 0)),
            pl.BlockSpec((_R, hd), lambda i: (i, 0)),
            pl.BlockSpec((_R, hd), lambda i: (i + nb, 0)),
            pl.BlockSpec((_R, 1), lambda i: (i, 0)),
            pl.BlockSpec((1, 2 * hd), lambda i: (0, 0)),
            pl.BlockSpec((2 * hd, dout), lambda i: (0, 0)),
            pl.BlockSpec((8, 128), lambda i: (0, 0)),
        ],
        out_specs=pl.BlockSpec((_R, dout), lambda i: (i, 0)),
        out_shape=jax.ShapeDtypeStruct((n, dout), F32),
    )(agg1, agg1, h1p, h1p, dis, b1, w2, alpha8)


def _stage_c(agg2, h2p, dis, b2, alpha8, fc1w, fc1b, fc2w, fc2b):
    n = dis.shape[0]
    dout = h2p.shape[1]
    dproj = fc1w.shape[1]
    nb = n // _R

    def body(aa_ref, ab_ref, h_ref, dis_ref, b2_ref, a_ref, w1_ref, bb1_ref,
             w2_ref, bb2_ref, out_ref, proj_ref):
        a = a_ref[0, 0]
        o = (dis_ref[...] * (aa_ref[...] + ab_ref[...] + h_ref[...])
             + b2_ref[...])
        o = jnp.where(o >= 0, o, a * o)
        out_ref[...] = o
        p = jnp.dot(o, w1_ref[...], preferred_element_type=F32) + bb1_ref[...]
        p = jnp.maximum(p, 0.0)
        proj_ref[...] = (jnp.dot(p, w2_ref[...], preferred_element_type=F32)
                         + bb2_ref[...])

    return pl.pallas_call(
        body,
        grid=(nb,),
        in_specs=[
            pl.BlockSpec((_R, dout), lambda i: (i, 0)),
            pl.BlockSpec((_R, dout), lambda i: (i + nb, 0)),
            pl.BlockSpec((_R, dout), lambda i: (i, 0)),
            pl.BlockSpec((_R, 1), lambda i: (i, 0)),
            pl.BlockSpec((1, dout), lambda i: (0, 0)),
            pl.BlockSpec((8, 128), lambda i: (0, 0)),
            pl.BlockSpec((dout, dproj), lambda i: (0, 0)),
            pl.BlockSpec((1, dproj), lambda i: (0, 0)),
            pl.BlockSpec((dproj, dout), lambda i: (0, 0)),
            pl.BlockSpec((1, dout), lambda i: (0, 0)),
        ],
        out_specs=[
            pl.BlockSpec((_R, dout), lambda i: (i, 0)),
            pl.BlockSpec((_R, dout), lambda i: (i, 0)),
        ],
        out_shape=[
            jax.ShapeDtypeStruct((n, dout), F32),
            jax.ShapeDtypeStruct((n, dout), F32),
        ],
    )(agg2, agg2, h2p, dis, b2, alpha8, fc1w, fc1b, fc2w, fc2b)


def kernel(x, edge_index, W1, b1, W2, b2, alpha, fc1_W, fc1_b, fc2_W, fc2_b):
    n, din = x.shape
    e = edge_index.shape[1]
    unit = NW * CH * 8
    ep = ((e + unit - 1) // unit) * unit
    npad = ep - e
    nrows = ep // CH

    pad_ids = jnp.arange(npad, dtype=jnp.int32)
    src2 = jnp.concatenate([edge_index[0], pad_ids % 512]).reshape(nrows, CH)
    dst2 = jnp.concatenate([edge_index[1],
                            n + pad_ids % NJUNK]).reshape(nrows, CH)
    sd1 = jnp.stack([jnp.stack([src2, dst2], axis=1),
                     jnp.stack([src2 + n, dst2], axis=1)])
    alpha8 = jnp.broadcast_to(alpha.astype(F32), (8, 128))
    b1r = b1.reshape(1, -1)
    b2r = b2.reshape(1, -1)
    fc1br = fc1_b.reshape(1, -1)
    fc2br = fc2_b.reshape(1, -1)

    nreal = e // CH
    deg2 = _make_deg(n, nrows, nreal)(dst2).reshape(2 * n, 1)
    h1p, dis = _stage_a(x, W1, deg2)
    agg1 = _make_agg(n, W1.shape[1] // 2, nrows, 2, 0, 32)(h1p, sd1)
    h2p = _stage_b(agg1, h1p, dis, b1r, W2, alpha8)
    agg2 = _make_agg(n, W2.shape[1], nrows, 1, nrows // 2, 16)(h2p, sd1)
    out, proj = _stage_c(agg2, h2p, dis, b2r, alpha8, fc1_W, fc1br, fc2_W,
                         fc2br)
    return (out, proj)

# --- scband reference (transcript-rebuilt; emitter-appended) ---
"""Pipeline reference for scband-my-model-58428735095675 (READ-ONLY COPY).

The authoritative reference and input builder live on the scoring server;
editing this copy changes nothing except your own understanding.
"""

import jax, jax.numpy as jnp
import numpy as np

N = 10000
E = 320000
D_IN = 128
D_HID = 256
D_OUT = 128
D_PROJ = 128


def setup_inputs(seed: int = 0) -> dict:
    key = jax.random.key(seed)
    ks = jax.random.split(key, 12)
    x = jax.random.normal(ks[0], (N, D_IN), dtype=jnp.float32)
    edge_index = jax.random.randint(ks[1], (2, E), 0, N, dtype=jnp.int32)
    W1 = jax.random.normal(ks[2], (D_IN, D_HID), dtype=jnp.float32) * (1.0 / np.sqrt(D_IN))
    b1 = jnp.zeros((D_HID,), dtype=jnp.float32)
    W2 = jax.random.normal(ks[3], (D_HID, D_OUT), dtype=jnp.float32) * (1.0 / np.sqrt(D_HID))
    b2 = jnp.zeros((D_OUT,), dtype=jnp.float32)
    alpha = jnp.array(0.25, dtype=jnp.float32)
    fc1_W = jax.random.normal(ks[4], (D_OUT, D_PROJ), dtype=jnp.float32) * (1.0 / np.sqrt(D_OUT))
    fc1_b = jax.random.normal(ks[5], (D_PROJ,), dtype=jnp.float32) * 0.01
    fc2_W = jax.random.normal(ks[6], (D_PROJ, D_OUT), dtype=jnp.float32) * (1.0 / np.sqrt(D_PROJ))
    fc2_b = jax.random.normal(ks[7], (D_OUT,), dtype=jnp.float32) * 0.01
    return {"x": x, "edge_index": edge_index, "W1": W1, "b1": b1, "W2": W2, "b2": b2,
            "alpha": alpha, "fc1_W": fc1_W, "fc1_b": fc1_b, "fc2_W": fc2_W, "fc2_b": fc2_b}


def gcn_conv(x, edge_index, W, b):
    n = x.shape[0]
    src = edge_index[0]
    dst = edge_index[1]
    loop = jnp.arange(n, dtype=src.dtype)
    src = jnp.concatenate([src, loop])
    dst = jnp.concatenate([dst, loop])
    h = x @ W
    deg = jnp.zeros((n,), dtype=x.dtype).at[dst].add(1.0)
    dis = jax.lax.rsqrt(jnp.maximum(deg, 1e-12))
    norm = dis[src] * dis[dst]
    msgs = norm[:, None] * h[src]
    out = jnp.zeros((n, W.shape[1]), dtype=x.dtype).at[dst].add(msgs)
    return out + b


def prelu(x, a):
    return jnp.where(x >= 0, x, a * x)


def reference(x, edge_index, W1, b1, W2, b2, alpha, fc1_W, fc1_b, fc2_W, fc2_b):
    out = prelu(gcn_conv(x, edge_index, W1, b1), alpha)
    out = prelu(gcn_conv(out, edge_index, W2, b2), alpha)
    proj = jax.nn.relu(out @ fc1_W + fc1_b)
    proj = proj @ fc2_W + fc2_b
    return (out, proj)

if __name__ == "__main__":
    import jax
    _d = setup_inputs()
    print(jax.jit(kernel)(*tuple(_d.values())))

</pallas_src>

<mosaic_0001>
#map = affine_map<(d0, d1) -> (0, 0)>
#map1 = affine_map<(d0, d1) -> (0)>
module attributes {stable_mosaic.version = 14 : i64} {
  func.func @body(%arg0: i32, %arg1: i32, %arg2: memref<2560x128xi32, #tpu.memory_space<hbm>>, %arg3: memref<20000xf32, #tpu.memory_space<hbm>>, %arg4: memref<80x128xi32, #tpu.memory_space<vmem>>, %arg5: memref<128xf32, #tpu.memory_space<vmem>>, %arg6: memref<10000xf32, #tpu.memory_space<vmem>>, %arg7: memref<640xf32, #tpu.memory_space<vmem>>, %arg8: memref<10240xf32, #tpu.memory_space<vmem_shared>>, %arg9: memref<4x!tpu.dma_semaphore, #tpu.memory_space<semaphore_mem>>) attributes {dimension_semantics = [#tpu.dimension_semantics<core_parallel>, #tpu.dimension_semantics<subcore_parallel>], iteration_bounds = array<i64: 2, 16>, scalar_prefetch = 0 : i64, scratch_operands = 6 : i64, tpu.core_type = #tpu.core_type<sc_vector_subcore>, window_params = [{transform_indices = #map}, {transform_indices = #map1}]} {
    %mul3A = arith.constant 2 : i32
    %mul3A_0 = arith.muli %arg1, %mul3A : i32
    %add3A = arith.addi %mul3A_0, %arg0 : i32
    %scan3A = arith.constant 0 : i32
    %scan3A_1 = arith.constant 40 : i32
    %scan3A_2 = arith.addi %scan3A, %scan3A_1 : i32
    %scan3A_3 = arith.constant 1 : i32
    scf.for %scan3A_23 = %scan3A to %scan3A_2 step %scan3A_3  : i32 {
      %mul3A_24 = arith.constant 1 : i32
      %mul3A_25 = arith.muli %scan3A_23, %mul3A_24 : i32
      %add3A_26 = arith.constant 0 : i32
      %add3A_27 = arith.addi %add3A_26, %mul3A_25 : i32
      %broadcast_in_dim3A = arith.constant 0.000000e+00 : f32
      %broadcast_in_dim3A_28 = vector.broadcast %broadcast_in_dim3A : f32 to vector<16xf32>
      %mul3A_29 = arith.constant 16 : i32
      %mul3A_30 = arith.muli %add3A_27, %mul3A_29 : i32
      %swap3A = arith.index_cast %mul3A_30 : i32 to index
      %swap3A_31 = tpu.vector_load %arg7[%swap3A] {strides = array<i32>} : memref<640xf32, #tpu.memory_space<vmem>>, vector<16xf32>,
      %swap3A_32 = vector.shape_cast %swap3A_31 : vector<16xf32> to vector<16xf32>
      %swap3A_33 = vector.shape_cast %broadcast_in_dim3A_28 : vector<16xf32> to vector<16xf32>
      tpu.vector_store %arg7[%swap3A], %swap3A_33 {strides = array<i32>} : memref<640xf32, #tpu.memory_space<vmem>>, vector<16xf32>,
    }
    %scan3A_4 = arith.constant 40 : i32
    %mul3A_5 = arith.constant 640 : i32
    %mul3A_6 = arith.muli %arg1, %mul3A_5 : i32
    %multiple_of3A = tpu.assume_multiple %mul3A_6, 8 : i32
    "tpu.region"() ({
      %run_scoped3A = tpu.sem_alloc : memref<!tpu.dma_semaphore, #tpu.memory_space<semaphore_mem>>
      %dma_start3A = tpu.memref_slice %arg8[%multiple_of3A] : memref<10240xf32, #tpu.memory_space<vmem_shared>> -> memref<640xf32, #tpu.memory_space<vmem_shared>>
      %dma_start3A_23 = tpu.memref_slice %arg8[%multiple_of3A] : memref<10240xf32, #tpu.memory_space<vmem_shared>> -> memref<640xf32, #tpu.memory_space<vmem_shared>>
      tpu.enqueue_dma source(%arg7 : memref<640xf32, #tpu.memory_space<vmem>>) target(%dma_start3A_23 : memref<640xf32, #tpu.memory_space<vmem_shared>>) target_semaphore(%run_scoped3A : memref<!tpu.dma_semaphore, #tpu.memory_space<semaphore_mem>>)
      %dma_wait3A = tpu.memref_slice %arg8[%multiple_of3A] : memref<10240xf32, #tpu.memory_space<vmem_shared>> -> memref<640xf32, #tpu.memory_space<vmem_shared>>
      %dma_wait3A_24 = tpu.memref_slice %arg8[%multiple_of3A] : memref<10240xf32, #tpu.memory_space<vmem_shared>> -> memref<640xf32, #tpu.memory_space<vmem_shared>>
      tpu.wait_dma2 semaphore(%run_scoped3A : memref<!tpu.dma_semaphore, #tpu.memory_space<semaphore_mem>>) src(%arg7 : memref<640xf32, #tpu.memory_space<vmem>>) dst(%dma_wait3A_24 : memref<640xf32, #tpu.memory_space<vmem_shared>>)
      tpu.yield
    }) : () -> ()
    %scan3A_7 = arith.constant 0 : i32
    %scan3A_8 = arith.constant 8 : i32
    %scan3A_9 = arith.addi %scan3A_7, %scan3A_8 : i32
    %scan3A_10 = arith.constant 1 : i32
    scf.for %scan3A_23 = %scan3A_7 to %scan3A_9 step %scan3A_10  : i32 {
      %mul3A_24 = arith.constant 1 : i32
      %mul3A_25 = arith.muli %scan3A_23, %mul3A_24 : i32
      %add3A_26 = arith.constant 0 : i32
      %add3A_27 = arith.addi %add3A_26, %mul3A_25 : i32
      %broadcast_in_dim3A = arith.constant 1.000000e+00 : f32
      %broadcast_in_dim3A_28 = vector.broadcast %broadcast_in_dim3A : f32 to vector<16xf32>
      %mul3A_29 = arith.constant 16 : i32
      %mul3A_30 = arith.muli %add3A_27, %mul3A_29 : i32
      %swap3A = arith.index_cast %mul3A_30 : i32 to index
      %swap3A_31 = tpu.vector_load %arg5[%swap3A] {strides = array<i32>} : memref<128xf32, #tpu.memory_space<vmem>>, vector<16xf32>,
      %swap3A_32 = vector.shape_cast %swap3A_31 : vector<16xf32> to vector<16xf32>
      %swap3A_33 = vector.shape_cast %broadcast_in_dim3A_28 : vector<16xf32> to vector<16xf32>
      tpu.vector_store %arg5[%swap3A], %swap3A_33 {strides = array<i32>} : memref<128xf32, #tpu.memory_space<vmem>>, vector<16xf32>,
    }
    %scan3A_11 = arith.constant 8 : i32
    %mul3A_12 = arith.constant 80 : i32
    %mul3A_13 = arith.muli %add3A, %mul3A_12 : i32
    %multiple_of3A_14 = tpu.assume_multiple %mul3A_13, 8 : i32
    "tpu.region"() ({
      %run_scoped3A = tpu.sem_alloc : memref<!tpu.dma_semaphore, #tpu.memory_space<semaphore_mem>>
      %dma_start3A = arith.constant 0 : i32
      %dma_start3A_23 = tpu.memref_slice %arg2[%multiple_of3A_14, %dma_start3A] : memref<2560x128xi32, #tpu.memory_space<hbm>> -> memref<80x128xi32, #tpu.memory_space<hbm>>
      %dma_start3A_24 = arith.constant 0 : i32
      %dma_start3A_25 = tpu.memref_slice %arg2[%multiple_of3A_14, %dma_start3A_24] : memref<2560x128xi32, #tpu.memory_space<hbm>> -> memref<80x128xi32, #tpu.memory_space<hbm>>
      tpu.enqueue_dma source(%dma_start3A_25 : memref<80x128xi32, #tpu.memory_space<hbm>>) target(%arg4 : memref<80x128xi32, #tpu.memory_space<vmem>>) target_semaphore(%run_scoped3A : memref<!tpu.dma_semaphore, #tpu.memory_space<semaphore_mem>>)
      %dma_wait3A = arith.constant 0 : i32
      %dma_wait3A_26 = tpu.memref_slice %arg2[%multiple_of3A_14, %dma_wait3A] : memref<2560x128xi32, #tpu.memory_space<hbm>> -> memref<80x128xi32, #tpu.memory_space<hbm>>
      %dma_wait3A_27 = arith.constant 0 : i32
      %dma_wait3A_28 = tpu.memref_slice %arg2[%multiple_of3A_14, %dma_wait3A_27] : memref<2560x128xi32, #tpu.memory_space<hbm>> -> memref<80x128xi32, #tpu.memory_space<hbm>>
      tpu.wait_dma2 semaphore(%run_scoped3A : memref<!tpu.dma_semaphore, #tpu.memory_space<semaphore_mem>>) src(%dma_wait3A_28 : memref<80x128xi32, #tpu.memory_space<hbm>>) dst(%arg4 : memref<80x128xi32, #tpu.memory_space<vmem>>)
      tpu.yield
    }) : () -> ()
    %barrier3A = arith.constant 0 : index
    tpu.barrier barrier_id(%barrier3A)
    %scan3A_15 = arith.constant 0 : i32
    %scan3A_16 = arith.constant 20 : i32
    %scan3A_17 = arith.addi %scan3A_15, %scan3A_16 : i32
    %scan3A_18 = arith.constant 1 : i32
    scf.for %scan3A_23 = %scan3A_15 to %scan3A_17 step %scan3A_18  : i32 {
      %mul3A_24 = arith.constant 1 : i32
      %mul3A_25 = arith.muli %scan3A_23, %mul3A_24 : i32
      %add3A_26 = arith.constant 0 : i32
      %add3A_27 = arith.addi %add3A_26, %mul3A_25 : i32
      %mul3A_28 = arith.constant 4 : i32
      %mul3A_29 = arith.muli %add3A_27, %mul3A_28 : i32
      %add3A_30 = arith.constant 0 : i32
      %add3A_31 = arith.addi %mul3A_29, %add3A_30 : i32
      %mul3A_32 = arith.constant 80 : i32
      %mul3A_33 = arith.muli %add3A, %mul3A_32 : i32
      %add3A_34 = arith.addi %mul3A_33, %add3A_31 : i32
      %lt3A = arith.constant 2500 : i32
      %lt3A_35 = arith.cmpi slt, %add3A_34, %lt3A : i32
      %convert_element_type3A_36 = arith.extui %lt3A_35 : i1 to i32
      %cond3A_37 = arith.constant 0 : i32
      %cond3A_38 = arith.cmpi ne, %convert_element_type3A_36, %cond3A_37 : i32
      scf.if %cond3A_38 {
        %dma_start3A = arith.constant 0 : i32
        %dma_start3A_123 = arith.constant 0 : i32
        %dma_start3A_124 = tpu.memref_slice %arg4[%add3A_31, %dma_start3A_123] : memref<80x128xi32, #tpu.memory_space<vmem>> -> memref<1x128xi32, #tpu.memory_space<vmem>>
        %dma_start3A_125 = tpu.memref_squeeze %dma_start3A_124 : memref<1x128xi32, #tpu.memory_space<vmem>> -> memref<128xi32, #tpu.memory_space<vmem>>
        %dma_start3A_126 = arith.constant 0 : i32
        %dma_start3A_127 = tpu.memref_slice %arg8[%dma_start3A_126] : memref<10240xf32, #tpu.memory_space<vmem_shared>> -> memref<10240xf32, #tpu.memory_space<vmem_shared>>
        %dma_start3A_128 = tpu.memref_slice %arg9[%dma_start3A] : memref<4x!tpu.dma_semaphore, #tpu.memory_space<semaphore_mem>> -> memref<1x!tpu.dma_semaphore, #tpu.memory_space<semaphore_mem>>
        %dma_start3A_129 = tpu.memref_squeeze %dma_start3A_128 : memref<1x!tpu.dma_semaphore, #tpu.memory_space<semaphore_mem>> -> memref<!tpu.dma_semaphore, #tpu.memory_space<semaphore_mem>>
        tpu.enqueue_indirect_dma source(%arg5 : memref<128xf32, #tpu.memory_space<vmem>>) target(%dma_start3A_127 : memref<10240xf32, #tpu.memory_space<vmem_shared>>) offsets(%dma_start3A_125 : memref<128xi32, #tpu.memory_space<vmem>>) semaphore(%dma_start3A_129 : memref<!tpu.dma_semaphore, #tpu.memory_space<semaphore_mem>>) {add = true}
      } else {
      }
      %mul3A_39 = arith.constant 4 : i32
      %mul3A_40 = arith.muli %add3A_27, %mul3A_39 : i32
      %add3A_41 = arith.constant 1 : i32
      %add3A_42 = arith.addi %mul3A_40, %add3A_41 : i32
      %mul3A_43 = arith.constant 80 : i32
      %mul3A_44 = arith.muli %add3A, %mul3A_43 : i32
      %add3A_45 = arith.addi %mul3A_44, %add3A_42 : i32
      %lt3A_46 = arith.constant 2500 : i32
      %lt3A_47 = arith.cmpi slt, %add3A_45, %lt3A_46 : i32
      %convert_element_type3A_48 = arith.extui %lt3A_47 : i1 to i32
      %cond3A_49 = arith.constant 0 : i32
      %cond3A_50 = arith.cmpi ne, %convert_element_type3A_48, %cond3A_49 : i32
      scf.if %cond3A_50 {
        %dma_start3A = arith.constant 1 : i32
        %dma_start3A_123 = arith.constant 0 : i32
        %dma_start3A_124 = tpu.memref_slice %arg4[%add3A_42, %dma_start3A_123] : memref<80x128xi32, #tpu.memory_space<vmem>> -> memref<1x128xi32, #tpu.memory_space<vmem>>
        %dma_start3A_125 = tpu.memref_squeeze %dma_start3A_124 : memref<1x128xi32, #tpu.memory_space<vmem>> -> memref<128xi32, #tpu.memory_space<vmem>>
        %dma_start3A_126 = arith.constant 0 : i32
        %dma_start3A_127 = tpu.memref_slice %arg8[%dma_start3A_126] : memref<10240xf32, #tpu.memory_space<vmem_shared>> -> memref<10240xf32, #tpu.memory_space<vmem_shared>>
        %dma_start3A_128 = tpu.memref_slice %arg9[%dma_start3A] : memref<4x!tpu.dma_semaphore, #tpu.memory_space<semaphore_mem>> -> memref<1x!tpu.dma_semaphore, #tpu.memory_space<semaphore_mem>>
        %dma_start3A_129 = tpu.memref_squeeze %dma_start3A_128 : memref<1x!tpu.dma_semaphore, #tpu.memory_space<semaphore_mem>> -> memref<!tpu.dma_semaphore, #tpu.memory_space<semaphore_mem>>
        tpu.enqueue_indirect_dma source(%arg5 : memref<128xf32, #tpu.memory_space<vmem>>) target(%dma_start3A_127 : memref<10240xf32, #tpu.memory_space<vmem_shared>>) offsets(%dma_start3A_125 : memref<128xi32, #tpu.memory_space<vmem>>) semaphore(%dma_start3A_129 : memref<!tpu.dma_semaphore, #tpu.memory_space<semaphore_mem>>) {add = true}
      } else {
      }
      %mul3A_51 = arith.constant 4 : i32
      %mul3A_52 = arith.muli %add3A_27, %mul3A_51 : i32
      %add3A_53 = arith.constant 2 : i32
      %add3A_54 = arith.addi %mul3A_52, %add3A_53 : i32
      %mul3A_55 = arith.constant 80 : i32
      %mul3A_56 = arith.muli %add3A, %mul3A_55 : i32
      %add3A_57 = arith.addi %mul3A_56, %add3A_54 : i32
      %lt3A_58 = arith.constant 2500 : i32
      %lt3A_59 = arith.cmpi slt, %add3A_57, %lt3A_58 : i32
      %convert_element_type3A_60 = arith.extui %lt3A_59 : i1 to i32
      %cond3A_61 = arith.constant 0 : i32
      %cond3A_62 = arith.cmpi ne, %convert_element_type3A_60, %cond3A_61 : i32
      scf.if %cond3A_62 {
        %dma_start3A = arith.constant 2 : i32
        %dma_start3A_123 = arith.constant 0 : i32
        %dma_start3A_124 = tpu.memref_slice %arg4[%add3A_54, %dma_start3A_123] : memref<80x128xi32, #tpu.memory_space<vmem>> -> memref<1x128xi32, #tpu.memory_space<vmem>>
        %dma_start3A_125 = tpu.memref_squeeze %dma_start3A_124 : memref<1x128xi32, #tpu.memory_space<vmem>> -> memref<128xi32, #tpu.memory_space<vmem>>
        %dma_start3A_126 = arith.constant 0 : i32
        %dma_start3A_127 = tpu.memref_slice %arg8[%dma_start3A_126] : memref<10240xf32, #tpu.memory_space<vmem_shared>> -> memref<10240xf32, #tpu.memory_space<vmem_shared>>
        %dma_start3A_128 = tpu.memref_slice %arg9[%dma_start3A] : memref<4x!tpu.dma_semaphore, #tpu.memory_space<semaphore_mem>> -> memref<1x!tpu.dma_semaphore, #tpu.memory_space<semaphore_mem>>
        %dma_start3A_129 = tpu.memref_squeeze %dma_start3A_128 : memref<1x!tpu.dma_semaphore, #tpu.memory_space<semaphore_mem>> -> memref<!tpu.dma_semaphore, #tpu.memory_space<semaphore_mem>>
        tpu.enqueue_indirect_dma source(%arg5 : memref<128xf32, #tpu.memory_space<vmem>>) target(%dma_start3A_127 : memref<10240xf32, #tpu.memory_space<vmem_shared>>) offsets(%dma_start3A_125 : memref<128xi32, #tpu.memory_space<vmem>>) semaphore(%dma_start3A_129 : memref<!tpu.dma_semaphore, #tpu.memory_space<semaphore_mem>>) {add = true}
      } else {
      }
      %mul3A_63 = arith.constant 4 : i32
      %mul3A_64 = arith.muli %add3A_27, %mul3A_63 : i32
      %add3A_65 = arith.constant 3 : i32
      %add3A_66 = arith.addi %mul3A_64, %add3A_65 : i32
      %mul3A_67 = arith.constant 80 : i32
      %mul3A_68 = arith.muli %add3A, %mul3A_67 : i32
      %add3A_69 = arith.addi %mul3A_68, %add3A_66 : i32
      %lt3A_70 = arith.constant 2500 : i32
      %lt3A_71 = arith.cmpi slt, %add3A_69, %lt3A_70 : i32
      %convert_element_type3A_72 = arith.extui %lt3A_71 : i1 to i32
      %cond3A_73 = arith.constant 0 : i32
      %cond3A_74 = arith.cmpi ne, %convert_element_type3A_72, %cond3A_73 : i32
      scf.if %cond3A_74 {
        %dma_start3A = arith.constant 3 : i32
        %dma_start3A_123 = arith.constant 0 : i32
        %dma_start3A_124 = tpu.memref_slice %arg4[%add3A_66, %dma_start3A_123] : memref<80x128xi32, #tpu.memory_space<vmem>> -> memref<1x128xi32, #tpu.memory_space<vmem>>
        %dma_start3A_125 = tpu.memref_squeeze %dma_start3A_124 : memref<1x128xi32, #tpu.memory_space<vmem>> -> memref<128xi32, #tpu.memory_space<vmem>>
        %dma_start3A_126 = arith.constant 0 : i32
        %dma_start3A_127 = tpu.memref_slice %arg8[%dma_start3A_126] : memref<10240xf32, #tpu.memory_space<vmem_shared>> -> memref<10240xf32, #tpu.memory_space<vmem_shared>>
        %dma_start3A_128 = tpu.memref_slice %arg9[%dma_start3A] : memref<4x!tpu.dma_semaphore, #tpu.memory_space<semaphore_mem>> -> memref<1x!tpu.dma_semaphore, #tpu.memory_space<semaphore_mem>>
        %dma_start3A_129 = tpu.memref_squeeze %dma_start3A_128 : memref<1x!tpu.dma_semaphore, #tpu.memory_space<semaphore_mem>> -> memref<!tpu.dma_semaphore, #tpu.memory_space<semaphore_mem>>
        tpu.enqueue_indirect_dma source(%arg5 : memref<128xf32, #tpu.memory_space<vmem>>) target(%dma_start3A_127 : memref<10240xf32, #tpu.memory_space<vmem_shared>>) offsets(%dma_start3A_125 : memref<128xi32, #tpu.memory_space<vmem>>) semaphore(%dma_start3A_129 : memref<!tpu.dma_semaphore, #tpu.memory_space<semaphore_mem>>) {add = true}
      } else {
      }
      %mul3A_75 = arith.constant 4 : i32
      %mul3A_76 = arith.muli %add3A_27, %mul3A_75 : i32
      %add3A_77 = arith.constant 0 : i32
      %add3A_78 = arith.addi %mul3A_76, %add3A_77 : i32
      %mul3A_79 = arith.constant 80 : i32
      %mul3A_80 = arith.muli %add3A, %mul3A_79 : i32
      %add3A_81 = arith.addi %mul3A_80, %add3A_78 : i32
      %lt3A_82 = arith.constant 2500 : i32
      %lt3A_83 = arith.cmpi slt, %add3A_81, %lt3A_82 : i32
      %convert_element_type3A_84 = arith.extui %lt3A_83 : i1 to i32
      %cond3A_85 = arith.constant 0 : i32
      %cond3A_86 = arith.cmpi ne, %convert_element_type3A_84, %cond3A_85 : i32
      scf.if %cond3A_86 {
        %dma_wait3A = arith.constant 0 : i32
        %dma_wait3A_123 = arith.constant 0 : i32
        %dma_wait3A_124 = tpu.memref_slice %arg4[%add3A_78, %dma_wait3A_123] : memref<80x128xi32, #tpu.memory_space<vmem>> -> memref<1x128xi32, #tpu.memory_space<vmem>>
        %dma_wait3A_125 = tpu.memref_squeeze %dma_wait3A_124 : memref<1x128xi32, #tpu.memory_space<vmem>> -> memref<128xi32, #tpu.memory_space<vmem>>
        %dma_wait3A_126 = arith.constant 0 : i32
        %dma_wait3A_127 = tpu.memref_slice %arg8[%dma_wait3A_126] : memref<10240xf32, #tpu.memory_space<vmem_shared>> -> memref<10240xf32, #tpu.memory_space<vmem_shared>>
        %dma_wait3A_128 = tpu.memref_slice %arg9[%dma_wait3A] : memref<4x!tpu.dma_semaphore, #tpu.memory_space<semaphore_mem>> -> memref<1x!tpu.dma_semaphore, #tpu.memory_space<semaphore_mem>>
        %dma_wait3A_129 = tpu.memref_squeeze %dma_wait3A_128 : memref<1x!tpu.dma_semaphore, #tpu.memory_space<semaphore_mem>> -> memref<!tpu.dma_semaphore, #tpu.memory_space<semaphore_mem>>
        tpu.wait_indirect_dma semaphore(%dma_wait3A_129 : memref<!tpu.dma_semaphore, #tpu.memory_space<semaphore_mem>>) src(%arg5 : memref<128xf32, #tpu.memory_space<vmem>>) dst(%dma_wait3A_127 : memref<10240xf32, #tpu.memory_space<vmem_shared>>)
      } else {
      }
      %mul3A_87 = arith.constant 4 : i32
      %mul3A_88 = arith.muli %add3A_27, %mul3A_87 : i32
      %add3A_89 = arith.constant 1 : i32
      %add3A_90 = arith.addi %mul3A_88, %add3A_89 : i32
      %mul3A_91 = arith.constant 80 : i32
      %mul3A_92 = arith.muli %add3A, %mul3A_91 : i32
      %add3A_93 = arith.addi %mul3A_92, %add3A_90 : i32
      %lt3A_94 = arith.constant 2500 : i32
      %lt3A_95 = arith.cmpi slt, %add3A_93, %lt3A_94 : i32
      %convert_element_type3A_96 = arith.extui %lt3A_95 : i1 to i32
      %cond3A_97 = arith.constant 0 : i32
      %cond3A_98 = arith.cmpi ne, %convert_element_type3A_96, %cond3A_97 : i32
      scf.if %cond3A_98 {
        %dma_wait3A = arith.constant 1 : i32
        %dma_wait3A_123 = arith.constant 0 : i32
        %dma_wait3A_124 = tpu.memref_slice %arg4[%add3A_90, %dma_wait3A_123] : memref<80x128xi32, #tpu.memory_space<vmem>> -> memref<1x128xi32, #tpu.memory_space<vmem>>
        %dma_wait3A_125 = tpu.memref_squeeze %dma_wait3A_124 : memref<1x128xi32, #tpu.memory_space<vmem>> -> memref<128xi32, #tpu.memory_space<vmem>>
        %dma_wait3A_126 = arith.constant 0 : i32
        %dma_wait3A_127 = tpu.memref_slice %arg8[%dma_wait3A_126] : memref<10240xf32, #tpu.memory_space<vmem_shared>> -> memref<10240xf32, #tpu.memory_space<vmem_shared>>
        %dma_wait3A_128 = tpu.memref_slice %arg9[%dma_wait3A] : memref<4x!tpu.dma_semaphore, #tpu.memory_space<semaphore_mem>> -> memref<1x!tpu.dma_semaphore, #tpu.memory_space<semaphore_mem>>
        %dma_wait3A_129 = tpu.memref_squeeze %dma_wait3A_128 : memref<1x!tpu.dma_semaphore, #tpu.memory_space<semaphore_mem>> -> memref<!tpu.dma_semaphore, #tpu.memory_space<semaphore_mem>>
        tpu.wait_indirect_dma semaphore(%dma_wait3A_129 : memref<!tpu.dma_semaphore, #tpu.memory_space<semaphore_mem>>) src(%arg5 : memref<128xf32, #tpu.memory_space<vmem>>) dst(%dma_wait3A_127 : memref<10240xf32, #tpu.memory_space<vmem_shared>>)
      } else {
      }
      %mul3A_99 = arith.constant 4 : i32
      %mul3A_100 = arith.muli %add3A_27, %mul3A_99 : i32
      %add3A_101 = arith.constant 2 : i32
      %add3A_102 = arith.addi %mul3A_100, %add3A_101 : i32
      %mul3A_103 = arith.constant 80 : i32
      %mul3A_104 = arith.muli %add3A, %mul3A_103 : i32
      %add3A_105 = arith.addi %mul3A_104, %add3A_102 : i32
      %lt3A_106 = arith.constant 2500 : i32
      %lt3A_107 = arith.cmpi slt, %add3A_105, %lt3A_106 : i32
      %convert_element_type3A_108 = arith.extui %lt3A_107 : i1 to i32
      %cond3A_109 = arith.constant 0 : i32
      %cond3A_110 = arith.cmpi ne, %convert_element_type3A_108, %cond3A_109 : i32
      scf.if %cond3A_110 {
        %dma_wait3A = arith.constant 2 : i32
        %dma_wait3A_123 = arith.constant 0 : i32
        %dma_wait3A_124 = tpu.memref_slice %arg4[%add3A_102, %dma_wait3A_123] : memref<80x128xi32, #tpu.memory_space<vmem>> -> memref<1x128xi32, #tpu.memory_space<vmem>>
        %dma_wait3A_125 = tpu.memref_squeeze %dma_wait3A_124 : memref<1x128xi32, #tpu.memory_space<vmem>> -> memref<128xi32, #tpu.memory_space<vmem>>
        %dma_wait3A_126 = arith.constant 0 : i32
        %dma_wait3A_127 = tpu.memref_slice %arg8[%dma_wait3A_126] : memref<10240xf32, #tpu.memory_space<vmem_shared>> -> memref<10240xf32, #tpu.memory_space<vmem_shared>>
        %dma_wait3A_128 = tpu.memref_slice %arg9[%dma_wait3A] : memref<4x!tpu.dma_semaphore, #tpu.memory_space<semaphore_mem>> -> memref<1x!tpu.dma_semaphore, #tpu.memory_space<semaphore_mem>>
        %dma_wait3A_129 = tpu.memref_squeeze %dma_wait3A_128 : memref<1x!tpu.dma_semaphore, #tpu.memory_space<semaphore_mem>> -> memref<!tpu.dma_semaphore, #tpu.memory_space<semaphore_mem>>
        tpu.wait_indirect_dma semaphore(%dma_wait3A_129 : memref<!tpu.dma_semaphore, #tpu.memory_space<semaphore_mem>>) src(%arg5 : memref<128xf32, #tpu.memory_space<vmem>>) dst(%dma_wait3A_127 : memref<10240xf32, #tpu.memory_space<vmem_shared>>)
      } else {
      }
      %mul3A_111 = arith.constant 4 : i32
      %mul3A_112 = arith.muli %add3A_27, %mul3A_111 : i32
      %add3A_113 = arith.constant 3 : i32
      %add3A_114 = arith.addi %mul3A_112, %add3A_113 : i32
      %mul3A_115 = arith.constant 80 : i32
      %mul3A_116 = arith.muli %add3A, %mul3A_115 : i32
      %add3A_117 = arith.addi %mul3A_116, %add3A_114 : i32
      %lt3A_118 = arith.constant 2500 : i32
      %lt3A_119 = arith.cmpi slt, %add3A_117, %lt3A_118 : i32
      %convert_element_type3A_120 = arith.extui %lt3A_119 : i1 to i32
      %cond3A_121 = arith.constant 0 : i32
      %cond3A_122 = arith.cmpi ne, %convert_element_type3A_120, %cond3A_121 : i32
      scf.if %cond3A_122 {
        %dma_wait3A = arith.constant 3 : i32
        %dma_wait3A_123 = arith.constant 0 : i32
        %dma_wait3A_124 = tpu.memref_slice %arg4[%add3A_114, %dma_wait3A_123] : memref<80x128xi32, #tpu.memory_space<vmem>> -> memref<1x128xi32, #tpu.memory_space<vmem>>
        %dma_wait3A_125 = tpu.memref_squeeze %dma_wait3A_124 : memref<1x128xi32, #tpu.memory_space<vmem>> -> memref<128xi32, #tpu.memory_space<vmem>>
        %dma_wait3A_126 = arith.constant 0 : i32
        %dma_wait3A_127 = tpu.memref_slice %arg8[%dma_wait3A_126] : memref<10240xf32, #tpu.memory_space<vmem_shared>> -> memref<10240xf32, #tpu.memory_space<vmem_shared>>
        %dma_wait3A_128 = tpu.memref_slice %arg9[%dma_wait3A] : memref<4x!tpu.dma_semaphore, #tpu.memory_space<semaphore_mem>> -> memref<1x!tpu.dma_semaphore, #tpu.memory_space<semaphore_mem>>
        %dma_wait3A_129 = tpu.memref_squeeze %dma_wait3A_128 : memref<1x!tpu.dma_semaphore, #tpu.memory_space<semaphore_mem>> -> memref<!tpu.dma_semaphore, #tpu.memory_space<semaphore_mem>>
        tpu.wait_indirect_dma semaphore(%dma_wait3A_129 : memref<!tpu.dma_semaphore, #tpu.memory_space<semaphore_mem>>) src(%arg5 : memref<128xf32, #tpu.memory_space<vmem>>) dst(%dma_wait3A_127 : memref<10240xf32, #tpu.memory_space<vmem_shared>>)
      } else {
      }
    }
    %scan3A_19 = arith.constant 20 : i32
    %barrier3A_20 = arith.constant 0 : index
    tpu.barrier barrier_id(%barrier3A_20)
    %eq3A = arith.constant 0 : i32
    %eq3A_21 = arith.cmpi eq, %arg1, %eq3A : i32
    %convert_element_type3A = arith.extui %eq3A_21 : i1 to i32
    %cond3A = arith.constant 0 : i32
    %cond3A_22 = arith.cmpi ne, %convert_element_type3A, %cond3A : i32
    scf.if %cond3A_22 {
      "tpu.region"() ({
        %run_scoped3A = tpu.sem_alloc : memref<!tpu.dma_semaphore, #tpu.memory_space<semaphore_mem>>
        %dma_start3A = arith.constant 0 : i32
        %dma_start3A_26 = tpu.memref_slice %arg8[%dma_start3A] : memref<10240xf32, #tpu.memory_space<vmem_shared>> -> memref<10000xf32, #tpu.memory_space<vmem_shared>>
        %dma_start3A_27 = arith.constant 0 : i32
        %dma_start3A_28 = tpu.memref_slice %arg8[%dma_start3A_27] : memref<10240xf32, #tpu.memory_space<vmem_shared>> -> memref<10000xf32, #tpu.memory_space<vmem_shared>>
        tpu.enqueue_dma source(%dma_start3A_28 : memref<10000xf32, #tpu.memory_space<vmem_shared>>) target(%arg6 : memref<10000xf32, #tpu.memory_space<vmem>>) target_semaphore(%run_scoped3A : memref<!tpu.dma_semaphore, #tpu.memory_space<semaphore_mem>>)
        %dma_wait3A = arith.constant 0 : i32
        %dma_wait3A_29 = tpu.memref_slice %arg8[%dma_wait3A] : memref<10240xf32, #tpu.memory_space<vmem_shared>> -> memref<10000xf32, #tpu.memory_space<vmem_shared>>
        %dma_wait3A_30 = arith.constant 0 : i32
        %dma_wait3A_31 = tpu.memref_slice %arg8[%dma_wait3A_30] : memref<10240xf32, #tpu.memory_space<vmem_shared>> -> memref<10000xf32, #tpu.memory_space<vmem_shared>>
        tpu.wait_dma2 semaphore(%run_scoped3A : memref<!tpu.dma_semaphore, #tpu.memory_space<semaphore_mem>>) src(%dma_wait3A_31 : memref<10000xf32, #tpu.memory_space<vmem_shared>>) dst(%arg6 : memref<10000xf32, #tpu.memory_space<vmem>>)
        tpu.yield
      }) : () -> ()
      %mul3A_23 = arith.constant 10000 : i32
      %mul3A_24 = arith.muli %arg0, %mul3A_23 : i32
      %multiple_of3A_25 = tpu.assume_multiple %mul3A_24, 8 : i32
      "tpu.region"() ({
        %run_scoped3A = tpu.sem_alloc : memref<!tpu.dma_semaphore, #tpu.memory_space<semaphore_mem>>
        %dma_start3A = tpu.memref_slice %arg3[%multiple_of3A_25] : memref<20000xf32, #tpu.memory_space<hbm>> -> memref<10000xf32, #tpu.memory_space<hbm>>
        %dma_start3A_26 = tpu.memref_slice %arg3[%multiple_of3A_25] : memref<20000xf32, #tpu.memory_space<hbm>> -> memref<10000xf32, #tpu.memory_space<hbm>>
        tpu.enqueue_dma source(%arg6 : memref<10000xf32, #tpu.memory_space<vmem>>) target(%dma_start3A_26 : memref<10000xf32, #tpu.memory_space<hbm>>) target_semaphore(%run_scoped3A : memref<!tpu.dma_semaphore, #tpu.memory_space<semaphore_mem>>)
        %dma_wait3A = tpu.memref_slice %arg3[%multiple_of3A_25] : memref<20000xf32, #tpu.memory_space<hbm>> -> memref<10000xf32, #tpu.memory_space<hbm>>
        %dma_wait3A_27 = tpu.memref_slice %arg3[%multiple_of3A_25] : memref<20000xf32, #tpu.memory_space<hbm>> -> memref<10000xf32, #tpu.memory_space<hbm>>
        tpu.wait_dma2 semaphore(%run_scoped3A : memref<!tpu.dma_semaphore, #tpu.memory_space<semaphore_mem>>) src(%arg6 : memref<10000xf32, #tpu.memory_space<vmem>>) dst(%dma_wait3A_27 : memref<10000xf32, #tpu.memory_space<hbm>>)
        tpu.yield
      }) : () -> ()
    } else {
    }
    return
  }
}

#map = affine_map<(d0, d1) -> (0, 0)>
#map1 = affine_map<(d0, d1) -> (0, 0, 0, 0)>
module attributes {stable_mosaic.version = 14 : i64} {
  func.func @body(%arg0: i32, %arg1: i32, %arg2: memref<20000x128xf32, #tpu.memory_space<hbm>>, %arg3: memref<2x2560x2x128xi32, #tpu.memory_space<hbm>>, %arg4: memref<20000x128xf32, #tpu.memory_space<hbm>>, %arg5: memref<32x2x128xi32, #tpu.memory_space<vmem>>, %arg6: memref<32x2x128xi32, #tpu.memory_space<vmem>>, %arg7: memref<128x128xf32, #tpu.memory_space<vmem>>, %arg8: memref<128x128xf32, #tpu.memory_space<vmem>>, %arg9: memref<10064x128xf32, #tpu.memory_space<vmem_shared>>, %arg10: memref<2x!tpu.dma_semaphore, #tpu.memory_space<semaphore_mem>>, %arg11: memref<2x!tpu.dma_semaphore, #tpu.memory_space<semaphore_mem>>, %arg12: memref<!tpu.dma_semaphore, #tpu.memory_space<semaphore_mem>>) attributes {dimension_semantics = [#tpu.dimension_semantics<core_parallel>, #tpu.dimension_semantics<subcore_parallel>], iteration_bounds = array<i64: 2, 16>, scalar_prefetch = 0 : i64, scratch_operands = 8 : i64, tpu.core_type = #tpu.core_type<sc_vector_subcore>, window_params = [{transform_indices = #map}, {transform_indices = #map1}, {transform_indices = #map}]} {
    %mul3A = arith.constant 0 : i32
    %mul3A_0 = arith.muli %arg0, %mul3A : i32
    %mul3A_1 = arith.constant 160 : i32
    %mul3A_2 = arith.muli %arg1, %mul3A_1 : i32
    %add3A = arith.addi %mul3A_0, %mul3A_2 : i32
    %multiple_of3A = tpu.assume_multiple %add3A, 8 : i32
    %scan3A = arith.constant 0 : i32
    %scan3A_3 = arith.constant 1024 : i32
    %scan3A_4 = arith.addi %scan3A, %scan3A_3 : i32
    %scan3A_5 = arith.constant 1 : i32
    scf.for %scan3A_501 = %scan3A to %scan3A_4 step %scan3A_5  : i32 {
      %mul3A_502 = arith.constant 1 : i32
      %mul3A_503 = arith.muli %scan3A_501, %mul3A_502 : i32
      %add3A_504 = arith.constant 0 : i32
      %add3A_505 = arith.addi %add3A_504, %mul3A_503 : i32
      %jit3A = arith.constant 8 : i32
      %div3A = arith.divsi %add3A_505, %jit3A : i32
      %sign3A = arith.constant 0 : i32
      %sign3A_506 = arith.cmpi sgt, %add3A_505, %sign3A : i32
      %sign3A_507 = arith.extui %sign3A_506 : i1 to i32
      %sign3A_508 = arith.constant 0 : i32
      %sign3A_509 = arith.cmpi slt, %add3A_505, %sign3A_508 : i32
      %sign3A_510 = arith.extui %sign3A_509 : i1 to i32
      %sign3A_511 = arith.subi %sign3A_507, %sign3A_510 : i32
      %sign3A_512 = arith.constant 0 : i32
      %sign3A_513 = arith.cmpi sgt, %jit3A, %sign3A_512 : i32
      %sign3A_514 = arith.extui %sign3A_513 : i1 to i32
      %sign3A_515 = arith.constant 0 : i32
      %sign3A_516 = arith.cmpi slt, %jit3A, %sign3A_515 : i32
      %sign3A_517 = arith.extui %sign3A_516 : i1 to i32
      %sign3A_518 = arith.subi %sign3A_514, %sign3A_517 : i32
      %ne3A = arith.cmpi ne, %sign3A_511, %sign3A_518 : i32
      %rem3A = arith.remsi %add3A_505, %jit3A : i32
      %ne3A_519 = arith.constant 0 : i32
      %ne3A_520 = arith.cmpi ne, %rem3A, %ne3A_519 : i32
      %and3A = arith.andi %ne3A, %ne3A_520 : i1
      %sub3A = arith.constant 1 : i32
      %sub3A_521 = arith.subi %div3A, %sub3A : i32
      %select_n3A = arith.select %and3A, %sub3A_521, %div3A : i32
      %jit3A_522 = arith.constant 8 : i32
      %eq3A_523 = arith.constant 0 : i32
      %eq3A_524 = arith.cmpi eq, %jit3A_522, %eq3A_523 : i32
      %jit3A_525 = arith.constant 1 : i32
      %select_n3A_526 = arith.select %eq3A_524, %jit3A_525, %jit3A_522 : i32
      %rem3A_527 = arith.remsi %add3A_505, %select_n3A_526 : i32
      %ne3A_528 = arith.constant 0 : i32
      %ne3A_529 = arith.cmpi ne, %rem3A_527, %ne3A_528 : i32
      %lt3A = arith.constant 0 : i32
      %lt3A_530 = arith.cmpi slt, %rem3A_527, %lt3A : i32
      %lt3A_531 = arith.constant 0 : i32
      %lt3A_532 = arith.cmpi slt, %select_n3A_526, %lt3A_531 : i32
      %ne3A_533 = arith.xori %lt3A_530, %lt3A_532 : i1
      %and3A_534 = arith.andi %ne3A_533, %ne3A_529 : i1
      %add3A_535 = arith.addi %rem3A_527, %select_n3A_526 : i32
      %select_n3A_536 = arith.select %and3A_534, %add3A_535, %rem3A_527 : i32
      %broadcast_in_dim3A = arith.constant 0.000000e+00 : f32
      %broadcast_in_dim3A_537 = vector.broadcast %broadcast_in_dim3A : f32 to vector<16xf32>
      %mul3A_538 = arith.constant 16 : i32
      %mul3A_539 = arith.muli %select_n3A_536, %mul3A_538 : i32
      %swap3A = arith.index_cast %select_n3A : i32 to index
      %swap3A_540 = arith.index_cast %mul3A_539 : i32 to index
      %swap3A_541 = tpu.vector_load %arg7[%swap3A, %swap3A_540] {strides = array<i32>} : memref<128x128xf32, #tpu.memory_space<vmem>>, vector<1x16xf32>,
      %swap3A_542 = vector.shape_cast %swap3A_541 : vector<1x16xf32> to vector<16xf32>
      %swap3A_543 = vector.shape_cast %broadcast_in_dim3A_537 : vector<16xf32> to vector<1x16xf32>
      tpu.vector_store %arg7[%swap3A, %swap3A_540], %swap3A_543 {strides = array<i32>} : memref<128x128xf32, #tpu.memory_space<vmem>>, vector<1x16xf32>,
    }
    %scan3A_6 = arith.constant 1024 : i32
    %mul3A_7 = arith.constant 624 : i32
    %mul3A_8 = arith.muli %arg1, %mul3A_7 : i32
    %add3A_9 = arith.constant 0 : i32
    %add3A_10 = arith.addi %mul3A_8, %add3A_9 : i32
    %multiple_of3A_11 = tpu.assume_multiple %add3A_10, 8 : i32
    %dma_start3A = arith.constant 0 : i32
    %dma_start3A_12 = arith.constant 0 : i32
    %dma_start3A_13 = arith.constant 0 : i32
    %dma_start3A_14 = tpu.memref_slice %arg7[%dma_start3A_12, %dma_start3A_13] : memref<128x128xf32, #tpu.memory_space<vmem>> -> memref<104x128xf32, #tpu.memory_space<vmem>>
    %dma_start3A_15 = arith.constant 0 : i32
    %dma_start3A_16 = tpu.memref_slice %arg9[%multiple_of3A_11, %dma_start3A_15] : memref<10064x128xf32, #tpu.memory_space<vmem_shared>> -> memref<104x128xf32, #tpu.memory_space<vmem_shared>>
    %dma_start3A_17 = tpu.memref_slice %arg10[%dma_start3A] : memref<2x!tpu.dma_semaphore, #tpu.memory_space<semaphore_mem>> -> memref<1x!tpu.dma_semaphore, #tpu.memory_space<semaphore_mem>>
    %dma_start3A_18 = tpu.memref_squeeze %dma_start3A_17 : memref<1x!tpu.dma_semaphore, #tpu.memory_space<semaphore_mem>> -> memref<!tpu.dma_semaphore, #tpu.memory_space<semaphore_mem>>
    %dma_start3A_19 = arith.constant 0 : i32
    %dma_start3A_20 = tpu.memref_slice %arg9[%multiple_of3A_11, %dma_start3A_19] : memref<10064x128xf32, #tpu.memory_space<vmem_shared>> -> memref<104x128xf32, #tpu.memory_space<vmem_shared>>
    %dma_start3A_21 = arith.constant 0 : i32
    %dma_start3A_22 = arith.constant 0 : i32
    %dma_start3A_23 = tpu.memref_slice %arg7[%dma_start3A_21, %dma_start3A_22] : memref<128x128xf32, #tpu.memory_space<vmem>> -> memref<104x128xf32, #tpu.memory_space<vmem>>
    tpu.enqueue_dma source(%dma_start3A_23 : memref<104x128xf32, #tpu.memory_space<vmem>>) target(%dma_start3A_20 : memref<104x128xf32, #tpu.memory_space<vmem_shared>>) target_semaphore(%dma_start3A_18 : memref<!tpu.dma_semaphore, #tpu.memory_space<semaphore_mem>>)
    %mul3A_24 = arith.constant 624 : i32
    %mul3A_25 = arith.muli %arg1, %mul3A_24 : i32
    %add3A_26 = arith.constant 104 : i32
    %add3A_27 = arith.addi %mul3A_25, %add3A_26 : i32
    %multiple_of3A_28 = tpu.assume_multiple %add3A_27, 8 : i32
    %dma_start3A_29 = arith.constant 1 : i32
    %dma_start3A_30 = arith.constant 0 : i32
    %dma_start3A_31 = arith.constant 0 : i32
    %dma_start3A_32 = tpu.memref_slice %arg7[%dma_start3A_30, %dma_start3A_31] : memref<128x128xf32, #tpu.memory_space<vmem>> -> memref<104x128xf32, #tpu.memory_space<vmem>>
    %dma_start3A_33 = arith.constant 0 : i32
    %dma_start3A_34 = tpu.memref_slice %arg9[%multiple_of3A_28, %dma_start3A_33] : memref<10064x128xf32, #tpu.memory_space<vmem_shared>> -> memref<104x128xf32, #tpu.memory_space<vmem_shared>>
    %dma_start3A_35 = tpu.memref_slice %arg10[%dma_start3A_29] : memref<2x!tpu.dma_semaphore, #tpu.memory_space<semaphore_mem>> -> memref<1x!tpu.dma_semaphore, #tpu.memory_space<semaphore_mem>>
    %dma_start3A_36 = tpu.memref_squeeze %dma_start3A_35 : memref<1x!tpu.dma_semaphore, #tpu.memory_space<semaphore_mem>> -> memref<!tpu.dma_semaphore, #tpu.memory_space<semaphore_mem>>
    %dma_start3A_37 = arith.constant 0 : i32
    %dma_start3A_38 = tpu.memref_slice %arg9[%multiple_of3A_28, %dma_start3A_37] : memref<10064x128xf32, #tpu.memory_space<vmem_shared>> -> memref<104x128xf32, #tpu.memory_space<vmem_shared>>
    %dma_start3A_39 = arith.constant 0 : i32
    %dma_start3A_40 = arith.constant 0 : i32
    %dma_start3A_41 = tpu.memref_slice %arg7[%dma_start3A_39, %dma_start3A_40] : memref<128x128xf32, #tpu.memory_space<vmem>> -> memref<104x128xf32, #tpu.memory_space<vmem>>
    tpu.enqueue_dma source(%dma_start3A_41 : memref<104x128xf32, #tpu.memory_space<vmem>>) target(%dma_start3A_38 : memref<104x128xf32, #tpu.memory_space<vmem_shared>>) target_semaphore(%dma_start3A_36 : memref<!tpu.dma_semaphore, #tpu.memory_space<semaphore_mem>>)
    %mul3A_42 = arith.constant 624 : i32
    %mul3A_43 = arith.muli %arg1, %mul3A_42 : i32
    %add3A_44 = arith.constant 208 : i32
    %add3A_45 = arith.addi %mul3A_43, %add3A_44 : i32
    %multiple_of3A_46 = tpu.assume_multiple %add3A_45, 8 : i32
    %dma_start3A_47 = arith.constant 0 : i32
    %dma_start3A_48 = arith.constant 0 : i32
    %dma_start3A_49 = arith.constant 0 : i32
    %dma_start3A_50 = tpu.memref_slice %arg7[%dma_start3A_48, %dma_start3A_49] : memref<128x128xf32, #tpu.memory_space<vmem>> -> memref<104x128xf32, #tpu.memory_space<vmem>>
    %dma_start3A_51 = arith.constant 0 : i32
    %dma_start3A_52 = tpu.memref_slice %arg9[%multiple_of3A_46, %dma_start3A_51] : memref<10064x128xf32, #tpu.memory_space<vmem_shared>> -> memref<104x128xf32, #tpu.memory_space<vmem_shared>>
    %dma_start3A_53 = tpu.memref_slice %arg10[%dma_start3A_47] : memref<2x!tpu.dma_semaphore, #tpu.memory_space<semaphore_mem>> -> memref<1x!tpu.dma_semaphore, #tpu.memory_space<semaphore_mem>>
    %dma_start3A_54 = tpu.memref_squeeze %dma_start3A_53 : memref<1x!tpu.dma_semaphore, #tpu.memory_space<semaphore_mem>> -> memref<!tpu.dma_semaphore, #tpu.memory_space<semaphore_mem>>
    %dma_start3A_55 = arith.constant 0 : i32
    %dma_start3A_56 = tpu.memref_slice %arg9[%multiple_of3A_46, %dma_start3A_55] : memref<10064x128xf32, #tpu.memory_space<vmem_shared>> -> memref<104x128xf32, #tpu.memory_space<vmem_shared>>
    %dma_start3A_57 = arith.constant 0 : i32
    %dma_start3A_58 = arith.constant 0 : i32
    %dma_start3A_59 = tpu.memref_slice %arg7[%dma_start3A_57, %dma_start3A_58] : memref<128x128xf32, #tpu.memory_space<vmem>> -> memref<104x128xf32, #tpu.memory_space<vmem>>
    tpu.enqueue_dma source(%dma_start3A_59 : memref<104x128xf32, #tpu.memory_space<vmem>>) target(%dma_start3A_56 : memref<104x128xf32, #tpu.memory_space<vmem_shared>>) target_semaphore(%dma_start3A_54 : memref<!tpu.dma_semaphore, #tpu.memory_space<semaphore_mem>>)
    %mul3A_60 = arith.constant 624 : i32
    %mul3A_61 = arith.muli %arg1, %mul3A_60 : i32
    %add3A_62 = arith.constant 312 : i32
    %add3A_63 = arith.addi %mul3A_61, %add3A_62 : i32
    %multiple_of3A_64 = tpu.assume_multiple %add3A_63, 8 : i32
    %dma_start3A_65 = arith.constant 1 : i32
    %dma_start3A_66 = arith.constant 0 : i32
    %dma_start3A_67 = arith.constant 0 : i32
    %dma_start3A_68 = tpu.memref_slice %arg7[%dma_start3A_66, %dma_start3A_67] : memref<128x128xf32, #tpu.memory_space<vmem>> -> memref<104x128xf32, #tpu.memory_space<vmem>>
    %dma_start3A_69 = arith.constant 0 : i32
    %dma_start3A_70 = tpu.memref_slice %arg9[%multiple_of3A_64, %dma_start3A_69] : memref<10064x128xf32, #tpu.memory_space<vmem_shared>> -> memref<104x128xf32, #tpu.memory_space<vmem_shared>>
    %dma_start3A_71 = tpu.memref_slice %arg10[%dma_start3A_65] : memref<2x!tpu.dma_semaphore, #tpu.memory_space<semaphore_mem>> -> memref<1x!tpu.dma_semaphore, #tpu.memory_space<semaphore_mem>>
    %dma_start3A_72 = tpu.memref_squeeze %dma_start3A_71 : memref<1x!tpu.dma_semaphore, #tpu.memory_space<semaphore_mem>> -> memref<!tpu.dma_semaphore, #tpu.memory_space<semaphore_mem>>
    %dma_start3A_73 = arith.constant 0 : i32
    %dma_start3A_74 = tpu.memref_slice %arg9[%multiple_of3A_64, %dma_start3A_73] : memref<10064x128xf32, #tpu.memory_space<vmem_shared>> -> memref<104x128xf32, #tpu.memory_space<vmem_shared>>
    %dma_start3A_75 = arith.constant 0 : i32
    %dma_start3A_76 = arith.constant 0 : i32
    %dma_start3A_77 = tpu.memref_slice %arg7[%dma_start3A_75, %dma_start3A_76] : memref<128x128xf32, #tpu.memory_space<vmem>> -> memref<104x128xf32, #tpu.memory_space<vmem>>
    tpu.enqueue_dma source(%dma_start3A_77 : memref<104x128xf32, #tpu.memory_space<vmem>>) target(%dma_start3A_74 : memref<104x128xf32, #tpu.memory_space<vmem_shared>>) target_semaphore(%dma_start3A_72 : memref<!tpu.dma_semaphore, #tpu.memory_space<semaphore_mem>>)
    %mul3A_78 = arith.constant 624 : i32
    %mul3A_79 = arith.muli %arg1, %mul3A_78 : i32
    %add3A_80 = arith.constant 416 : i32
    %add3A_81 = arith.addi %mul3A_79, %add3A_80 : i32
    %multiple_of3A_82 = tpu.assume_multiple %add3A_81, 8 : i32
    %dma_start3A_83 = arith.constant 0 : i32
    %dma_start3A_84 = arith.constant 0 : i32
    %dma_start3A_85 = arith.constant 0 : i32
    %dma_start3A_86 = tpu.memref_slice %arg7[%dma_start3A_84, %dma_start3A_85] : memref<128x128xf32, #tpu.memory_space<vmem>> -> memref<104x128xf32, #tpu.memory_space<vmem>>
    %dma_start3A_87 = arith.constant 0 : i32
    %dma_start3A_88 = tpu.memref_slice %arg9[%multiple_of3A_82, %dma_start3A_87] : memref<10064x128xf32, #tpu.memory_space<vmem_shared>> -> memref<104x128xf32, #tpu.memory_space<vmem_shared>>
    %dma_start3A_89 = tpu.memref_slice %arg10[%dma_start3A_83] : memref<2x!tpu.dma_semaphore, #tpu.memory_space<semaphore_mem>> -> memref<1x!tpu.dma_semaphore, #tpu.memory_space<semaphore_mem>>
    %dma_start3A_90 = tpu.memref_squeeze %dma_start3A_89 : memref<1x!tpu.dma_semaphore, #tpu.memory_space<semaphore_mem>> -> memref<!tpu.dma_semaphore, #tpu.memory_space<semaphore_mem>>
    %dma_start3A_91 = arith.constant 0 : i32
    %dma_start3A_92 = tpu.memref_slice %arg9[%multiple_of3A_82, %dma_start3A_91] : memref<10064x128xf32, #tpu.memory_space<vmem_shared>> -> memref<104x128xf32, #tpu.memory_space<vmem_shared>>
    %dma_start3A_93 = arith.constant 0 : i32
    %dma_start3A_94 = arith.constant 0 : i32
    %dma_start3A_95 = tpu.memref_slice %arg7[%dma_start3A_93, %dma_start3A_94] : memref<128x128xf32, #tpu.memory_space<vmem>> -> memref<104x128xf32, #tpu.memory_space<vmem>>
    tpu.enqueue_dma source(%dma_start3A_95 : memref<104x128xf32, #tpu.memory_space<vmem>>) target(%dma_start3A_92 : memref<104x128xf32, #tpu.memory_space<vmem_shared>>) target_semaphore(%dma_start3A_90 : memref<!tpu.dma_semaphore, #tpu.memory_space<semaphore_mem>>)
    %mul3A_96 = arith.constant 624 : i32
    %mul3A_97 = arith.muli %arg1, %mul3A_96 : i32
    %add3A_98 = arith.constant 520 : i32
    %add3A_99 = arith.addi %mul3A_97, %add3A_98 : i32
    %multiple_of3A_100 = tpu.assume_multiple %add3A_99, 8 : i32
    %dma_start3A_101 = arith.constant 1 : i32
    %dma_start3A_102 = arith.constant 0 : i32
    %dma_start3A_103 = arith.constant 0 : i32
    %dma_start3A_104 = tpu.memref_slice %arg7[%dma_start3A_102, %dma_start3A_103] : memref<128x128xf32, #tpu.memory_space<vmem>> -> memref<104x128xf32, #tpu.memory_space<vmem>>
    %dma_start3A_105 = arith.constant 0 : i32
    %dma_start3A_106 = tpu.memref_slice %arg9[%multiple_of3A_100, %dma_start3A_105] : memref<10064x128xf32, #tpu.memory_space<vmem_shared>> -> memref<104x128xf32, #tpu.memory_space<vmem_shared>>
    %dma_start3A_107 = tpu.memref_slice %arg10[%dma_start3A_101] : memref<2x!tpu.dma_semaphore, #tpu.memory_space<semaphore_mem>> -> memref<1x!tpu.dma_semaphore, #tpu.memory_space<semaphore_mem>>
    %dma_start3A_108 = tpu.memref_squeeze %dma_start3A_107 : memref<1x!tpu.dma_semaphore, #tpu.memory_space<semaphore_mem>> -> memref<!tpu.dma_semaphore, #tpu.memory_space<semaphore_mem>>
    %dma_start3A_109 = arith.constant 0 : i32
    %dma_start3A_110 = tpu.memref_slice %arg9[%multiple_of3A_100, %dma_start3A_109] : memref<10064x128xf32, #tpu.memory_space<vmem_shared>> -> memref<104x128xf32, #tpu.memory_space<vmem_shared>>
    %dma_start3A_111 = arith.constant 0 : i32
    %dma_start3A_112 = arith.constant 0 : i32
    %dma_start3A_113 = tpu.memref_slice %arg7[%dma_start3A_111, %dma_start3A_112] : memref<128x128xf32, #tpu.memory_space<vmem>> -> memref<104x128xf32, #tpu.memory_space<vmem>>
    tpu.enqueue_dma source(%dma_start3A_113 : memref<104x128xf32, #tpu.memory_space<vmem>>) target(%dma_start3A_110 : memref<104x128xf32, #tpu.memory_space<vmem_shared>>) target_semaphore(%dma_start3A_108 : memref<!tpu.dma_semaphore, #tpu.memory_space<semaphore_mem>>)
    %mul3A_114 = arith.constant 624 : i32
    %mul3A_115 = arith.muli %arg1, %mul3A_114 : i32
    %add3A_116 = arith.constant 0 : i32
    %add3A_117 = arith.addi %mul3A_115, %add3A_116 : i32
    %multiple_of3A_118 = tpu.assume_multiple %add3A_117, 8 : i32
    %dma_wait3A = arith.constant 0 : i32
    %dma_wait3A_119 = arith.constant 0 : i32
    %dma_wait3A_120 = arith.constant 0 : i32
    %dma_wait3A_121 = tpu.memref_slice %arg7[%dma_wait3A_119, %dma_wait3A_120] : memref<128x128xf32, #tpu.memory_space<vmem>> -> memref<104x128xf32, #tpu.memory_space<vmem>>
    %dma_wait3A_122 = arith.constant 0 : i32
    %dma_wait3A_123 = tpu.memref_slice %arg9[%multiple_of3A_118, %dma_wait3A_122] : memref<10064x128xf32, #tpu.memory_space<vmem_shared>> -> memref<104x128xf32, #tpu.memory_space<vmem_shared>>
    %dma_wait3A_124 = tpu.memref_slice %arg10[%dma_wait3A] : memref<2x!tpu.dma_semaphore, #tpu.memory_space<semaphore_mem>> -> memref<1x!tpu.dma_semaphore, #tpu.memory_space<semaphore_mem>>
    %dma_wait3A_125 = tpu.memref_squeeze %dma_wait3A_124 : memref<1x!tpu.dma_semaphore, #tpu.memory_space<semaphore_mem>> -> memref<!tpu.dma_semaphore, #tpu.memory_space<semaphore_mem>>
    %dma_wait3A_126 = arith.constant 0 : i32
    %dma_wait3A_127 = tpu.memref_slice %arg9[%multiple_of3A_118, %dma_wait3A_126] : memref<10064x128xf32, #tpu.memory_space<vmem_shared>> -> memref<104x128xf32, #tpu.memory_space<vmem_shared>>
    %dma_wait3A_128 = arith.constant 0 : i32
    %dma_wait3A_129 = arith.constant 0 : i32
    %dma_wait3A_130 = tpu.memref_slice %arg7[%dma_wait3A_128, %dma_wait3A_129] : memref<128x128xf32, #tpu.memory_space<vmem>> -> memref<104x128xf32, #tpu.memory_space<vmem>>
    tpu.wait_dma2 semaphore(%dma_wait3A_125 : memref<!tpu.dma_semaphore, #tpu.memory_space<semaphore_mem>>) src(%dma_wait3A_130 : memref<104x128xf32, #tpu.memory_space<vmem>>) dst(%dma_wait3A_127 : memref<104x128xf32, #tpu.memory_space<vmem_shared>>)
    %mul3A_131 = arith.constant 624 : i32
    %mul3A_132 = arith.muli %arg1, %mul3A_131 : i32
    %add3A_133 = arith.constant 104 : i32
    %add3A_134 = arith.addi %mul3A_132, %add3A_133 : i32
    %multiple_of3A_135 = tpu.assume_multiple %add3A_134, 8 : i32
    %dma_wait3A_136 = arith.constant 1 : i32
    %dma_wait3A_137 = arith.constant 0 : i32
    %dma_wait3A_138 = arith.constant 0 : i32
    %dma_wait3A_139 = tpu.memref_slice %arg7[%dma_wait3A_137, %dma_wait3A_138] : memref<128x128xf32, #tpu.memory_space<vmem>> -> memref<104x128xf32, #tpu.memory_space<vmem>>
    %dma_wait3A_140 = arith.constant 0 : i32
    %dma_wait3A_141 = tpu.memref_slice %arg9[%multiple_of3A_135, %dma_wait3A_140] : memref<10064x128xf32, #tpu.memory_space<vmem_shared>> -> memref<104x128xf32, #tpu.memory_space<vmem_shared>>
    %dma_wait3A_142 = tpu.memref_slice %arg10[%dma_wait3A_136] : memref<2x!tpu.dma_semaphore, #tpu.memory_space<semaphore_mem>> -> memref<1x!tpu.dma_semaphore, #tpu.memory_space<semaphore_mem>>
    %dma_wait3A_143 = tpu.memref_squeeze %dma_wait3A_142 : memref<1x!tpu.dma_semaphore, #tpu.memory_space<semaphore_mem>> -> memref<!tpu.dma_semaphore, #tpu.memory_space<semaphore_mem>>
    %dma_wait3A_144 = arith.constant 0 : i32
    %dma_wait3A_145 = tpu.memref_slice %arg9[%multiple_of3A_135, %dma_wait3A_144] : memref<10064x128xf32, #tpu.memory_space<vmem_shared>> -> memref<104x128xf32, #tpu.memory_space<vmem_shared>>
    %dma_wait3A_146 = arith.constant 0 : i32
    %dma_wait3A_147 = arith.constant 0 : i32
    %dma_wait3A_148 = tpu.memref_slice %arg7[%dma_wait3A_146, %dma_wait3A_147] : memref<128x128xf32, #tpu.memory_space<vmem>> -> memref<104x128xf32, #tpu.memory_space<vmem>>
    tpu.wait_dma2 semaphore(%dma_wait3A_143 : memref<!tpu.dma_semaphore, #tpu.memory_space<semaphore_mem>>) src(%dma_wait3A_148 : memref<104x128xf32, #tpu.memory_space<vmem>>) dst(%dma_wait3A_145 : memref<104x128xf32, #tpu.memory_space<vmem_shared>>)
    %mul3A_149 = arith.constant 624 : i32
    %mul3A_150 = arith.muli %arg1, %mul3A_149 : i32
    %add3A_151 = arith.constant 208 : i32
    %add3A_152 = arith.addi %mul3A_150, %add3A_151 : i32
    %multiple_of3A_153 = tpu.assume_multiple %add3A_152, 8 : i32
    %dma_wait3A_154 = arith.constant 0 : i32
    %dma_wait3A_155 = arith.constant 0 : i32
    %dma_wait3A_156 = arith.constant 0 : i32
    %dma_wait3A_157 = tpu.memref_slice %arg7[%dma_wait3A_155, %dma_wait3A_156] : memref<128x128xf32, #tpu.memory_space<vmem>> -> memref<104x128xf32, #tpu.memory_space<vmem>>
    %dma_wait3A_158 = arith.constant 0 : i32
    %dma_wait3A_159 = tpu.memref_slice %arg9[%multiple_of3A_153, %dma_wait3A_158] : memref<10064x128xf32, #tpu.memory_space<vmem_shared>> -> memref<104x128xf32, #tpu.memory_space<vmem_shared>>
    %dma_wait3A_160 = tpu.memref_slice %arg10[%dma_wait3A_154] : memref<2x!tpu.dma_semaphore, #tpu.memory_space<semaphore_mem>> -> memref<1x!tpu.dma_semaphore, #tpu.memory_space<semaphore_mem>>
    %dma_wait3A_161 = tpu.memref_squeeze %dma_wait3A_160 : memref<1x!tpu.dma_semaphore, #tpu.memory_space<semaphore_mem>> -> memref<!tpu.dma_semaphore, #tpu.memory_space<semaphore_mem>>
    %dma_wait3A_162 = arith.constant 0 : i32
    %dma_wait3A_163 = tpu.memref_slice %arg9[%multiple_of3A_153, %dma_wait3A_162] : memref<10064x128xf32, #tpu.memory_space<vmem_shared>> -> memref<104x128xf32, #tpu.memory_space<vmem_shared>>
    %dma_wait3A_164 = arith.constant 0 : i32
    %dma_wait3A_165 = arith.constant 0 : i32
    %dma_wait3A_166 = tpu.memref_slice %arg7[%dma_wait3A_164, %dma_wait3A_165] : memref<128x128xf32, #tpu.memory_space<vmem>> -> memref<104x128xf32, #tpu.memory_space<vmem>>
    tpu.wait_dma2 semaphore(%dma_wait3A_161 : memref<!tpu.dma_semaphore, #tpu.memory_space<semaphore_mem>>) src(%dma_wait3A_166 : memref<104x128xf32, #tpu.memory_space<vmem>>) dst(%dma_wait3A_163 : memref<104x128xf32, #tpu.memory_space<vmem_shared>>)
    %mul3A_167 = arith.constant 624 : i32
    %mul3A_168 = arith.muli %arg1, %mul3A_167 : i32
    %add3A_169 = arith.constant 312 : i32
    %add3A_170 = arith.addi %mul3A_168, %add3A_169 : i32
    %multiple_of3A_171 = tpu.assume_multiple %add3A_170, 8 : i32
    %dma_wait3A_172 = arith.constant 1 : i32
    %dma_wait3A_173 = arith.constant 0 : i32
    %dma_wait3A_174 = arith.constant 0 : i32
    %dma_wait3A_175 = tpu.memref_slice %arg7[%dma_wait3A_173, %dma_wait3A_174] : memref<128x128xf32, #tpu.memory_space<vmem>> -> memref<104x128xf32, #tpu.memory_space<vmem>>
    %dma_wait3A_176 = arith.constant 0 : i32
    %dma_wait3A_177 = tpu.memref_slice %arg9[%multiple_of3A_171, %dma_wait3A_176] : memref<10064x128xf32, #tpu.memory_space<vmem_shared>> -> memref<104x128xf32, #tpu.memory_space<vmem_shared>>
    %dma_wait3A_178 = tpu.memref_slice %arg10[%dma_wait3A_172] : memref<2x!tpu.dma_semaphore, #tpu.memory_space<semaphore_mem>> -> memref<1x!tpu.dma_semaphore, #tpu.memory_space<semaphore_mem>>
    %dma_wait3A_179 = tpu.memref_squeeze %dma_wait3A_178 : memref<1x!tpu.dma_semaphore, #tpu.memory_space<semaphore_mem>> -> memref<!tpu.dma_semaphore, #tpu.memory_space<semaphore_mem>>
    %dma_wait3A_180 = arith.constant 0 : i32
    %dma_wait3A_181 = tpu.memref_slice %arg9[%multiple_of3A_171, %dma_wait3A_180] : memref<10064x128xf32, #tpu.memory_space<vmem_shared>> -> memref<104x128xf32, #tpu.memory_space<vmem_shared>>
    %dma_wait3A_182 = arith.constant 0 : i32
    %dma_wait3A_183 = arith.constant 0 : i32
    %dma_wait3A_184 = tpu.memref_slice %arg7[%dma_wait3A_182, %dma_wait3A_183] : memref<128x128xf32, #tpu.memory_space<vmem>> -> memref<104x128xf32, #tpu.memory_space<vmem>>
    tpu.wait_dma2 semaphore(%dma_wait3A_179 : memref<!tpu.dma_semaphore, #tpu.memory_space<semaphore_mem>>) src(%dma_wait3A_184 : memref<104x128xf32, #tpu.memory_space<vmem>>) dst(%dma_wait3A_181 : memref<104x128xf32, #tpu.memory_space<vmem_shared>>)
    %mul3A_185 = arith.constant 624 : i32
    %mul3A_186 = arith.muli %arg1, %mul3A_185 : i32
    %add3A_187 = arith.constant 416 : i32
    %add3A_188 = arith.addi %mul3A_186, %add3A_187 : i32
    %multiple_of3A_189 = tpu.assume_multiple %add3A_188, 8 : i32
    %dma_wait3A_190 = arith.constant 0 : i32
    %dma_wait3A_191 = arith.constant 0 : i32
    %dma_wait3A_192 = arith.constant 0 : i32
    %dma_wait3A_193 = tpu.memref_slice %arg7[%dma_wait3A_191, %dma_wait3A_192] : memref<128x128xf32, #tpu.memory_space<vmem>> -> memref<104x128xf32, #tpu.memory_space<vmem>>
    %dma_wait3A_194 = arith.constant 0 : i32
    %dma_wait3A_195 = tpu.memref_slice %arg9[%multiple_of3A_189, %dma_wait3A_194] : memref<10064x128xf32, #tpu.memory_space<vmem_shared>> -> memref<104x128xf32, #tpu.memory_space<vmem_shared>>
    %dma_wait3A_196 = tpu.memref_slice %arg10[%dma_wait3A_190] : memref<2x!tpu.dma_semaphore, #tpu.memory_space<semaphore_mem>> -> memref<1x!tpu.dma_semaphore, #tpu.memory_space<semaphore_mem>>
    %dma_wait3A_197 = tpu.memref_squeeze %dma_wait3A_196 : memref<1x!tpu.dma_semaphore, #tpu.memory_space<semaphore_mem>> -> memref<!tpu.dma_semaphore, #tpu.memory_space<semaphore_mem>>
    %dma_wait3A_198 = arith.constant 0 : i32
    %dma_wait3A_199 = tpu.memref_slice %arg9[%multiple_of3A_189, %dma_wait3A_198] : memref<10064x128xf32, #tpu.memory_space<vmem_shared>> -> memref<104x128xf32, #tpu.memory_space<vmem_shared>>
    %dma_wait3A_200 = arith.constant 0 : i32
    %dma_wait3A_201 = arith.constant 0 : i32
    %dma_wait3A_202 = tpu.memref_slice %arg7[%dma_wait3A_200, %dma_wait3A_201] : memref<128x128xf32, #tpu.memory_space<vmem>> -> memref<104x128xf32, #tpu.memory_space<vmem>>
    tpu.wait_dma2 semaphore(%dma_wait3A_197 : memref<!tpu.dma_semaphore, #tpu.memory_space<semaphore_mem>>) src(%dma_wait3A_202 : memref<104x128xf32, #tpu.memory_space<vmem>>) dst(%dma_wait3A_199 : memref<104x128xf32, #tpu.memory_space<vmem_shared>>)
    %mul3A_203 = arith.constant 624 : i32
    %mul3A_204 = arith.muli %arg1, %mul3A_203 : i32
    %add3A_205 = arith.constant 520 : i32
    %add3A_206 = arith.addi %mul3A_204, %add3A_205 : i32
    %multiple_of3A_207 = tpu.assume_multiple %add3A_206, 8 : i32
    %dma_wait3A_208 = arith.constant 1 : i32
    %dma_wait3A_209 = arith.constant 0 : i32
    %dma_wait3A_210 = arith.constant 0 : i32
    %dma_wait3A_211 = tpu.memref_slice %arg7[%dma_wait3A_209, %dma_wait3A_210] : memref<128x128xf32, #tpu.memory_space<vmem>> -> memref<104x128xf32, #tpu.memory_space<vmem>>
    %dma_wait3A_212 = arith.constant 0 : i32
    %dma_wait3A_213 = tpu.memref_slice %arg9[%multiple_of3A_207, %dma_wait3A_212] : memref<10064x128xf32, #tpu.memory_space<vmem_shared>> -> memref<104x128xf32, #tpu.memory_space<vmem_shared>>
    %dma_wait3A_214 = tpu.memref_slice %arg10[%dma_wait3A_208] : memref<2x!tpu.dma_semaphore, #tpu.memory_space<semaphore_mem>> -> memref<1x!tpu.dma_semaphore, #tpu.memory_space<semaphore_mem>>
    %dma_wait3A_215 = tpu.memref_squeeze %dma_wait3A_214 : memref<1x!tpu.dma_semaphore, #tpu.memory_space<semaphore_mem>> -> memref<!tpu.dma_semaphore, #tpu.memory_space<semaphore_mem>>
    %dma_wait3A_216 = arith.constant 0 : i32
    %dma_wait3A_217 = tpu.memref_slice %arg9[%multiple_of3A_207, %dma_wait3A_216] : memref<10064x128xf32, #tpu.memory_space<vmem_shared>> -> memref<104x128xf32, #tpu.memory_space<vmem_shared>>
    %dma_wait3A_218 = arith.constant 0 : i32
    %dma_wait3A_219 = arith.constant 0 : i32
    %dma_wait3A_220 = tpu.memref_slice %arg7[%dma_wait3A_218, %dma_wait3A_219] : memref<128x128xf32, #tpu.memory_space<vmem>> -> memref<104x128xf32, #tpu.memory_space<vmem>>
    tpu.wait_dma2 semaphore(%dma_wait3A_215 : memref<!tpu.dma_semaphore, #tpu.memory_space<semaphore_mem>>) src(%dma_wait3A_220 : memref<104x128xf32, #tpu.memory_space<vmem>>) dst(%dma_wait3A_217 : memref<104x128xf32, #tpu.memory_space<vmem_shared>>)
    %eq3A = arith.constant 15 : i32
    %eq3A_221 = arith.cmpi eq, %arg1, %eq3A : i32
    %convert_element_type3A = arith.extui %eq3A_221 : i1 to i32
    %cond3A = arith.constant 0 : i32
    %cond3A_222 = arith.cmpi ne, %convert_element_type3A, %cond3A : i32
    scf.if %cond3A_222 {
      "tpu.region"() ({
        %run_scoped3A = tpu.sem_alloc : memref<!tpu.dma_semaphore, #tpu.memory_space<semaphore_mem>>
        %dma_start3A_501 = arith.constant 0 : i32
        %dma_start3A_502 = arith.constant 0 : i32
        %dma_start3A_503 = tpu.memref_slice %arg7[%dma_start3A_501, %dma_start3A_502] : memref<128x128xf32, #tpu.memory_space<vmem>> -> memref<80x128xf32, #tpu.memory_space<vmem>>
        %dma_start3A_504 = arith.constant 9984 : i32
        %dma_start3A_505 = arith.constant 0 : i32
        %dma_start3A_506 = tpu.memref_slice %arg9[%dma_start3A_504, %dma_start3A_505] : memref<10064x128xf32, #tpu.memory_space<vmem_shared>> -> memref<80x128xf32, #tpu.memory_space<vmem_shared>>
        %dma_start3A_507 = arith.constant 9984 : i32
        %dma_start3A_508 = arith.constant 0 : i32
        %dma_start3A_509 = tpu.memref_slice %arg9[%dma_start3A_507, %dma_start3A_508] : memref<10064x128xf32, #tpu.memory_space<vmem_shared>> -> memref<80x128xf32, #tpu.memory_space<vmem_shared>>
        %dma_start3A_510 = arith.constant 0 : i32
        %dma_start3A_511 = arith.constant 0 : i32
        %dma_start3A_512 = tpu.memref_slice %arg7[%dma_start3A_510, %dma_start3A_511] : memref<128x128xf32, #tpu.memory_space<vmem>> -> memref<80x128xf32, #tpu.memory_space<vmem>>
        tpu.enqueue_dma source(%dma_start3A_512 : memref<80x128xf32, #tpu.memory_space<vmem>>) target(%dma_start3A_509 : memref<80x128xf32, #tpu.memory_space<vmem_shared>>) target_semaphore(%run_scoped3A : memref<!tpu.dma_semaphore, #tpu.memory_space<semaphore_mem>>)
        %dma_wait3A_513 = arith.constant 0 : i32
        %dma_wait3A_514 = arith.constant 0 : i32
        %dma_wait3A_515 = tpu.memref_slice %arg7[%dma_wait3A_513, %dma_wait3A_514] : memref<128x128xf32, #tpu.memory_space<vmem>> -> memref<80x128xf32, #tpu.memory_space<vmem>>
        %dma_wait3A_516 = arith.constant 9984 : i32
        %dma_wait3A_517 = arith.constant 0 : i32
        %dma_wait3A_518 = tpu.memref_slice %arg9[%dma_wait3A_516, %dma_wait3A_517] : memref<10064x128xf32, #tpu.memory_space<vmem_shared>> -> memref<80x128xf32, #tpu.memory_space<vmem_shared>>
        %dma_wait3A_519 = arith.constant 9984 : i32
        %dma_wait3A_520 = arith.constant 0 : i32
        %dma_wait3A_521 = tpu.memref_slice %arg9[%dma_wait3A_519, %dma_wait3A_520] : memref<10064x128xf32, #tpu.memory_space<vmem_shared>> -> memref<80x128xf32, #tpu.memory_space<vmem_shared>>
        %dma_wait3A_522 = arith.constant 0 : i32
        %dma_wait3A_523 = arith.constant 0 : i32
        %dma_wait3A_524 = tpu.memref_slice %arg7[%dma_wait3A_522, %dma_wait3A_523] : memref<128x128xf32, #tpu.memory_space<vmem>> -> memref<80x128xf32, #tpu.memory_space<vmem>>
        tpu.wait_dma2 semaphore(%run_scoped3A : memref<!tpu.dma_semaphore, #tpu.memory_space<semaphore_mem>>) src(%dma_wait3A_524 : memref<80x128xf32, #tpu.memory_space<vmem>>) dst(%dma_wait3A_521 : memref<80x128xf32, #tpu.memory_space<vmem_shared>>)
        tpu.yield
      }) : () -> ()
    } else {
    }
    %barrier3A = arith.constant 0 : index
    tpu.barrier barrier_id(%barrier3A)
    %add3A_223 = arith.constant 0 : i32
    %add3A_224 = arith.addi %multiple_of3A, %add3A_223 : i32
    %multiple_of3A_225 = tpu.assume_multiple %add3A_224, 8 : i32
    "tpu.region"() ({
      %run_scoped3A = tpu.sem_alloc : memref<!tpu.dma_semaphore, #tpu.memory_space<semaphore_mem>>
      %dma_start3A_501 = arith.constant 0 : i32
      %dma_start3A_502 = arith.constant 0 : i32
      %dma_start3A_503 = tpu.memref_slice %arg3[%arg0, %multiple_of3A_225, %dma_start3A_501, %dma_start3A_502] : memref<2x2560x2x128xi32, #tpu.memory_space<hbm>> -> memref<1x32x2x128xi32, #tpu.memory_space<hbm>>
      %dma_start3A_504 = tpu.memref_squeeze %dma_start3A_503 : memref<1x32x2x128xi32, #tpu.memory_space<hbm>> -> memref<32x2x128xi32, #tpu.memory_space<hbm>>
      %dma_start3A_505 = arith.constant 0 : i32
      %dma_start3A_506 = arith.constant 0 : i32
      %dma_start3A_507 = tpu.memref_slice %arg3[%arg0, %multiple_of3A_225, %dma_start3A_505, %dma_start3A_506] : memref<2x2560x2x128xi32, #tpu.memory_space<hbm>> -> memref<1x32x2x128xi32, #tpu.memory_space<hbm>>
      %dma_start3A_508 = tpu.memref_squeeze %dma_start3A_507 : memref<1x32x2x128xi32, #tpu.memory_space<hbm>> -> memref<32x2x128xi32, #tpu.memory_space<hbm>>
      tpu.enqueue_dma source(%dma_start3A_508 : memref<32x2x128xi32, #tpu.memory_space<hbm>>) target(%arg5 : memref<32x2x128xi32, #tpu.memory_space<vmem>>) target_semaphore(%run_scoped3A : memref<!tpu.dma_semaphore, #tpu.memory_space<semaphore_mem>>)
      %dma_wait3A_509 = arith.constant 0 : i32
      %dma_wait3A_510 = arith.constant 0 : i32
      %dma_wait3A_511 = tpu.memref_slice %arg3[%arg0, %multiple_of3A_225, %dma_wait3A_509, %dma_wait3A_510] : memref<2x2560x2x128xi32, #tpu.memory_space<hbm>> -> memref<1x32x2x128xi32, #tpu.memory_space<hbm>>
      %dma_wait3A_512 = tpu.memref_squeeze %dma_wait3A_511 : memref<1x32x2x128xi32, #tpu.memory_space<hbm>> -> memref<32x2x128xi32, #tpu.memory_space<hbm>>
      %dma_wait3A_513 = arith.constant 0 : i32
      %dma_wait3A_514 = arith.constant 0 : i32
      %dma_wait3A_515 = tpu.memref_slice %arg3[%arg0, %multiple_of3A_225, %dma_wait3A_513, %dma_wait3A_514] : memref<2x2560x2x128xi32, #tpu.memory_space<hbm>> -> memref<1x32x2x128xi32, #tpu.memory_space<hbm>>
      %dma_wait3A_516 = tpu.memref_squeeze %dma_wait3A_515 : memref<1x32x2x128xi32, #tpu.memory_space<hbm>> -> memref<32x2x128xi32, #tpu.memory_space<hbm>>
      tpu.wait_dma2 semaphore(%run_scoped3A : memref<!tpu.dma_semaphore, #tpu.memory_space<semaphore_mem>>) src(%dma_wait3A_516 : memref<32x2x128xi32, #tpu.memory_space<hbm>>) dst(%arg5 : memref<32x2x128xi32, #tpu.memory_space<vmem>>)
      tpu.yield
    }) : () -> ()
    %scan3A_226 = arith.constant 0 : i32
    %scan3A_227 = arith.constant 5 : i32
    %scan3A_228 = arith.addi %scan3A_226, %scan3A_227 : i32
    %scan3A_229 = arith.constant 1 : i32
    scf.for %scan3A_501 = %scan3A_226 to %scan3A_228 step %scan3A_229  : i32 {
      %mul3A_502 = arith.constant 1 : i32
      %mul3A_503 = arith.muli %scan3A_501, %mul3A_502 : i32
      %add3A_504 = arith.constant 0 : i32
      %add3A_505 = arith.addi %add3A_504, %mul3A_503 : i32
      %jit3A = arith.constant 2 : i32
      %eq3A_506 = arith.constant 0 : i32
      %eq3A_507 = arith.cmpi eq, %jit3A, %eq3A_506 : i32
      %jit3A_508 = arith.constant 1 : i32
      %select_n3A = arith.select %eq3A_507, %jit3A_508, %jit3A : i32
      %rem3A = arith.remsi %add3A_505, %select_n3A : i32
      %ne3A = arith.constant 0 : i32
      %ne3A_509 = arith.cmpi ne, %rem3A, %ne3A : i32
      %lt3A = arith.constant 0 : i32
      %lt3A_510 = arith.cmpi slt, %rem3A, %lt3A : i32
      %lt3A_511 = arith.constant 0 : i32
      %lt3A_512 = arith.cmpi slt, %select_n3A, %lt3A_511 : i32
      %ne3A_513 = arith.xori %lt3A_510, %lt3A_512 : i1
      %and3A = arith.andi %ne3A_513, %ne3A_509 : i1
      %add3A_514 = arith.addi %rem3A, %select_n3A : i32
      %select_n3A_515 = arith.select %and3A, %add3A_514, %rem3A : i32
      %eq3A_516 = arith.constant 0 : i32
      %eq3A_517 = arith.cmpi eq, %select_n3A_515, %eq3A_516 : i32
      %convert_element_type3A_518 = arith.extui %eq3A_517 : i1 to i32
      %cond3A_519 = arith.constant 0 : i32
      %cond3A_520 = arith.cmpi ne, %convert_element_type3A_518, %cond3A_519 : i32
      scf.if %cond3A_520 {
        %gt3A = arith.constant 0 : i32
        %gt3A_542 = arith.cmpi sgt, %add3A_505, %gt3A : i32
        %convert_element_type3A_543 = arith.extui %gt3A_542 : i1 to i32
        %cond3A_544 = arith.constant 0 : i32
        %cond3A_545 = arith.cmpi ne, %convert_element_type3A_543, %cond3A_544 : i32
        scf.if %cond3A_545 {
          %mul3A_580 = arith.constant 32 : i32
          %mul3A_581 = arith.muli %add3A_505, %mul3A_580 : i32
          %add3A_582 = arith.addi %multiple_of3A, %mul3A_581 : i32
          %multiple_of3A_583 = tpu.assume_multiple %add3A_582, 8 : i32
          %dma_wait3A_584 = arith.constant 0 : i32
          %dma_wait3A_585 = arith.constant 0 : i32
          %dma_wait3A_586 = tpu.memref_slice %arg3[%arg0, %multiple_of3A_583, %dma_wait3A_584, %dma_wait3A_585] : memref<2x2560x2x128xi32, #tpu.memory_space<hbm>> -> memref<1x32x2x128xi32, #tpu.memory_space<hbm>>
          %dma_wait3A_587 = tpu.memref_squeeze %dma_wait3A_586 : memref<1x32x2x128xi32, #tpu.memory_space<hbm>> -> memref<32x2x128xi32, #tpu.memory_space<hbm>>
          %dma_wait3A_588 = arith.constant 0 : i32
          %dma_wait3A_589 = arith.constant 0 : i32
          %dma_wait3A_590 = tpu.memref_slice %arg3[%arg0, %multiple_of3A_583, %dma_wait3A_588, %dma_wait3A_589] : memref<2x2560x2x128xi32, #tpu.memory_space<hbm>> -> memref<1x32x2x128xi32, #tpu.memory_space<hbm>>
          %dma_wait3A_591 = tpu.memref_squeeze %dma_wait3A_590 : memref<1x32x2x128xi32, #tpu.memory_space<hbm>> -> memref<32x2x128xi32, #tpu.memory_space<hbm>>
          tpu.wait_dma2 semaphore(%arg12 : memref<!tpu.dma_semaphore, #tpu.memory_space<semaphore_mem>>) src(%dma_wait3A_591 : memref<32x2x128xi32, #tpu.memory_space<hbm>>) dst(%arg5 : memref<32x2x128xi32, #tpu.memory_space<vmem>>)
        } else {
        }
        %add3A_546 = arith.constant 1 : i32
        %add3A_547 = arith.addi %add3A_505, %add3A_546 : i32
        %lt3A_548 = arith.constant 5 : i32
        %lt3A_549 = arith.cmpi slt, %add3A_547, %lt3A_548 : i32
        %convert_element_type3A_550 = arith.extui %lt3A_549 : i1 to i32
        %cond3A_551 = arith.constant 0 : i32
        %cond3A_552 = arith.cmpi ne, %convert_element_type3A_550, %cond3A_551 : i32
        scf.if %cond3A_552 {
          %add3A_580 = arith.constant 1 : i32
          %add3A_581 = arith.addi %add3A_505, %add3A_580 : i32
          %mul3A_582 = arith.constant 32 : i32
          %mul3A_583 = arith.muli %add3A_581, %mul3A_582 : i32
          %add3A_584 = arith.addi %multiple_of3A, %mul3A_583 : i32
          %multiple_of3A_585 = tpu.assume_multiple %add3A_584, 8 : i32
          %dma_start3A_586 = arith.constant 0 : i32
          %dma_start3A_587 = arith.constant 0 : i32
          %dma_start3A_588 = tpu.memref_slice %arg3[%arg0, %multiple_of3A_585, %dma_start3A_586, %dma_start3A_587] : memref<2x2560x2x128xi32, #tpu.memory_space<hbm>> -> memref<1x32x2x128xi32, #tpu.memory_space<hbm>>
          %dma_start3A_589 = tpu.memref_squeeze %dma_start3A_588 : memref<1x32x2x128xi32, #tpu.memory_space<hbm>> -> memref<32x2x128xi32, #tpu.memory_space<hbm>>
          %dma_start3A_590 = arith.constant 0 : i32
          %dma_start3A_591 = arith.constant 0 : i32
          %dma_start3A_592 = tpu.memref_slice %arg3[%arg0, %multiple_of3A_585, %dma_start3A_590, %dma_start3A_591] : memref<2x2560x2x128xi32, #tpu.memory_space<hbm>> -> memref<1x32x2x128xi32, #tpu.memory_space<hbm>>
          %dma_start3A_593 = tpu.memref_squeeze %dma_start3A_592 : memref<1x32x2x128xi32, #tpu.memory_space<hbm>> -> memref<32x2x128xi32, #tpu.memory_space<hbm>>
          tpu.enqueue_dma source(%dma_start3A_593 : memref<32x2x128xi32, #tpu.memory_space<hbm>>) target(%arg6 : memref<32x2x128xi32, #tpu.memory_space<vmem>>) target_semaphore(%arg12 : memref<!tpu.dma_semaphore, #tpu.memory_space<semaphore_mem>>)
        } else {
        }
        %dma_start3A_553 = arith.constant 0 : i32
        %dma_start3A_554 = arith.constant 0 : i32
        %dma_start3A_555 = arith.constant 0 : i32
        %dma_start3A_556 = arith.constant 0 : i32
        %dma_start3A_557 = tpu.memref_slice %arg5[%dma_start3A_553, %dma_start3A_554, %dma_start3A_556] : memref<32x2x128xi32, #tpu.memory_space<vmem>> -> memref<1x1x128xi32, #tpu.memory_space<vmem>>
        %dma_start3A_558 = tpu.memref_squeeze %dma_start3A_557 : memref<1x1x128xi32, #tpu.memory_space<vmem>> -> memref<128xi32, #tpu.memory_space<vmem>>
        %dma_start3A_559 = arith.constant 0 : i32
        %dma_start3A_560 = arith.constant 0 : i32
        %dma_start3A_561 = tpu.memref_slice %arg2[%dma_start3A_559, %dma_start3A_560] : memref<20000x128xf32, #tpu.memory_space<hbm>> -> memref<20000x128xf32, #tpu.memory_space<hbm>>
        %dma_start3A_562 = tpu.memref_slice %arg10[%dma_start3A_555] : memref<2x!tpu.dma_semaphore, #tpu.memory_space<semaphore_mem>> -> memref<1x!tpu.dma_semaphore, #tpu.memory_space<semaphore_mem>>
        %dma_start3A_563 = tpu.memref_squeeze %dma_start3A_562 : memref<1x!tpu.dma_semaphore, #tpu.memory_space<semaphore_mem>> -> memref<!tpu.dma_semaphore, #tpu.memory_space<semaphore_mem>>
        tpu.enqueue_indirect_dma source(%dma_start3A_561 : memref<20000x128xf32, #tpu.memory_space<hbm>>) target(%arg7 : memref<128x128xf32, #tpu.memory_space<vmem>>) offsets(%dma_start3A_558 : memref<128xi32, #tpu.memory_space<vmem>>) semaphore(%dma_start3A_563 : memref<!tpu.dma_semaphore, #tpu.memory_space<semaphore_mem>>)
        %scan3A_564 = arith.constant 0 : i32
        %scan3A_565 = arith.constant 16 : i32
        %scan3A_566 = arith.addi %scan3A_564, %scan3A_565 : i32
        %scan3A_567 = arith.constant 1 : i32
        scf.for %scan3A_580 = %scan3A_564 to %scan3A_566 step %scan3A_567  : i32 {
          %mul3A_581 = arith.constant 1 : i32
          %mul3A_582 = arith.muli %scan3A_580, %mul3A_581 : i32
          %add3A_583 = arith.constant 0 : i32
          %add3A_584 = arith.addi %add3A_583, %mul3A_582 : i32
          %mul3A_585 = arith.constant 2 : i32
          %mul3A_586 = arith.muli %add3A_584, %mul3A_585 : i32
          %dma_wait3A_587 = arith.constant 0 : i32
          %dma_wait3A_588 = arith.constant 0 : i32
          %dma_wait3A_589 = arith.constant 0 : i32
          %dma_wait3A_590 = tpu.memref_slice %arg5[%mul3A_586, %dma_wait3A_587, %dma_wait3A_589] : memref<32x2x128xi32, #tpu.memory_space<vmem>> -> memref<1x1x128xi32, #tpu.memory_space<vmem>>
          %dma_wait3A_591 = tpu.memref_squeeze %dma_wait3A_590 : memref<1x1x128xi32, #tpu.memory_space<vmem>> -> memref<128xi32, #tpu.memory_space<vmem>>
          %dma_wait3A_592 = arith.constant 0 : i32
          %dma_wait3A_593 = arith.constant 0 : i32
          %dma_wait3A_594 = tpu.memref_slice %arg2[%dma_wait3A_592, %dma_wait3A_593] : memref<20000x128xf32, #tpu.memory_space<hbm>> -> memref<20000x128xf32, #tpu.memory_space<hbm>>
          %dma_wait3A_595 = tpu.memref_slice %arg10[%dma_wait3A_588] : memref<2x!tpu.dma_semaphore, #tpu.memory_space<semaphore_mem>> -> memref<1x!tpu.dma_semaphore, #tpu.memory_space<semaphore_mem>>
          %dma_wait3A_596 = tpu.memref_squeeze %dma_wait3A_595 : memref<1x!tpu.dma_semaphore, #tpu.memory_space<semaphore_mem>> -> memref<!tpu.dma_semaphore, #tpu.memory_space<semaphore_mem>>
          tpu.wait_indirect_dma semaphore(%dma_wait3A_596 : memref<!tpu.dma_semaphore, #tpu.memory_space<semaphore_mem>>) src(%dma_wait3A_594 : memref<20000x128xf32, #tpu.memory_space<hbm>>) dst(%arg7 : memref<128x128xf32, #tpu.memory_space<vmem>>)
          %gt3A_597 = arith.constant 0 : i32
          %gt3A_598 = arith.cmpi sgt, %add3A_584, %gt3A_597 : i32
          %convert_element_type3A_599 = arith.extui %gt3A_598 : i1 to i32
          %cond3A_600 = arith.constant 0 : i32
          %cond3A_601 = arith.cmpi ne, %convert_element_type3A_599, %cond3A_600 : i32
          scf.if %cond3A_601 {
            %sub3A = arith.constant 1 : i32
            %sub3A_663 = arith.subi %mul3A_586, %sub3A : i32
            %dma_wait3A_664 = arith.constant 1 : i32
            %dma_wait3A_665 = arith.constant 1 : i32
            %dma_wait3A_666 = arith.constant 0 : i32
            %dma_wait3A_667 = tpu.memref_slice %arg5[%sub3A_663, %dma_wait3A_664, %dma_wait3A_666] : memref<32x2x128xi32, #tpu.memory_space<vmem>> -> memref<1x1x128xi32, #tpu.memory_space<vmem>>
            %dma_wait3A_668 = tpu.memref_squeeze %dma_wait3A_667 : memref<1x1x128xi32, #tpu.memory_space<vmem>> -> memref<128xi32, #tpu.memory_space<vmem>>
            %dma_wait3A_669 = arith.constant 0 : i32
            %dma_wait3A_670 = arith.constant 0 : i32
            %dma_wait3A_671 = tpu.memref_slice %arg9[%dma_wait3A_669, %dma_wait3A_670] : memref<10064x128xf32, #tpu.memory_space<vmem_shared>> -> memref<10064x128xf32, #tpu.memory_space<vmem_shared>>
            %dma_wait3A_672 = tpu.memref_slice %arg11[%dma_wait3A_665] : memref<2x!tpu.dma_semaphore, #tpu.memory_space<semaphore_mem>> -> memref<1x!tpu.dma_semaphore, #tpu.memory_space<semaphore_mem>>
            %dma_wait3A_673 = tpu.memref_squeeze %dma_wait3A_672 : memref<1x!tpu.dma_semaphore, #tpu.memory_space<semaphore_mem>> -> memref<!tpu.dma_semaphore, #tpu.memory_space<semaphore_mem>>
            tpu.wait_indirect_dma semaphore(%dma_wait3A_673 : memref<!tpu.dma_semaphore, #tpu.memory_space<semaphore_mem>>) src(%arg8 : memref<128x128xf32, #tpu.memory_space<vmem>>) dst(%dma_wait3A_671 : memref<10064x128xf32, #tpu.memory_space<vmem_shared>>)
          } else {
          }
          %add3A_602 = arith.constant 1 : i32
          %add3A_603 = arith.addi %mul3A_586, %add3A_602 : i32
          %dma_start3A_604 = arith.constant 0 : i32
          %dma_start3A_605 = arith.constant 1 : i32
          %dma_start3A_606 = arith.constant 0 : i32
          %dma_start3A_607 = tpu.memref_slice %arg5[%add3A_603, %dma_start3A_604, %dma_start3A_606] : memref<32x2x128xi32, #tpu.memory_space<vmem>> -> memref<1x1x128xi32, #tpu.memory_space<vmem>>
          %dma_start3A_608 = tpu.memref_squeeze %dma_start3A_607 : memref<1x1x128xi32, #tpu.memory_space<vmem>> -> memref<128xi32, #tpu.memory_space<vmem>>
          %dma_start3A_609 = arith.constant 0 : i32
          %dma_start3A_610 = arith.constant 0 : i32
          %dma_start3A_611 = tpu.memref_slice %arg2[%dma_start3A_609, %dma_start3A_610] : memref<20000x128xf32, #tpu.memory_space<hbm>> -> memref<20000x128xf32, #tpu.memory_space<hbm>>
          %dma_start3A_612 = tpu.memref_slice %arg10[%dma_start3A_605] : memref<2x!tpu.dma_semaphore, #tpu.memory_space<semaphore_mem>> -> memref<1x!tpu.dma_semaphore, #tpu.memory_space<semaphore_mem>>
          %dma_start3A_613 = tpu.memref_squeeze %dma_start3A_612 : memref<1x!tpu.dma_semaphore, #tpu.memory_space<semaphore_mem>> -> memref<!tpu.dma_semaphore, #tpu.memory_space<semaphore_mem>>
          tpu.enqueue_indirect_dma source(%dma_start3A_611 : memref<20000x128xf32, #tpu.memory_space<hbm>>) target(%arg8 : memref<128x128xf32, #tpu.memory_space<vmem>>) offsets(%dma_start3A_608 : memref<128xi32, #tpu.memory_space<vmem>>) semaphore(%dma_start3A_613 : memref<!tpu.dma_semaphore, #tpu.memory_space<semaphore_mem>>)
          %dma_start3A_614 = arith.constant 1 : i32
          %dma_start3A_615 = arith.constant 0 : i32
          %dma_start3A_616 = arith.constant 0 : i32
          %dma_start3A_617 = tpu.memref_slice %arg5[%mul3A_586, %dma_start3A_614, %dma_start3A_616] : memref<32x2x128xi32, #tpu.memory_space<vmem>> -> memref<1x1x128xi32, #tpu.memory_space<vmem>>
          %dma_start3A_618 = tpu.memref_squeeze %dma_start3A_617 : memref<1x1x128xi32, #tpu.memory_space<vmem>> -> memref<128xi32, #tpu.memory_space<vmem>>
          %dma_start3A_619 = arith.constant 0 : i32
          %dma_start3A_620 = arith.constant 0 : i32
          %dma_start3A_621 = tpu.memref_slice %arg9[%dma_start3A_619, %dma_start3A_620] : memref<10064x128xf32, #tpu.memory_space<vmem_shared>> -> memref<10064x128xf32, #tpu.memory_space<vmem_shared>>
          %dma_start3A_622 = tpu.memref_slice %arg11[%dma_start3A_615] : memref<2x!tpu.dma_semaphore, #tpu.memory_space<semaphore_mem>> -> memref<1x!tpu.dma_semaphore, #tpu.memory_space<semaphore_mem>>
          %dma_start3A_623 = tpu.memref_squeeze %dma_start3A_622 : memref<1x!tpu.dma_semaphore, #tpu.memory_space<semaphore_mem>> -> memref<!tpu.dma_semaphore, #tpu.memory_space<semaphore_mem>>
          tpu.enqueue_indirect_dma source(%arg7 : memref<128x128xf32, #tpu.memory_space<vmem>>) target(%dma_start3A_621 : memref<10064x128xf32, #tpu.memory_space<vmem_shared>>) offsets(%dma_start3A_618 : memref<128xi32, #tpu.memory_space<vmem>>) semaphore(%dma_start3A_623 : memref<!tpu.dma_semaphore, #tpu.memory_space<semaphore_mem>>) {add = true}
          %add3A_624 = arith.constant 1 : i32
          %add3A_625 = arith.addi %mul3A_586, %add3A_624 : i32
          %dma_wait3A_626 = arith.constant 0 : i32
          %dma_wait3A_627 = arith.constant 1 : i32
          %dma_wait3A_628 = arith.constant 0 : i32
          %dma_wait3A_629 = tpu.memref_slice %arg5[%add3A_625, %dma_wait3A_626, %dma_wait3A_628] : memref<32x2x128xi32, #tpu.memory_space<vmem>> -> memref<1x1x128xi32, #tpu.memory_space<vmem>>
          %dma_wait3A_630 = tpu.memref_squeeze %dma_wait3A_629 : memref<1x1x128xi32, #tpu.memory_space<vmem>> -> memref<128xi32, #tpu.memory_space<vmem>>
          %dma_wait3A_631 = arith.constant 0 : i32
          %dma_wait3A_632 = arith.constant 0 : i32
          %dma_wait3A_633 = tpu.memref_slice %arg2[%dma_wait3A_631, %dma_wait3A_632] : memref<20000x128xf32, #tpu.memory_space<hbm>> -> memref<20000x128xf32, #tpu.memory_space<hbm>>
          %dma_wait3A_634 = tpu.memref_slice %arg10[%dma_wait3A_627] : memref<2x!tpu.dma_semaphore, #tpu.memory_space<semaphore_mem>> -> memref<1x!tpu.dma_semaphore, #tpu.memory_space<semaphore_mem>>
          %dma_wait3A_635 = tpu.memref_squeeze %dma_wait3A_634 : memref<1x!tpu.dma_semaphore, #tpu.memory_space<semaphore_mem>> -> memref<!tpu.dma_semaphore, #tpu.memory_space<semaphore_mem>>
          tpu.wait_indirect_dma semaphore(%dma_wait3A_635 : memref<!tpu.dma_semaphore, #tpu.memory_space<semaphore_mem>>) src(%dma_wait3A_633 : memref<20000x128xf32, #tpu.memory_space<hbm>>) dst(%arg8 : memref<128x128xf32, #tpu.memory_space<vmem>>)
          %dma_wait3A_636 = arith.constant 1 : i32
          %dma_wait3A_637 = arith.constant 0 : i32
          %dma_wait3A_638 = arith.constant 0 : i32
          %dma_wait3A_639 = tpu.memref_slice %arg5[%mul3A_586, %dma_wait3A_636, %dma_wait3A_638] : memref<32x2x128xi32, #tpu.memory_space<vmem>> -> memref<1x1x128xi32, #tpu.memory_space<vmem>>
          %dma_wait3A_640 = tpu.memref_squeeze %dma_wait3A_639 : memref<1x1x128xi32, #tpu.memory_space<vmem>> -> memref<128xi32, #tpu.memory_space<vmem>>
          %dma_wait3A_641 = arith.constant 0 : i32
          %dma_wait3A_642 = arith.constant 0 : i32
          %dma_wait3A_643 = tpu.memref_slice %arg9[%dma_wait3A_641, %dma_wait3A_642] : memref<10064x128xf32, #tpu.memory_space<vmem_shared>> -> memref<10064x128xf32, #tpu.memory_space<vmem_shared>>
          %dma_wait3A_644 = tpu.memref_slice %arg11[%dma_wait3A_637] : memref<2x!tpu.dma_semaphore, #tpu.memory_space<semaphore_mem>> -> memref<1x!tpu.dma_semaphore, #tpu.memory_space<semaphore_mem>>
          %dma_wait3A_645 = tpu.memref_squeeze %dma_wait3A_644 : memref<1x!tpu.dma_semaphore, #tpu.memory_space<semaphore_mem>> -> memref<!tpu.dma_semaphore, #tpu.memory_space<semaphore_mem>>
          tpu.wait_indirect_dma semaphore(%dma_wait3A_645 : memref<!tpu.dma_semaphore, #tpu.memory_space<semaphore_mem>>) src(%arg7 : memref<128x128xf32, #tpu.memory_space<vmem>>) dst(%dma_wait3A_643 : memref<10064x128xf32, #tpu.memory_space<vmem_shared>>)
          %lt3A_646 = arith.constant 15 : i32
          %lt3A_647 = arith.cmpi slt, %add3A_584, %lt3A_646 : i32
          %convert_element_type3A_648 = arith.extui %lt3A_647 : i1 to i32
          %cond3A_649 = arith.constant 0 : i32
          %cond3A_650 = arith.cmpi ne, %convert_element_type3A_648, %cond3A_649 : i32
          scf.if %cond3A_650 {
            %add3A_663 = arith.constant 2 : i32
            %add3A_664 = arith.addi %mul3A_586, %add3A_663 : i32
            %dma_start3A_665 = arith.constant 0 : i32
            %dma_start3A_666 = arith.constant 0 : i32
            %dma_start3A_667 = arith.constant 0 : i32
            %dma_start3A_668 = tpu.memref_slice %arg5[%add3A_664, %dma_start3A_665, %dma_start3A_667] : memref<32x2x128xi32, #tpu.memory_space<vmem>> -> memref<1x1x128xi32, #tpu.memory_space<vmem>>
            %dma_start3A_669 = tpu.memref_squeeze %dma_start3A_668 : memref<1x1x128xi32, #tpu.memory_space<vmem>> -> memref<128xi32, #tpu.memory_space<vmem>>
            %dma_start3A_670 = arith.constant 0 : i32
            %dma_start3A_671 = arith.constant 0 : i32
            %dma_start3A_672 = tpu.memref_slice %arg2[%dma_start3A_670, %dma_start3A_671] : memref<20000x128xf32, #tpu.memory_space<hbm>> -> memref<20000x128xf32, #tpu.memory_space<hbm>>
            %dma_start3A_673 = tpu.memref_slice %arg10[%dma_start3A_666] : memref<2x!tpu.dma_semaphore, #tpu.memory_space<semaphore_mem>> -> memref<1x!tpu.dma_semaphore, #tpu.memory_space<semaphore_mem>>
            %dma_start3A_674 = tpu.memref_squeeze %dma_start3A_673 : memref<1x!tpu.dma_semaphore, #tpu.memory_space<semaphore_mem>> -> memref<!tpu.dma_semaphore, #tpu.memory_space<semaphore_mem>>
            tpu.enqueue_indirect_dma source(%dma_start3A_672 : memref<20000x128xf32, #tpu.memory_space<hbm>>) target(%arg7 : memref<128x128xf32, #tpu.memory_space<vmem>>) offsets(%dma_start3A_669 : memref<128xi32, #tpu.memory_space<vmem>>) semaphore(%dma_start3A_674 : memref<!tpu.dma_semaphore, #tpu.memory_space<semaphore_mem>>)
          } else {
          }
          %add3A_651 = arith.constant 1 : i32
          %add3A_652 = arith.addi %mul3A_586, %add3A_651 : i32
          %dma_start3A_653 = arith.constant 1 : i32
          %dma_start3A_654 = arith.constant 1 : i32
          %dma_start3A_655 = arith.constant 0 : i32
          %dma_start3A_656 = tpu.memref_slice %arg5[%add3A_652, %dma_start3A_653, %dma_start3A_655] : memref<32x2x128xi32, #tpu.memory_space<vmem>> -> memref<1x1x128xi32, #tpu.memory_space<vmem>>
          %dma_start3A_657 = tpu.memref_squeeze %dma_start3A_656 : memref<1x1x128xi32, #tpu.memory_space<vmem>> -> memref<128xi32, #tpu.memory_space<vmem>>
          %dma_start3A_658 = arith.constant 0 : i32
          %dma_start3A_659 = arith.constant 0 : i32
          %dma_start3A_660 = tpu.memref_slice %arg9[%dma_start3A_658, %dma_start3A_659] : memref<10064x128xf32, #tpu.memory_space<vmem_shared>> -> memref<10064x128xf32, #tpu.memory_space<vmem_shared>>
          %dma_start3A_661 = tpu.memref_slice %arg11[%dma_start3A_654] : memref<2x!tpu.dma_semaphore, #tpu.memory_space<semaphore_mem>> -> memref<1x!tpu.dma_semaphore, #tpu.memory_space<semaphore_mem>>
          %dma_start3A_662 = tpu.memref_squeeze %dma_start3A_661 : memref<1x!tpu.dma_semaphore, #tpu.memory_space<semaphore_mem>> -> memref<!tpu.dma_semaphore, #tpu.memory_space<semaphore_mem>>
          tpu.enqueue_indirect_dma source(%arg8 : memref<128x128xf32, #tpu.memory_space<vmem>>) target(%dma_start3A_660 : memref<10064x128xf32, #tpu.memory_space<vmem_shared>>) offsets(%dma_start3A_657 : memref<128xi32, #tpu.memory_space<vmem>>) semaphore(%dma_start3A_662 : memref<!tpu.dma_semaphore, #tpu.memory_space<semaphore_mem>>) {add = true}
        }
        %scan3A_568 = arith.constant 16 : i32
        %dma_wait3A_569 = arith.constant 31 : i32
        %dma_wait3A_570 = arith.constant 1 : i32
        %dma_wait3A_571 = arith.constant 1 : i32
        %dma_wait3A_572 = arith.constant 0 : i32
        %dma_wait3A_573 = tpu.memref_slice %arg5[%dma_wait3A_569, %dma_wait3A_570, %dma_wait3A_572] : memref<32x2x128xi32, #tpu.memory_space<vmem>> -> memref<1x1x128xi32, #tpu.memory_space<vmem>>
        %dma_wait3A_574 = tpu.memref_squeeze %dma_wait3A_573 : memref<1x1x128xi32, #tpu.memory_space<vmem>> -> memref<128xi32, #tpu.memory_space<vmem>>
        %dma_wait3A_575 = arith.constant 0 : i32
        %dma_wait3A_576 = arith.constant 0 : i32
        %dma_wait3A_577 = tpu.memref_slice %arg9[%dma_wait3A_575, %dma_wait3A_576] : memref<10064x128xf32, #tpu.memory_space<vmem_shared>> -> memref<10064x128xf32, #tpu.memory_space<vmem_shared>>
        %dma_wait3A_578 = tpu.memref_slice %arg11[%dma_wait3A_571] : memref<2x!tpu.dma_semaphore, #tpu.memory_space<semaphore_mem>> -> memref<1x!tpu.dma_semaphore, #tpu.memory_space<semaphore_mem>>
        %dma_wait3A_579 = tpu.memref_squeeze %dma_wait3A_578 : memref<1x!tpu.dma_semaphore, #tpu.memory_space<semaphore_mem>> -> memref<!tpu.dma_semaphore, #tpu.memory_space<semaphore_mem>>
        tpu.wait_indirect_dma semaphore(%dma_wait3A_579 : memref<!tpu.dma_semaphore, #tpu.memory_space<semaphore_mem>>) src(%arg8 : memref<128x128xf32, #tpu.memory_space<vmem>>) dst(%dma_wait3A_577 : memref<10064x128xf32, #tpu.memory_space<vmem_shared>>)
      } else {
      }
      %jit3A_521 = arith.constant 2 : i32
      %eq3A_522 = arith.constant 0 : i32
      %eq3A_523 = arith.cmpi eq, %jit3A_521, %eq3A_522 : i32
      %jit3A_524 = arith.constant 1 : i32
      %select_n3A_525 = arith.select %eq3A_523, %jit3A_524, %jit3A_521 : i32
      %rem3A_526 = arith.remsi %add3A_505, %select_n3A_525 : i32
      %ne3A_527 = arith.constant 0 : i32
      %ne3A_528 = arith.cmpi ne, %rem3A_526, %ne3A_527 : i32
      %lt3A_529 = arith.constant 0 : i32
      %lt3A_530 = arith.cmpi slt, %rem3A_526, %lt3A_529 : i32
      %lt3A_531 = arith.constant 0 : i32
      %lt3A_532 = arith.cmpi slt, %select_n3A_525, %lt3A_531 : i32
      %ne3A_533 = arith.xori %lt3A_530, %lt3A_532 : i1
      %and3A_534 = arith.andi %ne3A_533, %ne3A_528 : i1
      %add3A_535 = arith.addi %rem3A_526, %select_n3A_525 : i32
      %select_n3A_536 = arith.select %and3A_534, %add3A_535, %rem3A_526 : i32
      %eq3A_537 = arith.constant 1 : i32
      %eq3A_538 = arith.cmpi eq, %select_n3A_536, %eq3A_537 : i32
      %convert_element_type3A_539 = arith.extui %eq3A_538 : i1 to i32
      %cond3A_540 = arith.constant 0 : i32
      %cond3A_541 = arith.cmpi ne, %convert_element_type3A_539, %cond3A_540 : i32
      scf.if %cond3A_541 {
        %gt3A = arith.constant 0 : i32
        %gt3A_542 = arith.cmpi sgt, %add3A_505, %gt3A : i32
        %convert_element_type3A_543 = arith.extui %gt3A_542 : i1 to i32
        %cond3A_544 = arith.constant 0 : i32
        %cond3A_545 = arith.cmpi ne, %convert_element_type3A_543, %cond3A_544 : i32
        scf.if %cond3A_545 {
          %mul3A_580 = arith.constant 32 : i32
          %mul3A_581 = arith.muli %add3A_505, %mul3A_580 : i32
          %add3A_582 = arith.addi %multiple_of3A, %mul3A_581 : i32
          %multiple_of3A_583 = tpu.assume_multiple %add3A_582, 8 : i32
          %dma_wait3A_584 = arith.constant 0 : i32
          %dma_wait3A_585 = arith.constant 0 : i32
          %dma_wait3A_586 = tpu.memref_slice %arg3[%arg0, %multiple_of3A_583, %dma_wait3A_584, %dma_wait3A_585] : memref<2x2560x2x128xi32, #tpu.memory_space<hbm>> -> memref<1x32x2x128xi32, #tpu.memory_space<hbm>>
          %dma_wait3A_587 = tpu.memref_squeeze %dma_wait3A_586 : memref<1x32x2x128xi32, #tpu.memory_space<hbm>> -> memref<32x2x128xi32, #tpu.memory_space<hbm>>
          %dma_wait3A_588 = arith.constant 0 : i32
          %dma_wait3A_589 = arith.constant 0 : i32
          %dma_wait3A_590 = tpu.memref_slice %arg3[%arg0, %multiple_of3A_583, %dma_wait3A_588, %dma_wait3A_589] : memref<2x2560x2x128xi32, #tpu.memory_space<hbm>> -> memref<1x32x2x128xi32, #tpu.memory_space<hbm>>
          %dma_wait3A_591 = tpu.memref_squeeze %dma_wait3A_590 : memref<1x32x2x128xi32, #tpu.memory_space<hbm>> -> memref<32x2x128xi32, #tpu.memory_space<hbm>>
          tpu.wait_dma2 semaphore(%arg12 : memref<!tpu.dma_semaphore, #tpu.memory_space<semaphore_mem>>) src(%dma_wait3A_591 : memref<32x2x128xi32, #tpu.memory_space<hbm>>) dst(%arg6 : memref<32x2x128xi32, #tpu.memory_space<vmem>>)
        } else {
        }
        %add3A_546 = arith.constant 1 : i32
        %add3A_547 = arith.addi %add3A_505, %add3A_546 : i32
        %lt3A_548 = arith.constant 5 : i32
        %lt3A_549 = arith.cmpi slt, %add3A_547, %lt3A_548 : i32
        %convert_element_type3A_550 = arith.extui %lt3A_549 : i1 to i32
        %cond3A_551 = arith.constant 0 : i32
        %cond3A_552 = arith.cmpi ne, %convert_element_type3A_550, %cond3A_551 : i32
        scf.if %cond3A_552 {
          %add3A_580 = arith.constant 1 : i32
          %add3A_581 = arith.addi %add3A_505, %add3A_580 : i32
          %mul3A_582 = arith.constant 32 : i32
          %mul3A_583 = arith.muli %add3A_581, %mul3A_582 : i32
          %add3A_584 = arith.addi %multiple_of3A, %mul3A_583 : i32
          %multiple_of3A_585 = tpu.assume_multiple %add3A_584, 8 : i32
          %dma_start3A_586 = arith.constant 0 : i32
          %dma_start3A_587 = arith.constant 0 : i32
          %dma_start3A_588 = tpu.memref_slice %arg3[%arg0, %multiple_of3A_585, %dma_start3A_586, %dma_start3A_587] : memref<2x2560x2x128xi32, #tpu.memory_space<hbm>> -> memref<1x32x2x128xi32, #tpu.memory_space<hbm>>
          %dma_start3A_589 = tpu.memref_squeeze %dma_start3A_588 : memref<1x32x2x128xi32, #tpu.memory_space<hbm>> -> memref<32x2x128xi32, #tpu.memory_space<hbm>>
          %dma_start3A_590 = arith.constant 0 : i32
          %dma_start3A_591 = arith.constant 0 : i32
          %dma_start3A_592 = tpu.memref_slice %arg3[%arg0, %multiple_of3A_585, %dma_start3A_590, %dma_start3A_591] : memref<2x2560x2x128xi32, #tpu.memory_space<hbm>> -> memref<1x32x2x128xi32, #tpu.memory_space<hbm>>
          %dma_start3A_593 = tpu.memref_squeeze %dma_start3A_592 : memref<1x32x2x128xi32, #tpu.memory_space<hbm>> -> memref<32x2x128xi32, #tpu.memory_space<hbm>>
          tpu.enqueue_dma source(%dma_start3A_593 : memref<32x2x128xi32, #tpu.memory_space<hbm>>) target(%arg5 : memref<32x2x128xi32, #tpu.memory_space<vmem>>) target_semaphore(%arg12 : memref<!tpu.dma_semaphore, #tpu.memory_space<semaphore_mem>>)
        } else {
        }
        %dma_start3A_553 = arith.constant 0 : i32
        %dma_start3A_554 = arith.constant 0 : i32
        %dma_start3A_555 = arith.constant 0 : i32
        %dma_start3A_556 = arith.constant 0 : i32
        %dma_start3A_557 = tpu.memref_slice %arg6[%dma_start3A_553, %dma_start3A_554, %dma_start3A_556] : memref<32x2x128xi32, #tpu.memory_space<vmem>> -> memref<1x1x128xi32, #tpu.memory_space<vmem>>
        %dma_start3A_558 = tpu.memref_squeeze %dma_start3A_557 : memref<1x1x128xi32, #tpu.memory_space<vmem>> -> memref<128xi32, #tpu.memory_space<vmem>>
        %dma_start3A_559 = arith.constant 0 : i32
        %dma_start3A_560 = arith.constant 0 : i32
        %dma_start3A_561 = tpu.memref_slice %arg2[%dma_start3A_559, %dma_start3A_560] : memref<20000x128xf32, #tpu.memory_space<hbm>> -> memref<20000x128xf32, #tpu.memory_space<hbm>>
        %dma_start3A_562 = tpu.memref_slice %arg10[%dma_start3A_555] : memref<2x!tpu.dma_semaphore, #tpu.memory_space<semaphore_mem>> -> memref<1x!tpu.dma_semaphore, #tpu.memory_space<semaphore_mem>>
        %dma_start3A_563 = tpu.memref_squeeze %dma_start3A_562 : memref<1x!tpu.dma_semaphore, #tpu.memory_space<semaphore_mem>> -> memref<!tpu.dma_semaphore, #tpu.memory_space<semaphore_mem>>
        tpu.enqueue_indirect_dma source(%dma_start3A_561 : memref<20000x128xf32, #tpu.memory_space<hbm>>) target(%arg7 : memref<128x128xf32, #tpu.memory_space<vmem>>) offsets(%dma_start3A_558 : memref<128xi32, #tpu.memory_space<vmem>>) semaphore(%dma_start3A_563 : memref<!tpu.dma_semaphore, #tpu.memory_space<semaphore_mem>>)
        %scan3A_564 = arith.constant 0 : i32
        %scan3A_565 = arith.constant 16 : i32
        %scan3A_566 = arith.addi %scan3A_564, %scan3A_565 : i32
        %scan3A_567 = arith.constant 1 : i32
        scf.for %scan3A_580 = %scan3A_564 to %scan3A_566 step %scan3A_567  : i32 {
          %mul3A_581 = arith.constant 1 : i32
          %mul3A_582 = arith.muli %scan3A_580, %mul3A_581 : i32
          %add3A_583 = arith.constant 0 : i32
          %add3A_584 = arith.addi %add3A_583, %mul3A_582 : i32
          %mul3A_585 = arith.constant 2 : i32
          %mul3A_586 = arith.muli %add3A_584, %mul3A_585 : i32
          %dma_wait3A_587 = arith.constant 0 : i32
          %dma_wait3A_588 = arith.constant 0 : i32
          %dma_wait3A_589 = arith.constant 0 : i32
          %dma_wait3A_590 = tpu.memref_slice %arg6[%mul3A_586, %dma_wait3A_587, %dma_wait3A_589] : memref<32x2x128xi32, #tpu.memory_space<vmem>> -> memref<1x1x128xi32, #tpu.memory_space<vmem>>
          %dma_wait3A_591 = tpu.memref_squeeze %dma_wait3A_590 : memref<1x1x128xi32, #tpu.memory_space<vmem>> -> memref<128xi32, #tpu.memory_space<vmem>>
          %dma_wait3A_592 = arith.constant 0 : i32
          %dma_wait3A_593 = arith.constant 0 : i32
          %dma_wait3A_594 = tpu.memref_slice %arg2[%dma_wait3A_592, %dma_wait3A_593] : memref<20000x128xf32, #tpu.memory_space<hbm>> -> memref<20000x128xf32, #tpu.memory_space<hbm>>
          %dma_wait3A_595 = tpu.memref_slice %arg10[%dma_wait3A_588] : memref<2x!tpu.dma_semaphore, #tpu.memory_space<semaphore_mem>> -> memref<1x!tpu.dma_semaphore, #tpu.memory_space<semaphore_mem>>
          %dma_wait3A_596 = tpu.memref_squeeze %dma_wait3A_595 : memref<1x!tpu.dma_semaphore, #tpu.memory_space<semaphore_mem>> -> memref<!tpu.dma_semaphore, #tpu.memory_space<semaphore_mem>>
          tpu.wait_indirect_dma semaphore(%dma_wait3A_596 : memref<!tpu.dma_semaphore, #tpu.memory_space<semaphore_mem>>) src(%dma_wait3A_594 : memref<20000x128xf32, #tpu.memory_space<hbm>>) dst(%arg7 : memref<128x128xf32, #tpu.memory_space<vmem>>)
          %gt3A_597 = arith.constant 0 : i32
          %gt3A_598 = arith.cmpi sgt, %add3A_584, %gt3A_597 : i32
          %convert_element_type3A_599 = arith.extui %gt3A_598 : i1 to i32
          %cond3A_600 = arith.constant 0 : i32
          %cond3A_601 = arith.cmpi ne, %convert_element_type3A_599, %cond3A_600 : i32
          scf.if %cond3A_601 {
            %sub3A = arith.constant 1 : i32
            %sub3A_663 = arith.subi %mul3A_586, %sub3A : i32
            %dma_wait3A_664 = arith.constant 1 : i32
            %dma_wait3A_665 = arith.constant 1 : i32
            %dma_wait3A_666 = arith.constant 0 : i32
            %dma_wait3A_667 = tpu.memref_slice %arg6[%sub3A_663, %dma_wait3A_664, %dma_wait3A_666] : memref<32x2x128xi32, #tpu.memory_space<vmem>> -> memref<1x1x128xi32, #tpu.memory_space<vmem>>
            %dma_wait3A_668 = tpu.memref_squeeze %dma_wait3A_667 : memref<1x1x128xi32, #tpu.memory_space<vmem>> -> memref<128xi32, #tpu.memory_space<vmem>>
            %dma_wait3A_669 = arith.constant 0 : i32
            %dma_wait3A_670 = arith.constant 0 : i32
            %dma_wait3A_671 = tpu.memref_slice %arg9[%dma_wait3A_669, %dma_wait3A_670] : memref<10064x128xf32, #tpu.memory_space<vmem_shared>> -> memref<10064x128xf32, #tpu.memory_space<vmem_shared>>
            %dma_wait3A_672 = tpu.memref_slice %arg11[%dma_wait3A_665] : memref<2x!tpu.dma_semaphore, #tpu.memory_space<semaphore_mem>> -> memref<1x!tpu.dma_semaphore, #tpu.memory_space<semaphore_mem>>
            %dma_wait3A_673 = tpu.memref_squeeze %dma_wait3A_672 : memref<1x!tpu.dma_semaphore, #tpu.memory_space<semaphore_mem>> -> memref<!tpu.dma_semaphore, #tpu.memory_space<semaphore_mem>>
            tpu.wait_indirect_dma semaphore(%dma_wait3A_673 : memref<!tpu.dma_semaphore, #tpu.memory_space<semaphore_mem>>) src(%arg8 : memref<128x128xf32, #tpu.memory_space<vmem>>) dst(%dma_wait3A_671 : memref<10064x128xf32, #tpu.memory_space<vmem_shared>>)
          } else {
          }
          %add3A_602 = arith.constant 1 : i32
          %add3A_603 = arith.addi %mul3A_586, %add3A_602 : i32
          %dma_start3A_604 = arith.constant 0 : i32
          %dma_start3A_605 = arith.constant 1 : i32
          %dma_start3A_606 = arith.constant 0 : i32
          %dma_start3A_607 = tpu.memref_slice %arg6[%add3A_603, %dma_start3A_604, %dma_start3A_606] : memref<32x2x128xi32, #tpu.memory_space<vmem>> -> memref<1x1x128xi32, #tpu.memory_space<vmem>>
          %dma_start3A_608 = tpu.memref_squeeze %dma_start3A_607 : memref<1x1x128xi32, #tpu.memory_space<vmem>> -> memref<128xi32, #tpu.memory_space<vmem>>
          %dma_start3A_609 = arith.constant 0 : i32
          %dma_start3A_610 = arith.constant 0 : i32
          %dma_start3A_611 = tpu.memref_slice %arg2[%dma_start3A_609, %dma_start3A_610] : memref<20000x128xf32, #tpu.memory_space<hbm>> -> memref<20000x128xf32, #tpu.memory_space<hbm>>
          %dma_start3A_612 = tpu.memref_slice %arg10[%dma_start3A_605] : memref<2x!tpu.dma_semaphore, #tpu.memory_space<semaphore_mem>> -> memref<1x!tpu.dma_semaphore, #tpu.memory_space<semaphore_mem>>
          %dma_start3A_613 = tpu.memref_squeeze %dma_start3A_612 : memref<1x!tpu.dma_semaphore, #tpu.memory_space<semaphore_mem>> -> memref<!tpu.dma_semaphore, #tpu.memory_space<semaphore_mem>>
          tpu.enqueue_indirect_dma source(%dma_start3A_611 : memref<20000x128xf32, #tpu.memory_space<hbm>>) target(%arg8 : memref<128x128xf32, #tpu.memory_space<vmem>>) offsets(%dma_start3A_608 : memref<128xi32, #tpu.memory_space<vmem>>) semaphore(%dma_start3A_613 : memref<!tpu.dma_semaphore, #tpu.memory_space<semaphore_mem>>)
          %dma_start3A_614 = arith.constant 1 : i32
          %dma_start3A_615 = arith.constant 0 : i32
          %dma_start3A_616 = arith.constant 0 : i32
          %dma_start3A_617 = tpu.memref_slice %arg6[%mul3A_586, %dma_start3A_614, %dma_start3A_616] : memref<32x2x128xi32, #tpu.memory_space<vmem>> -> memref<1x1x128xi32, #tpu.memory_space<vmem>>
          %dma_start3A_618 = tpu.memref_squeeze %dma_start3A_617 : memref<1x1x128xi32, #tpu.memory_space<vmem>> -> memref<128xi32, #tpu.memory_space<vmem>>
          %dma_start3A_619 = arith.constant 0 : i32
          %dma_start3A_620 = arith.constant 0 : i32
          %dma_start3A_621 = tpu.memref_slice %arg9[%dma_start3A_619, %dma_start3A_620] : memref<10064x128xf32, #tpu.memory_space<vmem_shared>> -> memref<10064x128xf32, #tpu.memory_space<vmem_shared>>
          %dma_start3A_622 = tpu.memref_slice %arg11[%dma_start3A_615] : memref<2x!tpu.dma_semaphore, #tpu.memory_space<semaphore_mem>> -> memref<1x!tpu.dma_semaphore, #tpu.memory_space<semaphore_mem>>
          %dma_start3A_623 = tpu.memref_squeeze %dma_start3A_622 : memref<1x!tpu.dma_semaphore, #tpu.memory_space<semaphore_mem>> -> memref<!tpu.dma_semaphore, #tpu.memory_space<semaphore_mem>>
          tpu.enqueue_indirect_dma source(%arg7 : memref<128x128xf32, #tpu.memory_space<vmem>>) target(%dma_start3A_621 : memref<10064x128xf32, #tpu.memory_space<vmem_shared>>) offsets(%dma_start3A_618 : memref<128xi32, #tpu.memory_space<vmem>>) semaphore(%dma_start3A_623 : memref<!tpu.dma_semaphore, #tpu.memory_space<semaphore_mem>>) {add = true}
          %add3A_624 = arith.constant 1 : i32
          %add3A_625 = arith.addi %mul3A_586, %add3A_624 : i32
          %dma_wait3A_626 = arith.constant 0 : i32
          %dma_wait3A_627 = arith.constant 1 : i32
          %dma_wait3A_628 = arith.constant 0 : i32
          %dma_wait3A_629 = tpu.memref_slice %arg6[%add3A_625, %dma_wait3A_626, %dma_wait3A_628] : memref<32x2x128xi32, #tpu.memory_space<vmem>> -> memref<1x1x128xi32, #tpu.memory_space<vmem>>
          %dma_wait3A_630 = tpu.memref_squeeze %dma_wait3A_629 : memref<1x1x128xi32, #tpu.memory_space<vmem>> -> memref<128xi32, #tpu.memory_space<vmem>>
          %dma_wait3A_631 = arith.constant 0 : i32
          %dma_wait3A_632 = arith.constant 0 : i32
          %dma_wait3A_633 = tpu.memref_slice %arg2[%dma_wait3A_631, %dma_wait3A_632] : memref<20000x128xf32, #tpu.memory_space<hbm>> -> memref<20000x128xf32, #tpu.memory_space<hbm>>
          %dma_wait3A_634 = tpu.memref_slice %arg10[%dma_wait3A_627] : memref<2x!tpu.dma_semaphore, #tpu.memory_space<semaphore_mem>> -> memref<1x!tpu.dma_semaphore, #tpu.memory_space<semaphore_mem>>
          %dma_wait3A_635 = tpu.memref_squeeze %dma_wait3A_634 : memref<1x!tpu.dma_semaphore, #tpu.memory_space<semaphore_mem>> -> memref<!tpu.dma_semaphore, #tpu.memory_space<semaphore_mem>>
          tpu.wait_indirect_dma semaphore(%dma_wait3A_635 : memref<!tpu.dma_semaphore, #tpu.memory_space<semaphore_mem>>) src(%dma_wait3A_633 : memref<20000x128xf32, #tpu.memory_space<hbm>>) dst(%arg8 : memref<128x128xf32, #tpu.memory_space<vmem>>)
          %dma_wait3A_636 = arith.constant 1 : i32
          %dma_wait3A_637 = arith.constant 0 : i32
          %dma_wait3A_638 = arith.constant 0 : i32
          %dma_wait3A_639 = tpu.memref_slice %arg6[%mul3A_586, %dma_wait3A_636, %dma_wait3A_638] : memref<32x2x128xi32, #tpu.memory_space<vmem>> -> memref<1x1x128xi32, #tpu.memory_space<vmem>>
          %dma_wait3A_640 = tpu.memref_squeeze %dma_wait3A_639 : memref<1x1x128xi32, #tpu.memory_space<vmem>> -> memref<128xi32, #tpu.memory_space<vmem>>
          %dma_wait3A_641 = arith.constant 0 : i32
          %dma_wait3A_642 = arith.constant 0 : i32
          %dma_wait3A_643 = tpu.memref_slice %arg9[%dma_wait3A_641, %dma_wait3A_642] : memref<10064x128xf32, #tpu.memory_space<vmem_shared>> -> memref<10064x128xf32, #tpu.memory_space<vmem_shared>>
          %dma_wait3A_644 = tpu.memref_slice %arg11[%dma_wait3A_637] : memref<2x!tpu.dma_semaphore, #tpu.memory_space<semaphore_mem>> -> memref<1x!tpu.dma_semaphore, #tpu.memory_space<semaphore_mem>>
          %dma_wait3A_645 = tpu.memref_squeeze %dma_wait3A_644 : memref<1x!tpu.dma_semaphore, #tpu.memory_space<semaphore_mem>> -> memref<!tpu.dma_semaphore, #tpu.memory_space<semaphore_mem>>
          tpu.wait_indirect_dma semaphore(%dma_wait3A_645 : memref<!tpu.dma_semaphore, #tpu.memory_space<semaphore_mem>>) src(%arg7 : memref<128x128xf32, #tpu.memory_space<vmem>>) dst(%dma_wait3A_643 : memref<10064x128xf32, #tpu.memory_space<vmem_shared>>)
          %lt3A_646 = arith.constant 15 : i32
          %lt3A_647 = arith.cmpi slt, %add3A_584, %lt3A_646 : i32
          %convert_element_type3A_648 = arith.extui %lt3A_647 : i1 to i32
          %cond3A_649 = arith.constant 0 : i32
          %cond3A_650 = arith.cmpi ne, %convert_element_type3A_648, %cond3A_649 : i32
          scf.if %cond3A_650 {
            %add3A_663 = arith.constant 2 : i32
            %add3A_664 = arith.addi %mul3A_586, %add3A_663 : i32
            %dma_start3A_665 = arith.constant 0 : i32
            %dma_start3A_666 = arith.constant 0 : i32
            %dma_start3A_667 = arith.constant 0 : i32
            %dma_start3A_668 = tpu.memref_slice %arg6[%add3A_664, %dma_start3A_665, %dma_start3A_667] : memref<32x2x128xi32, #tpu.memory_space<vmem>> -> memref<1x1x128xi32, #tpu.memory_space<vmem>>
            %dma_start3A_669 = tpu.memref_squeeze %dma_start3A_668 : memref<1x1x128xi32, #tpu.memory_space<vmem>> -> memref<128xi32, #tpu.memory_space<vmem>>
            %dma_start3A_670 = arith.constant 0 : i32
            %dma_start3A_671 = arith.constant 0 : i32
            %dma_start3A_672 = tpu.memref_slice %arg2[%dma_start3A_670, %dma_start3A_671] : memref<20000x128xf32, #tpu.memory_space<hbm>> -> memref<20000x128xf32, #tpu.memory_space<hbm>>
            %dma_start3A_673 = tpu.memref_slice %arg10[%dma_start3A_666] : memref<2x!tpu.dma_semaphore, #tpu.memory_space<semaphore_mem>> -> memref<1x!tpu.dma_semaphore, #tpu.memory_space<semaphore_mem>>
            %dma_start3A_674 = tpu.memref_squeeze %dma_start3A_673 : memref<1x!tpu.dma_semaphore, #tpu.memory_space<semaphore_mem>> -> memref<!tpu.dma_semaphore, #tpu.memory_space<semaphore_mem>>
            tpu.enqueue_indirect_dma source(%dma_start3A_672 : memref<20000x128xf32, #tpu.memory_space<hbm>>) target(%arg7 : memref<128x128xf32, #tpu.memory_space<vmem>>) offsets(%dma_start3A_669 : memref<128xi32, #tpu.memory_space<vmem>>) semaphore(%dma_start3A_674 : memref<!tpu.dma_semaphore, #tpu.memory_space<semaphore_mem>>)
          } else {
          }
          %add3A_651 = arith.constant 1 : i32
          %add3A_652 = arith.addi %mul3A_586, %add3A_651 : i32
          %dma_start3A_653 = arith.constant 1 : i32
          %dma_start3A_654 = arith.constant 1 : i32
          %dma_start3A_655 = arith.constant 0 : i32
          %dma_start3A_656 = tpu.memref_slice %arg6[%add3A_652, %dma_start3A_653, %dma_start3A_655] : memref<32x2x128xi32, #tpu.memory_space<vmem>> -> memref<1x1x128xi32, #tpu.memory_space<vmem>>
          %dma_start3A_657 = tpu.memref_squeeze %dma_start3A_656 : memref<1x1x128xi32, #tpu.memory_space<vmem>> -> memref<128xi32, #tpu.memory_space<vmem>>
          %dma_start3A_658 = arith.constant 0 : i32
          %dma_start3A_659 = arith.constant 0 : i32
          %dma_start3A_660 = tpu.memref_slice %arg9[%dma_start3A_658, %dma_start3A_659] : memref<10064x128xf32, #tpu.memory_space<vmem_shared>> -> memref<10064x128xf32, #tpu.memory_space<vmem_shared>>
          %dma_start3A_661 = tpu.memref_slice %arg11[%dma_start3A_654] : memref<2x!tpu.dma_semaphore, #tpu.memory_space<semaphore_mem>> -> memref<1x!tpu.dma_semaphore, #tpu.memory_space<semaphore_mem>>
          %dma_start3A_662 = tpu.memref_squeeze %dma_start3A_661 : memref<1x!tpu.dma_semaphore, #tpu.memory_space<semaphore_mem>> -> memref<!tpu.dma_semaphore, #tpu.memory_space<semaphore_mem>>
          tpu.enqueue_indirect_dma source(%arg8 : memref<128x128xf32, #tpu.memory_space<vmem>>) target(%dma_start3A_660 : memref<10064x128xf32, #tpu.memory_space<vmem_shared>>) offsets(%dma_start3A_657 : memref<128xi32, #tpu.memory_space<vmem>>) semaphore(%dma_start3A_662 : memref<!tpu.dma_semaphore, #tpu.memory_space<semaphore_mem>>) {add = true}
        }
        %scan3A_568 = arith.constant 16 : i32
        %dma_wait3A_569 = arith.constant 31 : i32
        %dma_wait3A_570 = arith.constant 1 : i32
        %dma_wait3A_571 = arith.constant 1 : i32
        %dma_wait3A_572 = arith.constant 0 : i32
        %dma_wait3A_573 = tpu.memref_slice %arg6[%dma_wait3A_569, %dma_wait3A_570, %dma_wait3A_572] : memref<32x2x128xi32, #tpu.memory_space<vmem>> -> memref<1x1x128xi32, #tpu.memory_space<vmem>>
        %dma_wait3A_574 = tpu.memref_squeeze %dma_wait3A_573 : memref<1x1x128xi32, #tpu.memory_space<vmem>> -> memref<128xi32, #tpu.memory_space<vmem>>
        %dma_wait3A_575 = arith.constant 0 : i32
        %dma_wait3A_576 = arith.constant 0 : i32
        %dma_wait3A_577 = tpu.memref_slice %arg9[%dma_wait3A_575, %dma_wait3A_576] : memref<10064x128xf32, #tpu.memory_space<vmem_shared>> -> memref<10064x128xf32, #tpu.memory_space<vmem_shared>>
        %dma_wait3A_578 = tpu.memref_slice %arg11[%dma_wait3A_571] : memref<2x!tpu.dma_semaphore, #tpu.memory_space<semaphore_mem>> -> memref<1x!tpu.dma_semaphore, #tpu.memory_space<semaphore_mem>>
        %dma_wait3A_579 = tpu.memref_squeeze %dma_wait3A_578 : memref<1x!tpu.dma_semaphore, #tpu.memory_space<semaphore_mem>> -> memref<!tpu.dma_semaphore, #tpu.memory_space<semaphore_mem>>
        tpu.wait_indirect_dma semaphore(%dma_wait3A_579 : memref<!tpu.dma_semaphore, #tpu.memory_space<semaphore_mem>>) src(%arg8 : memref<128x128xf32, #tpu.memory_space<vmem>>) dst(%dma_wait3A_577 : memref<10064x128xf32, #tpu.memory_space<vmem_shared>>)
      } else {
      }
    }
    %scan3A_230 = arith.constant 5 : i32
    %barrier3A_231 = arith.constant 0 : index
    tpu.barrier barrier_id(%barrier3A_231)
    %mul3A_232 = arith.constant 624 : i32
    %mul3A_233 = arith.muli %arg1, %mul3A_232 : i32
    %add3A_234 = arith.constant 0 : i32
    %add3A_235 = arith.addi %mul3A_233, %add3A_234 : i32
    %multiple_of3A_236 = tpu.assume_multiple %add3A_235, 8 : i32
    "tpu.region"() ({
      %run_scoped3A = tpu.sem_alloc : memref<!tpu.dma_semaphore, #tpu.memory_space<semaphore_mem>>
      %dma_start3A_501 = arith.constant 0 : i32
      %dma_start3A_502 = arith.constant 0 : i32
      %dma_start3A_503 = tpu.memref_slice %arg7[%dma_start3A_501, %dma_start3A_502] : memref<128x128xf32, #tpu.memory_space<vmem>> -> memref<104x128xf32, #tpu.memory_space<vmem>>
      %dma_start3A_504 = arith.constant 0 : i32
      %dma_start3A_505 = tpu.memref_slice %arg9[%multiple_of3A_236, %dma_start3A_504] : memref<10064x128xf32, #tpu.memory_space<vmem_shared>> -> memref<104x128xf32, #tpu.memory_space<vmem_shared>>
      %dma_start3A_506 = arith.constant 0 : i32
      %dma_start3A_507 = arith.constant 0 : i32
      %dma_start3A_508 = tpu.memref_slice %arg7[%dma_start3A_506, %dma_start3A_507] : memref<128x128xf32, #tpu.memory_space<vmem>> -> memref<104x128xf32, #tpu.memory_space<vmem>>
      %dma_start3A_509 = arith.constant 0 : i32
      %dma_start3A_510 = tpu.memref_slice %arg9[%multiple_of3A_236, %dma_start3A_509] : memref<10064x128xf32, #tpu.memory_space<vmem_shared>> -> memref<104x128xf32, #tpu.memory_space<vmem_shared>>
      tpu.enqueue_dma source(%dma_start3A_510 : memref<104x128xf32, #tpu.memory_space<vmem_shared>>) target(%dma_start3A_508 : memref<104x128xf32, #tpu.memory_space<vmem>>) target_semaphore(%run_scoped3A : memref<!tpu.dma_semaphore, #tpu.memory_space<semaphore_mem>>)
      %dma_wait3A_511 = arith.constant 0 : i32
      %dma_wait3A_512 = arith.constant 0 : i32
      %dma_wait3A_513 = tpu.memref_slice %arg7[%dma_wait3A_511, %dma_wait3A_512] : memref<128x128xf32, #tpu.memory_space<vmem>> -> memref<104x128xf32, #tpu.memory_space<vmem>>
      %dma_wait3A_514 = arith.constant 0 : i32
      %dma_wait3A_515 = tpu.memref_slice %arg9[%multiple_of3A_236, %dma_wait3A_514] : memref<10064x128xf32, #tpu.memory_space<vmem_shared>> -> memref<104x128xf32, #tpu.memory_space<vmem_shared>>
      %dma_wait3A_516 = arith.constant 0 : i32
      %dma_wait3A_517 = arith.constant 0 : i32
      %dma_wait3A_518 = tpu.memref_slice %arg7[%dma_wait3A_516, %dma_wait3A_517] : memref<128x128xf32, #tpu.memory_space<vmem>> -> memref<104x128xf32, #tpu.memory_space<vmem>>
      %dma_wait3A_519 = arith.constant 0 : i32
      %dma_wait3A_520 = tpu.memref_slice %arg9[%multiple_of3A_236, %dma_wait3A_519] : memref<10064x128xf32, #tpu.memory_space<vmem_shared>> -> memref<104x128xf32, #tpu.memory_space<vmem_shared>>
      tpu.wait_dma2 semaphore(%run_scoped3A : memref<!tpu.dma_semaphore, #tpu.memory_space<semaphore_mem>>) src(%dma_wait3A_520 : memref<104x128xf32, #tpu.memory_space<vmem_shared>>) dst(%dma_wait3A_518 : memref<104x128xf32, #tpu.memory_space<vmem>>)
      tpu.yield
    }) : () -> ()
    %mul3A_237 = arith.constant 10000 : i32
    %mul3A_238 = arith.muli %arg0, %mul3A_237 : i32
    %add3A_239 = arith.addi %mul3A_238, %multiple_of3A_236 : i32
    %multiple_of3A_240 = tpu.assume_multiple %add3A_239, 8 : i32
    %dma_start3A_241 = arith.constant 0 : i32
    %dma_start3A_242 = arith.constant 0 : i32
    %dma_start3A_243 = arith.constant 0 : i32
    %dma_start3A_244 = tpu.memref_slice %arg7[%dma_start3A_242, %dma_start3A_243] : memref<128x128xf32, #tpu.memory_space<vmem>> -> memref<104x128xf32, #tpu.memory_space<vmem>>
    %dma_start3A_245 = arith.constant 0 : i32
    %dma_start3A_246 = tpu.memref_slice %arg4[%multiple_of3A_240, %dma_start3A_245] : memref<20000x128xf32, #tpu.memory_space<hbm>> -> memref<104x128xf32, #tpu.memory_space<hbm>>
    %dma_start3A_247 = tpu.memref_slice %arg11[%dma_start3A_241] : memref<2x!tpu.dma_semaphore, #tpu.memory_space<semaphore_mem>> -> memref<1x!tpu.dma_semaphore, #tpu.memory_space<semaphore_mem>>
    %dma_start3A_248 = tpu.memref_squeeze %dma_start3A_247 : memref<1x!tpu.dma_semaphore, #tpu.memory_space<semaphore_mem>> -> memref<!tpu.dma_semaphore, #tpu.memory_space<semaphore_mem>>
    %dma_start3A_249 = arith.constant 0 : i32
    %dma_start3A_250 = tpu.memref_slice %arg4[%multiple_of3A_240, %dma_start3A_249] : memref<20000x128xf32, #tpu.memory_space<hbm>> -> memref<104x128xf32, #tpu.memory_space<hbm>>
    %dma_start3A_251 = arith.constant 0 : i32
    %dma_start3A_252 = arith.constant 0 : i32
    %dma_start3A_253 = tpu.memref_slice %arg7[%dma_start3A_251, %dma_start3A_252] : memref<128x128xf32, #tpu.memory_space<vmem>> -> memref<104x128xf32, #tpu.memory_space<vmem>>
    tpu.enqueue_dma source(%dma_start3A_253 : memref<104x128xf32, #tpu.memory_space<vmem>>) target(%dma_start3A_250 : memref<104x128xf32, #tpu.memory_space<hbm>>) target_semaphore(%dma_start3A_248 : memref<!tpu.dma_semaphore, #tpu.memory_space<semaphore_mem>>)
    %mul3A_254 = arith.constant 624 : i32
    %mul3A_255 = arith.muli %arg1, %mul3A_254 : i32
    %add3A_256 = arith.constant 104 : i32
    %add3A_257 = arith.addi %mul3A_255, %add3A_256 : i32
    %multiple_of3A_258 = tpu.assume_multiple %add3A_257, 8 : i32
    "tpu.region"() ({
      %run_scoped3A = tpu.sem_alloc : memref<!tpu.dma_semaphore, #tpu.memory_space<semaphore_mem>>
      %dma_start3A_501 = arith.constant 0 : i32
      %dma_start3A_502 = arith.constant 0 : i32
      %dma_start3A_503 = tpu.memref_slice %arg8[%dma_start3A_501, %dma_start3A_502] : memref<128x128xf32, #tpu.memory_space<vmem>> -> memref<104x128xf32, #tpu.memory_space<vmem>>
      %dma_start3A_504 = arith.constant 0 : i32
      %dma_start3A_505 = tpu.memref_slice %arg9[%multiple_of3A_258, %dma_start3A_504] : memref<10064x128xf32, #tpu.memory_space<vmem_shared>> -> memref<104x128xf32, #tpu.memory_space<vmem_shared>>
      %dma_start3A_506 = arith.constant 0 : i32
      %dma_start3A_507 = arith.constant 0 : i32
      %dma_start3A_508 = tpu.memref_slice %arg8[%dma_start3A_506, %dma_start3A_507] : memref<128x128xf32, #tpu.memory_space<vmem>> -> memref<104x128xf32, #tpu.memory_space<vmem>>
      %dma_start3A_509 = arith.constant 0 : i32
      %dma_start3A_510 = tpu.memref_slice %arg9[%multiple_of3A_258, %dma_start3A_509] : memref<10064x128xf32, #tpu.memory_space<vmem_shared>> -> memref<104x128xf32, #tpu.memory_space<vmem_shared>>
      tpu.enqueue_dma source(%dma_start3A_510 : memref<104x128xf32, #tpu.memory_space<vmem_shared>>) target(%dma_start3A_508 : memref<104x128xf32, #tpu.memory_space<vmem>>) target_semaphore(%run_scoped3A : memref<!tpu.dma_semaphore, #tpu.memory_space<semaphore_mem>>)
      %dma_wait3A_511 = arith.constant 0 : i32
      %dma_wait3A_512 = arith.constant 0 : i32
      %dma_wait3A_513 = tpu.memref_slice %arg8[%dma_wait3A_511, %dma_wait3A_512] : memref<128x128xf32, #tpu.memory_space<vmem>> -> memref<104x128xf32, #tpu.memory_space<vmem>>
      %dma_wait3A_514 = arith.constant 0 : i32
      %dma_wait3A_515 = tpu.memref_slice %arg9[%multiple_of3A_258, %dma_wait3A_514] : memref<10064x128xf32, #tpu.memory_space<vmem_shared>> -> memref<104x128xf32, #tpu.memory_space<vmem_shared>>
      %dma_wait3A_516 = arith.constant 0 : i32
      %dma_wait3A_517 = arith.constant 0 : i32
      %dma_wait3A_518 = tpu.memref_slice %arg8[%dma_wait3A_516, %dma_wait3A_517] : memref<128x128xf32, #tpu.memory_space<vmem>> -> memref<104x128xf32, #tpu.memory_space<vmem>>
      %dma_wait3A_519 = arith.constant 0 : i32
      %dma_wait3A_520 = tpu.memref_slice %arg9[%multiple_of3A_258, %dma_wait3A_519] : memref<10064x128xf32, #tpu.memory_space<vmem_shared>> -> memref<104x128xf32, #tpu.memory_space<vmem_shared>>
      tpu.wait_dma2 semaphore(%run_scoped3A : memref<!tpu.dma_semaphore, #tpu.memory_space<semaphore_mem>>) src(%dma_wait3A_520 : memref<104x128xf32, #tpu.memory_space<vmem_shared>>) dst(%dma_wait3A_518 : memref<104x128xf32, #tpu.memory_space<vmem>>)
      tpu.yield
    }) : () -> ()
    %mul3A_259 = arith.constant 10000 : i32
    %mul3A_260 = arith.muli %arg0, %mul3A_259 : i32
    %add3A_261 = arith.addi %mul3A_260, %multiple_of3A_258 : i32
    %multiple_of3A_262 = tpu.assume_multiple %add3A_261, 8 : i32
    %dma_start3A_263 = arith.constant 1 : i32
    %dma_start3A_264 = arith.constant 0 : i32
    %dma_start3A_265 = arith.constant 0 : i32
    %dma_start3A_266 = tpu.memref_slice %arg8[%dma_start3A_264, %dma_start3A_265] : memref<128x128xf32, #tpu.memory_space<vmem>> -> memref<104x128xf32, #tpu.memory_space<vmem>>
    %dma_start3A_267 = arith.constant 0 : i32
    %dma_start3A_268 = tpu.memref_slice %arg4[%multiple_of3A_262, %dma_start3A_267] : memref<20000x128xf32, #tpu.memory_space<hbm>> -> memref<104x128xf32, #tpu.memory_space<hbm>>
    %dma_start3A_269 = tpu.memref_slice %arg11[%dma_start3A_263] : memref<2x!tpu.dma_semaphore, #tpu.memory_space<semaphore_mem>> -> memref<1x!tpu.dma_semaphore, #tpu.memory_space<semaphore_mem>>
    %dma_start3A_270 = tpu.memref_squeeze %dma_start3A_269 : memref<1x!tpu.dma_semaphore, #tpu.memory_space<semaphore_mem>> -> memref<!tpu.dma_semaphore, #tpu.memory_space<semaphore_mem>>
    %dma_start3A_271 = arith.constant 0 : i32
    %dma_start3A_272 = tpu.memref_slice %arg4[%multiple_of3A_262, %dma_start3A_271] : memref<20000x128xf32, #tpu.memory_space<hbm>> -> memref<104x128xf32, #tpu.memory_space<hbm>>
    %dma_start3A_273 = arith.constant 0 : i32
    %dma_start3A_274 = arith.constant 0 : i32
    %dma_start3A_275 = tpu.memref_slice %arg8[%dma_start3A_273, %dma_start3A_274] : memref<128x128xf32, #tpu.memory_space<vmem>> -> memref<104x128xf32, #tpu.memory_space<vmem>>
    tpu.enqueue_dma source(%dma_start3A_275 : memref<104x128xf32, #tpu.memory_space<vmem>>) target(%dma_start3A_272 : memref<104x128xf32, #tpu.memory_space<hbm>>) target_semaphore(%dma_start3A_270 : memref<!tpu.dma_semaphore, #tpu.memory_space<semaphore_mem>>)
    %mul3A_276 = arith.constant 624 : i32
    %mul3A_277 = arith.muli %arg1, %mul3A_276 : i32
    %add3A_278 = arith.constant 208 : i32
    %add3A_279 = arith.addi %mul3A_277, %add3A_278 : i32
    %multiple_of3A_280 = tpu.assume_multiple %add3A_279, 8 : i32
    %mul3A_281 = arith.constant 624 : i32
    %mul3A_282 = arith.muli %arg1, %mul3A_281 : i32
    %add3A_283 = arith.constant 0 : i32
    %add3A_284 = arith.addi %mul3A_282, %add3A_283 : i32
    %multiple_of3A_285 = tpu.assume_multiple %add3A_284, 8 : i32
    %mul3A_286 = arith.constant 10000 : i32
    %mul3A_287 = arith.muli %arg0, %mul3A_286 : i32
    %add3A_288 = arith.addi %mul3A_287, %multiple_of3A_285 : i32
    %multiple_of3A_289 = tpu.assume_multiple %add3A_288, 8 : i32
    %dma_wait3A_290 = arith.constant 0 : i32
    %dma_wait3A_291 = arith.constant 0 : i32
    %dma_wait3A_292 = arith.constant 0 : i32
    %dma_wait3A_293 = tpu.memref_slice %arg7[%dma_wait3A_291, %dma_wait3A_292] : memref<128x128xf32, #tpu.memory_space<vmem>> -> memref<104x128xf32, #tpu.memory_space<vmem>>
    %dma_wait3A_294 = arith.constant 0 : i32
    %dma_wait3A_295 = tpu.memref_slice %arg4[%multiple_of3A_289, %dma_wait3A_294] : memref<20000x128xf32, #tpu.memory_space<hbm>> -> memref<104x128xf32, #tpu.memory_space<hbm>>
    %dma_wait3A_296 = tpu.memref_slice %arg11[%dma_wait3A_290] : memref<2x!tpu.dma_semaphore, #tpu.memory_space<semaphore_mem>> -> memref<1x!tpu.dma_semaphore, #tpu.memory_space<semaphore_mem>>
    %dma_wait3A_297 = tpu.memref_squeeze %dma_wait3A_296 : memref<1x!tpu.dma_semaphore, #tpu.memory_space<semaphore_mem>> -> memref<!tpu.dma_semaphore, #tpu.memory_space<semaphore_mem>>
    %dma_wait3A_298 = arith.constant 0 : i32
    %dma_wait3A_299 = tpu.memref_slice %arg4[%multiple_of3A_289, %dma_wait3A_298] : memref<20000x128xf32, #tpu.memory_space<hbm>> -> memref<104x128xf32, #tpu.memory_space<hbm>>
    %dma_wait3A_300 = arith.constant 0 : i32
    %dma_wait3A_301 = arith.constant 0 : i32
    %dma_wait3A_302 = tpu.memref_slice %arg7[%dma_wait3A_300, %dma_wait3A_301] : memref<128x128xf32, #tpu.memory_space<vmem>> -> memref<104x128xf32, #tpu.memory_space<vmem>>
    tpu.wait_dma2 semaphore(%dma_wait3A_297 : memref<!tpu.dma_semaphore, #tpu.memory_space<semaphore_mem>>) src(%dma_wait3A_302 : memref<104x128xf32, #tpu.memory_space<vmem>>) dst(%dma_wait3A_299 : memref<104x128xf32, #tpu.memory_space<hbm>>)
    "tpu.region"() ({
      %run_scoped3A = tpu.sem_alloc : memref<!tpu.dma_semaphore, #tpu.memory_space<semaphore_mem>>
      %dma_start3A_501 = arith.constant 0 : i32
      %dma_start3A_502 = arith.constant 0 : i32
      %dma_start3A_503 = tpu.memref_slice %arg7[%dma_start3A_501, %dma_start3A_502] : memref<128x128xf32, #tpu.memory_space<vmem>> -> memref<104x128xf32, #tpu.memory_space<vmem>>
      %dma_start3A_504 = arith.constant 0 : i32
      %dma_start3A_505 = tpu.memref_slice %arg9[%multiple_of3A_280, %dma_start3A_504] : memref<10064x128xf32, #tpu.memory_space<vmem_shared>> -> memref<104x128xf32, #tpu.memory_space<vmem_shared>>
      %dma_start3A_506 = arith.constant 0 : i32
      %dma_start3A_507 = arith.constant 0 : i32
      %dma_start3A_508 = tpu.memref_slice %arg7[%dma_start3A_506, %dma_start3A_507] : memref<128x128xf32, #tpu.memory_space<vmem>> -> memref<104x128xf32, #tpu.memory_space<vmem>>
      %dma_start3A_509 = arith.constant 0 : i32
      %dma_start3A_510 = tpu.memref_slice %arg9[%multiple_of3A_280, %dma_start3A_509] : memref<10064x128xf32, #tpu.memory_space<vmem_shared>> -> memref<104x128xf32, #tpu.memory_space<vmem_shared>>
      tpu.enqueue_dma source(%dma_start3A_510 : memref<104x128xf32, #tpu.memory_space<vmem_shared>>) target(%dma_start3A_508 : memref<104x128xf32, #tpu.memory_space<vmem>>) target_semaphore(%run_scoped3A : memref<!tpu.dma_semaphore, #tpu.memory_space<semaphore_mem>>)
      %dma_wait3A_511 = arith.constant 0 : i32
      %dma_wait3A_512 = arith.constant 0 : i32
      %dma_wait3A_513 = tpu.memref_slice %arg7[%dma_wait3A_511, %dma_wait3A_512] : memref<128x128xf32, #tpu.memory_space<vmem>> -> memref<104x128xf32, #tpu.memory_space<vmem>>
      %dma_wait3A_514 = arith.constant 0 : i32
      %dma_wait3A_515 = tpu.memref_slice %arg9[%multiple_of3A_280, %dma_wait3A_514] : memref<10064x128xf32, #tpu.memory_space<vmem_shared>> -> memref<104x128xf32, #tpu.memory_space<vmem_shared>>
      %dma_wait3A_516 = arith.constant 0 : i32
      %dma_wait3A_517 = arith.constant 0 : i32
      %dma_wait3A_518 = tpu.memref_slice %arg7[%dma_wait3A_516, %dma_wait3A_517] : memref<128x128xf32, #tpu.memory_space<vmem>> -> memref<104x128xf32, #tpu.memory_space<vmem>>
      %dma_wait3A_519 = arith.constant 0 : i32
      %dma_wait3A_520 = tpu.memref_slice %arg9[%multiple_of3A_280, %dma_wait3A_519] : memref<10064x128xf32, #tpu.memory_space<vmem_shared>> -> memref<104x128xf32, #tpu.memory_space<vmem_shared>>
      tpu.wait_dma2 semaphore(%run_scoped3A : memref<!tpu.dma_semaphore, #tpu.memory_space<semaphore_mem>>) src(%dma_wait3A_520 : memref<104x128xf32, #tpu.memory_space<vmem_shared>>) dst(%dma_wait3A_518 : memref<104x128xf32, #tpu.memory_space<vmem>>)
      tpu.yield
    }) : () -> ()
    %mul3A_303 = arith.constant 10000 : i32
    %mul3A_304 = arith.muli %arg0, %mul3A_303 : i32
    %add3A_305 = arith.addi %mul3A_304, %multiple_of3A_280 : i32
    %multiple_of3A_306 = tpu.assume_multiple %add3A_305, 8 : i32
    %dma_start3A_307 = arith.constant 0 : i32
    %dma_start3A_308 = arith.constant 0 : i32
    %dma_start3A_309 = arith.constant 0 : i32
    %dma_start3A_310 = tpu.memref_slice %arg7[%dma_start3A_308, %dma_start3A_309] : memref<128x128xf32, #tpu.memory_space<vmem>> -> memref<104x128xf32, #tpu.memory_space<vmem>>
    %dma_start3A_311 = arith.constant 0 : i32
    %dma_start3A_312 = tpu.memref_slice %arg4[%multiple_of3A_306, %dma_start3A_311] : memref<20000x128xf32, #tpu.memory_space<hbm>> -> memref<104x128xf32, #tpu.memory_space<hbm>>
    %dma_start3A_313 = tpu.memref_slice %arg11[%dma_start3A_307] : memref<2x!tpu.dma_semaphore, #tpu.memory_space<semaphore_mem>> -> memref<1x!tpu.dma_semaphore, #tpu.memory_space<semaphore_mem>>
    %dma_start3A_314 = tpu.memref_squeeze %dma_start3A_313 : memref<1x!tpu.dma_semaphore, #tpu.memory_space<semaphore_mem>> -> memref<!tpu.dma_semaphore, #tpu.memory_space<semaphore_mem>>
    %dma_start3A_315 = arith.constant 0 : i32
    %dma_start3A_316 = tpu.memref_slice %arg4[%multiple_of3A_306, %dma_start3A_315] : memref<20000x128xf32, #tpu.memory_space<hbm>> -> memref<104x128xf32, #tpu.memory_space<hbm>>
    %dma_start3A_317 = arith.constant 0 : i32
    %dma_start3A_318 = arith.constant 0 : i32
    %dma_start3A_319 = tpu.memref_slice %arg7[%dma_start3A_317, %dma_start3A_318] : memref<128x128xf32, #tpu.memory_space<vmem>> -> memref<104x128xf32, #tpu.memory_space<vmem>>
    tpu.enqueue_dma source(%dma_start3A_319 : memref<104x128xf32, #tpu.memory_space<vmem>>) target(%dma_start3A_316 : memref<104x128xf32, #tpu.memory_space<hbm>>) target_semaphore(%dma_start3A_314 : memref<!tpu.dma_semaphore, #tpu.memory_space<semaphore_mem>>)
    %mul3A_320 = arith.constant 624 : i32
    %mul3A_321 = arith.muli %arg1, %mul3A_320 : i32
    %add3A_322 = arith.constant 312 : i32
    %add3A_323 = arith.addi %mul3A_321, %add3A_322 : i32
    %multiple_of3A_324 = tpu.assume_multiple %add3A_323, 8 : i32
    %mul3A_325 = arith.constant 624 : i32
    %mul3A_326 = arith.muli %arg1, %mul3A_325 : i32
    %add3A_327 = arith.constant 104 : i32
    %add3A_328 = arith.addi %mul3A_326, %add3A_327 : i32
    %multiple_of3A_329 = tpu.assume_multiple %add3A_328, 8 : i32
    %mul3A_330 = arith.constant 10000 : i32
    %mul3A_331 = arith.muli %arg0, %mul3A_330 : i32
    %add3A_332 = arith.addi %mul3A_331, %multiple_of3A_329 : i32
    %multiple_of3A_333 = tpu.assume_multiple %add3A_332, 8 : i32
    %dma_wait3A_334 = arith.constant 1 : i32
    %dma_wait3A_335 = arith.constant 0 : i32
    %dma_wait3A_336 = arith.constant 0 : i32
    %dma_wait3A_337 = tpu.memref_slice %arg8[%dma_wait3A_335, %dma_wait3A_336] : memref<128x128xf32, #tpu.memory_space<vmem>> -> memref<104x128xf32, #tpu.memory_space<vmem>>
    %dma_wait3A_338 = arith.constant 0 : i32
    %dma_wait3A_339 = tpu.memref_slice %arg4[%multiple_of3A_333, %dma_wait3A_338] : memref<20000x128xf32, #tpu.memory_space<hbm>> -> memref<104x128xf32, #tpu.memory_space<hbm>>
    %dma_wait3A_340 = tpu.memref_slice %arg11[%dma_wait3A_334] : memref<2x!tpu.dma_semaphore, #tpu.memory_space<semaphore_mem>> -> memref<1x!tpu.dma_semaphore, #tpu.memory_space<semaphore_mem>>
    %dma_wait3A_341 = tpu.memref_squeeze %dma_wait3A_340 : memref<1x!tpu.dma_semaphore, #tpu.memory_space<semaphore_mem>> -> memref<!tpu.dma_semaphore, #tpu.memory_space<semaphore_mem>>
    %dma_wait3A_342 = arith.constant 0 : i32
    %dma_wait3A_343 = tpu.memref_slice %arg4[%multiple_of3A_333, %dma_wait3A_342] : memref<20000x128xf32, #tpu.memory_space<hbm>> -> memref<104x128xf32, #tpu.memory_space<hbm>>
    %dma_wait3A_344 = arith.constant 0 : i32
    %dma_wait3A_345 = arith.constant 0 : i32
    %dma_wait3A_346 = tpu.memref_slice %arg8[%dma_wait3A_344, %dma_wait3A_345] : memref<128x128xf32, #tpu.memory_space<vmem>> -> memref<104x128xf32, #tpu.memory_space<vmem>>
    tpu.wait_dma2 semaphore(%dma_wait3A_341 : memref<!tpu.dma_semaphore, #tpu.memory_space<semaphore_mem>>) src(%dma_wait3A_346 : memref<104x128xf32, #tpu.memory_space<vmem>>) dst(%dma_wait3A_343 : memref<104x128xf32, #tpu.memory_space<hbm>>)
    "tpu.region"() ({
      %run_scoped3A = tpu.sem_alloc : memref<!tpu.dma_semaphore, #tpu.memory_space<semaphore_mem>>
      %dma_start3A_501 = arith.constant 0 : i32
      %dma_start3A_502 = arith.constant 0 : i32
      %dma_start3A_503 = tpu.memref_slice %arg8[%dma_start3A_501, %dma_start3A_502] : memref<128x128xf32, #tpu.memory_space<vmem>> -> memref<104x128xf32, #tpu.memory_space<vmem>>
      %dma_start3A_504 = arith.constant 0 : i32
      %dma_start3A_505 = tpu.memref_slice %arg9[%multiple_of3A_324, %dma_start3A_504] : memref<10064x128xf32, #tpu.memory_space<vmem_shared>> -> memref<104x128xf32, #tpu.memory_space<vmem_shared>>
      %dma_start3A_506 = arith.constant 0 : i32
      %dma_start3A_507 = arith.constant 0 : i32
      %dma_start3A_508 = tpu.memref_slice %arg8[%dma_start3A_506, %dma_start3A_507] : memref<128x128xf32, #tpu.memory_space<vmem>> -> memref<104x128xf32, #tpu.memory_space<vmem>>
      %dma_start3A_509 = arith.constant 0 : i32
      %dma_start3A_510 = tpu.memref_slice %arg9[%multiple_of3A_324, %dma_start3A_509] : memref<10064x128xf32, #tpu.memory_space<vmem_shared>> -> memref<104x128xf32, #tpu.memory_space<vmem_shared>>
      tpu.enqueue_dma source(%dma_start3A_510 : memref<104x128xf32, #tpu.memory_space<vmem_shared>>) target(%dma_start3A_508 : memref<104x128xf32, #tpu.memory_space<vmem>>) target_semaphore(%run_scoped3A : memref<!tpu.dma_semaphore, #tpu.memory_space<semaphore_mem>>)
      %dma_wait3A_511 = arith.constant 0 : i32
      %dma_wait3A_512 = arith.constant 0 : i32
      %dma_wait3A_513 = tpu.memref_slice %arg8[%dma_wait3A_511, %dma_wait3A_512] : memref<128x128xf32, #tpu.memory_space<vmem>> -> memref<104x128xf32, #tpu.memory_space<vmem>>
      %dma_wait3A_514 = arith.constant 0 : i32
      %dma_wait3A_515 = tpu.memref_slice %arg9[%multiple_of3A_324, %dma_wait3A_514] : memref<10064x128xf32, #tpu.memory_space<vmem_shared>> -> memref<104x128xf32, #tpu.memory_space<vmem_shared>>
      %dma_wait3A_516 = arith.constant 0 : i32
      %dma_wait3A_517 = arith.constant 0 : i32
      %dma_wait3A_518 = tpu.memref_slice %arg8[%dma_wait3A_516, %dma_wait3A_517] : memref<128x128xf32, #tpu.memory_space<vmem>> -> memref<104x128xf32, #tpu.memory_space<vmem>>
      %dma_wait3A_519 = arith.constant 0 : i32
      %dma_wait3A_520 = tpu.memref_slice %arg9[%multiple_of3A_324, %dma_wait3A_519] : memref<10064x128xf32, #tpu.memory_space<vmem_shared>> -> memref<104x128xf32, #tpu.memory_space<vmem_shared>>
      tpu.wait_dma2 semaphore(%run_scoped3A : memref<!tpu.dma_semaphore, #tpu.memory_space<semaphore_mem>>) src(%dma_wait3A_520 : memref<104x128xf32, #tpu.memory_space<vmem_shared>>) dst(%dma_wait3A_518 : memref<104x128xf32, #tpu.memory_space<vmem>>)
      tpu.yield
    }) : () -> ()
    %mul3A_347 = arith.constant 10000 : i32
    %mul3A_348 = arith.muli %arg0, %mul3A_347 : i32
    %add3A_349 = arith.addi %mul3A_348, %multiple_of3A_324 : i32
    %multiple_of3A_350 = tpu.assume_multiple %add3A_349, 8 : i32
    %dma_start3A_351 = arith.constant 1 : i32
    %dma_start3A_352 = arith.constant 0 : i32
    %dma_start3A_353 = arith.constant 0 : i32
    %dma_start3A_354 = tpu.memref_slice %arg8[%dma_start3A_352, %dma_start3A_353] : memref<128x128xf32, #tpu.memory_space<vmem>> -> memref<104x128xf32, #tpu.memory_space<vmem>>
    %dma_start3A_355 = arith.constant 0 : i32
    %dma_start3A_356 = tpu.memref_slice %arg4[%multiple_of3A_350, %dma_start3A_355] : memref<20000x128xf32, #tpu.memory_space<hbm>> -> memref<104x128xf32, #tpu.memory_space<hbm>>
    %dma_start3A_357 = tpu.memref_slice %arg11[%dma_start3A_351] : memref<2x!tpu.dma_semaphore, #tpu.memory_space<semaphore_mem>> -> memref<1x!tpu.dma_semaphore, #tpu.memory_space<semaphore_mem>>
    %dma_start3A_358 = tpu.memref_squeeze %dma_start3A_357 : memref<1x!tpu.dma_semaphore, #tpu.memory_space<semaphore_mem>> -> memref<!tpu.dma_semaphore, #tpu.memory_space<semaphore_mem>>
    %dma_start3A_359 = arith.constant 0 : i32
    %dma_start3A_360 = tpu.memref_slice %arg4[%multiple_of3A_350, %dma_start3A_359] : memref<20000x128xf32, #tpu.memory_space<hbm>> -> memref<104x128xf32, #tpu.memory_space<hbm>>
    %dma_start3A_361 = arith.constant 0 : i32
    %dma_start3A_362 = arith.constant 0 : i32
    %dma_start3A_363 = tpu.memref_slice %arg8[%dma_start3A_361, %dma_start3A_362] : memref<128x128xf32, #tpu.memory_space<vmem>> -> memref<104x128xf32, #tpu.memory_space<vmem>>
    tpu.enqueue_dma source(%dma_start3A_363 : memref<104x128xf32, #tpu.memory_space<vmem>>) target(%dma_start3A_360 : memref<104x128xf32, #tpu.memory_space<hbm>>) target_semaphore(%dma_start3A_358 : memref<!tpu.dma_semaphore, #tpu.memory_space<semaphore_mem>>)
    %mul3A_364 = arith.constant 624 : i32
    %mul3A_365 = arith.muli %arg1, %mul3A_364 : i32
    %add3A_366 = arith.constant 416 : i32
    %add3A_367 = arith.addi %mul3A_365, %add3A_366 : i32
    %multiple_of3A_368 = tpu.assume_multiple %add3A_367, 8 : i32
    %mul3A_369 = arith.constant 624 : i32
    %mul3A_370 = arith.muli %arg1, %mul3A_369 : i32
    %add3A_371 = arith.constant 208 : i32
    %add3A_372 = arith.addi %mul3A_370, %add3A_371 : i32
    %multiple_of3A_373 = tpu.assume_multiple %add3A_372, 8 : i32
    %mul3A_374 = arith.constant 10000 : i32
    %mul3A_375 = arith.muli %arg0, %mul3A_374 : i32
    %add3A_376 = arith.addi %mul3A_375, %multiple_of3A_373 : i32
    %multiple_of3A_377 = tpu.assume_multiple %add3A_376, 8 : i32
    %dma_wait3A_378 = arith.constant 0 : i32
    %dma_wait3A_379 = arith.constant 0 : i32
    %dma_wait3A_380 = arith.constant 0 : i32
    %dma_wait3A_381 = tpu.memref_slice %arg7[%dma_wait3A_379, %dma_wait3A_380] : memref<128x128xf32, #tpu.memory_space<vmem>> -> memref<104x128xf32, #tpu.memory_space<vmem>>
    %dma_wait3A_382 = arith.constant 0 : i32
    %dma_wait3A_383 = tpu.memref_slice %arg4[%multiple_of3A_377, %dma_wait3A_382] : memref<20000x128xf32, #tpu.memory_space<hbm>> -> memref<104x128xf32, #tpu.memory_space<hbm>>
    %dma_wait3A_384 = tpu.memref_slice %arg11[%dma_wait3A_378] : memref<2x!tpu.dma_semaphore, #tpu.memory_space<semaphore_mem>> -> memref<1x!tpu.dma_semaphore, #tpu.memory_space<semaphore_mem>>
    %dma_wait3A_385 = tpu.memref_squeeze %dma_wait3A_384 : memref<1x!tpu.dma_semaphore, #tpu.memory_space<semaphore_mem>> -> memref<!tpu.dma_semaphore, #tpu.memory_space<semaphore_mem>>
    %dma_wait3A_386 = arith.constant 0 : i32
    %dma_wait3A_387 = tpu.memref_slice %arg4[%multiple_of3A_377, %dma_wait3A_386] : memref<20000x128xf32, #tpu.memory_space<hbm>> -> memref<104x128xf32, #tpu.memory_space<hbm>>
    %dma_wait3A_388 = arith.constant 0 : i32
    %dma_wait3A_389 = arith.constant 0 : i32
    %dma_wait3A_390 = tpu.memref_slice %arg7[%dma_wait3A_388, %dma_wait3A_389] : memref<128x128xf32, #tpu.memory_space<vmem>> -> memref<104x128xf32, #tpu.memory_space<vmem>>
    tpu.wait_dma2 semaphore(%dma_wait3A_385 : memref<!tpu.dma_semaphore, #tpu.memory_space<semaphore_mem>>) src(%dma_wait3A_390 : memref<104x128xf32, #tpu.memory_space<vmem>>) dst(%dma_wait3A_387 : memref<104x128xf32, #tpu.memory_space<hbm>>)
    "tpu.region"() ({
      %run_scoped3A = tpu.sem_alloc : memref<!tpu.dma_semaphore, #tpu.memory_space<semaphore_mem>>
      %dma_start3A_501 = arith.constant 0 : i32
      %dma_start3A_502 = arith.constant 0 : i32
      %dma_start3A_503 = tpu.memref_slice %arg7[%dma_start3A_501, %dma_start3A_502] : memref<128x128xf32, #tpu.memory_space<vmem>> -> memref<104x128xf32, #tpu.memory_space<vmem>>
      %dma_start3A_504 = arith.constant 0 : i32
      %dma_start3A_505 = tpu.memref_slice %arg9[%multiple_of3A_368, %dma_start3A_504] : memref<10064x128xf32, #tpu.memory_space<vmem_shared>> -> memref<104x128xf32, #tpu.memory_space<vmem_shared>>
      %dma_start3A_506 = arith.constant 0 : i32
      %dma_start3A_507 = arith.constant 0 : i32
      %dma_start3A_508 = tpu.memref_slice %arg7[%dma_start3A_506, %dma_start3A_507] : memref<128x128xf32, #tpu.memory_space<vmem>> -> memref<104x128xf32, #tpu.memory_space<vmem>>
      %dma_start3A_509 = arith.constant 0 : i32
      %dma_start3A_510 = tpu.memref_slice %arg9[%multiple_of3A_368, %dma_start3A_509] : memref<10064x128xf32, #tpu.memory_space<vmem_shared>> -> memref<104x128xf32, #tpu.memory_space<vmem_shared>>
      tpu.enqueue_dma source(%dma_start3A_510 : memref<104x128xf32, #tpu.memory_space<vmem_shared>>) target(%dma_start3A_508 : memref<104x128xf32, #tpu.memory_space<vmem>>) target_semaphore(%run_scoped3A : memref<!tpu.dma_semaphore, #tpu.memory_space<semaphore_mem>>)
      %dma_wait3A_511 = arith.constant 0 : i32
      %dma_wait3A_512 = arith.constant 0 : i32
      %dma_wait3A_513 = tpu.memref_slice %arg7[%dma_wait3A_511, %dma_wait3A_512] : memref<128x128xf32, #tpu.memory_space<vmem>> -> memref<104x128xf32, #tpu.memory_space<vmem>>
      %dma_wait3A_514 = arith.constant 0 : i32
      %dma_wait3A_515 = tpu.memref_slice %arg9[%multiple_of3A_368, %dma_wait3A_514] : memref<10064x128xf32, #tpu.memory_space<vmem_shared>> -> memref<104x128xf32, #tpu.memory_space<vmem_shared>>
      %dma_wait3A_516 = arith.constant 0 : i32
      %dma_wait3A_517 = arith.constant 0 : i32
      %dma_wait3A_518 = tpu.memref_slice %arg7[%dma_wait3A_516, %dma_wait3A_517] : memref<128x128xf32, #tpu.memory_space<vmem>> -> memref<104x128xf32, #tpu.memory_space<vmem>>
      %dma_wait3A_519 = arith.constant 0 : i32
      %dma_wait3A_520 = tpu.memref_slice %arg9[%multiple_of3A_368, %dma_wait3A_519] : memref<10064x128xf32, #tpu.memory_space<vmem_shared>> -> memref<104x128xf32, #tpu.memory_space<vmem_shared>>
      tpu.wait_dma2 semaphore(%run_scoped3A : memref<!tpu.dma_semaphore, #tpu.memory_space<semaphore_mem>>) src(%dma_wait3A_520 : memref<104x128xf32, #tpu.memory_space<vmem_shared>>) dst(%dma_wait3A_518 : memref<104x128xf32, #tpu.memory_space<vmem>>)
      tpu.yield
    }) : () -> ()
    %mul3A_391 = arith.constant 10000 : i32
    %mul3A_392 = arith.muli %arg0, %mul3A_391 : i32
    %add3A_393 = arith.addi %mul3A_392, %multiple_of3A_368 : i32
    %multiple_of3A_394 = tpu.assume_multiple %add3A_393, 8 : i32
    %dma_start3A_395 = arith.constant 0 : i32
    %dma_start3A_396 = arith.constant 0 : i32
    %dma_start3A_397 = arith.constant 0 : i32
    %dma_start3A_398 = tpu.memref_slice %arg7[%dma_start3A_396, %dma_start3A_397] : memref<128x128xf32, #tpu.memory_space<vmem>> -> memref<104x128xf32, #tpu.memory_space<vmem>>
    %dma_start3A_399 = arith.constant 0 : i32
    %dma_start3A_400 = tpu.memref_slice %arg4[%multiple_of3A_394, %dma_start3A_399] : memref<20000x128xf32, #tpu.memory_space<hbm>> -> memref<104x128xf32, #tpu.memory_space<hbm>>
    %dma_start3A_401 = tpu.memref_slice %arg11[%dma_start3A_395] : memref<2x!tpu.dma_semaphore, #tpu.memory_space<semaphore_mem>> -> memref<1x!tpu.dma_semaphore, #tpu.memory_space<semaphore_mem>>
    %dma_start3A_402 = tpu.memref_squeeze %dma_start3A_401 : memref<1x!tpu.dma_semaphore, #tpu.memory_space<semaphore_mem>> -> memref<!tpu.dma_semaphore, #tpu.memory_space<semaphore_mem>>
    %dma_start3A_403 = arith.constant 0 : i32
    %dma_start3A_404 = tpu.memref_slice %arg4[%multiple_of3A_394, %dma_start3A_403] : memref<20000x128xf32, #tpu.memory_space<hbm>> -> memref<104x128xf32, #tpu.memory_space<hbm>>
    %dma_start3A_405 = arith.constant 0 : i32
    %dma_start3A_406 = arith.constant 0 : i32
    %dma_start3A_407 = tpu.memref_slice %arg7[%dma_start3A_405, %dma_start3A_406] : memref<128x128xf32, #tpu.memory_space<vmem>> -> memref<104x128xf32, #tpu.memory_space<vmem>>
    tpu.enqueue_dma source(%dma_start3A_407 : memref<104x128xf32, #tpu.memory_space<vmem>>) target(%dma_start3A_404 : memref<104x128xf32, #tpu.memory_space<hbm>>) target_semaphore(%dma_start3A_402 : memref<!tpu.dma_semaphore, #tpu.memory_space<semaphore_mem>>)
    %mul3A_408 = arith.constant 624 : i32
    %mul3A_409 = arith.muli %arg1, %mul3A_408 : i32
    %add3A_410 = arith.constant 520 : i32
    %add3A_411 = arith.addi %mul3A_409, %add3A_410 : i32
    %multiple_of3A_412 = tpu.assume_multiple %add3A_411, 8 : i32
    %mul3A_413 = arith.constant 624 : i32
    %mul3A_414 = arith.muli %arg1, %mul3A_413 : i32
    %add3A_415 = arith.constant 312 : i32
    %add3A_416 = arith.addi %mul3A_414, %add3A_415 : i32
    %multiple_of3A_417 = tpu.assume_multiple %add3A_416, 8 : i32
    %mul3A_418 = arith.constant 10000 : i32
    %mul3A_419 = arith.muli %arg0, %mul3A_418 : i32
    %add3A_420 = arith.addi %mul3A_419, %multiple_of3A_417 : i32
    %multiple_of3A_421 = tpu.assume_multiple %add3A_420, 8 : i32
    %dma_wait3A_422 = arith.constant 1 : i32
    %dma_wait3A_423 = arith.constant 0 : i32
    %dma_wait3A_424 = arith.constant 0 : i32
    %dma_wait3A_425 = tpu.memref_slice %arg8[%dma_wait3A_423, %dma_wait3A_424] : memref<128x128xf32, #tpu.memory_space<vmem>> -> memref<104x128xf32, #tpu.memory_space<vmem>>
    %dma_wait3A_426 = arith.constant 0 : i32
    %dma_wait3A_427 = tpu.memref_slice %arg4[%multiple_of3A_421, %dma_wait3A_426] : memref<20000x128xf32, #tpu.memory_space<hbm>> -> memref<104x128xf32, #tpu.memory_space<hbm>>
    %dma_wait3A_428 = tpu.memref_slice %arg11[%dma_wait3A_422] : memref<2x!tpu.dma_semaphore, #tpu.memory_space<semaphore_mem>> -> memref<1x!tpu.dma_semaphore, #tpu.memory_space<semaphore_mem>>
    %dma_wait3A_429 = tpu.memref_squeeze %dma_wait3A_428 : memref<1x!tpu.dma_semaphore, #tpu.memory_space<semaphore_mem>> -> memref<!tpu.dma_semaphore, #tpu.memory_space<semaphore_mem>>
    %dma_wait3A_430 = arith.constant 0 : i32
    %dma_wait3A_431 = tpu.memref_slice %arg4[%multiple_of3A_421, %dma_wait3A_430] : memref<20000x128xf32, #tpu.memory_space<hbm>> -> memref<104x128xf32, #tpu.memory_space<hbm>>
    %dma_wait3A_432 = arith.constant 0 : i32
    %dma_wait3A_433 = arith.constant 0 : i32
    %dma_wait3A_434 = tpu.memref_slice %arg8[%dma_wait3A_432, %dma_wait3A_433] : memref<128x128xf32, #tpu.memory_space<vmem>> -> memref<104x128xf32, #tpu.memory_space<vmem>>
    tpu.wait_dma2 semaphore(%dma_wait3A_429 : memref<!tpu.dma_semaphore, #tpu.memory_space<semaphore_mem>>) src(%dma_wait3A_434 : memref<104x128xf32, #tpu.memory_space<vmem>>) dst(%dma_wait3A_431 : memref<104x128xf32, #tpu.memory_space<hbm>>)
    "tpu.region"() ({
      %run_scoped3A = tpu.sem_alloc : memref<!tpu.dma_semaphore, #tpu.memory_space<semaphore_mem>>
      %dma_start3A_501 = arith.constant 0 : i32
      %dma_start3A_502 = arith.constant 0 : i32
      %dma_start3A_503 = tpu.memref_slice %arg8[%dma_start3A_501, %dma_start3A_502] : memref<128x128xf32, #tpu.memory_space<vmem>> -> memref<104x128xf32, #tpu.memory_space<vmem>>
      %dma_start3A_504 = arith.constant 0 : i32
      %dma_start3A_505 = tpu.memref_slice %arg9[%multiple_of3A_412, %dma_start3A_504] : memref<10064x128xf32, #tpu.memory_space<vmem_shared>> -> memref<104x128xf32, #tpu.memory_space<vmem_shared>>
      %dma_start3A_506 = arith.constant 0 : i32
      %dma_start3A_507 = arith.constant 0 : i32
      %dma_start3A_508 = tpu.memref_slice %arg8[%dma_start3A_506, %dma_start3A_507] : memref<128x128xf32, #tpu.memory_space<vmem>> -> memref<104x128xf32, #tpu.memory_space<vmem>>
      %dma_start3A_509 = arith.constant 0 : i32
      %dma_start3A_510 = tpu.memref_slice %arg9[%multiple_of3A_412, %dma_start3A_509] : memref<10064x128xf32, #tpu.memory_space<vmem_shared>> -> memref<104x128xf32, #tpu.memory_space<vmem_shared>>
      tpu.enqueue_dma source(%dma_start3A_510 : memref<104x128xf32, #tpu.memory_space<vmem_shared>>) target(%dma_start3A_508 : memref<104x128xf32, #tpu.memory_space<vmem>>) target_semaphore(%run_scoped3A : memref<!tpu.dma_semaphore, #tpu.memory_space<semaphore_mem>>)
      %dma_wait3A_511 = arith.constant 0 : i32
      %dma_wait3A_512 = arith.constant 0 : i32
      %dma_wait3A_513 = tpu.memref_slice %arg8[%dma_wait3A_511, %dma_wait3A_512] : memref<128x128xf32, #tpu.memory_space<vmem>> -> memref<104x128xf32, #tpu.memory_space<vmem>>
      %dma_wait3A_514 = arith.constant 0 : i32
      %dma_wait3A_515 = tpu.memref_slice %arg9[%multiple_of3A_412, %dma_wait3A_514] : memref<10064x128xf32, #tpu.memory_space<vmem_shared>> -> memref<104x128xf32, #tpu.memory_space<vmem_shared>>
      %dma_wait3A_516 = arith.constant 0 : i32
      %dma_wait3A_517 = arith.constant 0 : i32
      %dma_wait3A_518 = tpu.memref_slice %arg8[%dma_wait3A_516, %dma_wait3A_517] : memref<128x128xf32, #tpu.memory_space<vmem>> -> memref<104x128xf32, #tpu.memory_space<vmem>>
      %dma_wait3A_519 = arith.constant 0 : i32
      %dma_wait3A_520 = tpu.memref_slice %arg9[%multiple_of3A_412, %dma_wait3A_519] : memref<10064x128xf32, #tpu.memory_space<vmem_shared>> -> memref<104x128xf32, #tpu.memory_space<vmem_shared>>
      tpu.wait_dma2 semaphore(%run_scoped3A : memref<!tpu.dma_semaphore, #tpu.memory_space<semaphore_mem>>) src(%dma_wait3A_520 : memref<104x128xf32, #tpu.memory_space<vmem_shared>>) dst(%dma_wait3A_518 : memref<104x128xf32, #tpu.memory_space<vmem>>)
      tpu.yield
    }) : () -> ()
    %mul3A_435 = arith.constant 10000 : i32
    %mul3A_436 = arith.muli %arg0, %mul3A_435 : i32
    %add3A_437 = arith.addi %mul3A_436, %multiple_of3A_412 : i32
    %multiple_of3A_438 = tpu.assume_multiple %add3A_437, 8 : i32
    %dma_start3A_439 = arith.constant 1 : i32
    %dma_start3A_440 = arith.constant 0 : i32
    %dma_start3A_441 = arith.constant 0 : i32
    %dma_start3A_442 = tpu.memref_slice %arg8[%dma_start3A_440, %dma_start3A_441] : memref<128x128xf32, #tpu.memory_space<vmem>> -> memref<104x128xf32, #tpu.memory_space<vmem>>
    %dma_start3A_443 = arith.constant 0 : i32
    %dma_start3A_444 = tpu.memref_slice %arg4[%multiple_of3A_438, %dma_start3A_443] : memref<20000x128xf32, #tpu.memory_space<hbm>> -> memref<104x128xf32, #tpu.memory_space<hbm>>
    %dma_start3A_445 = tpu.memref_slice %arg11[%dma_start3A_439] : memref<2x!tpu.dma_semaphore, #tpu.memory_space<semaphore_mem>> -> memref<1x!tpu.dma_semaphore, #tpu.memory_space<semaphore_mem>>
    %dma_start3A_446 = tpu.memref_squeeze %dma_start3A_445 : memref<1x!tpu.dma_semaphore, #tpu.memory_space<semaphore_mem>> -> memref<!tpu.dma_semaphore, #tpu.memory_space<semaphore_mem>>
    %dma_start3A_447 = arith.constant 0 : i32
    %dma_start3A_448 = tpu.memref_slice %arg4[%multiple_of3A_438, %dma_start3A_447] : memref<20000x128xf32, #tpu.memory_space<hbm>> -> memref<104x128xf32, #tpu.memory_space<hbm>>
    %dma_start3A_449 = arith.constant 0 : i32
    %dma_start3A_450 = arith.constant 0 : i32
    %dma_start3A_451 = tpu.memref_slice %arg8[%dma_start3A_449, %dma_start3A_450] : memref<128x128xf32, #tpu.memory_space<vmem>> -> memref<104x128xf32, #tpu.memory_space<vmem>>
    tpu.enqueue_dma source(%dma_start3A_451 : memref<104x128xf32, #tpu.memory_space<vmem>>) target(%dma_start3A_448 : memref<104x128xf32, #tpu.memory_space<hbm>>) target_semaphore(%dma_start3A_446 : memref<!tpu.dma_semaphore, #tpu.memory_space<semaphore_mem>>)
    %mul3A_452 = arith.constant 624 : i32
    %mul3A_453 = arith.muli %arg1, %mul3A_452 : i32
    %add3A_454 = arith.constant 416 : i32
    %add3A_455 = arith.addi %mul3A_453, %add3A_454 : i32
    %multiple_of3A_456 = tpu.assume_multiple %add3A_455, 8 : i32
    %mul3A_457 = arith.constant 10000 : i32
    %mul3A_458 = arith.muli %arg0, %mul3A_457 : i32
    %add3A_459 = arith.addi %mul3A_458, %multiple_of3A_456 : i32
    %multiple_of3A_460 = tpu.assume_multiple %add3A_459, 8 : i32
    %dma_wait3A_461 = arith.constant 0 : i32
    %dma_wait3A_462 = arith.constant 0 : i32
    %dma_wait3A_463 = arith.constant 0 : i32
    %dma_wait3A_464 = tpu.memref_slice %arg7[%dma_wait3A_462, %dma_wait3A_463] : memref<128x128xf32, #tpu.memory_space<vmem>> -> memref<104x128xf32, #tpu.memory_space<vmem>>
    %dma_wait3A_465 = arith.constant 0 : i32
    %dma_wait3A_466 = tpu.memref_slice %arg4[%multiple_of3A_460, %dma_wait3A_465] : memref<20000x128xf32, #tpu.memory_space<hbm>> -> memref<104x128xf32, #tpu.memory_space<hbm>>
    %dma_wait3A_467 = tpu.memref_slice %arg11[%dma_wait3A_461] : memref<2x!tpu.dma_semaphore, #tpu.memory_space<semaphore_mem>> -> memref<1x!tpu.dma_semaphore, #tpu.memory_space<semaphore_mem>>
    %dma_wait3A_468 = tpu.memref_squeeze %dma_wait3A_467 : memref<1x!tpu.dma_semaphore, #tpu.memory_space<semaphore_mem>> -> memref<!tpu.dma_semaphore, #tpu.memory_space<semaphore_mem>>
    %dma_wait3A_469 = arith.constant 0 : i32
    %dma_wait3A_470 = tpu.memref_slice %arg4[%multiple_of3A_460, %dma_wait3A_469] : memref<20000x128xf32, #tpu.memory_space<hbm>> -> memref<104x128xf32, #tpu.memory_space<hbm>>
    %dma_wait3A_471 = arith.constant 0 : i32
    %dma_wait3A_472 = arith.constant 0 : i32
    %dma_wait3A_473 = tpu.memref_slice %arg7[%dma_wait3A_471, %dma_wait3A_472] : memref<128x128xf32, #tpu.memory_space<vmem>> -> memref<104x128xf32, #tpu.memory_space<vmem>>
    tpu.wait_dma2 semaphore(%dma_wait3A_468 : memref<!tpu.dma_semaphore, #tpu.memory_space<semaphore_mem>>) src(%dma_wait3A_473 : memref<104x128xf32, #tpu.memory_space<vmem>>) dst(%dma_wait3A_470 : memref<104x128xf32, #tpu.memory_space<hbm>>)
    %mul3A_474 = arith.constant 624 : i32
    %mul3A_475 = arith.muli %arg1, %mul3A_474 : i32
    %add3A_476 = arith.constant 520 : i32
    %add3A_477 = arith.addi %mul3A_475, %add3A_476 : i32
    %multiple_of3A_478 = tpu.assume_multiple %add3A_477, 8 : i32
    %mul3A_479 = arith.constant 10000 : i32
    %mul3A_480 = arith.muli %arg0, %mul3A_479 : i32
    %add3A_481 = arith.addi %mul3A_480, %multiple_of3A_478 : i32
    %multiple_of3A_482 = tpu.assume_multiple %add3A_481, 8 : i32
    %dma_wait3A_483 = arith.constant 1 : i32
    %dma_wait3A_484 = arith.constant 0 : i32
    %dma_wait3A_485 = arith.constant 0 : i32
    %dma_wait3A_486 = tpu.memref_slice %arg8[%dma_wait3A_484, %dma_wait3A_485] : memref<128x128xf32, #tpu.memory_space<vmem>> -> memref<104x128xf32, #tpu.memory_space<vmem>>
    %dma_wait3A_487 = arith.constant 0 : i32
    %dma_wait3A_488 = tpu.memref_slice %arg4[%multiple_of3A_482, %dma_wait3A_487] : memref<20000x128xf32, #tpu.memory_space<hbm>> -> memref<104x128xf32, #tpu.memory_space<hbm>>
    %dma_wait3A_489 = tpu.memref_slice %arg11[%dma_wait3A_483] : memref<2x!tpu.dma_semaphore, #tpu.memory_space<semaphore_mem>> -> memref<1x!tpu.dma_semaphore, #tpu.memory_space<semaphore_mem>>
    %dma_wait3A_490 = tpu.memref_squeeze %dma_wait3A_489 : memref<1x!tpu.dma_semaphore, #tpu.memory_space<semaphore_mem>> -> memref<!tpu.dma_semaphore, #tpu.memory_space<semaphore_mem>>
    %dma_wait3A_491 = arith.constant 0 : i32
    %dma_wait3A_492 = tpu.memref_slice %arg4[%multiple_of3A_482, %dma_wait3A_491] : memref<20000x128xf32, #tpu.memory_space<hbm>> -> memref<104x128xf32, #tpu.memory_space<hbm>>
    %dma_wait3A_493 = arith.constant 0 : i32
    %dma_wait3A_494 = arith.constant 0 : i32
    %dma_wait3A_495 = tpu.memref_slice %arg8[%dma_wait3A_493, %dma_wait3A_494] : memref<128x128xf32, #tpu.memory_space<vmem>> -> memref<104x128xf32, #tpu.memory_space<vmem>>
    tpu.wait_dma2 semaphore(%dma_wait3A_490 : memref<!tpu.dma_semaphore, #tpu.memory_space<semaphore_mem>>) src(%dma_wait3A_495 : memref<104x128xf32, #tpu.memory_space<vmem>>) dst(%dma_wait3A_492 : memref<104x128xf32, #tpu.memory_space<hbm>>)
    %eq3A_496 = arith.constant 15 : i32
    %eq3A_497 = arith.cmpi eq, %arg1, %eq3A_496 : i32
    %convert_element_type3A_498 = arith.extui %eq3A_497 : i1 to i32
    %cond3A_499 = arith.constant 0 : i32
    %cond3A_500 = arith.cmpi ne, %convert_element_type3A_498, %cond3A_499 : i32
    scf.if %cond3A_500 {
      "tpu.region"() ({
        %run_scoped3A = tpu.sem_alloc : memref<!tpu.dma_semaphore, #tpu.memory_space<semaphore_mem>>
        %dma_start3A_506 = arith.constant 0 : i32
        %dma_start3A_507 = arith.constant 0 : i32
        %dma_start3A_508 = tpu.memref_slice %arg7[%dma_start3A_506, %dma_start3A_507] : memref<128x128xf32, #tpu.memory_space<vmem>> -> memref<16x128xf32, #tpu.memory_space<vmem>>
        %dma_start3A_509 = arith.constant 9984 : i32
        %dma_start3A_510 = arith.constant 0 : i32
        %dma_start3A_511 = tpu.memref_slice %arg9[%dma_start3A_509, %dma_start3A_510] : memref<10064x128xf32, #tpu.memory_space<vmem_shared>> -> memref<16x128xf32, #tpu.memory_space<vmem_shared>>
        %dma_start3A_512 = arith.constant 0 : i32
        %dma_start3A_513 = arith.constant 0 : i32
        %dma_start3A_514 = tpu.memref_slice %arg7[%dma_start3A_512, %dma_start3A_513] : memref<128x128xf32, #tpu.memory_space<vmem>> -> memref<16x128xf32, #tpu.memory_space<vmem>>
        %dma_start3A_515 = arith.constant 9984 : i32
        %dma_start3A_516 = arith.constant 0 : i32
        %dma_start3A_517 = tpu.memref_slice %arg9[%dma_start3A_515, %dma_start3A_516] : memref<10064x128xf32, #tpu.memory_space<vmem_shared>> -> memref<16x128xf32, #tpu.memory_space<vmem_shared>>
        tpu.enqueue_dma source(%dma_start3A_517 : memref<16x128xf32, #tpu.memory_space<vmem_shared>>) target(%dma_start3A_514 : memref<16x128xf32, #tpu.memory_space<vmem>>) target_semaphore(%run_scoped3A : memref<!tpu.dma_semaphore, #tpu.memory_space<semaphore_mem>>)
        %dma_wait3A_518 = arith.constant 0 : i32
        %dma_wait3A_519 = arith.constant 0 : i32
        %dma_wait3A_520 = tpu.memref_slice %arg7[%dma_wait3A_518, %dma_wait3A_519] : memref<128x128xf32, #tpu.memory_space<vmem>> -> memref<16x128xf32, #tpu.memory_space<vmem>>
        %dma_wait3A_521 = arith.constant 9984 : i32
        %dma_wait3A_522 = arith.constant 0 : i32
        %dma_wait3A_523 = tpu.memref_slice %arg9[%dma_wait3A_521, %dma_wait3A_522] : memref<10064x128xf32, #tpu.memory_space<vmem_shared>> -> memref<16x128xf32, #tpu.memory_space<vmem_shared>>
        %dma_wait3A_524 = arith.constant 0 : i32
        %dma_wait3A_525 = arith.constant 0 : i32
        %dma_wait3A_526 = tpu.memref_slice %arg7[%dma_wait3A_524, %dma_wait3A_525] : memref<128x128xf32, #tpu.memory_space<vmem>> -> memref<16x128xf32, #tpu.memory_space<vmem>>
        %dma_wait3A_527 = arith.constant 9984 : i32
        %dma_wait3A_528 = arith.constant 0 : i32
        %dma_wait3A_529 = tpu.memref_slice %arg9[%dma_wait3A_527, %dma_wait3A_528] : memref<10064x128xf32, #tpu.memory_space<vmem_shared>> -> memref<16x128xf32, #tpu.memory_space<vmem_shared>>
        tpu.wait_dma2 semaphore(%run_scoped3A : memref<!tpu.dma_semaphore, #tpu.memory_space<semaphore_mem>>) src(%dma_wait3A_529 : memref<16x128xf32, #tpu.memory_space<vmem_shared>>) dst(%dma_wait3A_526 : memref<16x128xf32, #tpu.memory_space<vmem>>)
        tpu.yield
      }) : () -> ()
      %mul3A_501 = arith.constant 10000 : i32
      %mul3A_502 = arith.muli %arg0, %mul3A_501 : i32
      %add3A_503 = arith.constant 9984 : i32
      %add3A_504 = arith.addi %mul3A_502, %add3A_503 : i32
      %multiple_of3A_505 = tpu.assume_multiple %add3A_504, 8 : i32
      "tpu.region"() ({
        %run_scoped3A = tpu.sem_alloc : memref<!tpu.dma_semaphore, #tpu.memory_space<semaphore_mem>>
        %dma_start3A_506 = arith.constant 0 : i32
        %dma_start3A_507 = arith.constant 0 : i32
        %dma_start3A_508 = tpu.memref_slice %arg7[%dma_start3A_506, %dma_start3A_507] : memref<128x128xf32, #tpu.memory_space<vmem>> -> memref<16x128xf32, #tpu.memory_space<vmem>>
        %dma_start3A_509 = arith.constant 0 : i32
        %dma_start3A_510 = tpu.memref_slice %arg4[%multiple_of3A_505, %dma_start3A_509] : memref<20000x128xf32, #tpu.memory_space<hbm>> -> memref<16x128xf32, #tpu.memory_space<hbm>>
        %dma_start3A_511 = arith.constant 0 : i32
        %dma_start3A_512 = tpu.memref_slice %arg4[%multiple_of3A_505, %dma_start3A_511] : memref<20000x128xf32, #tpu.memory_space<hbm>> -> memref<16x128xf32, #tpu.memory_space<hbm>>
        %dma_start3A_513 = arith.constant 0 : i32
        %dma_start3A_514 = arith.constant 0 : i32
        %dma_start3A_515 = tpu.memref_slice %arg7[%dma_start3A_513, %dma_start3A_514] : memref<128x128xf32, #tpu.memory_space<vmem>> -> memref<16x128xf32, #tpu.memory_space<vmem>>
        tpu.enqueue_dma source(%dma_start3A_515 : memref<16x128xf32, #tpu.memory_space<vmem>>) target(%dma_start3A_512 : memref<16x128xf32, #tpu.memory_space<hbm>>) target_semaphore(%run_scoped3A : memref<!tpu.dma_semaphore, #tpu.memory_space<semaphore_mem>>)
        %dma_wait3A_516 = arith.constant 0 : i32
        %dma_wait3A_517 = arith.constant 0 : i32
        %dma_wait3A_518 = tpu.memref_slice %arg7[%dma_wait3A_516, %dma_wait3A_517] : memref<128x128xf32, #tpu.memory_space<vmem>> -> memref<16x128xf32, #tpu.memory_space<vmem>>
        %dma_wait3A_519 = arith.constant 0 : i32
        %dma_wait3A_520 = tpu.memref_slice %arg4[%multiple_of3A_505, %dma_wait3A_519] : memref<20000x128xf32, #tpu.memory_space<hbm>> -> memref<16x128xf32, #tpu.memory_space<hbm>>
        %dma_wait3A_521 = arith.constant 0 : i32
        %dma_wait3A_522 = tpu.memref_slice %arg4[%multiple_of3A_505, %dma_wait3A_521] : memref<20000x128xf32, #tpu.memory_space<hbm>> -> memref<16x128xf32, #tpu.memory_space<hbm>>
        %dma_wait3A_523 = arith.constant 0 : i32
        %dma_wait3A_524 = arith.constant 0 : i32
        %dma_wait3A_525 = tpu.memref_slice %arg7[%dma_wait3A_523, %dma_wait3A_524] : memref<128x128xf32, #tpu.memory_space<vmem>> -> memref<16x128xf32, #tpu.memory_space<vmem>>
        tpu.wait_dma2 semaphore(%run_scoped3A : memref<!tpu.dma_semaphore, #tpu.memory_space<semaphore_mem>>) src(%dma_wait3A_525 : memref<16x128xf32, #tpu.memory_space<vmem>>) dst(%dma_wait3A_522 : memref<16x128xf32, #tpu.memory_space<hbm>>)
        tpu.yield
      }) : () -> ()
    } else {
    }
    return
  }
}

#map = affine_map<(d0, d1) -> (0, 0)>
#map1 = affine_map<(d0, d1) -> (0, 0, 0, 0)>
module attributes {stable_mosaic.version = 14 : i64} {
  func.func @body(%arg0: i32, %arg1: i32, %arg2: memref<10000x128xf32, #tpu.memory_space<hbm>>, %arg3: memref<2x2560x2x128xi32, #tpu.memory_space<hbm>>, %arg4: memref<20000x128xf32, #tpu.memory_space<hbm>>, %arg5: memref<16x2x128xi32, #tpu.memory_space<vmem>>, %arg6: memref<16x2x128xi32, #tpu.memory_space<vmem>>, %arg7: memref<128x128xf32, #tpu.memory_space<vmem>>, %arg8: memref<128x128xf32, #tpu.memory_space<vmem>>, %arg9: memref<10064x128xf32, #tpu.memory_space<vmem_shared>>, %arg10: memref<2x!tpu.dma_semaphore, #tpu.memory_space<semaphore_mem>>, %arg11: memref<2x!tpu.dma_semaphore, #tpu.memory_space<semaphore_mem>>, %arg12: memref<!tpu.dma_semaphore, #tpu.memory_space<semaphore_mem>>) attributes {dimension_semantics = [#tpu.dimension_semantics<core_parallel>, #tpu.dimension_semantics<subcore_parallel>], iteration_bounds = array<i64: 2, 16>, scalar_prefetch = 0 : i64, scratch_operands = 8 : i64, tpu.core_type = #tpu.core_type<sc_vector_subcore>, window_params = [{transform_indices = #map}, {transform_indices = #map1}, {transform_indices = #map}]} {
    %mul3A = arith.constant 1280 : i32
    %mul3A_0 = arith.muli %arg0, %mul3A : i32
    %mul3A_1 = arith.constant 80 : i32
    %mul3A_2 = arith.muli %arg1, %mul3A_1 : i32
    %add3A = arith.addi %mul3A_0, %mul3A_2 : i32
    %multiple_of3A = tpu.assume_multiple %add3A, 8 : i32
    %scan3A = arith.constant 0 : i32
    %scan3A_3 = arith.constant 1024 : i32
    %scan3A_4 = arith.addi %scan3A, %scan3A_3 : i32
    %scan3A_5 = arith.constant 1 : i32
    scf.for %scan3A_501 = %scan3A to %scan3A_4 step %scan3A_5  : i32 {
      %mul3A_502 = arith.constant 1 : i32
      %mul3A_503 = arith.muli %scan3A_501, %mul3A_502 : i32
      %add3A_504 = arith.constant 0 : i32
      %add3A_505 = arith.addi %add3A_504, %mul3A_503 : i32
      %jit3A = arith.constant 8 : i32
      %div3A = arith.divsi %add3A_505, %jit3A : i32
      %sign3A = arith.constant 0 : i32
      %sign3A_506 = arith.cmpi sgt, %add3A_505, %sign3A : i32
      %sign3A_507 = arith.extui %sign3A_506 : i1 to i32
      %sign3A_508 = arith.constant 0 : i32
      %sign3A_509 = arith.cmpi slt, %add3A_505, %sign3A_508 : i32
      %sign3A_510 = arith.extui %sign3A_509 : i1 to i32
      %sign3A_511 = arith.subi %sign3A_507, %sign3A_510 : i32
      %sign3A_512 = arith.constant 0 : i32
      %sign3A_513 = arith.cmpi sgt, %jit3A, %sign3A_512 : i32
      %sign3A_514 = arith.extui %sign3A_513 : i1 to i32
      %sign3A_515 = arith.constant 0 : i32
      %sign3A_516 = arith.cmpi slt, %jit3A, %sign3A_515 : i32
      %sign3A_517 = arith.extui %sign3A_516 : i1 to i32
      %sign3A_518 = arith.subi %sign3A_514, %sign3A_517 : i32
      %ne3A = arith.cmpi ne, %sign3A_511, %sign3A_518 : i32
      %rem3A = arith.remsi %add3A_505, %jit3A : i32
      %ne3A_519 = arith.constant 0 : i32
      %ne3A_520 = arith.cmpi ne, %rem3A, %ne3A_519 : i32
      %and3A = arith.andi %ne3A, %ne3A_520 : i1
      %sub3A = arith.constant 1 : i32
      %sub3A_521 = arith.subi %div3A, %sub3A : i32
      %select_n3A = arith.select %and3A, %sub3A_521, %div3A : i32
      %jit3A_522 = arith.constant 8 : i32
      %eq3A_523 = arith.constant 0 : i32
      %eq3A_524 = arith.cmpi eq, %jit3A_522, %eq3A_523 : i32
      %jit3A_525 = arith.constant 1 : i32
      %select_n3A_526 = arith.select %eq3A_524, %jit3A_525, %jit3A_522 : i32
      %rem3A_527 = arith.remsi %add3A_505, %select_n3A_526 : i32
      %ne3A_528 = arith.constant 0 : i32
      %ne3A_529 = arith.cmpi ne, %rem3A_527, %ne3A_528 : i32
      %lt3A = arith.constant 0 : i32
      %lt3A_530 = arith.cmpi slt, %rem3A_527, %lt3A : i32
      %lt3A_531 = arith.constant 0 : i32
      %lt3A_532 = arith.cmpi slt, %select_n3A_526, %lt3A_531 : i32
      %ne3A_533 = arith.xori %lt3A_530, %lt3A_532 : i1
      %and3A_534 = arith.andi %ne3A_533, %ne3A_529 : i1
      %add3A_535 = arith.addi %rem3A_527, %select_n3A_526 : i32
      %select_n3A_536 = arith.select %and3A_534, %add3A_535, %rem3A_527 : i32
      %broadcast_in_dim3A = arith.constant 0.000000e+00 : f32
      %broadcast_in_dim3A_537 = vector.broadcast %broadcast_in_dim3A : f32 to vector<16xf32>
      %mul3A_538 = arith.constant 16 : i32
      %mul3A_539 = arith.muli %select_n3A_536, %mul3A_538 : i32
      %swap3A = arith.index_cast %select_n3A : i32 to index
      %swap3A_540 = arith.index_cast %mul3A_539 : i32 to index
      %swap3A_541 = tpu.vector_load %arg7[%swap3A, %swap3A_540] {strides = array<i32>} : memref<128x128xf32, #tpu.memory_space<vmem>>, vector<1x16xf32>,
      %swap3A_542 = vector.shape_cast %swap3A_541 : vector<1x16xf32> to vector<16xf32>
      %swap3A_543 = vector.shape_cast %broadcast_in_dim3A_537 : vector<16xf32> to vector<1x16xf32>
      tpu.vector_store %arg7[%swap3A, %swap3A_540], %swap3A_543 {strides = array<i32>} : memref<128x128xf32, #tpu.memory_space<vmem>>, vector<1x16xf32>,
    }
    %scan3A_6 = arith.constant 1024 : i32
    %mul3A_7 = arith.constant 624 : i32
    %mul3A_8 = arith.muli %arg1, %mul3A_7 : i32
    %add3A_9 = arith.constant 0 : i32
    %add3A_10 = arith.addi %mul3A_8, %add3A_9 : i32
    %multiple_of3A_11 = tpu.assume_multiple %add3A_10, 8 : i32
    %dma_start3A = arith.constant 0 : i32
    %dma_start3A_12 = arith.constant 0 : i32
    %dma_start3A_13 = arith.constant 0 : i32
    %dma_start3A_14 = tpu.memref_slice %arg7[%dma_start3A_12, %dma_start3A_13] : memref<128x128xf32, #tpu.memory_space<vmem>> -> memref<104x128xf32, #tpu.memory_space<vmem>>
    %dma_start3A_15 = arith.constant 0 : i32
    %dma_start3A_16 = tpu.memref_slice %arg9[%multiple_of3A_11, %dma_start3A_15] : memref<10064x128xf32, #tpu.memory_space<vmem_shared>> -> memref<104x128xf32, #tpu.memory_space<vmem_shared>>
    %dma_start3A_17 = tpu.memref_slice %arg10[%dma_start3A] : memref<2x!tpu.dma_semaphore, #tpu.memory_space<semaphore_mem>> -> memref<1x!tpu.dma_semaphore, #tpu.memory_space<semaphore_mem>>
    %dma_start3A_18 = tpu.memref_squeeze %dma_start3A_17 : memref<1x!tpu.dma_semaphore, #tpu.memory_space<semaphore_mem>> -> memref<!tpu.dma_semaphore, #tpu.memory_space<semaphore_mem>>
    %dma_start3A_19 = arith.constant 0 : i32
    %dma_start3A_20 = tpu.memref_slice %arg9[%multiple_of3A_11, %dma_start3A_19] : memref<10064x128xf32, #tpu.memory_space<vmem_shared>> -> memref<104x128xf32, #tpu.memory_space<vmem_shared>>
    %dma_start3A_21 = arith.constant 0 : i32
    %dma_start3A_22 = arith.constant 0 : i32
    %dma_start3A_23 = tpu.memref_slice %arg7[%dma_start3A_21, %dma_start3A_22] : memref<128x128xf32, #tpu.memory_space<vmem>> -> memref<104x128xf32, #tpu.memory_space<vmem>>
    tpu.enqueue_dma source(%dma_start3A_23 : memref<104x128xf32, #tpu.memory_space<vmem>>) target(%dma_start3A_20 : memref<104x128xf32, #tpu.memory_space<vmem_shared>>) target_semaphore(%dma_start3A_18 : memref<!tpu.dma_semaphore, #tpu.memory_space<semaphore_mem>>)
    %mul3A_24 = arith.constant 624 : i32
    %mul3A_25 = arith.muli %arg1, %mul3A_24 : i32
    %add3A_26 = arith.constant 104 : i32
    %add3A_27 = arith.addi %mul3A_25, %add3A_26 : i32
    %multiple_of3A_28 = tpu.assume_multiple %add3A_27, 8 : i32
    %dma_start3A_29 = arith.constant 1 : i32
    %dma_start3A_30 = arith.constant 0 : i32
    %dma_start3A_31 = arith.constant 0 : i32
    %dma_start3A_32 = tpu.memref_slice %arg7[%dma_start3A_30, %dma_start3A_31] : memref<128x128xf32, #tpu.memory_space<vmem>> -> memref<104x128xf32, #tpu.memory_space<vmem>>
    %dma_start3A_33 = arith.constant 0 : i32
    %dma_start3A_34 = tpu.memref_slice %arg9[%multiple_of3A_28, %dma_start3A_33] : memref<10064x128xf32, #tpu.memory_space<vmem_shared>> -> memref<104x128xf32, #tpu.memory_space<vmem_shared>>
    %dma_start3A_35 = tpu.memref_slice %arg10[%dma_start3A_29] : memref<2x!tpu.dma_semaphore, #tpu.memory_space<semaphore_mem>> -> memref<1x!tpu.dma_semaphore, #tpu.memory_space<semaphore_mem>>
    %dma_start3A_36 = tpu.memref_squeeze %dma_start3A_35 : memref<1x!tpu.dma_semaphore, #tpu.memory_space<semaphore_mem>> -> memref<!tpu.dma_semaphore, #tpu.memory_space<semaphore_mem>>
    %dma_start3A_37 = arith.constant 0 : i32
    %dma_start3A_38 = tpu.memref_slice %arg9[%multiple_of3A_28, %dma_start3A_37] : memref<10064x128xf32, #tpu.memory_space<vmem_shared>> -> memref<104x128xf32, #tpu.memory_space<vmem_shared>>
    %dma_start3A_39 = arith.constant 0 : i32
    %dma_start3A_40 = arith.constant 0 : i32
    %dma_start3A_41 = tpu.memref_slice %arg7[%dma_start3A_39, %dma_start3A_40] : memref<128x128xf32, #tpu.memory_space<vmem>> -> memref<104x128xf32, #tpu.memory_space<vmem>>
    tpu.enqueue_dma source(%dma_start3A_41 : memref<104x128xf32, #tpu.memory_space<vmem>>) target(%dma_start3A_38 : memref<104x128xf32, #tpu.memory_space<vmem_shared>>) target_semaphore(%dma_start3A_36 : memref<!tpu.dma_semaphore, #tpu.memory_space<semaphore_mem>>)
    %mul3A_42 = arith.constant 624 : i32
    %mul3A_43 = arith.muli %arg1, %mul3A_42 : i32
    %add3A_44 = arith.constant 208 : i32
    %add3A_45 = arith.addi %mul3A_43, %add3A_44 : i32
    %multiple_of3A_46 = tpu.assume_multiple %add3A_45, 8 : i32
    %dma_start3A_47 = arith.constant 0 : i32
    %dma_start3A_48 = arith.constant 0 : i32
    %dma_start3A_49 = arith.constant 0 : i32
    %dma_start3A_50 = tpu.memref_slice %arg7[%dma_start3A_48, %dma_start3A_49] : memref<128x128xf32, #tpu.memory_space<vmem>> -> memref<104x128xf32, #tpu.memory_space<vmem>>
    %dma_start3A_51 = arith.constant 0 : i32
    %dma_start3A_52 = tpu.memref_slice %arg9[%multiple_of3A_46, %dma_start3A_51] : memref<10064x128xf32, #tpu.memory_space<vmem_shared>> -> memref<104x128xf32, #tpu.memory_space<vmem_shared>>
    %dma_start3A_53 = tpu.memref_slice %arg10[%dma_start3A_47] : memref<2x!tpu.dma_semaphore, #tpu.memory_space<semaphore_mem>> -> memref<1x!tpu.dma_semaphore, #tpu.memory_space<semaphore_mem>>
    %dma_start3A_54 = tpu.memref_squeeze %dma_start3A_53 : memref<1x!tpu.dma_semaphore, #tpu.memory_space<semaphore_mem>> -> memref<!tpu.dma_semaphore, #tpu.memory_space<semaphore_mem>>
    %dma_start3A_55 = arith.constant 0 : i32
    %dma_start3A_56 = tpu.memref_slice %arg9[%multiple_of3A_46, %dma_start3A_55] : memref<10064x128xf32, #tpu.memory_space<vmem_shared>> -> memref<104x128xf32, #tpu.memory_space<vmem_shared>>
    %dma_start3A_57 = arith.constant 0 : i32
    %dma_start3A_58 = arith.constant 0 : i32
    %dma_start3A_59 = tpu.memref_slice %arg7[%dma_start3A_57, %dma_start3A_58] : memref<128x128xf32, #tpu.memory_space<vmem>> -> memref<104x128xf32, #tpu.memory_space<vmem>>
    tpu.enqueue_dma source(%dma_start3A_59 : memref<104x128xf32, #tpu.memory_space<vmem>>) target(%dma_start3A_56 : memref<104x128xf32, #tpu.memory_space<vmem_shared>>) target_semaphore(%dma_start3A_54 : memref<!tpu.dma_semaphore, #tpu.memory_space<semaphore_mem>>)
    %mul3A_60 = arith.constant 624 : i32
    %mul3A_61 = arith.muli %arg1, %mul3A_60 : i32
    %add3A_62 = arith.constant 312 : i32
    %add3A_63 = arith.addi %mul3A_61, %add3A_62 : i32
    %multiple_of3A_64 = tpu.assume_multiple %add3A_63, 8 : i32
    %dma_start3A_65 = arith.constant 1 : i32
    %dma_start3A_66 = arith.constant 0 : i32
    %dma_start3A_67 = arith.constant 0 : i32
    %dma_start3A_68 = tpu.memref_slice %arg7[%dma_start3A_66, %dma_start3A_67] : memref<128x128xf32, #tpu.memory_space<vmem>> -> memref<104x128xf32, #tpu.memory_space<vmem>>
    %dma_start3A_69 = arith.constant 0 : i32
    %dma_start3A_70 = tpu.memref_slice %arg9[%multiple_of3A_64, %dma_start3A_69] : memref<10064x128xf32, #tpu.memory_space<vmem_shared>> -> memref<104x128xf32, #tpu.memory_space<vmem_shared>>
    %dma_start3A_71 = tpu.memref_slice %arg10[%dma_start3A_65] : memref<2x!tpu.dma_semaphore, #tpu.memory_space<semaphore_mem>> -> memref<1x!tpu.dma_semaphore, #tpu.memory_space<semaphore_mem>>
    %dma_start3A_72 = tpu.memref_squeeze %dma_start3A_71 : memref<1x!tpu.dma_semaphore, #tpu.memory_space<semaphore_mem>> -> memref<!tpu.dma_semaphore, #tpu.memory_space<semaphore_mem>>
    %dma_start3A_73 = arith.constant 0 : i32
    %dma_start3A_74 = tpu.memref_slice %arg9[%multiple_of3A_64, %dma_start3A_73] : memref<10064x128xf32, #tpu.memory_space<vmem_shared>> -> memref<104x128xf32, #tpu.memory_space<vmem_shared>>
    %dma_start3A_75 = arith.constant 0 : i32
    %dma_start3A_76 = arith.constant 0 : i32
    %dma_start3A_77 = tpu.memref_slice %arg7[%dma_start3A_75, %dma_start3A_76] : memref<128x128xf32, #tpu.memory_space<vmem>> -> memref<104x128xf32, #tpu.memory_space<vmem>>
    tpu.enqueue_dma source(%dma_start3A_77 : memref<104x128xf32, #tpu.memory_space<vmem>>) target(%dma_start3A_74 : memref<104x128xf32, #tpu.memory_space<vmem_shared>>) target_semaphore(%dma_start3A_72 : memref<!tpu.dma_semaphore, #tpu.memory_space<semaphore_mem>>)
    %mul3A_78 = arith.constant 624 : i32
    %mul3A_79 = arith.muli %arg1, %mul3A_78 : i32
    %add3A_80 = arith.constant 416 : i32
    %add3A_81 = arith.addi %mul3A_79, %add3A_80 : i32
    %multiple_of3A_82 = tpu.assume_multiple %add3A_81, 8 : i32
    %dma_start3A_83 = arith.constant 0 : i32
    %dma_start3A_84 = arith.constant 0 : i32
    %dma_start3A_85 = arith.constant 0 : i32
    %dma_start3A_86 = tpu.memref_slice %arg7[%dma_start3A_84, %dma_start3A_85] : memref<128x128xf32, #tpu.memory_space<vmem>> -> memref<104x128xf32, #tpu.memory_space<vmem>>
    %dma_start3A_87 = arith.constant 0 : i32
    %dma_start3A_88 = tpu.memref_slice %arg9[%multiple_of3A_82, %dma_start3A_87] : memref<10064x128xf32, #tpu.memory_space<vmem_shared>> -> memref<104x128xf32, #tpu.memory_space<vmem_shared>>
    %dma_start3A_89 = tpu.memref_slice %arg10[%dma_start3A_83] : memref<2x!tpu.dma_semaphore, #tpu.memory_space<semaphore_mem>> -> memref<1x!tpu.dma_semaphore, #tpu.memory_space<semaphore_mem>>
    %dma_start3A_90 = tpu.memref_squeeze %dma_start3A_89 : memref<1x!tpu.dma_semaphore, #tpu.memory_space<semaphore_mem>> -> memref<!tpu.dma_semaphore, #tpu.memory_space<semaphore_mem>>
    %dma_start3A_91 = arith.constant 0 : i32
    %dma_start3A_92 = tpu.memref_slice %arg9[%multiple_of3A_82, %dma_start3A_91] : memref<10064x128xf32, #tpu.memory_space<vmem_shared>> -> memref<104x128xf32, #tpu.memory_space<vmem_shared>>
    %dma_start3A_93 = arith.constant 0 : i32
    %dma_start3A_94 = arith.constant 0 : i32
    %dma_start3A_95 = tpu.memref_slice %arg7[%dma_start3A_93, %dma_start3A_94] : memref<128x128xf32, #tpu.memory_space<vmem>> -> memref<104x128xf32, #tpu.memory_space<vmem>>
    tpu.enqueue_dma source(%dma_start3A_95 : memref<104x128xf32, #tpu.memory_space<vmem>>) target(%dma_start3A_92 : memref<104x128xf32, #tpu.memory_space<vmem_shared>>) target_semaphore(%dma_start3A_90 : memref<!tpu.dma_semaphore, #tpu.memory_space<semaphore_mem>>)
    %mul3A_96 = arith.constant 624 : i32
    %mul3A_97 = arith.muli %arg1, %mul3A_96 : i32
    %add3A_98 = arith.constant 520 : i32
    %add3A_99 = arith.addi %mul3A_97, %add3A_98 : i32
    %multiple_of3A_100 = tpu.assume_multiple %add3A_99, 8 : i32
    %dma_start3A_101 = arith.constant 1 : i32
    %dma_start3A_102 = arith.constant 0 : i32
    %dma_start3A_103 = arith.constant 0 : i32
    %dma_start3A_104 = tpu.memref_slice %arg7[%dma_start3A_102, %dma_start3A_103] : memref<128x128xf32, #tpu.memory_space<vmem>> -> memref<104x128xf32, #tpu.memory_space<vmem>>
    %dma_start3A_105 = arith.constant 0 : i32
    %dma_start3A_106 = tpu.memref_slice %arg9[%multiple_of3A_100, %dma_start3A_105] : memref<10064x128xf32, #tpu.memory_space<vmem_shared>> -> memref<104x128xf32, #tpu.memory_space<vmem_shared>>
    %dma_start3A_107 = tpu.memref_slice %arg10[%dma_start3A_101] : memref<2x!tpu.dma_semaphore, #tpu.memory_space<semaphore_mem>> -> memref<1x!tpu.dma_semaphore, #tpu.memory_space<semaphore_mem>>
    %dma_start3A_108 = tpu.memref_squeeze %dma_start3A_107 : memref<1x!tpu.dma_semaphore, #tpu.memory_space<semaphore_mem>> -> memref<!tpu.dma_semaphore, #tpu.memory_space<semaphore_mem>>
    %dma_start3A_109 = arith.constant 0 : i32
    %dma_start3A_110 = tpu.memref_slice %arg9[%multiple_of3A_100, %dma_start3A_109] : memref<10064x128xf32, #tpu.memory_space<vmem_shared>> -> memref<104x128xf32, #tpu.memory_space<vmem_shared>>
    %dma_start3A_111 = arith.constant 0 : i32
    %dma_start3A_112 = arith.constant 0 : i32
    %dma_start3A_113 = tpu.memref_slice %arg7[%dma_start3A_111, %dma_start3A_112] : memref<128x128xf32, #tpu.memory_space<vmem>> -> memref<104x128xf32, #tpu.memory_space<vmem>>
    tpu.enqueue_dma source(%dma_start3A_113 : memref<104x128xf32, #tpu.memory_space<vmem>>) target(%dma_start3A_110 : memref<104x128xf32, #tpu.memory_space<vmem_shared>>) target_semaphore(%dma_start3A_108 : memref<!tpu.dma_semaphore, #tpu.memory_space<semaphore_mem>>)
    %mul3A_114 = arith.constant 624 : i32
    %mul3A_115 = arith.muli %arg1, %mul3A_114 : i32
    %add3A_116 = arith.constant 0 : i32
    %add3A_117 = arith.addi %mul3A_115, %add3A_116 : i32
    %multiple_of3A_118 = tpu.assume_multiple %add3A_117, 8 : i32
    %dma_wait3A = arith.constant 0 : i32
    %dma_wait3A_119 = arith.constant 0 : i32
    %dma_wait3A_120 = arith.constant 0 : i32
    %dma_wait3A_121 = tpu.memref_slice %arg7[%dma_wait3A_119, %dma_wait3A_120] : memref<128x128xf32, #tpu.memory_space<vmem>> -> memref<104x128xf32, #tpu.memory_space<vmem>>
    %dma_wait3A_122 = arith.constant 0 : i32
    %dma_wait3A_123 = tpu.memref_slice %arg9[%multiple_of3A_118, %dma_wait3A_122] : memref<10064x128xf32, #tpu.memory_space<vmem_shared>> -> memref<104x128xf32, #tpu.memory_space<vmem_shared>>
    %dma_wait3A_124 = tpu.memref_slice %arg10[%dma_wait3A] : memref<2x!tpu.dma_semaphore, #tpu.memory_space<semaphore_mem>> -> memref<1x!tpu.dma_semaphore, #tpu.memory_space<semaphore_mem>>
    %dma_wait3A_125 = tpu.memref_squeeze %dma_wait3A_124 : memref<1x!tpu.dma_semaphore, #tpu.memory_space<semaphore_mem>> -> memref<!tpu.dma_semaphore, #tpu.memory_space<semaphore_mem>>
    %dma_wait3A_126 = arith.constant 0 : i32
    %dma_wait3A_127 = tpu.memref_slice %arg9[%multiple_of3A_118, %dma_wait3A_126] : memref<10064x128xf32, #tpu.memory_space<vmem_shared>> -> memref<104x128xf32, #tpu.memory_space<vmem_shared>>
    %dma_wait3A_128 = arith.constant 0 : i32
    %dma_wait3A_129 = arith.constant 0 : i32
    %dma_wait3A_130 = tpu.memref_slice %arg7[%dma_wait3A_128, %dma_wait3A_129] : memref<128x128xf32, #tpu.memory_space<vmem>> -> memref<104x128xf32, #tpu.memory_space<vmem>>
    tpu.wait_dma2 semaphore(%dma_wait3A_125 : memref<!tpu.dma_semaphore, #tpu.memory_space<semaphore_mem>>) src(%dma_wait3A_130 : memref<104x128xf32, #tpu.memory_space<vmem>>) dst(%dma_wait3A_127 : memref<104x128xf32, #tpu.memory_space<vmem_shared>>)
    %mul3A_131 = arith.constant 624 : i32
    %mul3A_132 = arith.muli %arg1, %mul3A_131 : i32
    %add3A_133 = arith.constant 104 : i32
    %add3A_134 = arith.addi %mul3A_132, %add3A_133 : i32
    %multiple_of3A_135 = tpu.assume_multiple %add3A_134, 8 : i32
    %dma_wait3A_136 = arith.constant 1 : i32
    %dma_wait3A_137 = arith.constant 0 : i32
    %dma_wait3A_138 = arith.constant 0 : i32
    %dma_wait3A_139 = tpu.memref_slice %arg7[%dma_wait3A_137, %dma_wait3A_138] : memref<128x128xf32, #tpu.memory_space<vmem>> -> memref<104x128xf32, #tpu.memory_space<vmem>>
    %dma_wait3A_140 = arith.constant 0 : i32
    %dma_wait3A_141 = tpu.memref_slice %arg9[%multiple_of3A_135, %dma_wait3A_140] : memref<10064x128xf32, #tpu.memory_space<vmem_shared>> -> memref<104x128xf32, #tpu.memory_space<vmem_shared>>
    %dma_wait3A_142 = tpu.memref_slice %arg10[%dma_wait3A_136] : memref<2x!tpu.dma_semaphore, #tpu.memory_space<semaphore_mem>> -> memref<1x!tpu.dma_semaphore, #tpu.memory_space<semaphore_mem>>
    %dma_wait3A_143 = tpu.memref_squeeze %dma_wait3A_142 : memref<1x!tpu.dma_semaphore, #tpu.memory_space<semaphore_mem>> -> memref<!tpu.dma_semaphore, #tpu.memory_space<semaphore_mem>>
    %dma_wait3A_144 = arith.constant 0 : i32
    %dma_wait3A_145 = tpu.memref_slice %arg9[%multiple_of3A_135, %dma_wait3A_144] : memref<10064x128xf32, #tpu.memory_space<vmem_shared>> -> memref<104x128xf32, #tpu.memory_space<vmem_shared>>
    %dma_wait3A_146 = arith.constant 0 : i32
    %dma_wait3A_147 = arith.constant 0 : i32
    %dma_wait3A_148 = tpu.memref_slice %arg7[%dma_wait3A_146, %dma_wait3A_147] : memref<128x128xf32, #tpu.memory_space<vmem>> -> memref<104x128xf32, #tpu.memory_space<vmem>>
    tpu.wait_dma2 semaphore(%dma_wait3A_143 : memref<!tpu.dma_semaphore, #tpu.memory_space<semaphore_mem>>) src(%dma_wait3A_148 : memref<104x128xf32, #tpu.memory_space<vmem>>) dst(%dma_wait3A_145 : memref<104x128xf32, #tpu.memory_space<vmem_shared>>)
    %mul3A_149 = arith.constant 624 : i32
    %mul3A_150 = arith.muli %arg1, %mul3A_149 : i32
    %add3A_151 = arith.constant 208 : i32
    %add3A_152 = arith.addi %mul3A_150, %add3A_151 : i32
    %multiple_of3A_153 = tpu.assume_multiple %add3A_152, 8 : i32
    %dma_wait3A_154 = arith.constant 0 : i32
    %dma_wait3A_155 = arith.constant 0 : i32
    %dma_wait3A_156 = arith.constant 0 : i32
    %dma_wait3A_157 = tpu.memref_slice %arg7[%dma_wait3A_155, %dma_wait3A_156] : memref<128x128xf32, #tpu.memory_space<vmem>> -> memref<104x128xf32, #tpu.memory_space<vmem>>
    %dma_wait3A_158 = arith.constant 0 : i32
    %dma_wait3A_159 = tpu.memref_slice %arg9[%multiple_of3A_153, %dma_wait3A_158] : memref<10064x128xf32, #tpu.memory_space<vmem_shared>> -> memref<104x128xf32, #tpu.memory_space<vmem_shared>>
    %dma_wait3A_160 = tpu.memref_slice %arg10[%dma_wait3A_154] : memref<2x!tpu.dma_semaphore, #tpu.memory_space<semaphore_mem>> -> memref<1x!tpu.dma_semaphore, #tpu.memory_space<semaphore_mem>>
    %dma_wait3A_161 = tpu.memref_squeeze %dma_wait3A_160 : memref<1x!tpu.dma_semaphore, #tpu.memory_space<semaphore_mem>> -> memref<!tpu.dma_semaphore, #tpu.memory_space<semaphore_mem>>
    %dma_wait3A_162 = arith.constant 0 : i32
    %dma_wait3A_163 = tpu.memref_slice %arg9[%multiple_of3A_153, %dma_wait3A_162] : memref<10064x128xf32, #tpu.memory_space<vmem_shared>> -> memref<104x128xf32, #tpu.memory_space<vmem_shared>>
    %dma_wait3A_164 = arith.constant 0 : i32
    %dma_wait3A_165 = arith.constant 0 : i32
    %dma_wait3A_166 = tpu.memref_slice %arg7[%dma_wait3A_164, %dma_wait3A_165] : memref<128x128xf32, #tpu.memory_space<vmem>> -> memref<104x128xf32, #tpu.memory_space<vmem>>
    tpu.wait_dma2 semaphore(%dma_wait3A_161 : memref<!tpu.dma_semaphore, #tpu.memory_space<semaphore_mem>>) src(%dma_wait3A_166 : memref<104x128xf32, #tpu.memory_space<vmem>>) dst(%dma_wait3A_163 : memref<104x128xf32, #tpu.memory_space<vmem_shared>>)
    %mul3A_167 = arith.constant 624 : i32
    %mul3A_168 = arith.muli %arg1, %mul3A_167 : i32
    %add3A_169 = arith.constant 312 : i32
    %add3A_170 = arith.addi %mul3A_168, %add3A_169 : i32
    %multiple_of3A_171 = tpu.assume_multiple %add3A_170, 8 : i32
    %dma_wait3A_172 = arith.constant 1 : i32
    %dma_wait3A_173 = arith.constant 0 : i32
    %dma_wait3A_174 = arith.constant 0 : i32
    %dma_wait3A_175 = tpu.memref_slice %arg7[%dma_wait3A_173, %dma_wait3A_174] : memref<128x128xf32, #tpu.memory_space<vmem>> -> memref<104x128xf32, #tpu.memory_space<vmem>>
    %dma_wait3A_176 = arith.constant 0 : i32
    %dma_wait3A_177 = tpu.memref_slice %arg9[%multiple_of3A_171, %dma_wait3A_176] : memref<10064x128xf32, #tpu.memory_space<vmem_shared>> -> memref<104x128xf32, #tpu.memory_space<vmem_shared>>
    %dma_wait3A_178 = tpu.memref_slice %arg10[%dma_wait3A_172] : memref<2x!tpu.dma_semaphore, #tpu.memory_space<semaphore_mem>> -> memref<1x!tpu.dma_semaphore, #tpu.memory_space<semaphore_mem>>
    %dma_wait3A_179 = tpu.memref_squeeze %dma_wait3A_178 : memref<1x!tpu.dma_semaphore, #tpu.memory_space<semaphore_mem>> -> memref<!tpu.dma_semaphore, #tpu.memory_space<semaphore_mem>>
    %dma_wait3A_180 = arith.constant 0 : i32
    %dma_wait3A_181 = tpu.memref_slice %arg9[%multiple_of3A_171, %dma_wait3A_180] : memref<10064x128xf32, #tpu.memory_space<vmem_shared>> -> memref<104x128xf32, #tpu.memory_space<vmem_shared>>
    %dma_wait3A_182 = arith.constant 0 : i32
    %dma_wait3A_183 = arith.constant 0 : i32
    %dma_wait3A_184 = tpu.memref_slice %arg7[%dma_wait3A_182, %dma_wait3A_183] : memref<128x128xf32, #tpu.memory_space<vmem>> -> memref<104x128xf32, #tpu.memory_space<vmem>>
    tpu.wait_dma2 semaphore(%dma_wait3A_179 : memref<!tpu.dma_semaphore, #tpu.memory_space<semaphore_mem>>) src(%dma_wait3A_184 : memref<104x128xf32, #tpu.memory_space<vmem>>) dst(%dma_wait3A_181 : memref<104x128xf32, #tpu.memory_space<vmem_shared>>)
    %mul3A_185 = arith.constant 624 : i32
    %mul3A_186 = arith.muli %arg1, %mul3A_185 : i32
    %add3A_187 = arith.constant 416 : i32
    %add3A_188 = arith.addi %mul3A_186, %add3A_187 : i32
    %multiple_of3A_189 = tpu.assume_multiple %add3A_188, 8 : i32
    %dma_wait3A_190 = arith.constant 0 : i32
    %dma_wait3A_191 = arith.constant 0 : i32
    %dma_wait3A_192 = arith.constant 0 : i32
    %dma_wait3A_193 = tpu.memref_slice %arg7[%dma_wait3A_191, %dma_wait3A_192] : memref<128x128xf32, #tpu.memory_space<vmem>> -> memref<104x128xf32, #tpu.memory_space<vmem>>
    %dma_wait3A_194 = arith.constant 0 : i32
    %dma_wait3A_195 = tpu.memref_slice %arg9[%multiple_of3A_189, %dma_wait3A_194] : memref<10064x128xf32, #tpu.memory_space<vmem_shared>> -> memref<104x128xf32, #tpu.memory_space<vmem_shared>>
    %dma_wait3A_196 = tpu.memref_slice %arg10[%dma_wait3A_190] : memref<2x!tpu.dma_semaphore, #tpu.memory_space<semaphore_mem>> -> memref<1x!tpu.dma_semaphore, #tpu.memory_space<semaphore_mem>>
    %dma_wait3A_197 = tpu.memref_squeeze %dma_wait3A_196 : memref<1x!tpu.dma_semaphore, #tpu.memory_space<semaphore_mem>> -> memref<!tpu.dma_semaphore, #tpu.memory_space<semaphore_mem>>
    %dma_wait3A_198 = arith.constant 0 : i32
    %dma_wait3A_199 = tpu.memref_slice %arg9[%multiple_of3A_189, %dma_wait3A_198] : memref<10064x128xf32, #tpu.memory_space<vmem_shared>> -> memref<104x128xf32, #tpu.memory_space<vmem_shared>>
    %dma_wait3A_200 = arith.constant 0 : i32
    %dma_wait3A_201 = arith.constant 0 : i32
    %dma_wait3A_202 = tpu.memref_slice %arg7[%dma_wait3A_200, %dma_wait3A_201] : memref<128x128xf32, #tpu.memory_space<vmem>> -> memref<104x128xf32, #tpu.memory_space<vmem>>
    tpu.wait_dma2 semaphore(%dma_wait3A_197 : memref<!tpu.dma_semaphore, #tpu.memory_space<semaphore_mem>>) src(%dma_wait3A_202 : memref<104x128xf32, #tpu.memory_space<vmem>>) dst(%dma_wait3A_199 : memref<104x128xf32, #tpu.memory_space<vmem_shared>>)
    %mul3A_203 = arith.constant 624 : i32
    %mul3A_204 = arith.muli %arg1, %mul3A_203 : i32
    %add3A_205 = arith.constant 520 : i32
    %add3A_206 = arith.addi %mul3A_204, %add3A_205 : i32
    %multiple_of3A_207 = tpu.assume_multiple %add3A_206, 8 : i32
    %dma_wait3A_208 = arith.constant 1 : i32
    %dma_wait3A_209 = arith.constant 0 : i32
    %dma_wait3A_210 = arith.constant 0 : i32
    %dma_wait3A_211 = tpu.memref_slice %arg7[%dma_wait3A_209, %dma_wait3A_210] : memref<128x128xf32, #tpu.memory_space<vmem>> -> memref<104x128xf32, #tpu.memory_space<vmem>>
    %dma_wait3A_212 = arith.constant 0 : i32
    %dma_wait3A_213 = tpu.memref_slice %arg9[%multiple_of3A_207, %dma_wait3A_212] : memref<10064x128xf32, #tpu.memory_space<vmem_shared>> -> memref<104x128xf32, #tpu.memory_space<vmem_shared>>
    %dma_wait3A_214 = tpu.memref_slice %arg10[%dma_wait3A_208] : memref<2x!tpu.dma_semaphore, #tpu.memory_space<semaphore_mem>> -> memref<1x!tpu.dma_semaphore, #tpu.memory_space<semaphore_mem>>
    %dma_wait3A_215 = tpu.memref_squeeze %dma_wait3A_214 : memref<1x!tpu.dma_semaphore, #tpu.memory_space<semaphore_mem>> -> memref<!tpu.dma_semaphore, #tpu.memory_space<semaphore_mem>>
    %dma_wait3A_216 = arith.constant 0 : i32
    %dma_wait3A_217 = tpu.memref_slice %arg9[%multiple_of3A_207, %dma_wait3A_216] : memref<10064x128xf32, #tpu.memory_space<vmem_shared>> -> memref<104x128xf32, #tpu.memory_space<vmem_shared>>
    %dma_wait3A_218 = arith.constant 0 : i32
    %dma_wait3A_219 = arith.constant 0 : i32
    %dma_wait3A_220 = tpu.memref_slice %arg7[%dma_wait3A_218, %dma_wait3A_219] : memref<128x128xf32, #tpu.memory_space<vmem>> -> memref<104x128xf32, #tpu.memory_space<vmem>>
    tpu.wait_dma2 semaphore(%dma_wait3A_215 : memref<!tpu.dma_semaphore, #tpu.memory_space<semaphore_mem>>) src(%dma_wait3A_220 : memref<104x128xf32, #tpu.memory_space<vmem>>) dst(%dma_wait3A_217 : memref<104x128xf32, #tpu.memory_space<vmem_shared>>)
    %eq3A = arith.constant 15 : i32
    %eq3A_221 = arith.cmpi eq, %arg1, %eq3A : i32
    %convert_element_type3A = arith.extui %eq3A_221 : i1 to i32
    %cond3A = arith.constant 0 : i32
    %cond3A_222 = arith.cmpi ne, %convert_element_type3A, %cond3A : i32
    scf.if %cond3A_222 {
      "tpu.region"() ({
        %run_scoped3A_501 = tpu.sem_alloc : memref<!tpu.dma_semaphore, #tpu.memory_space<semaphore_mem>>
        %dma_start3A_502 = arith.constant 0 : i32
        %dma_start3A_503 = arith.constant 0 : i32
        %dma_start3A_504 = tpu.memref_slice %arg7[%dma_start3A_502, %dma_start3A_503] : memref<128x128xf32, #tpu.memory_space<vmem>> -> memref<80x128xf32, #tpu.memory_space<vmem>>
        %dma_start3A_505 = arith.constant 9984 : i32
        %dma_start3A_506 = arith.constant 0 : i32
        %dma_start3A_507 = tpu.memref_slice %arg9[%dma_start3A_505, %dma_start3A_506] : memref<10064x128xf32, #tpu.memory_space<vmem_shared>> -> memref<80x128xf32, #tpu.memory_space<vmem_shared>>
        %dma_start3A_508 = arith.constant 9984 : i32
        %dma_start3A_509 = arith.constant 0 : i32
        %dma_start3A_510 = tpu.memref_slice %arg9[%dma_start3A_508, %dma_start3A_509] : memref<10064x128xf32, #tpu.memory_space<vmem_shared>> -> memref<80x128xf32, #tpu.memory_space<vmem_shared>>
        %dma_start3A_511 = arith.constant 0 : i32
        %dma_start3A_512 = arith.constant 0 : i32
        %dma_start3A_513 = tpu.memref_slice %arg7[%dma_start3A_511, %dma_start3A_512] : memref<128x128xf32, #tpu.memory_space<vmem>> -> memref<80x128xf32, #tpu.memory_space<vmem>>
        tpu.enqueue_dma source(%dma_start3A_513 : memref<80x128xf32, #tpu.memory_space<vmem>>) target(%dma_start3A_510 : memref<80x128xf32, #tpu.memory_space<vmem_shared>>) target_semaphore(%run_scoped3A_501 : memref<!tpu.dma_semaphore, #tpu.memory_space<semaphore_mem>>)
        %dma_wait3A_514 = arith.constant 0 : i32
        %dma_wait3A_515 = arith.constant 0 : i32
        %dma_wait3A_516 = tpu.memref_slice %arg7[%dma_wait3A_514, %dma_wait3A_515] : memref<128x128xf32, #tpu.memory_space<vmem>> -> memref<80x128xf32, #tpu.memory_space<vmem>>
        %dma_wait3A_517 = arith.constant 9984 : i32
        %dma_wait3A_518 = arith.constant 0 : i32
        %dma_wait3A_519 = tpu.memref_slice %arg9[%dma_wait3A_517, %dma_wait3A_518] : memref<10064x128xf32, #tpu.memory_space<vmem_shared>> -> memref<80x128xf32, #tpu.memory_space<vmem_shared>>
        %dma_wait3A_520 = arith.constant 9984 : i32
        %dma_wait3A_521 = arith.constant 0 : i32
        %dma_wait3A_522 = tpu.memref_slice %arg9[%dma_wait3A_520, %dma_wait3A_521] : memref<10064x128xf32, #tpu.memory_space<vmem_shared>> -> memref<80x128xf32, #tpu.memory_space<vmem_shared>>
        %dma_wait3A_523 = arith.constant 0 : i32
        %dma_wait3A_524 = arith.constant 0 : i32
        %dma_wait3A_525 = tpu.memref_slice %arg7[%dma_wait3A_523, %dma_wait3A_524] : memref<128x128xf32, #tpu.memory_space<vmem>> -> memref<80x128xf32, #tpu.memory_space<vmem>>
        tpu.wait_dma2 semaphore(%run_scoped3A_501 : memref<!tpu.dma_semaphore, #tpu.memory_space<semaphore_mem>>) src(%dma_wait3A_525 : memref<80x128xf32, #tpu.memory_space<vmem>>) dst(%dma_wait3A_522 : memref<80x128xf32, #tpu.memory_space<vmem_shared>>)
        tpu.yield
      }) : () -> ()
    } else {
    }
    %barrier3A = arith.constant 0 : index
    tpu.barrier barrier_id(%barrier3A)
    %add3A_223 = arith.constant 0 : i32
    %add3A_224 = arith.addi %multiple_of3A, %add3A_223 : i32
    %multiple_of3A_225 = tpu.assume_multiple %add3A_224, 8 : i32
    %run_scoped3A = arith.constant 0 : i32
    "tpu.region"() ({
      %run_scoped3A_501 = tpu.sem_alloc : memref<!tpu.dma_semaphore, #tpu.memory_space<semaphore_mem>>
      %dma_start3A_502 = arith.constant 0 : i32
      %dma_start3A_503 = arith.constant 0 : i32
      %dma_start3A_504 = tpu.memref_slice %arg3[%run_scoped3A, %multiple_of3A_225, %dma_start3A_502, %dma_start3A_503] : memref<2x2560x2x128xi32, #tpu.memory_space<hbm>> -> memref<1x16x2x128xi32, #tpu.memory_space<hbm>>
      %dma_start3A_505 = tpu.memref_squeeze %dma_start3A_504 : memref<1x16x2x128xi32, #tpu.memory_space<hbm>> -> memref<16x2x128xi32, #tpu.memory_space<hbm>>
      %dma_start3A_506 = arith.constant 0 : i32
      %dma_start3A_507 = arith.constant 0 : i32
      %dma_start3A_508 = tpu.memref_slice %arg3[%run_scoped3A, %multiple_of3A_225, %dma_start3A_506, %dma_start3A_507] : memref<2x2560x2x128xi32, #tpu.memory_space<hbm>> -> memref<1x16x2x128xi32, #tpu.memory_space<hbm>>
      %dma_start3A_509 = tpu.memref_squeeze %dma_start3A_508 : memref<1x16x2x128xi32, #tpu.memory_space<hbm>> -> memref<16x2x128xi32, #tpu.memory_space<hbm>>
      tpu.enqueue_dma source(%dma_start3A_509 : memref<16x2x128xi32, #tpu.memory_space<hbm>>) target(%arg5 : memref<16x2x128xi32, #tpu.memory_space<vmem>>) target_semaphore(%run_scoped3A_501 : memref<!tpu.dma_semaphore, #tpu.memory_space<semaphore_mem>>)
      %dma_wait3A_510 = arith.constant 0 : i32
      %dma_wait3A_511 = arith.constant 0 : i32
      %dma_wait3A_512 = tpu.memref_slice %arg3[%run_scoped3A, %multiple_of3A_225, %dma_wait3A_510, %dma_wait3A_511] : memref<2x2560x2x128xi32, #tpu.memory_space<hbm>> -> memref<1x16x2x128xi32, #tpu.memory_space<hbm>>
      %dma_wait3A_513 = tpu.memref_squeeze %dma_wait3A_512 : memref<1x16x2x128xi32, #tpu.memory_space<hbm>> -> memref<16x2x128xi32, #tpu.memory_space<hbm>>
      %dma_wait3A_514 = arith.constant 0 : i32
      %dma_wait3A_515 = arith.constant 0 : i32
      %dma_wait3A_516 = tpu.memref_slice %arg3[%run_scoped3A, %multiple_of3A_225, %dma_wait3A_514, %dma_wait3A_515] : memref<2x2560x2x128xi32, #tpu.memory_space<hbm>> -> memref<1x16x2x128xi32, #tpu.memory_space<hbm>>
      %dma_wait3A_517 = tpu.memref_squeeze %dma_wait3A_516 : memref<1x16x2x128xi32, #tpu.memory_space<hbm>> -> memref<16x2x128xi32, #tpu.memory_space<hbm>>
      tpu.wait_dma2 semaphore(%run_scoped3A_501 : memref<!tpu.dma_semaphore, #tpu.memory_space<semaphore_mem>>) src(%dma_wait3A_517 : memref<16x2x128xi32, #tpu.memory_space<hbm>>) dst(%arg5 : memref<16x2x128xi32, #tpu.memory_space<vmem>>)
      tpu.yield
    }) : () -> ()
    %scan3A_226 = arith.constant 0 : i32
    %scan3A_227 = arith.constant 5 : i32
    %scan3A_228 = arith.addi %scan3A_226, %scan3A_227 : i32
    %scan3A_229 = arith.constant 1 : i32
    scf.for %scan3A_501 = %scan3A_226 to %scan3A_228 step %scan3A_229  : i32 {
      %mul3A_502 = arith.constant 1 : i32
      %mul3A_503 = arith.muli %scan3A_501, %mul3A_502 : i32
      %add3A_504 = arith.constant 0 : i32
      %add3A_505 = arith.addi %add3A_504, %mul3A_503 : i32
      %jit3A = arith.constant 2 : i32
      %eq3A_506 = arith.constant 0 : i32
      %eq3A_507 = arith.cmpi eq, %jit3A, %eq3A_506 : i32
      %jit3A_508 = arith.constant 1 : i32
      %select_n3A = arith.select %eq3A_507, %jit3A_508, %jit3A : i32
      %rem3A = arith.remsi %add3A_505, %select_n3A : i32
      %ne3A = arith.constant 0 : i32
      %ne3A_509 = arith.cmpi ne, %rem3A, %ne3A : i32
      %lt3A = arith.constant 0 : i32
      %lt3A_510 = arith.cmpi slt, %rem3A, %lt3A : i32
      %lt3A_511 = arith.constant 0 : i32
      %lt3A_512 = arith.cmpi slt, %select_n3A, %lt3A_511 : i32
      %ne3A_513 = arith.xori %lt3A_510, %lt3A_512 : i1
      %and3A = arith.andi %ne3A_513, %ne3A_509 : i1
      %add3A_514 = arith.addi %rem3A, %select_n3A : i32
      %select_n3A_515 = arith.select %and3A, %add3A_514, %rem3A : i32
      %eq3A_516 = arith.constant 0 : i32
      %eq3A_517 = arith.cmpi eq, %select_n3A_515, %eq3A_516 : i32
      %convert_element_type3A_518 = arith.extui %eq3A_517 : i1 to i32
      %cond3A_519 = arith.constant 0 : i32
      %cond3A_520 = arith.cmpi ne, %convert_element_type3A_518, %cond3A_519 : i32
      scf.if %cond3A_520 {
        %gt3A = arith.constant 0 : i32
        %gt3A_542 = arith.cmpi sgt, %add3A_505, %gt3A : i32
        %convert_element_type3A_543 = arith.extui %gt3A_542 : i1 to i32
        %cond3A_544 = arith.constant 0 : i32
        %cond3A_545 = arith.cmpi ne, %convert_element_type3A_543, %cond3A_544 : i32
        scf.if %cond3A_545 {
          %mul3A_580 = arith.constant 16 : i32
          %mul3A_581 = arith.muli %add3A_505, %mul3A_580 : i32
          %add3A_582 = arith.addi %multiple_of3A, %mul3A_581 : i32
          %multiple_of3A_583 = tpu.assume_multiple %add3A_582, 8 : i32
          %dma_wait3A_584 = arith.constant 0 : i32
          %dma_wait3A_585 = arith.constant 0 : i32
          %dma_wait3A_586 = arith.constant 0 : i32
          %dma_wait3A_587 = tpu.memref_slice %arg3[%dma_wait3A_584, %multiple_of3A_583, %dma_wait3A_585, %dma_wait3A_586] : memref<2x2560x2x128xi32, #tpu.memory_space<hbm>> -> memref<1x16x2x128xi32, #tpu.memory_space<hbm>>
          %dma_wait3A_588 = tpu.memref_squeeze %dma_wait3A_587 : memref<1x16x2x128xi32, #tpu.memory_space<hbm>> -> memref<16x2x128xi32, #tpu.memory_space<hbm>>
          %dma_wait3A_589 = arith.constant 0 : i32
          %dma_wait3A_590 = arith.constant 0 : i32
          %dma_wait3A_591 = tpu.memref_slice %arg3[%dma_wait3A_584, %multiple_of3A_583, %dma_wait3A_589, %dma_wait3A_590] : memref<2x2560x2x128xi32, #tpu.memory_space<hbm>> -> memref<1x16x2x128xi32, #tpu.memory_space<hbm>>
          %dma_wait3A_592 = tpu.memref_squeeze %dma_wait3A_591 : memref<1x16x2x128xi32, #tpu.memory_space<hbm>> -> memref<16x2x128xi32, #tpu.memory_space<hbm>>
          tpu.wait_dma2 semaphore(%arg12 : memref<!tpu.dma_semaphore, #tpu.memory_space<semaphore_mem>>) src(%dma_wait3A_592 : memref<16x2x128xi32, #tpu.memory_space<hbm>>) dst(%arg5 : memref<16x2x128xi32, #tpu.memory_space<vmem>>)
        } else {
        }
        %add3A_546 = arith.constant 1 : i32
        %add3A_547 = arith.addi %add3A_505, %add3A_546 : i32
        %lt3A_548 = arith.constant 5 : i32
        %lt3A_549 = arith.cmpi slt, %add3A_547, %lt3A_548 : i32
        %convert_element_type3A_550 = arith.extui %lt3A_549 : i1 to i32
        %cond3A_551 = arith.constant 0 : i32
        %cond3A_552 = arith.cmpi ne, %convert_element_type3A_550, %cond3A_551 : i32
        scf.if %cond3A_552 {
          %add3A_580 = arith.constant 1 : i32
          %add3A_581 = arith.addi %add3A_505, %add3A_580 : i32
          %mul3A_582 = arith.constant 16 : i32
          %mul3A_583 = arith.muli %add3A_581, %mul3A_582 : i32
          %add3A_584 = arith.addi %multiple_of3A, %mul3A_583 : i32
          %multiple_of3A_585 = tpu.assume_multiple %add3A_584, 8 : i32
          %dma_start3A_586 = arith.constant 0 : i32
          %dma_start3A_587 = arith.constant 0 : i32
          %dma_start3A_588 = arith.constant 0 : i32
          %dma_start3A_589 = tpu.memref_slice %arg3[%dma_start3A_586, %multiple_of3A_585, %dma_start3A_587, %dma_start3A_588] : memref<2x2560x2x128xi32, #tpu.memory_space<hbm>> -> memref<1x16x2x128xi32, #tpu.memory_space<hbm>>
          %dma_start3A_590 = tpu.memref_squeeze %dma_start3A_589 : memref<1x16x2x128xi32, #tpu.memory_space<hbm>> -> memref<16x2x128xi32, #tpu.memory_space<hbm>>
          %dma_start3A_591 = arith.constant 0 : i32
          %dma_start3A_592 = arith.constant 0 : i32
          %dma_start3A_593 = tpu.memref_slice %arg3[%dma_start3A_586, %multiple_of3A_585, %dma_start3A_591, %dma_start3A_592] : memref<2x2560x2x128xi32, #tpu.memory_space<hbm>> -> memref<1x16x2x128xi32, #tpu.memory_space<hbm>>
          %dma_start3A_594 = tpu.memref_squeeze %dma_start3A_593 : memref<1x16x2x128xi32, #tpu.memory_space<hbm>> -> memref<16x2x128xi32, #tpu.memory_space<hbm>>
          tpu.enqueue_dma source(%dma_start3A_594 : memref<16x2x128xi32, #tpu.memory_space<hbm>>) target(%arg6 : memref<16x2x128xi32, #tpu.memory_space<vmem>>) target_semaphore(%arg12 : memref<!tpu.dma_semaphore, #tpu.memory_space<semaphore_mem>>)
        } else {
        }
        %dma_start3A_553 = arith.constant 0 : i32
        %dma_start3A_554 = arith.constant 0 : i32
        %dma_start3A_555 = arith.constant 0 : i32
        %dma_start3A_556 = arith.constant 0 : i32
        %dma_start3A_557 = tpu.memref_slice %arg5[%dma_start3A_553, %dma_start3A_554, %dma_start3A_556] : memref<16x2x128xi32, #tpu.memory_space<vmem>> -> memref<1x1x128xi32, #tpu.memory_space<vmem>>
        %dma_start3A_558 = tpu.memref_squeeze %dma_start3A_557 : memref<1x1x128xi32, #tpu.memory_space<vmem>> -> memref<128xi32, #tpu.memory_space<vmem>>
        %dma_start3A_559 = arith.constant 0 : i32
        %dma_start3A_560 = arith.constant 0 : i32
        %dma_start3A_561 = tpu.memref_slice %arg2[%dma_start3A_559, %dma_start3A_560] : memref<10000x128xf32, #tpu.memory_space<hbm>> -> memref<10000x128xf32, #tpu.memory_space<hbm>>
        %dma_start3A_562 = tpu.memref_slice %arg10[%dma_start3A_555] : memref<2x!tpu.dma_semaphore, #tpu.memory_space<semaphore_mem>> -> memref<1x!tpu.dma_semaphore, #tpu.memory_space<semaphore_mem>>
        %dma_start3A_563 = tpu.memref_squeeze %dma_start3A_562 : memref<1x!tpu.dma_semaphore, #tpu.memory_space<semaphore_mem>> -> memref<!tpu.dma_semaphore, #tpu.memory_space<semaphore_mem>>
        tpu.enqueue_indirect_dma source(%dma_start3A_561 : memref<10000x128xf32, #tpu.memory_space<hbm>>) target(%arg7 : memref<128x128xf32, #tpu.memory_space<vmem>>) offsets(%dma_start3A_558 : memref<128xi32, #tpu.memory_space<vmem>>) semaphore(%dma_start3A_563 : memref<!tpu.dma_semaphore, #tpu.memory_space<semaphore_mem>>)
        %scan3A_564 = arith.constant 0 : i32
        %scan3A_565 = arith.constant 8 : i32
        %scan3A_566 = arith.addi %scan3A_564, %scan3A_565 : i32
        %scan3A_567 = arith.constant 1 : i32
        scf.for %scan3A_580 = %scan3A_564 to %scan3A_566 step %scan3A_567  : i32 {
          %mul3A_581 = arith.constant 1 : i32
          %mul3A_582 = arith.muli %scan3A_580, %mul3A_581 : i32
          %add3A_583 = arith.constant 0 : i32
          %add3A_584 = arith.addi %add3A_583, %mul3A_582 : i32
          %mul3A_585 = arith.constant 2 : i32
          %mul3A_586 = arith.muli %add3A_584, %mul3A_585 : i32
          %dma_wait3A_587 = arith.constant 0 : i32
          %dma_wait3A_588 = arith.constant 0 : i32
          %dma_wait3A_589 = arith.constant 0 : i32
          %dma_wait3A_590 = tpu.memref_slice %arg5[%mul3A_586, %dma_wait3A_587, %dma_wait3A_589] : memref<16x2x128xi32, #tpu.memory_space<vmem>> -> memref<1x1x128xi32, #tpu.memory_space<vmem>>
          %dma_wait3A_591 = tpu.memref_squeeze %dma_wait3A_590 : memref<1x1x128xi32, #tpu.memory_space<vmem>> -> memref<128xi32, #tpu.memory_space<vmem>>
          %dma_wait3A_592 = arith.constant 0 : i32
          %dma_wait3A_593 = arith.constant 0 : i32
          %dma_wait3A_594 = tpu.memref_slice %arg2[%dma_wait3A_592, %dma_wait3A_593] : memref<10000x128xf32, #tpu.memory_space<hbm>> -> memref<10000x128xf32, #tpu.memory_space<hbm>>
          %dma_wait3A_595 = tpu.memref_slice %arg10[%dma_wait3A_588] : memref<2x!tpu.dma_semaphore, #tpu.memory_space<semaphore_mem>> -> memref<1x!tpu.dma_semaphore, #tpu.memory_space<semaphore_mem>>
          %dma_wait3A_596 = tpu.memref_squeeze %dma_wait3A_595 : memref<1x!tpu.dma_semaphore, #tpu.memory_space<semaphore_mem>> -> memref<!tpu.dma_semaphore, #tpu.memory_space<semaphore_mem>>
          tpu.wait_indirect_dma semaphore(%dma_wait3A_596 : memref<!tpu.dma_semaphore, #tpu.memory_space<semaphore_mem>>) src(%dma_wait3A_594 : memref<10000x128xf32, #tpu.memory_space<hbm>>) dst(%arg7 : memref<128x128xf32, #tpu.memory_space<vmem>>)
          %gt3A_597 = arith.constant 0 : i32
          %gt3A_598 = arith.cmpi sgt, %add3A_584, %gt3A_597 : i32
          %convert_element_type3A_599 = arith.extui %gt3A_598 : i1 to i32
          %cond3A_600 = arith.constant 0 : i32
          %cond3A_601 = arith.cmpi ne, %convert_element_type3A_599, %cond3A_600 : i32
          scf.if %cond3A_601 {
            %sub3A = arith.constant 1 : i32
            %sub3A_663 = arith.subi %mul3A_586, %sub3A : i32
            %dma_wait3A_664 = arith.constant 1 : i32
            %dma_wait3A_665 = arith.constant 1 : i32
            %dma_wait3A_666 = arith.constant 0 : i32
            %dma_wait3A_667 = tpu.memref_slice %arg5[%sub3A_663, %dma_wait3A_664, %dma_wait3A_666] : memref<16x2x128xi32, #tpu.memory_space<vmem>> -> memref<1x1x128xi32, #tpu.memory_space<vmem>>
            %dma_wait3A_668 = tpu.memref_squeeze %dma_wait3A_667 : memref<1x1x128xi32, #tpu.memory_space<vmem>> -> memref<128xi32, #tpu.memory_space<vmem>>
            %dma_wait3A_669 = arith.constant 0 : i32
            %dma_wait3A_670 = arith.constant 0 : i32
            %dma_wait3A_671 = tpu.memref_slice %arg9[%dma_wait3A_669, %dma_wait3A_670] : memref<10064x128xf32, #tpu.memory_space<vmem_shared>> -> memref<10064x128xf32, #tpu.memory_space<vmem_shared>>
            %dma_wait3A_672 = tpu.memref_slice %arg11[%dma_wait3A_665] : memref<2x!tpu.dma_semaphore, #tpu.memory_space<semaphore_mem>> -> memref<1x!tpu.dma_semaphore, #tpu.memory_space<semaphore_mem>>
            %dma_wait3A_673 = tpu.memref_squeeze %dma_wait3A_672 : memref<1x!tpu.dma_semaphore, #tpu.memory_space<semaphore_mem>> -> memref<!tpu.dma_semaphore, #tpu.memory_space<semaphore_mem>>
            tpu.wait_indirect_dma semaphore(%dma_wait3A_673 : memref<!tpu.dma_semaphore, #tpu.memory_space<semaphore_mem>>) src(%arg8 : memref<128x128xf32, #tpu.memory_space<vmem>>) dst(%dma_wait3A_671 : memref<10064x128xf32, #tpu.memory_space<vmem_shared>>)
          } else {
          }
          %add3A_602 = arith.constant 1 : i32
          %add3A_603 = arith.addi %mul3A_586, %add3A_602 : i32
          %dma_start3A_604 = arith.constant 0 : i32
          %dma_start3A_605 = arith.constant 1 : i32
          %dma_start3A_606 = arith.constant 0 : i32
          %dma_start3A_607 = tpu.memref_slice %arg5[%add3A_603, %dma_start3A_604, %dma_start3A_606] : memref<16x2x128xi32, #tpu.memory_space<vmem>> -> memref<1x1x128xi32, #tpu.memory_space<vmem>>
          %dma_start3A_608 = tpu.memref_squeeze %dma_start3A_607 : memref<1x1x128xi32, #tpu.memory_space<vmem>> -> memref<128xi32, #tpu.memory_space<vmem>>
          %dma_start3A_609 = arith.constant 0 : i32
          %dma_start3A_610 = arith.constant 0 : i32
          %dma_start3A_611 = tpu.memref_slice %arg2[%dma_start3A_609, %dma_start3A_610] : memref<10000x128xf32, #tpu.memory_space<hbm>> -> memref<10000x128xf32, #tpu.memory_space<hbm>>
          %dma_start3A_612 = tpu.memref_slice %arg10[%dma_start3A_605] : memref<2x!tpu.dma_semaphore, #tpu.memory_space<semaphore_mem>> -> memref<1x!tpu.dma_semaphore, #tpu.memory_space<semaphore_mem>>
          %dma_start3A_613 = tpu.memref_squeeze %dma_start3A_612 : memref<1x!tpu.dma_semaphore, #tpu.memory_space<semaphore_mem>> -> memref<!tpu.dma_semaphore, #tpu.memory_space<semaphore_mem>>
          tpu.enqueue_indirect_dma source(%dma_start3A_611 : memref<10000x128xf32, #tpu.memory_space<hbm>>) target(%arg8 : memref<128x128xf32, #tpu.memory_space<vmem>>) offsets(%dma_start3A_608 : memref<128xi32, #tpu.memory_space<vmem>>) semaphore(%dma_start3A_613 : memref<!tpu.dma_semaphore, #tpu.memory_space<semaphore_mem>>)
          %dma_start3A_614 = arith.constant 1 : i32
          %dma_start3A_615 = arith.constant 0 : i32
          %dma_start3A_616 = arith.constant 0 : i32
          %dma_start3A_617 = tpu.memref_slice %arg5[%mul3A_586, %dma_start3A_614, %dma_start3A_616] : memref<16x2x128xi32, #tpu.memory_space<vmem>> -> memref<1x1x128xi32, #tpu.memory_space<vmem>>
          %dma_start3A_618 = tpu.memref_squeeze %dma_start3A_617 : memref<1x1x128xi32, #tpu.memory_space<vmem>> -> memref<128xi32, #tpu.memory_space<vmem>>
          %dma_start3A_619 = arith.constant 0 : i32
          %dma_start3A_620 = arith.constant 0 : i32
          %dma_start3A_621 = tpu.memref_slice %arg9[%dma_start3A_619, %dma_start3A_620] : memref<10064x128xf32, #tpu.memory_space<vmem_shared>> -> memref<10064x128xf32, #tpu.memory_space<vmem_shared>>
          %dma_start3A_622 = tpu.memref_slice %arg11[%dma_start3A_615] : memref<2x!tpu.dma_semaphore, #tpu.memory_space<semaphore_mem>> -> memref<1x!tpu.dma_semaphore, #tpu.memory_space<semaphore_mem>>
          %dma_start3A_623 = tpu.memref_squeeze %dma_start3A_622 : memref<1x!tpu.dma_semaphore, #tpu.memory_space<semaphore_mem>> -> memref<!tpu.dma_semaphore, #tpu.memory_space<semaphore_mem>>
          tpu.enqueue_indirect_dma source(%arg7 : memref<128x128xf32, #tpu.memory_space<vmem>>) target(%dma_start3A_621 : memref<10064x128xf32, #tpu.memory_space<vmem_shared>>) offsets(%dma_start3A_618 : memref<128xi32, #tpu.memory_space<vmem>>) semaphore(%dma_start3A_623 : memref<!tpu.dma_semaphore, #tpu.memory_space<semaphore_mem>>) {add = true}
          %add3A_624 = arith.constant 1 : i32
          %add3A_625 = arith.addi %mul3A_586, %add3A_624 : i32
          %dma_wait3A_626 = arith.constant 0 : i32
          %dma_wait3A_627 = arith.constant 1 : i32
          %dma_wait3A_628 = arith.constant 0 : i32
          %dma_wait3A_629 = tpu.memref_slice %arg5[%add3A_625, %dma_wait3A_626, %dma_wait3A_628] : memref<16x2x128xi32, #tpu.memory_space<vmem>> -> memref<1x1x128xi32, #tpu.memory_space<vmem>>
          %dma_wait3A_630 = tpu.memref_squeeze %dma_wait3A_629 : memref<1x1x128xi32, #tpu.memory_space<vmem>> -> memref<128xi32, #tpu.memory_space<vmem>>
          %dma_wait3A_631 = arith.constant 0 : i32
          %dma_wait3A_632 = arith.constant 0 : i32
          %dma_wait3A_633 = tpu.memref_slice %arg2[%dma_wait3A_631, %dma_wait3A_632] : memref<10000x128xf32, #tpu.memory_space<hbm>> -> memref<10000x128xf32, #tpu.memory_space<hbm>>
          %dma_wait3A_634 = tpu.memref_slice %arg10[%dma_wait3A_627] : memref<2x!tpu.dma_semaphore, #tpu.memory_space<semaphore_mem>> -> memref<1x!tpu.dma_semaphore, #tpu.memory_space<semaphore_mem>>
          %dma_wait3A_635 = tpu.memref_squeeze %dma_wait3A_634 : memref<1x!tpu.dma_semaphore, #tpu.memory_space<semaphore_mem>> -> memref<!tpu.dma_semaphore, #tpu.memory_space<semaphore_mem>>
          tpu.wait_indirect_dma semaphore(%dma_wait3A_635 : memref<!tpu.dma_semaphore, #tpu.memory_space<semaphore_mem>>) src(%dma_wait3A_633 : memref<10000x128xf32, #tpu.memory_space<hbm>>) dst(%arg8 : memref<128x128xf32, #tpu.memory_space<vmem>>)
          %dma_wait3A_636 = arith.constant 1 : i32
          %dma_wait3A_637 = arith.constant 0 : i32
          %dma_wait3A_638 = arith.constant 0 : i32
          %dma_wait3A_639 = tpu.memref_slice %arg5[%mul3A_586, %dma_wait3A_636, %dma_wait3A_638] : memref<16x2x128xi32, #tpu.memory_space<vmem>> -> memref<1x1x128xi32, #tpu.memory_space<vmem>>
          %dma_wait3A_640 = tpu.memref_squeeze %dma_wait3A_639 : memref<1x1x128xi32, #tpu.memory_space<vmem>> -> memref<128xi32, #tpu.memory_space<vmem>>
          %dma_wait3A_641 = arith.constant 0 : i32
          %dma_wait3A_642 = arith.constant 0 : i32
          %dma_wait3A_643 = tpu.memref_slice %arg9[%dma_wait3A_641, %dma_wait3A_642] : memref<10064x128xf32, #tpu.memory_space<vmem_shared>> -> memref<10064x128xf32, #tpu.memory_space<vmem_shared>>
          %dma_wait3A_644 = tpu.memref_slice %arg11[%dma_wait3A_637] : memref<2x!tpu.dma_semaphore, #tpu.memory_space<semaphore_mem>> -> memref<1x!tpu.dma_semaphore, #tpu.memory_space<semaphore_mem>>
          %dma_wait3A_645 = tpu.memref_squeeze %dma_wait3A_644 : memref<1x!tpu.dma_semaphore, #tpu.memory_space<semaphore_mem>> -> memref<!tpu.dma_semaphore, #tpu.memory_space<semaphore_mem>>
          tpu.wait_indirect_dma semaphore(%dma_wait3A_645 : memref<!tpu.dma_semaphore, #tpu.memory_space<semaphore_mem>>) src(%arg7 : memref<128x128xf32, #tpu.memory_space<vmem>>) dst(%dma_wait3A_643 : memref<10064x128xf32, #tpu.memory_space<vmem_shared>>)
          %lt3A_646 = arith.constant 7 : i32
          %lt3A_647 = arith.cmpi slt, %add3A_584, %lt3A_646 : i32
          %convert_element_type3A_648 = arith.extui %lt3A_647 : i1 to i32
          %cond3A_649 = arith.constant 0 : i32
          %cond3A_650 = arith.cmpi ne, %convert_element_type3A_648, %cond3A_649 : i32
          scf.if %cond3A_650 {
            %add3A_663 = arith.constant 2 : i32
            %add3A_664 = arith.addi %mul3A_586, %add3A_663 : i32
            %dma_start3A_665 = arith.constant 0 : i32
            %dma_start3A_666 = arith.constant 0 : i32
            %dma_start3A_667 = arith.constant 0 : i32
            %dma_start3A_668 = tpu.memref_slice %arg5[%add3A_664, %dma_start3A_665, %dma_start3A_667] : memref<16x2x128xi32, #tpu.memory_space<vmem>> -> memref<1x1x128xi32, #tpu.memory_space<vmem>>
            %dma_start3A_669 = tpu.memref_squeeze %dma_start3A_668 : memref<1x1x128xi32, #tpu.memory_space<vmem>> -> memref<128xi32, #tpu.memory_space<vmem>>
            %dma_start3A_670 = arith.constant 0 : i32
            %dma_start3A_671 = arith.constant 0 : i32
            %dma_start3A_672 = tpu.memref_slice %arg2[%dma_start3A_670, %dma_start3A_671] : memref<10000x128xf32, #tpu.memory_space<hbm>> -> memref<10000x128xf32, #tpu.memory_space<hbm>>
            %dma_start3A_673 = tpu.memref_slice %arg10[%dma_start3A_666] : memref<2x!tpu.dma_semaphore, #tpu.memory_space<semaphore_mem>> -> memref<1x!tpu.dma_semaphore, #tpu.memory_space<semaphore_mem>>
            %dma_start3A_674 = tpu.memref_squeeze %dma_start3A_673 : memref<1x!tpu.dma_semaphore, #tpu.memory_space<semaphore_mem>> -> memref<!tpu.dma_semaphore, #tpu.memory_space<semaphore_mem>>
            tpu.enqueue_indirect_dma source(%dma_start3A_672 : memref<10000x128xf32, #tpu.memory_space<hbm>>) target(%arg7 : memref<128x128xf32, #tpu.memory_space<vmem>>) offsets(%dma_start3A_669 : memref<128xi32, #tpu.memory_space<vmem>>) semaphore(%dma_start3A_674 : memref<!tpu.dma_semaphore, #tpu.memory_space<semaphore_mem>>)
          } else {
          }
          %add3A_651 = arith.constant 1 : i32
          %add3A_652 = arith.addi %mul3A_586, %add3A_651 : i32
          %dma_start3A_653 = arith.constant 1 : i32
          %dma_start3A_654 = arith.constant 1 : i32
          %dma_start3A_655 = arith.constant 0 : i32
          %dma_start3A_656 = tpu.memref_slice %arg5[%add3A_652, %dma_start3A_653, %dma_start3A_655] : memref<16x2x128xi32, #tpu.memory_space<vmem>> -> memref<1x1x128xi32, #tpu.memory_space<vmem>>
          %dma_start3A_657 = tpu.memref_squeeze %dma_start3A_656 : memref<1x1x128xi32, #tpu.memory_space<vmem>> -> memref<128xi32, #tpu.memory_space<vmem>>
          %dma_start3A_658 = arith.constant 0 : i32
          %dma_start3A_659 = arith.constant 0 : i32
          %dma_start3A_660 = tpu.memref_slice %arg9[%dma_start3A_658, %dma_start3A_659] : memref<10064x128xf32, #tpu.memory_space<vmem_shared>> -> memref<10064x128xf32, #tpu.memory_space<vmem_shared>>
          %dma_start3A_661 = tpu.memref_slice %arg11[%dma_start3A_654] : memref<2x!tpu.dma_semaphore, #tpu.memory_space<semaphore_mem>> -> memref<1x!tpu.dma_semaphore, #tpu.memory_space<semaphore_mem>>
          %dma_start3A_662 = tpu.memref_squeeze %dma_start3A_661 : memref<1x!tpu.dma_semaphore, #tpu.memory_space<semaphore_mem>> -> memref<!tpu.dma_semaphore, #tpu.memory_space<semaphore_mem>>
          tpu.enqueue_indirect_dma source(%arg8 : memref<128x128xf32, #tpu.memory_space<vmem>>) target(%dma_start3A_660 : memref<10064x128xf32, #tpu.memory_space<vmem_shared>>) offsets(%dma_start3A_657 : memref<128xi32, #tpu.memory_space<vmem>>) semaphore(%dma_start3A_662 : memref<!tpu.dma_semaphore, #tpu.memory_space<semaphore_mem>>) {add = true}
        }
        %scan3A_568 = arith.constant 8 : i32
        %dma_wait3A_569 = arith.constant 15 : i32
        %dma_wait3A_570 = arith.constant 1 : i32
        %dma_wait3A_571 = arith.constant 1 : i32
        %dma_wait3A_572 = arith.constant 0 : i32
        %dma_wait3A_573 = tpu.memref_slice %arg5[%dma_wait3A_569, %dma_wait3A_570, %dma_wait3A_572] : memref<16x2x128xi32, #tpu.memory_space<vmem>> -> memref<1x1x128xi32, #tpu.memory_space<vmem>>
        %dma_wait3A_574 = tpu.memref_squeeze %dma_wait3A_573 : memref<1x1x128xi32, #tpu.memory_space<vmem>> -> memref<128xi32, #tpu.memory_space<vmem>>
        %dma_wait3A_575 = arith.constant 0 : i32
        %dma_wait3A_576 = arith.constant 0 : i32
        %dma_wait3A_577 = tpu.memref_slice %arg9[%dma_wait3A_575, %dma_wait3A_576] : memref<10064x128xf32, #tpu.memory_space<vmem_shared>> -> memref<10064x128xf32, #tpu.memory_space<vmem_shared>>
        %dma_wait3A_578 = tpu.memref_slice %arg11[%dma_wait3A_571] : memref<2x!tpu.dma_semaphore, #tpu.memory_space<semaphore_mem>> -> memref<1x!tpu.dma_semaphore, #tpu.memory_space<semaphore_mem>>
        %dma_wait3A_579 = tpu.memref_squeeze %dma_wait3A_578 : memref<1x!tpu.dma_semaphore, #tpu.memory_space<semaphore_mem>> -> memref<!tpu.dma_semaphore, #tpu.memory_space<semaphore_mem>>
        tpu.wait_indirect_dma semaphore(%dma_wait3A_579 : memref<!tpu.dma_semaphore, #tpu.memory_space<semaphore_mem>>) src(%arg8 : memref<128x128xf32, #tpu.memory_space<vmem>>) dst(%dma_wait3A_577 : memref<10064x128xf32, #tpu.memory_space<vmem_shared>>)
      } else {
      }
      %jit3A_521 = arith.constant 2 : i32
      %eq3A_522 = arith.constant 0 : i32
      %eq3A_523 = arith.cmpi eq, %jit3A_521, %eq3A_522 : i32
      %jit3A_524 = arith.constant 1 : i32
      %select_n3A_525 = arith.select %eq3A_523, %jit3A_524, %jit3A_521 : i32
      %rem3A_526 = arith.remsi %add3A_505, %select_n3A_525 : i32
      %ne3A_527 = arith.constant 0 : i32
      %ne3A_528 = arith.cmpi ne, %rem3A_526, %ne3A_527 : i32
      %lt3A_529 = arith.constant 0 : i32
      %lt3A_530 = arith.cmpi slt, %rem3A_526, %lt3A_529 : i32
      %lt3A_531 = arith.constant 0 : i32
      %lt3A_532 = arith.cmpi slt, %select_n3A_525, %lt3A_531 : i32
      %ne3A_533 = arith.xori %lt3A_530, %lt3A_532 : i1
      %and3A_534 = arith.andi %ne3A_533, %ne3A_528 : i1
      %add3A_535 = arith.addi %rem3A_526, %select_n3A_525 : i32
      %select_n3A_536 = arith.select %and3A_534, %add3A_535, %rem3A_526 : i32
      %eq3A_537 = arith.constant 1 : i32
      %eq3A_538 = arith.cmpi eq, %select_n3A_536, %eq3A_537 : i32
      %convert_element_type3A_539 = arith.extui %eq3A_538 : i1 to i32
      %cond3A_540 = arith.constant 0 : i32
      %cond3A_541 = arith.cmpi ne, %convert_element_type3A_539, %cond3A_540 : i32
      scf.if %cond3A_541 {
        %gt3A = arith.constant 0 : i32
        %gt3A_542 = arith.cmpi sgt, %add3A_505, %gt3A : i32
        %convert_element_type3A_543 = arith.extui %gt3A_542 : i1 to i32
        %cond3A_544 = arith.constant 0 : i32
        %cond3A_545 = arith.cmpi ne, %convert_element_type3A_543, %cond3A_544 : i32
        scf.if %cond3A_545 {
          %mul3A_580 = arith.constant 16 : i32
          %mul3A_581 = arith.muli %add3A_505, %mul3A_580 : i32
          %add3A_582 = arith.addi %multiple_of3A, %mul3A_581 : i32
          %multiple_of3A_583 = tpu.assume_multiple %add3A_582, 8 : i32
          %dma_wait3A_584 = arith.constant 0 : i32
          %dma_wait3A_585 = arith.constant 0 : i32
          %dma_wait3A_586 = arith.constant 0 : i32
          %dma_wait3A_587 = tpu.memref_slice %arg3[%dma_wait3A_584, %multiple_of3A_583, %dma_wait3A_585, %dma_wait3A_586] : memref<2x2560x2x128xi32, #tpu.memory_space<hbm>> -> memref<1x16x2x128xi32, #tpu.memory_space<hbm>>
          %dma_wait3A_588 = tpu.memref_squeeze %dma_wait3A_587 : memref<1x16x2x128xi32, #tpu.memory_space<hbm>> -> memref<16x2x128xi32, #tpu.memory_space<hbm>>
          %dma_wait3A_589 = arith.constant 0 : i32
          %dma_wait3A_590 = arith.constant 0 : i32
          %dma_wait3A_591 = tpu.memref_slice %arg3[%dma_wait3A_584, %multiple_of3A_583, %dma_wait3A_589, %dma_wait3A_590] : memref<2x2560x2x128xi32, #tpu.memory_space<hbm>> -> memref<1x16x2x128xi32, #tpu.memory_space<hbm>>
          %dma_wait3A_592 = tpu.memref_squeeze %dma_wait3A_591 : memref<1x16x2x128xi32, #tpu.memory_space<hbm>> -> memref<16x2x128xi32, #tpu.memory_space<hbm>>
          tpu.wait_dma2 semaphore(%arg12 : memref<!tpu.dma_semaphore, #tpu.memory_space<semaphore_mem>>) src(%dma_wait3A_592 : memref<16x2x128xi32, #tpu.memory_space<hbm>>) dst(%arg6 : memref<16x2x128xi32, #tpu.memory_space<vmem>>)
        } else {
        }
        %add3A_546 = arith.constant 1 : i32
        %add3A_547 = arith.addi %add3A_505, %add3A_546 : i32
        %lt3A_548 = arith.constant 5 : i32
        %lt3A_549 = arith.cmpi slt, %add3A_547, %lt3A_548 : i32
        %convert_element_type3A_550 = arith.extui %lt3A_549 : i1 to i32
        %cond3A_551 = arith.constant 0 : i32
        %cond3A_552 = arith.cmpi ne, %convert_element_type3A_550, %cond3A_551 : i32
        scf.if %cond3A_552 {
          %add3A_580 = arith.constant 1 : i32
          %add3A_581 = arith.addi %add3A_505, %add3A_580 : i32
          %mul3A_582 = arith.constant 16 : i32
          %mul3A_583 = arith.muli %add3A_581, %mul3A_582 : i32
          %add3A_584 = arith.addi %multiple_of3A, %mul3A_583 : i32
          %multiple_of3A_585 = tpu.assume_multiple %add3A_584, 8 : i32
          %dma_start3A_586 = arith.constant 0 : i32
          %dma_start3A_587 = arith.constant 0 : i32
          %dma_start3A_588 = arith.constant 0 : i32
          %dma_start3A_589 = tpu.memref_slice %arg3[%dma_start3A_586, %multiple_of3A_585, %dma_start3A_587, %dma_start3A_588] : memref<2x2560x2x128xi32, #tpu.memory_space<hbm>> -> memref<1x16x2x128xi32, #tpu.memory_space<hbm>>
          %dma_start3A_590 = tpu.memref_squeeze %dma_start3A_589 : memref<1x16x2x128xi32, #tpu.memory_space<hbm>> -> memref<16x2x128xi32, #tpu.memory_space<hbm>>
          %dma_start3A_591 = arith.constant 0 : i32
          %dma_start3A_592 = arith.constant 0 : i32
          %dma_start3A_593 = tpu.memref_slice %arg3[%dma_start3A_586, %multiple_of3A_585, %dma_start3A_591, %dma_start3A_592] : memref<2x2560x2x128xi32, #tpu.memory_space<hbm>> -> memref<1x16x2x128xi32, #tpu.memory_space<hbm>>
          %dma_start3A_594 = tpu.memref_squeeze %dma_start3A_593 : memref<1x16x2x128xi32, #tpu.memory_space<hbm>> -> memref<16x2x128xi32, #tpu.memory_space<hbm>>
          tpu.enqueue_dma source(%dma_start3A_594 : memref<16x2x128xi32, #tpu.memory_space<hbm>>) target(%arg5 : memref<16x2x128xi32, #tpu.memory_space<vmem>>) target_semaphore(%arg12 : memref<!tpu.dma_semaphore, #tpu.memory_space<semaphore_mem>>)
        } else {
        }
        %dma_start3A_553 = arith.constant 0 : i32
        %dma_start3A_554 = arith.constant 0 : i32
        %dma_start3A_555 = arith.constant 0 : i32
        %dma_start3A_556 = arith.constant 0 : i32
        %dma_start3A_557 = tpu.memref_slice %arg6[%dma_start3A_553, %dma_start3A_554, %dma_start3A_556] : memref<16x2x128xi32, #tpu.memory_space<vmem>> -> memref<1x1x128xi32, #tpu.memory_space<vmem>>
        %dma_start3A_558 = tpu.memref_squeeze %dma_start3A_557 : memref<1x1x128xi32, #tpu.memory_space<vmem>> -> memref<128xi32, #tpu.memory_space<vmem>>
        %dma_start3A_559 = arith.constant 0 : i32
        %dma_start3A_560 = arith.constant 0 : i32
        %dma_start3A_561 = tpu.memref_slice %arg2[%dma_start3A_559, %dma_start3A_560] : memref<10000x128xf32, #tpu.memory_space<hbm>> -> memref<10000x128xf32, #tpu.memory_space<hbm>>
        %dma_start3A_562 = tpu.memref_slice %arg10[%dma_start3A_555] : memref<2x!tpu.dma_semaphore, #tpu.memory_space<semaphore_mem>> -> memref<1x!tpu.dma_semaphore, #tpu.memory_space<semaphore_mem>>
        %dma_start3A_563 = tpu.memref_squeeze %dma_start3A_562 : memref<1x!tpu.dma_semaphore, #tpu.memory_space<semaphore_mem>> -> memref<!tpu.dma_semaphore, #tpu.memory_space<semaphore_mem>>
        tpu.enqueue_indirect_dma source(%dma_start3A_561 : memref<10000x128xf32, #tpu.memory_space<hbm>>) target(%arg7 : memref<128x128xf32, #tpu.memory_space<vmem>>) offsets(%dma_start3A_558 : memref<128xi32, #tpu.memory_space<vmem>>) semaphore(%dma_start3A_563 : memref<!tpu.dma_semaphore, #tpu.memory_space<semaphore_mem>>)
        %scan3A_564 = arith.constant 0 : i32
        %scan3A_565 = arith.constant 8 : i32
        %scan3A_566 = arith.addi %scan3A_564, %scan3A_565 : i32
        %scan3A_567 = arith.constant 1 : i32
        scf.for %scan3A_580 = %scan3A_564 to %scan3A_566 step %scan3A_567  : i32 {
          %mul3A_581 = arith.constant 1 : i32
          %mul3A_582 = arith.muli %scan3A_580, %mul3A_581 : i32
          %add3A_583 = arith.constant 0 : i32
          %add3A_584 = arith.addi %add3A_583, %mul3A_582 : i32
          %mul3A_585 = arith.constant 2 : i32
          %mul3A_586 = arith.muli %add3A_584, %mul3A_585 : i32
          %dma_wait3A_587 = arith.constant 0 : i32
          %dma_wait3A_588 = arith.constant 0 : i32
          %dma_wait3A_589 = arith.constant 0 : i32
          %dma_wait3A_590 = tpu.memref_slice %arg6[%mul3A_586, %dma_wait3A_587, %dma_wait3A_589] : memref<16x2x128xi32, #tpu.memory_space<vmem>> -> memref<1x1x128xi32, #tpu.memory_space<vmem>>
          %dma_wait3A_591 = tpu.memref_squeeze %dma_wait3A_590 : memref<1x1x128xi32, #tpu.memory_space<vmem>> -> memref<128xi32, #tpu.memory_space<vmem>>
          %dma_wait3A_592 = arith.constant 0 : i32
          %dma_wait3A_593 = arith.constant 0 : i32
          %dma_wait3A_594 = tpu.memref_slice %arg2[%dma_wait3A_592, %dma_wait3A_593] : memref<10000x128xf32, #tpu.memory_space<hbm>> -> memref<10000x128xf32, #tpu.memory_space<hbm>>
          %dma_wait3A_595 = tpu.memref_slice %arg10[%dma_wait3A_588] : memref<2x!tpu.dma_semaphore, #tpu.memory_space<semaphore_mem>> -> memref<1x!tpu.dma_semaphore, #tpu.memory_space<semaphore_mem>>
          %dma_wait3A_596 = tpu.memref_squeeze %dma_wait3A_595 : memref<1x!tpu.dma_semaphore, #tpu.memory_space<semaphore_mem>> -> memref<!tpu.dma_semaphore, #tpu.memory_space<semaphore_mem>>
          tpu.wait_indirect_dma semaphore(%dma_wait3A_596 : memref<!tpu.dma_semaphore, #tpu.memory_space<semaphore_mem>>) src(%dma_wait3A_594 : memref<10000x128xf32, #tpu.memory_space<hbm>>) dst(%arg7 : memref<128x128xf32, #tpu.memory_space<vmem>>)
          %gt3A_597 = arith.constant 0 : i32
          %gt3A_598 = arith.cmpi sgt, %add3A_584, %gt3A_597 : i32
          %convert_element_type3A_599 = arith.extui %gt3A_598 : i1 to i32
          %cond3A_600 = arith.constant 0 : i32
          %cond3A_601 = arith.cmpi ne, %convert_element_type3A_599, %cond3A_600 : i32
          scf.if %cond3A_601 {
            %sub3A = arith.constant 1 : i32
            %sub3A_663 = arith.subi %mul3A_586, %sub3A : i32
            %dma_wait3A_664 = arith.constant 1 : i32
            %dma_wait3A_665 = arith.constant 1 : i32
            %dma_wait3A_666 = arith.constant 0 : i32
            %dma_wait3A_667 = tpu.memref_slice %arg6[%sub3A_663, %dma_wait3A_664, %dma_wait3A_666] : memref<16x2x128xi32, #tpu.memory_space<vmem>> -> memref<1x1x128xi32, #tpu.memory_space<vmem>>
            %dma_wait3A_668 = tpu.memref_squeeze %dma_wait3A_667 : memref<1x1x128xi32, #tpu.memory_space<vmem>> -> memref<128xi32, #tpu.memory_space<vmem>>
            %dma_wait3A_669 = arith.constant 0 : i32
            %dma_wait3A_670 = arith.constant 0 : i32
            %dma_wait3A_671 = tpu.memref_slice %arg9[%dma_wait3A_669, %dma_wait3A_670] : memref<10064x128xf32, #tpu.memory_space<vmem_shared>> -> memref<10064x128xf32, #tpu.memory_space<vmem_shared>>
            %dma_wait3A_672 = tpu.memref_slice %arg11[%dma_wait3A_665] : memref<2x!tpu.dma_semaphore, #tpu.memory_space<semaphore_mem>> -> memref<1x!tpu.dma_semaphore, #tpu.memory_space<semaphore_mem>>
            %dma_wait3A_673 = tpu.memref_squeeze %dma_wait3A_672 : memref<1x!tpu.dma_semaphore, #tpu.memory_space<semaphore_mem>> -> memref<!tpu.dma_semaphore, #tpu.memory_space<semaphore_mem>>
            tpu.wait_indirect_dma semaphore(%dma_wait3A_673 : memref<!tpu.dma_semaphore, #tpu.memory_space<semaphore_mem>>) src(%arg8 : memref<128x128xf32, #tpu.memory_space<vmem>>) dst(%dma_wait3A_671 : memref<10064x128xf32, #tpu.memory_space<vmem_shared>>)
          } else {
          }
          %add3A_602 = arith.constant 1 : i32
          %add3A_603 = arith.addi %mul3A_586, %add3A_602 : i32
          %dma_start3A_604 = arith.constant 0 : i32
          %dma_start3A_605 = arith.constant 1 : i32
          %dma_start3A_606 = arith.constant 0 : i32
          %dma_start3A_607 = tpu.memref_slice %arg6[%add3A_603, %dma_start3A_604, %dma_start3A_606] : memref<16x2x128xi32, #tpu.memory_space<vmem>> -> memref<1x1x128xi32, #tpu.memory_space<vmem>>
          %dma_start3A_608 = tpu.memref_squeeze %dma_start3A_607 : memref<1x1x128xi32, #tpu.memory_space<vmem>> -> memref<128xi32, #tpu.memory_space<vmem>>
          %dma_start3A_609 = arith.constant 0 : i32
          %dma_start3A_610 = arith.constant 0 : i32
          %dma_start3A_611 = tpu.memref_slice %arg2[%dma_start3A_609, %dma_start3A_610] : memref<10000x128xf32, #tpu.memory_space<hbm>> -> memref<10000x128xf32, #tpu.memory_space<hbm>>
          %dma_start3A_612 = tpu.memref_slice %arg10[%dma_start3A_605] : memref<2x!tpu.dma_semaphore, #tpu.memory_space<semaphore_mem>> -> memref<1x!tpu.dma_semaphore, #tpu.memory_space<semaphore_mem>>
          %dma_start3A_613 = tpu.memref_squeeze %dma_start3A_612 : memref<1x!tpu.dma_semaphore, #tpu.memory_space<semaphore_mem>> -> memref<!tpu.dma_semaphore, #tpu.memory_space<semaphore_mem>>
          tpu.enqueue_indirect_dma source(%dma_start3A_611 : memref<10000x128xf32, #tpu.memory_space<hbm>>) target(%arg8 : memref<128x128xf32, #tpu.memory_space<vmem>>) offsets(%dma_start3A_608 : memref<128xi32, #tpu.memory_space<vmem>>) semaphore(%dma_start3A_613 : memref<!tpu.dma_semaphore, #tpu.memory_space<semaphore_mem>>)
          %dma_start3A_614 = arith.constant 1 : i32
          %dma_start3A_615 = arith.constant 0 : i32
          %dma_start3A_616 = arith.constant 0 : i32
          %dma_start3A_617 = tpu.memref_slice %arg6[%mul3A_586, %dma_start3A_614, %dma_start3A_616] : memref<16x2x128xi32, #tpu.memory_space<vmem>> -> memref<1x1x128xi32, #tpu.memory_space<vmem>>
          %dma_start3A_618 = tpu.memref_squeeze %dma_start3A_617 : memref<1x1x128xi32, #tpu.memory_space<vmem>> -> memref<128xi32, #tpu.memory_space<vmem>>
          %dma_start3A_619 = arith.constant 0 : i32
          %dma_start3A_620 = arith.constant 0 : i32
          %dma_start3A_621 = tpu.memref_slice %arg9[%dma_start3A_619, %dma_start3A_620] : memref<10064x128xf32, #tpu.memory_space<vmem_shared>> -> memref<10064x128xf32, #tpu.memory_space<vmem_shared>>
          %dma_start3A_622 = tpu.memref_slice %arg11[%dma_start3A_615] : memref<2x!tpu.dma_semaphore, #tpu.memory_space<semaphore_mem>> -> memref<1x!tpu.dma_semaphore, #tpu.memory_space<semaphore_mem>>
          %dma_start3A_623 = tpu.memref_squeeze %dma_start3A_622 : memref<1x!tpu.dma_semaphore, #tpu.memory_space<semaphore_mem>> -> memref<!tpu.dma_semaphore, #tpu.memory_space<semaphore_mem>>
          tpu.enqueue_indirect_dma source(%arg7 : memref<128x128xf32, #tpu.memory_space<vmem>>) target(%dma_start3A_621 : memref<10064x128xf32, #tpu.memory_space<vmem_shared>>) offsets(%dma_start3A_618 : memref<128xi32, #tpu.memory_space<vmem>>) semaphore(%dma_start3A_623 : memref<!tpu.dma_semaphore, #tpu.memory_space<semaphore_mem>>) {add = true}
          %add3A_624 = arith.constant 1 : i32
          %add3A_625 = arith.addi %mul3A_586, %add3A_624 : i32
          %dma_wait3A_626 = arith.constant 0 : i32
          %dma_wait3A_627 = arith.constant 1 : i32
          %dma_wait3A_628 = arith.constant 0 : i32
          %dma_wait3A_629 = tpu.memref_slice %arg6[%add3A_625, %dma_wait3A_626, %dma_wait3A_628] : memref<16x2x128xi32, #tpu.memory_space<vmem>> -> memref<1x1x128xi32, #tpu.memory_space<vmem>>
          %dma_wait3A_630 = tpu.memref_squeeze %dma_wait3A_629 : memref<1x1x128xi32, #tpu.memory_space<vmem>> -> memref<128xi32, #tpu.memory_space<vmem>>
          %dma_wait3A_631 = arith.constant 0 : i32
          %dma_wait3A_632 = arith.constant 0 : i32
          %dma_wait3A_633 = tpu.memref_slice %arg2[%dma_wait3A_631, %dma_wait3A_632] : memref<10000x128xf32, #tpu.memory_space<hbm>> -> memref<10000x128xf32, #tpu.memory_space<hbm>>
          %dma_wait3A_634 = tpu.memref_slice %arg10[%dma_wait3A_627] : memref<2x!tpu.dma_semaphore, #tpu.memory_space<semaphore_mem>> -> memref<1x!tpu.dma_semaphore, #tpu.memory_space<semaphore_mem>>
          %dma_wait3A_635 = tpu.memref_squeeze %dma_wait3A_634 : memref<1x!tpu.dma_semaphore, #tpu.memory_space<semaphore_mem>> -> memref<!tpu.dma_semaphore, #tpu.memory_space<semaphore_mem>>
          tpu.wait_indirect_dma semaphore(%dma_wait3A_635 : memref<!tpu.dma_semaphore, #tpu.memory_space<semaphore_mem>>) src(%dma_wait3A_633 : memref<10000x128xf32, #tpu.memory_space<hbm>>) dst(%arg8 : memref<128x128xf32, #tpu.memory_space<vmem>>)
          %dma_wait3A_636 = arith.constant 1 : i32
          %dma_wait3A_637 = arith.constant 0 : i32
          %dma_wait3A_638 = arith.constant 0 : i32
          %dma_wait3A_639 = tpu.memref_slice %arg6[%mul3A_586, %dma_wait3A_636, %dma_wait3A_638] : memref<16x2x128xi32, #tpu.memory_space<vmem>> -> memref<1x1x128xi32, #tpu.memory_space<vmem>>
          %dma_wait3A_640 = tpu.memref_squeeze %dma_wait3A_639 : memref<1x1x128xi32, #tpu.memory_space<vmem>> -> memref<128xi32, #tpu.memory_space<vmem>>
          %dma_wait3A_641 = arith.constant 0 : i32
          %dma_wait3A_642 = arith.constant 0 : i32
          %dma_wait3A_643 = tpu.memref_slice %arg9[%dma_wait3A_641, %dma_wait3A_642] : memref<10064x128xf32, #tpu.memory_space<vmem_shared>> -> memref<10064x128xf32, #tpu.memory_space<vmem_shared>>
          %dma_wait3A_644 = tpu.memref_slice %arg11[%dma_wait3A_637] : memref<2x!tpu.dma_semaphore, #tpu.memory_space<semaphore_mem>> -> memref<1x!tpu.dma_semaphore, #tpu.memory_space<semaphore_mem>>
          %dma_wait3A_645 = tpu.memref_squeeze %dma_wait3A_644 : memref<1x!tpu.dma_semaphore, #tpu.memory_space<semaphore_mem>> -> memref<!tpu.dma_semaphore, #tpu.memory_space<semaphore_mem>>
          tpu.wait_indirect_dma semaphore(%dma_wait3A_645 : memref<!tpu.dma_semaphore, #tpu.memory_space<semaphore_mem>>) src(%arg7 : memref<128x128xf32, #tpu.memory_space<vmem>>) dst(%dma_wait3A_643 : memref<10064x128xf32, #tpu.memory_space<vmem_shared>>)
          %lt3A_646 = arith.constant 7 : i32
          %lt3A_647 = arith.cmpi slt, %add3A_584, %lt3A_646 : i32
          %convert_element_type3A_648 = arith.extui %lt3A_647 : i1 to i32
          %cond3A_649 = arith.constant 0 : i32
          %cond3A_650 = arith.cmpi ne, %convert_element_type3A_648, %cond3A_649 : i32
          scf.if %cond3A_650 {
            %add3A_663 = arith.constant 2 : i32
            %add3A_664 = arith.addi %mul3A_586, %add3A_663 : i32
            %dma_start3A_665 = arith.constant 0 : i32
            %dma_start3A_666 = arith.constant 0 : i32
            %dma_start3A_667 = arith.constant 0 : i32
            %dma_start3A_668 = tpu.memref_slice %arg6[%add3A_664, %dma_start3A_665, %dma_start3A_667] : memref<16x2x128xi32, #tpu.memory_space<vmem>> -> memref<1x1x128xi32, #tpu.memory_space<vmem>>
            %dma_start3A_669 = tpu.memref_squeeze %dma_start3A_668 : memref<1x1x128xi32, #tpu.memory_space<vmem>> -> memref<128xi32, #tpu.memory_space<vmem>>
            %dma_start3A_670 = arith.constant 0 : i32
            %dma_start3A_671 = arith.constant 0 : i32
            %dma_start3A_672 = tpu.memref_slice %arg2[%dma_start3A_670, %dma_start3A_671] : memref<10000x128xf32, #tpu.memory_space<hbm>> -> memref<10000x128xf32, #tpu.memory_space<hbm>>
            %dma_start3A_673 = tpu.memref_slice %arg10[%dma_start3A_666] : memref<2x!tpu.dma_semaphore, #tpu.memory_space<semaphore_mem>> -> memref<1x!tpu.dma_semaphore, #tpu.memory_space<semaphore_mem>>
            %dma_start3A_674 = tpu.memref_squeeze %dma_start3A_673 : memref<1x!tpu.dma_semaphore, #tpu.memory_space<semaphore_mem>> -> memref<!tpu.dma_semaphore, #tpu.memory_space<semaphore_mem>>
            tpu.enqueue_indirect_dma source(%dma_start3A_672 : memref<10000x128xf32, #tpu.memory_space<hbm>>) target(%arg7 : memref<128x128xf32, #tpu.memory_space<vmem>>) offsets(%dma_start3A_669 : memref<128xi32, #tpu.memory_space<vmem>>) semaphore(%dma_start3A_674 : memref<!tpu.dma_semaphore, #tpu.memory_space<semaphore_mem>>)
          } else {
          }
          %add3A_651 = arith.constant 1 : i32
          %add3A_652 = arith.addi %mul3A_586, %add3A_651 : i32
          %dma_start3A_653 = arith.constant 1 : i32
          %dma_start3A_654 = arith.constant 1 : i32
          %dma_start3A_655 = arith.constant 0 : i32
          %dma_start3A_656 = tpu.memref_slice %arg6[%add3A_652, %dma_start3A_653, %dma_start3A_655] : memref<16x2x128xi32, #tpu.memory_space<vmem>> -> memref<1x1x128xi32, #tpu.memory_space<vmem>>
          %dma_start3A_657 = tpu.memref_squeeze %dma_start3A_656 : memref<1x1x128xi32, #tpu.memory_space<vmem>> -> memref<128xi32, #tpu.memory_space<vmem>>
          %dma_start3A_658 = arith.constant 0 : i32
          %dma_start3A_659 = arith.constant 0 : i32
          %dma_start3A_660 = tpu.memref_slice %arg9[%dma_start3A_658, %dma_start3A_659] : memref<10064x128xf32, #tpu.memory_space<vmem_shared>> -> memref<10064x128xf32, #tpu.memory_space<vmem_shared>>
          %dma_start3A_661 = tpu.memref_slice %arg11[%dma_start3A_654] : memref<2x!tpu.dma_semaphore, #tpu.memory_space<semaphore_mem>> -> memref<1x!tpu.dma_semaphore, #tpu.memory_space<semaphore_mem>>
          %dma_start3A_662 = tpu.memref_squeeze %dma_start3A_661 : memref<1x!tpu.dma_semaphore, #tpu.memory_space<semaphore_mem>> -> memref<!tpu.dma_semaphore, #tpu.memory_space<semaphore_mem>>
          tpu.enqueue_indirect_dma source(%arg8 : memref<128x128xf32, #tpu.memory_space<vmem>>) target(%dma_start3A_660 : memref<10064x128xf32, #tpu.memory_space<vmem_shared>>) offsets(%dma_start3A_657 : memref<128xi32, #tpu.memory_space<vmem>>) semaphore(%dma_start3A_662 : memref<!tpu.dma_semaphore, #tpu.memory_space<semaphore_mem>>) {add = true}
        }
        %scan3A_568 = arith.constant 8 : i32
        %dma_wait3A_569 = arith.constant 15 : i32
        %dma_wait3A_570 = arith.constant 1 : i32
        %dma_wait3A_571 = arith.constant 1 : i32
        %dma_wait3A_572 = arith.constant 0 : i32
        %dma_wait3A_573 = tpu.memref_slice %arg6[%dma_wait3A_569, %dma_wait3A_570, %dma_wait3A_572] : memref<16x2x128xi32, #tpu.memory_space<vmem>> -> memref<1x1x128xi32, #tpu.memory_space<vmem>>
        %dma_wait3A_574 = tpu.memref_squeeze %dma_wait3A_573 : memref<1x1x128xi32, #tpu.memory_space<vmem>> -> memref<128xi32, #tpu.memory_space<vmem>>
        %dma_wait3A_575 = arith.constant 0 : i32
        %dma_wait3A_576 = arith.constant 0 : i32
        %dma_wait3A_577 = tpu.memref_slice %arg9[%dma_wait3A_575, %dma_wait3A_576] : memref<10064x128xf32, #tpu.memory_space<vmem_shared>> -> memref<10064x128xf32, #tpu.memory_space<vmem_shared>>
        %dma_wait3A_578 = tpu.memref_slice %arg11[%dma_wait3A_571] : memref<2x!tpu.dma_semaphore, #tpu.memory_space<semaphore_mem>> -> memref<1x!tpu.dma_semaphore, #tpu.memory_space<semaphore_mem>>
        %dma_wait3A_579 = tpu.memref_squeeze %dma_wait3A_578 : memref<1x!tpu.dma_semaphore, #tpu.memory_space<semaphore_mem>> -> memref<!tpu.dma_semaphore, #tpu.memory_space<semaphore_mem>>
        tpu.wait_indirect_dma semaphore(%dma_wait3A_579 : memref<!tpu.dma_semaphore, #tpu.memory_space<semaphore_mem>>) src(%arg8 : memref<128x128xf32, #tpu.memory_space<vmem>>) dst(%dma_wait3A_577 : memref<10064x128xf32, #tpu.memory_space<vmem_shared>>)
      } else {
      }
    }
    %scan3A_230 = arith.constant 5 : i32
    %barrier3A_231 = arith.constant 0 : index
    tpu.barrier barrier_id(%barrier3A_231)
    %mul3A_232 = arith.constant 624 : i32
    %mul3A_233 = arith.muli %arg1, %mul3A_232 : i32
    %add3A_234 = arith.constant 0 : i32
    %add3A_235 = arith.addi %mul3A_233, %add3A_234 : i32
    %multiple_of3A_236 = tpu.assume_multiple %add3A_235, 8 : i32
    "tpu.region"() ({
      %run_scoped3A_501 = tpu.sem_alloc : memref<!tpu.dma_semaphore, #tpu.memory_space<semaphore_mem>>
      %dma_start3A_502 = arith.constant 0 : i32
      %dma_start3A_503 = arith.constant 0 : i32
      %dma_start3A_504 = tpu.memref_slice %arg7[%dma_start3A_502, %dma_start3A_503] : memref<128x128xf32, #tpu.memory_space<vmem>> -> memref<104x128xf32, #tpu.memory_space<vmem>>
      %dma_start3A_505 = arith.constant 0 : i32
      %dma_start3A_506 = tpu.memref_slice %arg9[%multiple_of3A_236, %dma_start3A_505] : memref<10064x128xf32, #tpu.memory_space<vmem_shared>> -> memref<104x128xf32, #tpu.memory_space<vmem_shared>>
      %dma_start3A_507 = arith.constant 0 : i32
      %dma_start3A_508 = arith.constant 0 : i32
      %dma_start3A_509 = tpu.memref_slice %arg7[%dma_start3A_507, %dma_start3A_508] : memref<128x128xf32, #tpu.memory_space<vmem>> -> memref<104x128xf32, #tpu.memory_space<vmem>>
      %dma_start3A_510 = arith.constant 0 : i32
      %dma_start3A_511 = tpu.memref_slice %arg9[%multiple_of3A_236, %dma_start3A_510] : memref<10064x128xf32, #tpu.memory_space<vmem_shared>> -> memref<104x128xf32, #tpu.memory_space<vmem_shared>>
      tpu.enqueue_dma source(%dma_start3A_511 : memref<104x128xf32, #tpu.memory_space<vmem_shared>>) target(%dma_start3A_509 : memref<104x128xf32, #tpu.memory_space<vmem>>) target_semaphore(%run_scoped3A_501 : memref<!tpu.dma_semaphore, #tpu.memory_space<semaphore_mem>>)
      %dma_wait3A_512 = arith.constant 0 : i32
      %dma_wait3A_513 = arith.constant 0 : i32
      %dma_wait3A_514 = tpu.memref_slice %arg7[%dma_wait3A_512, %dma_wait3A_513] : memref<128x128xf32, #tpu.memory_space<vmem>> -> memref<104x128xf32, #tpu.memory_space<vmem>>
      %dma_wait3A_515 = arith.constant 0 : i32
      %dma_wait3A_516 = tpu.memref_slice %arg9[%multiple_of3A_236, %dma_wait3A_515] : memref<10064x128xf32, #tpu.memory_space<vmem_shared>> -> memref<104x128xf32, #tpu.memory_space<vmem_shared>>
      %dma_wait3A_517 = arith.constant 0 : i32
      %dma_wait3A_518 = arith.constant 0 : i32
      %dma_wait3A_519 = tpu.memref_slice %arg7[%dma_wait3A_517, %dma_wait3A_518] : memref<128x128xf32, #tpu.memory_space<vmem>> -> memref<104x128xf32, #tpu.memory_space<vmem>>
      %dma_wait3A_520 = arith.constant 0 : i32
      %dma_wait3A_521 = tpu.memref_slice %arg9[%multiple_of3A_236, %dma_wait3A_520] : memref<10064x128xf32, #tpu.memory_space<vmem_shared>> -> memref<104x128xf32, #tpu.memory_space<vmem_shared>>
      tpu.wait_dma2 semaphore(%run_scoped3A_501 : memref<!tpu.dma_semaphore, #tpu.memory_space<semaphore_mem>>) src(%dma_wait3A_521 : memref<104x128xf32, #tpu.memory_space<vmem_shared>>) dst(%dma_wait3A_519 : memref<104x128xf32, #tpu.memory_space<vmem>>)
      tpu.yield
    }) : () -> ()
    %mul3A_237 = arith.constant 10000 : i32
    %mul3A_238 = arith.muli %arg0, %mul3A_237 : i32
    %add3A_239 = arith.addi %mul3A_238, %multiple_of3A_236 : i32
    %multiple_of3A_240 = tpu.assume_multiple %add3A_239, 8 : i32
    %dma_start3A_241 = arith.constant 0 : i32
    %dma_start3A_242 = arith.constant 0 : i32
    %dma_start3A_243 = arith.constant 0 : i32
    %dma_start3A_244 = tpu.memref_slice %arg7[%dma_start3A_242, %dma_start3A_243] : memref<128x128xf32, #tpu.memory_space<vmem>> -> memref<104x128xf32, #tpu.memory_space<vmem>>
    %dma_start3A_245 = arith.constant 0 : i32
    %dma_start3A_246 = tpu.memref_slice %arg4[%multiple_of3A_240, %dma_start3A_245] : memref<20000x128xf32, #tpu.memory_space<hbm>> -> memref<104x128xf32, #tpu.memory_space<hbm>>
    %dma_start3A_247 = tpu.memref_slice %arg11[%dma_start3A_241] : memref<2x!tpu.dma_semaphore, #tpu.memory_space<semaphore_mem>> -> memref<1x!tpu.dma_semaphore, #tpu.memory_space<semaphore_mem>>
    %dma_start3A_248 = tpu.memref_squeeze %dma_start3A_247 : memref<1x!tpu.dma_semaphore, #tpu.memory_space<semaphore_mem>> -> memref<!tpu.dma_semaphore, #tpu.memory_space<semaphore_mem>>
    %dma_start3A_249 = arith.constant 0 : i32
    %dma_start3A_250 = tpu.memref_slice %arg4[%multiple_of3A_240, %dma_start3A_249] : memref<20000x128xf32, #tpu.memory_space<hbm>> -> memref<104x128xf32, #tpu.memory_space<hbm>>
    %dma_start3A_251 = arith.constant 0 : i32
    %dma_start3A_252 = arith.constant 0 : i32
    %dma_start3A_253 = tpu.memref_slice %arg7[%dma_start3A_251, %dma_start3A_252] : memref<128x128xf32, #tpu.memory_space<vmem>> -> memref<104x128xf32, #tpu.memory_space<vmem>>
    tpu.enqueue_dma source(%dma_start3A_253 : memref<104x128xf32, #tpu.memory_space<vmem>>) target(%dma_start3A_250 : memref<104x128xf32, #tpu.memory_space<hbm>>) target_semaphore(%dma_start3A_248 : memref<!tpu.dma_semaphore, #tpu.memory_space<semaphore_mem>>)
    %mul3A_254 = arith.constant 624 : i32
    %mul3A_255 = arith.muli %arg1, %mul3A_254 : i32
    %add3A_256 = arith.constant 104 : i32
    %add3A_257 = arith.addi %mul3A_255, %add3A_256 : i32
    %multiple_of3A_258 = tpu.assume_multiple %add3A_257, 8 : i32
    "tpu.region"() ({
      %run_scoped3A_501 = tpu.sem_alloc : memref<!tpu.dma_semaphore, #tpu.memory_space<semaphore_mem>>
      %dma_start3A_502 = arith.constant 0 : i32
      %dma_start3A_503 = arith.constant 0 : i32
      %dma_start3A_504 = tpu.memref_slice %arg8[%dma_start3A_502, %dma_start3A_503] : memref<128x128xf32, #tpu.memory_space<vmem>> -> memref<104x128xf32, #tpu.memory_space<vmem>>
      %dma_start3A_505 = arith.constant 0 : i32
      %dma_start3A_506 = tpu.memref_slice %arg9[%multiple_of3A_258, %dma_start3A_505] : memref<10064x128xf32, #tpu.memory_space<vmem_shared>> -> memref<104x128xf32, #tpu.memory_space<vmem_shared>>
      %dma_start3A_507 = arith.constant 0 : i32
      %dma_start3A_508 = arith.constant 0 : i32
      %dma_start3A_509 = tpu.memref_slice %arg8[%dma_start3A_507, %dma_start3A_508] : memref<128x128xf32, #tpu.memory_space<vmem>> -> memref<104x128xf32, #tpu.memory_space<vmem>>
      %dma_start3A_510 = arith.constant 0 : i32
      %dma_start3A_511 = tpu.memref_slice %arg9[%multiple_of3A_258, %dma_start3A_510] : memref<10064x128xf32, #tpu.memory_space<vmem_shared>> -> memref<104x128xf32, #tpu.memory_space<vmem_shared>>
      tpu.enqueue_dma source(%dma_start3A_511 : memref<104x128xf32, #tpu.memory_space<vmem_shared>>) target(%dma_start3A_509 : memref<104x128xf32, #tpu.memory_space<vmem>>) target_semaphore(%run_scoped3A_501 : memref<!tpu.dma_semaphore, #tpu.memory_space<semaphore_mem>>)
      %dma_wait3A_512 = arith.constant 0 : i32
      %dma_wait3A_513 = arith.constant 0 : i32
      %dma_wait3A_514 = tpu.memref_slice %arg8[%dma_wait3A_512, %dma_wait3A_513] : memref<128x128xf32, #tpu.memory_space<vmem>> -> memref<104x128xf32, #tpu.memory_space<vmem>>
      %dma_wait3A_515 = arith.constant 0 : i32
      %dma_wait3A_516 = tpu.memref_slice %arg9[%multiple_of3A_258, %dma_wait3A_515] : memref<10064x128xf32, #tpu.memory_space<vmem_shared>> -> memref<104x128xf32, #tpu.memory_space<vmem_shared>>
      %dma_wait3A_517 = arith.constant 0 : i32
      %dma_wait3A_518 = arith.constant 0 : i32
      %dma_wait3A_519 = tpu.memref_slice %arg8[%dma_wait3A_517, %dma_wait3A_518] : memref<128x128xf32, #tpu.memory_space<vmem>> -> memref<104x128xf32, #tpu.memory_space<vmem>>
      %dma_wait3A_520 = arith.constant 0 : i32
      %dma_wait3A_521 = tpu.memref_slice %arg9[%multiple_of3A_258, %dma_wait3A_520] : memref<10064x128xf32, #tpu.memory_space<vmem_shared>> -> memref<104x128xf32, #tpu.memory_space<vmem_shared>>
      tpu.wait_dma2 semaphore(%run_scoped3A_501 : memref<!tpu.dma_semaphore, #tpu.memory_space<semaphore_mem>>) src(%dma_wait3A_521 : memref<104x128xf32, #tpu.memory_space<vmem_shared>>) dst(%dma_wait3A_519 : memref<104x128xf32, #tpu.memory_space<vmem>>)
      tpu.yield
    }) : () -> ()
    %mul3A_259 = arith.constant 10000 : i32
    %mul3A_260 = arith.muli %arg0, %mul3A_259 : i32
    %add3A_261 = arith.addi %mul3A_260, %multiple_of3A_258 : i32
    %multiple_of3A_262 = tpu.assume_multiple %add3A_261, 8 : i32
    %dma_start3A_263 = arith.constant 1 : i32
    %dma_start3A_264 = arith.constant 0 : i32
    %dma_start3A_265 = arith.constant 0 : i32
    %dma_start3A_266 = tpu.memref_slice %arg8[%dma_start3A_264, %dma_start3A_265] : memref<128x128xf32, #tpu.memory_space<vmem>> -> memref<104x128xf32, #tpu.memory_space<vmem>>
    %dma_start3A_267 = arith.constant 0 : i32
    %dma_start3A_268 = tpu.memref_slice %arg4[%multiple_of3A_262, %dma_start3A_267] : memref<20000x128xf32, #tpu.memory_space<hbm>> -> memref<104x128xf32, #tpu.memory_space<hbm>>
    %dma_start3A_269 = tpu.memref_slice %arg11[%dma_start3A_263] : memref<2x!tpu.dma_semaphore, #tpu.memory_space<semaphore_mem>> -> memref<1x!tpu.dma_semaphore, #tpu.memory_space<semaphore_mem>>
    %dma_start3A_270 = tpu.memref_squeeze %dma_start3A_269 : memref<1x!tpu.dma_semaphore, #tpu.memory_space<semaphore_mem>> -> memref<!tpu.dma_semaphore, #tpu.memory_space<semaphore_mem>>
    %dma_start3A_271 = arith.constant 0 : i32
    %dma_start3A_272 = tpu.memref_slice %arg4[%multiple_of3A_262, %dma_start3A_271] : memref<20000x128xf32, #tpu.memory_space<hbm>> -> memref<104x128xf32, #tpu.memory_space<hbm>>
    %dma_start3A_273 = arith.constant 0 : i32
    %dma_start3A_274 = arith.constant 0 : i32
    %dma_start3A_275 = tpu.memref_slice %arg8[%dma_start3A_273, %dma_start3A_274] : memref<128x128xf32, #tpu.memory_space<vmem>> -> memref<104x128xf32, #tpu.memory_space<vmem>>
    tpu.enqueue_dma source(%dma_start3A_275 : memref<104x128xf32, #tpu.memory_space<vmem>>) target(%dma_start3A_272 : memref<104x128xf32, #tpu.memory_space<hbm>>) target_semaphore(%dma_start3A_270 : memref<!tpu.dma_semaphore, #tpu.memory_space<semaphore_mem>>)
    %mul3A_276 = arith.constant 624 : i32
    %mul3A_277 = arith.muli %arg1, %mul3A_276 : i32
    %add3A_278 = arith.constant 208 : i32
    %add3A_279 = arith.addi %mul3A_277, %add3A_278 : i32
    %multiple_of3A_280 = tpu.assume_multiple %add3A_279, 8 : i32
    %mul3A_281 = arith.constant 624 : i32
    %mul3A_282 = arith.muli %arg1, %mul3A_281 : i32
    %add3A_283 = arith.constant 0 : i32
    %add3A_284 = arith.addi %mul3A_282, %add3A_283 : i32
    %multiple_of3A_285 = tpu.assume_multiple %add3A_284, 8 : i32
    %mul3A_286 = arith.constant 10000 : i32
    %mul3A_287 = arith.muli %arg0, %mul3A_286 : i32
    %add3A_288 = arith.addi %mul3A_287, %multiple_of3A_285 : i32
    %multiple_of3A_289 = tpu.assume_multiple %add3A_288, 8 : i32
    %dma_wait3A_290 = arith.constant 0 : i32
    %dma_wait3A_291 = arith.constant 0 : i32
    %dma_wait3A_292 = arith.constant 0 : i32
    %dma_wait3A_293 = tpu.memref_slice %arg7[%dma_wait3A_291, %dma_wait3A_292] : memref<128x128xf32, #tpu.memory_space<vmem>> -> memref<104x128xf32, #tpu.memory_space<vmem>>
    %dma_wait3A_294 = arith.constant 0 : i32
    %dma_wait3A_295 = tpu.memref_slice %arg4[%multiple_of3A_289, %dma_wait3A_294] : memref<20000x128xf32, #tpu.memory_space<hbm>> -> memref<104x128xf32, #tpu.memory_space<hbm>>
    %dma_wait3A_296 = tpu.memref_slice %arg11[%dma_wait3A_290] : memref<2x!tpu.dma_semaphore, #tpu.memory_space<semaphore_mem>> -> memref<1x!tpu.dma_semaphore, #tpu.memory_space<semaphore_mem>>
    %dma_wait3A_297 = tpu.memref_squeeze %dma_wait3A_296 : memref<1x!tpu.dma_semaphore, #tpu.memory_space<semaphore_mem>> -> memref<!tpu.dma_semaphore, #tpu.memory_space<semaphore_mem>>
    %dma_wait3A_298 = arith.constant 0 : i32
    %dma_wait3A_299 = tpu.memref_slice %arg4[%multiple_of3A_289, %dma_wait3A_298] : memref<20000x128xf32, #tpu.memory_space<hbm>> -> memref<104x128xf32, #tpu.memory_space<hbm>>
    %dma_wait3A_300 = arith.constant 0 : i32
    %dma_wait3A_301 = arith.constant 0 : i32
    %dma_wait3A_302 = tpu.memref_slice %arg7[%dma_wait3A_300, %dma_wait3A_301] : memref<128x128xf32, #tpu.memory_space<vmem>> -> memref<104x128xf32, #tpu.memory_space<vmem>>
    tpu.wait_dma2 semaphore(%dma_wait3A_297 : memref<!tpu.dma_semaphore, #tpu.memory_space<semaphore_mem>>) src(%dma_wait3A_302 : memref<104x128xf32, #tpu.memory_space<vmem>>) dst(%dma_wait3A_299 : memref<104x128xf32, #tpu.memory_space<hbm>>)
    "tpu.region"() ({
      %run_scoped3A_501 = tpu.sem_alloc : memref<!tpu.dma_semaphore, #tpu.memory_space<semaphore_mem>>
      %dma_start3A_502 = arith.constant 0 : i32
      %dma_start3A_503 = arith.constant 0 : i32
      %dma_start3A_504 = tpu.memref_slice %arg7[%dma_start3A_502, %dma_start3A_503] : memref<128x128xf32, #tpu.memory_space<vmem>> -> memref<104x128xf32, #tpu.memory_space<vmem>>
      %dma_start3A_505 = arith.constant 0 : i32
      %dma_start3A_506 = tpu.memref_slice %arg9[%multiple_of3A_280, %dma_start3A_505] : memref<10064x128xf32, #tpu.memory_space<vmem_shared>> -> memref<104x128xf32, #tpu.memory_space<vmem_shared>>
      %dma_start3A_507 = arith.constant 0 : i32
      %dma_start3A_508 = arith.constant 0 : i32
      %dma_start3A_509 = tpu.memref_slice %arg7[%dma_start3A_507, %dma_start3A_508] : memref<128x128xf32, #tpu.memory_space<vmem>> -> memref<104x128xf32, #tpu.memory_space<vmem>>
      %dma_start3A_510 = arith.constant 0 : i32
      %dma_start3A_511 = tpu.memref_slice %arg9[%multiple_of3A_280, %dma_start3A_510] : memref<10064x128xf32, #tpu.memory_space<vmem_shared>> -> memref<104x128xf32, #tpu.memory_space<vmem_shared>>
      tpu.enqueue_dma source(%dma_start3A_511 : memref<104x128xf32, #tpu.memory_space<vmem_shared>>) target(%dma_start3A_509 : memref<104x128xf32, #tpu.memory_space<vmem>>) target_semaphore(%run_scoped3A_501 : memref<!tpu.dma_semaphore, #tpu.memory_space<semaphore_mem>>)
      %dma_wait3A_512 = arith.constant 0 : i32
      %dma_wait3A_513 = arith.constant 0 : i32
      %dma_wait3A_514 = tpu.memref_slice %arg7[%dma_wait3A_512, %dma_wait3A_513] : memref<128x128xf32, #tpu.memory_space<vmem>> -> memref<104x128xf32, #tpu.memory_space<vmem>>
      %dma_wait3A_515 = arith.constant 0 : i32
      %dma_wait3A_516 = tpu.memref_slice %arg9[%multiple_of3A_280, %dma_wait3A_515] : memref<10064x128xf32, #tpu.memory_space<vmem_shared>> -> memref<104x128xf32, #tpu.memory_space<vmem_shared>>
      %dma_wait3A_517 = arith.constant 0 : i32
      %dma_wait3A_518 = arith.constant 0 : i32
      %dma_wait3A_519 = tpu.memref_slice %arg7[%dma_wait3A_517, %dma_wait3A_518] : memref<128x128xf32, #tpu.memory_space<vmem>> -> memref<104x128xf32, #tpu.memory_space<vmem>>
      %dma_wait3A_520 = arith.constant 0 : i32
      %dma_wait3A_521 = tpu.memref_slice %arg9[%multiple_of3A_280, %dma_wait3A_520] : memref<10064x128xf32, #tpu.memory_space<vmem_shared>> -> memref<104x128xf32, #tpu.memory_space<vmem_shared>>
      tpu.wait_dma2 semaphore(%run_scoped3A_501 : memref<!tpu.dma_semaphore, #tpu.memory_space<semaphore_mem>>) src(%dma_wait3A_521 : memref<104x128xf32, #tpu.memory_space<vmem_shared>>) dst(%dma_wait3A_519 : memref<104x128xf32, #tpu.memory_space<vmem>>)
      tpu.yield
    }) : () -> ()
    %mul3A_303 = arith.constant 10000 : i32
    %mul3A_304 = arith.muli %arg0, %mul3A_303 : i32
    %add3A_305 = arith.addi %mul3A_304, %multiple_of3A_280 : i32
    %multiple_of3A_306 = tpu.assume_multiple %add3A_305, 8 : i32
    %dma_start3A_307 = arith.constant 0 : i32
    %dma_start3A_308 = arith.constant 0 : i32
    %dma_start3A_309 = arith.constant 0 : i32
    %dma_start3A_310 = tpu.memref_slice %arg7[%dma_start3A_308, %dma_start3A_309] : memref<128x128xf32, #tpu.memory_space<vmem>> -> memref<104x128xf32, #tpu.memory_space<vmem>>
    %dma_start3A_311 = arith.constant 0 : i32
    %dma_start3A_312 = tpu.memref_slice %arg4[%multiple_of3A_306, %dma_start3A_311] : memref<20000x128xf32, #tpu.memory_space<hbm>> -> memref<104x128xf32, #tpu.memory_space<hbm>>
    %dma_start3A_313 = tpu.memref_slice %arg11[%dma_start3A_307] : memref<2x!tpu.dma_semaphore, #tpu.memory_space<semaphore_mem>> -> memref<1x!tpu.dma_semaphore, #tpu.memory_space<semaphore_mem>>
    %dma_start3A_314 = tpu.memref_squeeze %dma_start3A_313 : memref<1x!tpu.dma_semaphore, #tpu.memory_space<semaphore_mem>> -> memref<!tpu.dma_semaphore, #tpu.memory_space<semaphore_mem>>
    %dma_start3A_315 = arith.constant 0 : i32
    %dma_start3A_316 = tpu.memref_slice %arg4[%multiple_of3A_306, %dma_start3A_315] : memref<20000x128xf32, #tpu.memory_space<hbm>> -> memref<104x128xf32, #tpu.memory_space<hbm>>
    %dma_start3A_317 = arith.constant 0 : i32
    %dma_start3A_318 = arith.constant 0 : i32
    %dma_start3A_319 = tpu.memref_slice %arg7[%dma_start3A_317, %dma_start3A_318] : memref<128x128xf32, #tpu.memory_space<vmem>> -> memref<104x128xf32, #tpu.memory_space<vmem>>
    tpu.enqueue_dma source(%dma_start3A_319 : memref<104x128xf32, #tpu.memory_space<vmem>>) target(%dma_start3A_316 : memref<104x128xf32, #tpu.memory_space<hbm>>) target_semaphore(%dma_start3A_314 : memref<!tpu.dma_semaphore, #tpu.memory_space<semaphore_mem>>)
    %mul3A_320 = arith.constant 624 : i32
    %mul3A_321 = arith.muli %arg1, %mul3A_320 : i32
    %add3A_322 = arith.constant 312 : i32
    %add3A_323 = arith.addi %mul3A_321, %add3A_322 : i32
    %multiple_of3A_324 = tpu.assume_multiple %add3A_323, 8 : i32
    %mul3A_325 = arith.constant 624 : i32
    %mul3A_326 = arith.muli %arg1, %mul3A_325 : i32
    %add3A_327 = arith.constant 104 : i32
    %add3A_328 = arith.addi %mul3A_326, %add3A_327 : i32
    %multiple_of3A_329 = tpu.assume_multiple %add3A_328, 8 : i32
    %mul3A_330 = arith.constant 10000 : i32
    %mul3A_331 = arith.muli %arg0, %mul3A_330 : i32
    %add3A_332 = arith.addi %mul3A_331, %multiple_of3A_329 : i32
    %multiple_of3A_333 = tpu.assume_multiple %add3A_332, 8 : i32
    %dma_wait3A_334 = arith.constant 1 : i32
    %dma_wait3A_335 = arith.constant 0 : i32
    %dma_wait3A_336 = arith.constant 0 : i32
    %dma_wait3A_337 = tpu.memref_slice %arg8[%dma_wait3A_335, %dma_wait3A_336] : memref<128x128xf32, #tpu.memory_space<vmem>> -> memref<104x128xf32, #tpu.memory_space<vmem>>
    %dma_wait3A_338 = arith.constant 0 : i32
    %dma_wait3A_339 = tpu.memref_slice %arg4[%multiple_of3A_333, %dma_wait3A_338] : memref<20000x128xf32, #tpu.memory_space<hbm>> -> memref<104x128xf32, #tpu.memory_space<hbm>>
    %dma_wait3A_340 = tpu.memref_slice %arg11[%dma_wait3A_334] : memref<2x!tpu.dma_semaphore, #tpu.memory_space<semaphore_mem>> -> memref<1x!tpu.dma_semaphore, #tpu.memory_space<semaphore_mem>>
    %dma_wait3A_341 = tpu.memref_squeeze %dma_wait3A_340 : memref<1x!tpu.dma_semaphore, #tpu.memory_space<semaphore_mem>> -> memref<!tpu.dma_semaphore, #tpu.memory_space<semaphore_mem>>
    %dma_wait3A_342 = arith.constant 0 : i32
    %dma_wait3A_343 = tpu.memref_slice %arg4[%multiple_of3A_333, %dma_wait3A_342] : memref<20000x128xf32, #tpu.memory_space<hbm>> -> memref<104x128xf32, #tpu.memory_space<hbm>>
    %dma_wait3A_344 = arith.constant 0 : i32
    %dma_wait3A_345 = arith.constant 0 : i32
    %dma_wait3A_346 = tpu.memref_slice %arg8[%dma_wait3A_344, %dma_wait3A_345] : memref<128x128xf32, #tpu.memory_space<vmem>> -> memref<104x128xf32, #tpu.memory_space<vmem>>
    tpu.wait_dma2 semaphore(%dma_wait3A_341 : memref<!tpu.dma_semaphore, #tpu.memory_space<semaphore_mem>>) src(%dma_wait3A_346 : memref<104x128xf32, #tpu.memory_space<vmem>>) dst(%dma_wait3A_343 : memref<104x128xf32, #tpu.memory_space<hbm>>)
    "tpu.region"() ({
      %run_scoped3A_501 = tpu.sem_alloc : memref<!tpu.dma_semaphore, #tpu.memory_space<semaphore_mem>>
      %dma_start3A_502 = arith.constant 0 : i32
      %dma_start3A_503 = arith.constant 0 : i32
      %dma_start3A_504 = tpu.memref_slice %arg8[%dma_start3A_502, %dma_start3A_503] : memref<128x128xf32, #tpu.memory_space<vmem>> -> memref<104x128xf32, #tpu.memory_space<vmem>>
      %dma_start3A_505 = arith.constant 0 : i32
      %dma_start3A_506 = tpu.memref_slice %arg9[%multiple_of3A_324, %dma_start3A_505] : memref<10064x128xf32, #tpu.memory_space<vmem_shared>> -> memref<104x128xf32, #tpu.memory_space<vmem_shared>>
      %dma_start3A_507 = arith.constant 0 : i32
      %dma_start3A_508 = arith.constant 0 : i32
      %dma_start3A_509 = tpu.memref_slice %arg8[%dma_start3A_507, %dma_start3A_508] : memref<128x128xf32, #tpu.memory_space<vmem>> -> memref<104x128xf32, #tpu.memory_space<vmem>>
      %dma_start3A_510 = arith.constant 0 : i32
      %dma_start3A_511 = tpu.memref_slice %arg9[%multiple_of3A_324, %dma_start3A_510] : memref<10064x128xf32, #tpu.memory_space<vmem_shared>> -> memref<104x128xf32, #tpu.memory_space<vmem_shared>>
      tpu.enqueue_dma source(%dma_start3A_511 : memref<104x128xf32, #tpu.memory_space<vmem_shared>>) target(%dma_start3A_509 : memref<104x128xf32, #tpu.memory_space<vmem>>) target_semaphore(%run_scoped3A_501 : memref<!tpu.dma_semaphore, #tpu.memory_space<semaphore_mem>>)
      %dma_wait3A_512 = arith.constant 0 : i32
      %dma_wait3A_513 = arith.constant 0 : i32
      %dma_wait3A_514 = tpu.memref_slice %arg8[%dma_wait3A_512, %dma_wait3A_513] : memref<128x128xf32, #tpu.memory_space<vmem>> -> memref<104x128xf32, #tpu.memory_space<vmem>>
      %dma_wait3A_515 = arith.constant 0 : i32
      %dma_wait3A_516 = tpu.memref_slice %arg9[%multiple_of3A_324, %dma_wait3A_515] : memref<10064x128xf32, #tpu.memory_space<vmem_shared>> -> memref<104x128xf32, #tpu.memory_space<vmem_shared>>
      %dma_wait3A_517 = arith.constant 0 : i32
      %dma_wait3A_518 = arith.constant 0 : i32
      %dma_wait3A_519 = tpu.memref_slice %arg8[%dma_wait3A_517, %dma_wait3A_518] : memref<128x128xf32, #tpu.memory_space<vmem>> -> memref<104x128xf32, #tpu.memory_space<vmem>>
      %dma_wait3A_520 = arith.constant 0 : i32
      %dma_wait3A_521 = tpu.memref_slice %arg9[%multiple_of3A_324, %dma_wait3A_520] : memref<10064x128xf32, #tpu.memory_space<vmem_shared>> -> memref<104x128xf32, #tpu.memory_space<vmem_shared>>
      tpu.wait_dma2 semaphore(%run_scoped3A_501 : memref<!tpu.dma_semaphore, #tpu.memory_space<semaphore_mem>>) src(%dma_wait3A_521 : memref<104x128xf32, #tpu.memory_space<vmem_shared>>) dst(%dma_wait3A_519 : memref<104x128xf32, #tpu.memory_space<vmem>>)
      tpu.yield
    }) : () -> ()
    %mul3A_347 = arith.constant 10000 : i32
    %mul3A_348 = arith.muli %arg0, %mul3A_347 : i32
    %add3A_349 = arith.addi %mul3A_348, %multiple_of3A_324 : i32
    %multiple_of3A_350 = tpu.assume_multiple %add3A_349, 8 : i32
    %dma_start3A_351 = arith.constant 1 : i32
    %dma_start3A_352 = arith.constant 0 : i32
    %dma_start3A_353 = arith.constant 0 : i32
    %dma_start3A_354 = tpu.memref_slice %arg8[%dma_start3A_352, %dma_start3A_353] : memref<128x128xf32, #tpu.memory_space<vmem>> -> memref<104x128xf32, #tpu.memory_space<vmem>>
    %dma_start3A_355 = arith.constant 0 : i32
    %dma_start3A_356 = tpu.memref_slice %arg4[%multiple_of3A_350, %dma_start3A_355] : memref<20000x128xf32, #tpu.memory_space<hbm>> -> memref<104x128xf32, #tpu.memory_space<hbm>>
    %dma_start3A_357 = tpu.memref_slice %arg11[%dma_start3A_351] : memref<2x!tpu.dma_semaphore, #tpu.memory_space<semaphore_mem>> -> memref<1x!tpu.dma_semaphore, #tpu.memory_space<semaphore_mem>>
    %dma_start3A_358 = tpu.memref_squeeze %dma_start3A_357 : memref<1x!tpu.dma_semaphore, #tpu.memory_space<semaphore_mem>> -> memref<!tpu.dma_semaphore, #tpu.memory_space<semaphore_mem>>
    %dma_start3A_359 = arith.constant 0 : i32
    %dma_start3A_360 = tpu.memref_slice %arg4[%multiple_of3A_350, %dma_start3A_359] : memref<20000x128xf32, #tpu.memory_space<hbm>> -> memref<104x128xf32, #tpu.memory_space<hbm>>
    %dma_start3A_361 = arith.constant 0 : i32
    %dma_start3A_362 = arith.constant 0 : i32
    %dma_start3A_363 = tpu.memref_slice %arg8[%dma_start3A_361, %dma_start3A_362] : memref<128x128xf32, #tpu.memory_space<vmem>> -> memref<104x128xf32, #tpu.memory_space<vmem>>
    tpu.enqueue_dma source(%dma_start3A_363 : memref<104x128xf32, #tpu.memory_space<vmem>>) target(%dma_start3A_360 : memref<104x128xf32, #tpu.memory_space<hbm>>) target_semaphore(%dma_start3A_358 : memref<!tpu.dma_semaphore, #tpu.memory_space<semaphore_mem>>)
    %mul3A_364 = arith.constant 624 : i32
    %mul3A_365 = arith.muli %arg1, %mul3A_364 : i32
    %add3A_366 = arith.constant 416 : i32
    %add3A_367 = arith.addi %mul3A_365, %add3A_366 : i32
    %multiple_of3A_368 = tpu.assume_multiple %add3A_367, 8 : i32
    %mul3A_369 = arith.constant 624 : i32
    %mul3A_370 = arith.muli %arg1, %mul3A_369 : i32
    %add3A_371 = arith.constant 208 : i32
    %add3A_372 = arith.addi %mul3A_370, %add3A_371 : i32
    %multiple_of3A_373 = tpu.assume_multiple %add3A_372, 8 : i32
    %mul3A_374 = arith.constant 10000 : i32
    %mul3A_375 = arith.muli %arg0, %mul3A_374 : i32
    %add3A_376 = arith.addi %mul3A_375, %multiple_of3A_373 : i32
    %multiple_of3A_377 = tpu.assume_multiple %add3A_376, 8 : i32
    %dma_wait3A_378 = arith.constant 0 : i32
    %dma_wait3A_379 = arith.constant 0 : i32
    %dma_wait3A_380 = arith.constant 0 : i32
    %dma_wait3A_381 = tpu.memref_slice %arg7[%dma_wait3A_379, %dma_wait3A_380] : memref<128x128xf32, #tpu.memory_space<vmem>> -> memref<104x128xf32, #tpu.memory_space<vmem>>
    %dma_wait3A_382 = arith.constant 0 : i32
    %dma_wait3A_383 = tpu.memref_slice %arg4[%multiple_of3A_377, %dma_wait3A_382] : memref<20000x128xf32, #tpu.memory_space<hbm>> -> memref<104x128xf32, #tpu.memory_space<hbm>>
    %dma_wait3A_384 = tpu.memref_slice %arg11[%dma_wait3A_378] : memref<2x!tpu.dma_semaphore, #tpu.memory_space<semaphore_mem>> -> memref<1x!tpu.dma_semaphore, #tpu.memory_space<semaphore_mem>>
    %dma_wait3A_385 = tpu.memref_squeeze %dma_wait3A_384 : memref<1x!tpu.dma_semaphore, #tpu.memory_space<semaphore_mem>> -> memref<!tpu.dma_semaphore, #tpu.memory_space<semaphore_mem>>
    %dma_wait3A_386 = arith.constant 0 : i32
    %dma_wait3A_387 = tpu.memref_slice %arg4[%multiple_of3A_377, %dma_wait3A_386] : memref<20000x128xf32, #tpu.memory_space<hbm>> -> memref<104x128xf32, #tpu.memory_space<hbm>>
    %dma_wait3A_388 = arith.constant 0 : i32
    %dma_wait3A_389 = arith.constant 0 : i32
    %dma_wait3A_390 = tpu.memref_slice %arg7[%dma_wait3A_388, %dma_wait3A_389] : memref<128x128xf32, #tpu.memory_space<vmem>> -> memref<104x128xf32, #tpu.memory_space<vmem>>
    tpu.wait_dma2 semaphore(%dma_wait3A_385 : memref<!tpu.dma_semaphore, #tpu.memory_space<semaphore_mem>>) src(%dma_wait3A_390 : memref<104x128xf32, #tpu.memory_space<vmem>>) dst(%dma_wait3A_387 : memref<104x128xf32, #tpu.memory_space<hbm>>)
    "tpu.region"() ({
      %run_scoped3A_501 = tpu.sem_alloc : memref<!tpu.dma_semaphore, #tpu.memory_space<semaphore_mem>>
      %dma_start3A_502 = arith.constant 0 : i32
      %dma_start3A_503 = arith.constant 0 : i32
      %dma_start3A_504 = tpu.memref_slice %arg7[%dma_start3A_502, %dma_start3A_503] : memref<128x128xf32, #tpu.memory_space<vmem>> -> memref<104x128xf32, #tpu.memory_space<vmem>>
      %dma_start3A_505 = arith.constant 0 : i32
      %dma_start3A_506 = tpu.memref_slice %arg9[%multiple_of3A_368, %dma_start3A_505] : memref<10064x128xf32, #tpu.memory_space<vmem_shared>> -> memref<104x128xf32, #tpu.memory_space<vmem_shared>>
      %dma_start3A_507 = arith.constant 0 : i32
      %dma_start3A_508 = arith.constant 0 : i32
      %dma_start3A_509 = tpu.memref_slice %arg7[%dma_start3A_507, %dma_start3A_508] : memref<128x128xf32, #tpu.memory_space<vmem>> -> memref<104x128xf32, #tpu.memory_space<vmem>>
      %dma_start3A_510 = arith.constant 0 : i32
      %dma_start3A_511 = tpu.memref_slice %arg9[%multiple_of3A_368, %dma_start3A_510] : memref<10064x128xf32, #tpu.memory_space<vmem_shared>> -> memref<104x128xf32, #tpu.memory_space<vmem_shared>>
      tpu.enqueue_dma source(%dma_start3A_511 : memref<104x128xf32, #tpu.memory_space<vmem_shared>>) target(%dma_start3A_509 : memref<104x128xf32, #tpu.memory_space<vmem>>) target_semaphore(%run_scoped3A_501 : memref<!tpu.dma_semaphore, #tpu.memory_space<semaphore_mem>>)
      %dma_wait3A_512 = arith.constant 0 : i32
      %dma_wait3A_513 = arith.constant 0 : i32
      %dma_wait3A_514 = tpu.memref_slice %arg7[%dma_wait3A_512, %dma_wait3A_513] : memref<128x128xf32, #tpu.memory_space<vmem>> -> memref<104x128xf32, #tpu.memory_space<vmem>>
      %dma_wait3A_515 = arith.constant 0 : i32
      %dma_wait3A_516 = tpu.memref_slice %arg9[%multiple_of3A_368, %dma_wait3A_515] : memref<10064x128xf32, #tpu.memory_space<vmem_shared>> -> memref<104x128xf32, #tpu.memory_space<vmem_shared>>
      %dma_wait3A_517 = arith.constant 0 : i32
      %dma_wait3A_518 = arith.constant 0 : i32
      %dma_wait3A_519 = tpu.memref_slice %arg7[%dma_wait3A_517, %dma_wait3A_518] : memref<128x128xf32, #tpu.memory_space<vmem>> -> memref<104x128xf32, #tpu.memory_space<vmem>>
      %dma_wait3A_520 = arith.constant 0 : i32
      %dma_wait3A_521 = tpu.memref_slice %arg9[%multiple_of3A_368, %dma_wait3A_520] : memref<10064x128xf32, #tpu.memory_space<vmem_shared>> -> memref<104x128xf32, #tpu.memory_space<vmem_shared>>
      tpu.wait_dma2 semaphore(%run_scoped3A_501 : memref<!tpu.dma_semaphore, #tpu.memory_space<semaphore_mem>>) src(%dma_wait3A_521 : memref<104x128xf32, #tpu.memory_space<vmem_shared>>) dst(%dma_wait3A_519 : memref<104x128xf32, #tpu.memory_space<vmem>>)
      tpu.yield
    }) : () -> ()
    %mul3A_391 = arith.constant 10000 : i32
    %mul3A_392 = arith.muli %arg0, %mul3A_391 : i32
    %add3A_393 = arith.addi %mul3A_392, %multiple_of3A_368 : i32
    %multiple_of3A_394 = tpu.assume_multiple %add3A_393, 8 : i32
    %dma_start3A_395 = arith.constant 0 : i32
    %dma_start3A_396 = arith.constant 0 : i32
    %dma_start3A_397 = arith.constant 0 : i32
    %dma_start3A_398 = tpu.memref_slice %arg7[%dma_start3A_396, %dma_start3A_397] : memref<128x128xf32, #tpu.memory_space<vmem>> -> memref<104x128xf32, #tpu.memory_space<vmem>>
    %dma_start3A_399 = arith.constant 0 : i32
    %dma_start3A_400 = tpu.memref_slice %arg4[%multiple_of3A_394, %dma_start3A_399] : memref<20000x128xf32, #tpu.memory_space<hbm>> -> memref<104x128xf32, #tpu.memory_space<hbm>>
    %dma_start3A_401 = tpu.memref_slice %arg11[%dma_start3A_395] : memref<2x!tpu.dma_semaphore, #tpu.memory_space<semaphore_mem>> -> memref<1x!tpu.dma_semaphore, #tpu.memory_space<semaphore_mem>>
    %dma_start3A_402 = tpu.memref_squeeze %dma_start3A_401 : memref<1x!tpu.dma_semaphore, #tpu.memory_space<semaphore_mem>> -> memref<!tpu.dma_semaphore, #tpu.memory_space<semaphore_mem>>
    %dma_start3A_403 = arith.constant 0 : i32
    %dma_start3A_404 = tpu.memref_slice %arg4[%multiple_of3A_394, %dma_start3A_403] : memref<20000x128xf32, #tpu.memory_space<hbm>> -> memref<104x128xf32, #tpu.memory_space<hbm>>
    %dma_start3A_405 = arith.constant 0 : i32
    %dma_start3A_406 = arith.constant 0 : i32
    %dma_start3A_407 = tpu.memref_slice %arg7[%dma_start3A_405, %dma_start3A_406] : memref<128x128xf32, #tpu.memory_space<vmem>> -> memref<104x128xf32, #tpu.memory_space<vmem>>
    tpu.enqueue_dma source(%dma_start3A_407 : memref<104x128xf32, #tpu.memory_space<vmem>>) target(%dma_start3A_404 : memref<104x128xf32, #tpu.memory_space<hbm>>) target_semaphore(%dma_start3A_402 : memref<!tpu.dma_semaphore, #tpu.memory_space<semaphore_mem>>)
    %mul3A_408 = arith.constant 624 : i32
    %mul3A_409 = arith.muli %arg1, %mul3A_408 : i32
    %add3A_410 = arith.constant 520 : i32
    %add3A_411 = arith.addi %mul3A_409, %add3A_410 : i32
    %multiple_of3A_412 = tpu.assume_multiple %add3A_411, 8 : i32
    %mul3A_413 = arith.constant 624 : i32
    %mul3A_414 = arith.muli %arg1, %mul3A_413 : i32
    %add3A_415 = arith.constant 312 : i32
    %add3A_416 = arith.addi %mul3A_414, %add3A_415 : i32
    %multiple_of3A_417 = tpu.assume_multiple %add3A_416, 8 : i32
    %mul3A_418 = arith.constant 10000 : i32
    %mul3A_419 = arith.muli %arg0, %mul3A_418 : i32
    %add3A_420 = arith.addi %mul3A_419, %multiple_of3A_417 : i32
    %multiple_of3A_421 = tpu.assume_multiple %add3A_420, 8 : i32
    %dma_wait3A_422 = arith.constant 1 : i32
    %dma_wait3A_423 = arith.constant 0 : i32
    %dma_wait3A_424 = arith.constant 0 : i32
    %dma_wait3A_425 = tpu.memref_slice %arg8[%dma_wait3A_423, %dma_wait3A_424] : memref<128x128xf32, #tpu.memory_space<vmem>> -> memref<104x128xf32, #tpu.memory_space<vmem>>
    %dma_wait3A_426 = arith.constant 0 : i32
    %dma_wait3A_427 = tpu.memref_slice %arg4[%multiple_of3A_421, %dma_wait3A_426] : memref<20000x128xf32, #tpu.memory_space<hbm>> -> memref<104x128xf32, #tpu.memory_space<hbm>>
    %dma_wait3A_428 = tpu.memref_slice %arg11[%dma_wait3A_422] : memref<2x!tpu.dma_semaphore, #tpu.memory_space<semaphore_mem>> -> memref<1x!tpu.dma_semaphore, #tpu.memory_space<semaphore_mem>>
    %dma_wait3A_429 = tpu.memref_squeeze %dma_wait3A_428 : memref<1x!tpu.dma_semaphore, #tpu.memory_space<semaphore_mem>> -> memref<!tpu.dma_semaphore, #tpu.memory_space<semaphore_mem>>
    %dma_wait3A_430 = arith.constant 0 : i32
    %dma_wait3A_431 = tpu.memref_slice %arg4[%multiple_of3A_421, %dma_wait3A_430] : memref<20000x128xf32, #tpu.memory_space<hbm>> -> memref<104x128xf32, #tpu.memory_space<hbm>>
    %dma_wait3A_432 = arith.constant 0 : i32
    %dma_wait3A_433 = arith.constant 0 : i32
    %dma_wait3A_434 = tpu.memref_slice %arg8[%dma_wait3A_432, %dma_wait3A_433] : memref<128x128xf32, #tpu.memory_space<vmem>> -> memref<104x128xf32, #tpu.memory_space<vmem>>
    tpu.wait_dma2 semaphore(%dma_wait3A_429 : memref<!tpu.dma_semaphore, #tpu.memory_space<semaphore_mem>>) src(%dma_wait3A_434 : memref<104x128xf32, #tpu.memory_space<vmem>>) dst(%dma_wait3A_431 : memref<104x128xf32, #tpu.memory_space<hbm>>)
    "tpu.region"() ({
      %run_scoped3A_501 = tpu.sem_alloc : memref<!tpu.dma_semaphore, #tpu.memory_space<semaphore_mem>>
      %dma_start3A_502 = arith.constant 0 : i32
      %dma_start3A_503 = arith.constant 0 : i32
      %dma_start3A_504 = tpu.memref_slice %arg8[%dma_start3A_502, %dma_start3A_503] : memref<128x128xf32, #tpu.memory_space<vmem>> -> memref<104x128xf32, #tpu.memory_space<vmem>>
      %dma_start3A_505 = arith.constant 0 : i32
      %dma_start3A_506 = tpu.memref_slice %arg9[%multiple_of3A_412, %dma_start3A_505] : memref<10064x128xf32, #tpu.memory_space<vmem_shared>> -> memref<104x128xf32, #tpu.memory_space<vmem_shared>>
      %dma_start3A_507 = arith.constant 0 : i32
      %dma_start3A_508 = arith.constant 0 : i32
      %dma_start3A_509 = tpu.memref_slice %arg8[%dma_start3A_507, %dma_start3A_508] : memref<128x128xf32, #tpu.memory_space<vmem>> -> memref<104x128xf32, #tpu.memory_space<vmem>>
      %dma_start3A_510 = arith.constant 0 : i32
      %dma_start3A_511 = tpu.memref_slice %arg9[%multiple_of3A_412, %dma_start3A_510] : memref<10064x128xf32, #tpu.memory_space<vmem_shared>> -> memref<104x128xf32, #tpu.memory_space<vmem_shared>>
      tpu.enqueue_dma source(%dma_start3A_511 : memref<104x128xf32, #tpu.memory_space<vmem_shared>>) target(%dma_start3A_509 : memref<104x128xf32, #tpu.memory_space<vmem>>) target_semaphore(%run_scoped3A_501 : memref<!tpu.dma_semaphore, #tpu.memory_space<semaphore_mem>>)
      %dma_wait3A_512 = arith.constant 0 : i32
      %dma_wait3A_513 = arith.constant 0 : i32
      %dma_wait3A_514 = tpu.memref_slice %arg8[%dma_wait3A_512, %dma_wait3A_513] : memref<128x128xf32, #tpu.memory_space<vmem>> -> memref<104x128xf32, #tpu.memory_space<vmem>>
      %dma_wait3A_515 = arith.constant 0 : i32
      %dma_wait3A_516 = tpu.memref_slice %arg9[%multiple_of3A_412, %dma_wait3A_515] : memref<10064x128xf32, #tpu.memory_space<vmem_shared>> -> memref<104x128xf32, #tpu.memory_space<vmem_shared>>
      %dma_wait3A_517 = arith.constant 0 : i32
      %dma_wait3A_518 = arith.constant 0 : i32
      %dma_wait3A_519 = tpu.memref_slice %arg8[%dma_wait3A_517, %dma_wait3A_518] : memref<128x128xf32, #tpu.memory_space<vmem>> -> memref<104x128xf32, #tpu.memory_space<vmem>>
      %dma_wait3A_520 = arith.constant 0 : i32
      %dma_wait3A_521 = tpu.memref_slice %arg9[%multiple_of3A_412, %dma_wait3A_520] : memref<10064x128xf32, #tpu.memory_space<vmem_shared>> -> memref<104x128xf32, #tpu.memory_space<vmem_shared>>
      tpu.wait_dma2 semaphore(%run_scoped3A_501 : memref<!tpu.dma_semaphore, #tpu.memory_space<semaphore_mem>>) src(%dma_wait3A_521 : memref<104x128xf32, #tpu.memory_space<vmem_shared>>) dst(%dma_wait3A_519 : memref<104x128xf32, #tpu.memory_space<vmem>>)
      tpu.yield
    }) : () -> ()
    %mul3A_435 = arith.constant 10000 : i32
    %mul3A_436 = arith.muli %arg0, %mul3A_435 : i32
    %add3A_437 = arith.addi %mul3A_436, %multiple_of3A_412 : i32
    %multiple_of3A_438 = tpu.assume_multiple %add3A_437, 8 : i32
    %dma_start3A_439 = arith.constant 1 : i32
    %dma_start3A_440 = arith.constant 0 : i32
    %dma_start3A_441 = arith.constant 0 : i32
    %dma_start3A_442 = tpu.memref_slice %arg8[%dma_start3A_440, %dma_start3A_441] : memref<128x128xf32, #tpu.memory_space<vmem>> -> memref<104x128xf32, #tpu.memory_space<vmem>>
    %dma_start3A_443 = arith.constant 0 : i32
    %dma_start3A_444 = tpu.memref_slice %arg4[%multiple_of3A_438, %dma_start3A_443] : memref<20000x128xf32, #tpu.memory_space<hbm>> -> memref<104x128xf32, #tpu.memory_space<hbm>>
    %dma_start3A_445 = tpu.memref_slice %arg11[%dma_start3A_439] : memref<2x!tpu.dma_semaphore, #tpu.memory_space<semaphore_mem>> -> memref<1x!tpu.dma_semaphore, #tpu.memory_space<semaphore_mem>>
    %dma_start3A_446 = tpu.memref_squeeze %dma_start3A_445 : memref<1x!tpu.dma_semaphore, #tpu.memory_space<semaphore_mem>> -> memref<!tpu.dma_semaphore, #tpu.memory_space<semaphore_mem>>
    %dma_start3A_447 = arith.constant 0 : i32
    %dma_start3A_448 = tpu.memref_slice %arg4[%multiple_of3A_438, %dma_start3A_447] : memref<20000x128xf32, #tpu.memory_space<hbm>> -> memref<104x128xf32, #tpu.memory_space<hbm>>
    %dma_start3A_449 = arith.constant 0 : i32
    %dma_start3A_450 = arith.constant 0 : i32
    %dma_start3A_451 = tpu.memref_slice %arg8[%dma_start3A_449, %dma_start3A_450] : memref<128x128xf32, #tpu.memory_space<vmem>> -> memref<104x128xf32, #tpu.memory_space<vmem>>
    tpu.enqueue_dma source(%dma_start3A_451 : memref<104x128xf32, #tpu.memory_space<vmem>>) target(%dma_start3A_448 : memref<104x128xf32, #tpu.memory_space<hbm>>) target_semaphore(%dma_start3A_446 : memref<!tpu.dma_semaphore, #tpu.memory_space<semaphore_mem>>)
    %mul3A_452 = arith.constant 624 : i32
    %mul3A_453 = arith.muli %arg1, %mul3A_452 : i32
    %add3A_454 = arith.constant 416 : i32
    %add3A_455 = arith.addi %mul3A_453, %add3A_454 : i32
    %multiple_of3A_456 = tpu.assume_multiple %add3A_455, 8 : i32
    %mul3A_457 = arith.constant 10000 : i32
    %mul3A_458 = arith.muli %arg0, %mul3A_457 : i32
    %add3A_459 = arith.addi %mul3A_458, %multiple_of3A_456 : i32
    %multiple_of3A_460 = tpu.assume_multiple %add3A_459, 8 : i32
    %dma_wait3A_461 = arith.constant 0 : i32
    %dma_wait3A_462 = arith.constant 0 : i32
    %dma_wait3A_463 = arith.constant 0 : i32
    %dma_wait3A_464 = tpu.memref_slice %arg7[%dma_wait3A_462, %dma_wait3A_463] : memref<128x128xf32, #tpu.memory_space<vmem>> -> memref<104x128xf32, #tpu.memory_space<vmem>>
    %dma_wait3A_465 = arith.constant 0 : i32
    %dma_wait3A_466 = tpu.memref_slice %arg4[%multiple_of3A_460, %dma_wait3A_465] : memref<20000x128xf32, #tpu.memory_space<hbm>> -> memref<104x128xf32, #tpu.memory_space<hbm>>
    %dma_wait3A_467 = tpu.memref_slice %arg11[%dma_wait3A_461] : memref<2x!tpu.dma_semaphore, #tpu.memory_space<semaphore_mem>> -> memref<1x!tpu.dma_semaphore, #tpu.memory_space<semaphore_mem>>
    %dma_wait3A_468 = tpu.memref_squeeze %dma_wait3A_467 : memref<1x!tpu.dma_semaphore, #tpu.memory_space<semaphore_mem>> -> memref<!tpu.dma_semaphore, #tpu.memory_space<semaphore_mem>>
    %dma_wait3A_469 = arith.constant 0 : i32
    %dma_wait3A_470 = tpu.memref_slice %arg4[%multiple_of3A_460, %dma_wait3A_469] : memref<20000x128xf32, #tpu.memory_space<hbm>> -> memref<104x128xf32, #tpu.memory_space<hbm>>
    %dma_wait3A_471 = arith.constant 0 : i32
    %dma_wait3A_472 = arith.constant 0 : i32
    %dma_wait3A_473 = tpu.memref_slice %arg7[%dma_wait3A_471, %dma_wait3A_472] : memref<128x128xf32, #tpu.memory_space<vmem>> -> memref<104x128xf32, #tpu.memory_space<vmem>>
    tpu.wait_dma2 semaphore(%dma_wait3A_468 : memref<!tpu.dma_semaphore, #tpu.memory_space<semaphore_mem>>) src(%dma_wait3A_473 : memref<104x128xf32, #tpu.memory_space<vmem>>) dst(%dma_wait3A_470 : memref<104x128xf32, #tpu.memory_space<hbm>>)
    %mul3A_474 = arith.constant 624 : i32
    %mul3A_475 = arith.muli %arg1, %mul3A_474 : i32
    %add3A_476 = arith.constant 520 : i32
    %add3A_477 = arith.addi %mul3A_475, %add3A_476 : i32
    %multiple_of3A_478 = tpu.assume_multiple %add3A_477, 8 : i32
    %mul3A_479 = arith.constant 10000 : i32
    %mul3A_480 = arith.muli %arg0, %mul3A_479 : i32
    %add3A_481 = arith.addi %mul3A_480, %multiple_of3A_478 : i32
    %multiple_of3A_482 = tpu.assume_multiple %add3A_481, 8 : i32
    %dma_wait3A_483 = arith.constant 1 : i32
    %dma_wait3A_484 = arith.constant 0 : i32
    %dma_wait3A_485 = arith.constant 0 : i32
    %dma_wait3A_486 = tpu.memref_slice %arg8[%dma_wait3A_484, %dma_wait3A_485] : memref<128x128xf32, #tpu.memory_space<vmem>> -> memref<104x128xf32, #tpu.memory_space<vmem>>
    %dma_wait3A_487 = arith.constant 0 : i32
    %dma_wait3A_488 = tpu.memref_slice %arg4[%multiple_of3A_482, %dma_wait3A_487] : memref<20000x128xf32, #tpu.memory_space<hbm>> -> memref<104x128xf32, #tpu.memory_space<hbm>>
    %dma_wait3A_489 = tpu.memref_slice %arg11[%dma_wait3A_483] : memref<2x!tpu.dma_semaphore, #tpu.memory_space<semaphore_mem>> -> memref<1x!tpu.dma_semaphore, #tpu.memory_space<semaphore_mem>>
    %dma_wait3A_490 = tpu.memref_squeeze %dma_wait3A_489 : memref<1x!tpu.dma_semaphore, #tpu.memory_space<semaphore_mem>> -> memref<!tpu.dma_semaphore, #tpu.memory_space<semaphore_mem>>
    %dma_wait3A_491 = arith.constant 0 : i32
    %dma_wait3A_492 = tpu.memref_slice %arg4[%multiple_of3A_482, %dma_wait3A_491] : memref<20000x128xf32, #tpu.memory_space<hbm>> -> memref<104x128xf32, #tpu.memory_space<hbm>>
    %dma_wait3A_493 = arith.constant 0 : i32
    %dma_wait3A_494 = arith.constant 0 : i32
    %dma_wait3A_495 = tpu.memref_slice %arg8[%dma_wait3A_493, %dma_wait3A_494] : memref<128x128xf32, #tpu.memory_space<vmem>> -> memref<104x128xf32, #tpu.memory_space<vmem>>
    tpu.wait_dma2 semaphore(%dma_wait3A_490 : memref<!tpu.dma_semaphore, #tpu.memory_space<semaphore_mem>>) src(%dma_wait3A_495 : memref<104x128xf32, #tpu.memory_space<vmem>>) dst(%dma_wait3A_492 : memref<104x128xf32, #tpu.memory_space<hbm>>)
    %eq3A_496 = arith.constant 15 : i32
    %eq3A_497 = arith.cmpi eq, %arg1, %eq3A_496 : i32
    %convert_element_type3A_498 = arith.extui %eq3A_497 : i1 to i32
    %cond3A_499 = arith.constant 0 : i32
    %cond3A_500 = arith.cmpi ne, %convert_element_type3A_498, %cond3A_499 : i32
    scf.if %cond3A_500 {
      "tpu.region"() ({
        %run_scoped3A_506 = tpu.sem_alloc : memref<!tpu.dma_semaphore, #tpu.memory_space<semaphore_mem>>
        %dma_start3A_507 = arith.constant 0 : i32
        %dma_start3A_508 = arith.constant 0 : i32
        %dma_start3A_509 = tpu.memref_slice %arg7[%dma_start3A_507, %dma_start3A_508] : memref<128x128xf32, #tpu.memory_space<vmem>> -> memref<16x128xf32, #tpu.memory_space<vmem>>
        %dma_start3A_510 = arith.constant 9984 : i32
        %dma_start3A_511 = arith.constant 0 : i32
        %dma_start3A_512 = tpu.memref_slice %arg9[%dma_start3A_510, %dma_start3A_511] : memref<10064x128xf32, #tpu.memory_space<vmem_shared>> -> memref<16x128xf32, #tpu.memory_space<vmem_shared>>
        %dma_start3A_513 = arith.constant 0 : i32
        %dma_start3A_514 = arith.constant 0 : i32
        %dma_start3A_515 = tpu.memref_slice %arg7[%dma_start3A_513, %dma_start3A_514] : memref<128x128xf32, #tpu.memory_space<vmem>> -> memref<16x128xf32, #tpu.memory_space<vmem>>
        %dma_start3A_516 = arith.constant 9984 : i32
        %dma_start3A_517 = arith.constant 0 : i32
        %dma_start3A_518 = tpu.memref_slice %arg9[%dma_start3A_516, %dma_start3A_517] : memref<10064x128xf32, #tpu.memory_space<vmem_shared>> -> memref<16x128xf32, #tpu.memory_space<vmem_shared>>
        tpu.enqueue_dma source(%dma_start3A_518 : memref<16x128xf32, #tpu.memory_space<vmem_shared>>) target(%dma_start3A_515 : memref<16x128xf32, #tpu.memory_space<vmem>>) target_semaphore(%run_scoped3A_506 : memref<!tpu.dma_semaphore, #tpu.memory_space<semaphore_mem>>)
        %dma_wait3A_519 = arith.constant 0 : i32
        %dma_wait3A_520 = arith.constant 0 : i32
        %dma_wait3A_521 = tpu.memref_slice %arg7[%dma_wait3A_519, %dma_wait3A_520] : memref<128x128xf32, #tpu.memory_space<vmem>> -> memref<16x128xf32, #tpu.memory_space<vmem>>
        %dma_wait3A_522 = arith.constant 9984 : i32
        %dma_wait3A_523 = arith.constant 0 : i32
        %dma_wait3A_524 = tpu.memref_slice %arg9[%dma_wait3A_522, %dma_wait3A_523] : memref<10064x128xf32, #tpu.memory_space<vmem_shared>> -> memref<16x128xf32, #tpu.memory_space<vmem_shared>>
        %dma_wait3A_525 = arith.constant 0 : i32
        %dma_wait3A_526 = arith.constant 0 : i32
        %dma_wait3A_527 = tpu.memref_slice %arg7[%dma_wait3A_525, %dma_wait3A_526] : memref<128x128xf32, #tpu.memory_space<vmem>> -> memref<16x128xf32, #tpu.memory_space<vmem>>
        %dma_wait3A_528 = arith.constant 9984 : i32
        %dma_wait3A_529 = arith.constant 0 : i32
        %dma_wait3A_530 = tpu.memref_slice %arg9[%dma_wait3A_528, %dma_wait3A_529] : memref<10064x128xf32, #tpu.memory_space<vmem_shared>> -> memref<16x128xf32, #tpu.memory_space<vmem_shared>>
        tpu.wait_dma2 semaphore(%run_scoped3A_506 : memref<!tpu.dma_semaphore, #tpu.memory_space<semaphore_mem>>) src(%dma_wait3A_530 : memref<16x128xf32, #tpu.memory_space<vmem_shared>>) dst(%dma_wait3A_527 : memref<16x128xf32, #tpu.memory_space<vmem>>)
        tpu.yield
      }) : () -> ()
      %mul3A_501 = arith.constant 10000 : i32
      %mul3A_502 = arith.muli %arg0, %mul3A_501 : i32
      %add3A_503 = arith.constant 9984 : i32
      %add3A_504 = arith.addi %mul3A_502, %add3A_503 : i32
      %multiple_of3A_505 = tpu.assume_multiple %add3A_504, 8 : i32
      "tpu.region"() ({
        %run_scoped3A_506 = tpu.sem_alloc : memref<!tpu.dma_semaphore, #tpu.memory_space<semaphore_mem>>
        %dma_start3A_507 = arith.constant 0 : i32
        %dma_start3A_508 = arith.constant 0 : i32
        %dma_start3A_509 = tpu.memref_slice %arg7[%dma_start3A_507, %dma_start3A_508] : memref<128x128xf32, #tpu.memory_space<vmem>> -> memref<16x128xf32, #tpu.memory_space<vmem>>
        %dma_start3A_510 = arith.constant 0 : i32
        %dma_start3A_511 = tpu.memref_slice %arg4[%multiple_of3A_505, %dma_start3A_510] : memref<20000x128xf32, #tpu.memory_space<hbm>> -> memref<16x128xf32, #tpu.memory_space<hbm>>
        %dma_start3A_512 = arith.constant 0 : i32
        %dma_start3A_513 = tpu.memref_slice %arg4[%multiple_of3A_505, %dma_start3A_512] : memref<20000x128xf32, #tpu.memory_space<hbm>> -> memref<16x128xf32, #tpu.memory_space<hbm>>
        %dma_start3A_514 = arith.constant 0 : i32
        %dma_start3A_515 = arith.constant 0 : i32
        %dma_start3A_516 = tpu.memref_slice %arg7[%dma_start3A_514, %dma_start3A_515] : memref<128x128xf32, #tpu.memory_space<vmem>> -> memref<16x128xf32, #tpu.memory_space<vmem>>
        tpu.enqueue_dma source(%dma_start3A_516 : memref<16x128xf32, #tpu.memory_space<vmem>>) target(%dma_start3A_513 : memref<16x128xf32, #tpu.memory_space<hbm>>) target_semaphore(%run_scoped3A_506 : memref<!tpu.dma_semaphore, #tpu.memory_space<semaphore_mem>>)
        %dma_wait3A_517 = arith.constant 0 : i32
        %dma_wait3A_518 = arith.constant 0 : i32
        %dma_wait3A_519 = tpu.memref_slice %arg7[%dma_wait3A_517, %dma_wait3A_518] : memref<128x128xf32, #tpu.memory_space<vmem>> -> memref<16x128xf32, #tpu.memory_space<vmem>>
        %dma_wait3A_520 = arith.constant 0 : i32
        %dma_wait3A_521 = tpu.memref_slice %arg4[%multiple_of3A_505, %dma_wait3A_520] : memref<20000x128xf32, #tpu.memory_space<hbm>> -> memref<16x128xf32, #tpu.memory_space<hbm>>
        %dma_wait3A_522 = arith.constant 0 : i32
        %dma_wait3A_523 = tpu.memref_slice %arg4[%multiple_of3A_505, %dma_wait3A_522] : memref<20000x128xf32, #tpu.memory_space<hbm>> -> memref<16x128xf32, #tpu.memory_space<hbm>>
        %dma_wait3A_524 = arith.constant 0 : i32
        %dma_wait3A_525 = arith.constant 0 : i32
        %dma_wait3A_526 = tpu.memref_slice %arg7[%dma_wait3A_524, %dma_wait3A_525] : memref<128x128xf32, #tpu.memory_space<vmem>> -> memref<16x128xf32, #tpu.memory_space<vmem>>
        tpu.wait_dma2 semaphore(%run_scoped3A_506 : memref<!tpu.dma_semaphore, #tpu.memory_space<semaphore_mem>>) src(%dma_wait3A_526 : memref<16x128xf32, #tpu.memory_space<vmem>>) dst(%dma_wait3A_523 : memref<16x128xf32, #tpu.memory_space<hbm>>)
        tpu.yield
      }) : () -> ()
    } else {
    }
    return
  }
}

module attributes {stable_mosaic.version = 14 : i64} {
  func.func @body(%arg0: i32, %arg1: i32, %arg2: memref<1000x128xf32, #tpu.memory_space<vmem>>, %arg3: memref<128x128xf32, #tpu.memory_space<vmem>>, %arg4: memref<1000x1xf32, #tpu.memory_space<vmem>>, %arg5: memref<1000x1xf32, #tpu.memory_space<vmem>>, %arg6: memref<1000x128xf32, #tpu.memory_space<vmem>>, %arg7: memref<1000x1xf32, #tpu.memory_space<vmem>>) attributes {dimension_semantics = [#tpu.dimension_semantics<arbitrary>, #tpu.dimension_semantics<arbitrary>], iteration_bounds = array<i64: 10, 2>, scalar_prefetch = 0 : i64, scratch_operands = 0 : i64, tpu.core_type = #tpu.core_type<tc>, window_params = [{transform_indices = @transform_0, window_bounds = array<i64: 1000, 128>}, {transform_indices = @transform_1, window_bounds = array<i64: 128, 128>}, {transform_indices = @transform_2, window_bounds = array<i64: 1000, 1>}, {transform_indices = @transform_3, window_bounds = array<i64: 1000, 1>}, {transform_indices = @transform_4, window_bounds = array<i64: 1000, 128>}, {transform_indices = @transform_5, window_bounds = array<i64: 1000, 1>}]} {
    %get3A = arith.constant 0 : index
    %get3A_0 = arith.constant 0 : index
    %get3A_1 = vector.load %arg4[%get3A, %get3A_0] : memref<1000x1xf32, #tpu.memory_space<vmem>>, vector<1000x1xf32>
    %get3A_2 = arith.constant 0 : index
    %get3A_3 = arith.constant 0 : index
    %get3A_4 = vector.load %arg5[%get3A_2, %get3A_3] : memref<1000x1xf32, #tpu.memory_space<vmem>>, vector<1000x1xf32>
    %add3A = arith.addf %get3A_1, %get3A_4 : vector<1000x1xf32>
    %add3A_5 = arith.constant 1.000000e+00 : f32
    %add3A_6 = vector.broadcast %add3A_5 : f32 to vector<1000x1xf32>
    %add3A_7 = arith.addf %add3A, %add3A_6 : vector<1000x1xf32>
    %max3A = arith.constant 9.99999996E-13 : f32
    %max3A_8 = vector.broadcast %max3A : f32 to vector<1000x1xf32>
    %max3A_9 = arith.maximumf %add3A_7, %max3A_8 : vector<1000x1xf32>
    %rsqrt3A = math.rsqrt %max3A_9 : vector<1000x1xf32>
    %get3A_10 = arith.constant 0 : index
    %get3A_11 = arith.constant 0 : index
    %get3A_12 = vector.load %arg2[%get3A_10, %get3A_11] : memref<1000x128xf32, #tpu.memory_space<vmem>>, vector<1000x128xf32>
    %get3A_13 = arith.constant 0 : index
    %get3A_14 = arith.constant 0 : index
    %get3A_15 = vector.load %arg3[%get3A_13, %get3A_14] : memref<128x128xf32, #tpu.memory_space<vmem>>, vector<128x128xf32>
    %dot_general3A = arith.constant dense<0.000000e+00> : vector<1000x128xf32>
    %dot_general3A_16 = tpu.matmul %get3A_12, %get3A_15, %dot_general3A {dimension_numbers = #tpu.dot_dimension_numbers<[1], [0], [0], [1], [0, 0, 1, 1], [], []>, transpose_lhs_hint = false} : vector<1000x128xf32>, vector<128x128xf32>, vector<1000x128xf32> -> vector<1000x128xf32>
    %mul3A = vector.broadcast %rsqrt3A : vector<1000x1xf32> to vector<1000x128xf32>
    %mul3A_17 = arith.mulf %mul3A, %dot_general3A_16 : vector<1000x128xf32>
    %swap3A = arith.constant 0 : index
    %swap3A_18 = arith.constant 0 : index
    %swap3A_19 = vector.load %arg6[%swap3A, %swap3A_18] : memref<1000x128xf32, #tpu.memory_space<vmem>>, vector<1000x128xf32>
    tpu.vector_store %arg6[%swap3A, %swap3A_18], %mul3A_17 {strides = array<i32>} : memref<1000x128xf32, #tpu.memory_space<vmem>>, vector<1000x128xf32>,
    %swap3A_20 = arith.constant 0 : index
    %swap3A_21 = arith.constant 0 : index
    %swap3A_22 = vector.load %arg7[%swap3A_20, %swap3A_21] : memref<1000x1xf32, #tpu.memory_space<vmem>>, vector<1000x1xf32>
    tpu.vector_store %arg7[%swap3A_20, %swap3A_21], %rsqrt3A {strides = array<i32>} : memref<1000x1xf32, #tpu.memory_space<vmem>>, vector<1000x1xf32>,
    return
  }
  func.func @transform_0(%arg0: i32, %arg1: i32) -> (i32, i32) {
    %c0_i32 = arith.constant 0 : i32
    %c0_i32_0 = arith.constant 0 : i32
    return %arg0, %c0_i32 : i32, i32
  }
  func.func @transform_1(%arg0: i32, %arg1: i32) -> (i32, i32) {
    %c0_i32 = arith.constant 0 : i32
    %c0_i32_0 = arith.constant 0 : i32
    return %c0_i32, %arg1 : i32, i32
  }
  func.func @transform_2(%arg0: i32, %arg1: i32) -> (i32, i32) {
    %c0_i32 = arith.constant 0 : i32
    %c0_i32_0 = arith.constant 0 : i32
    return %arg0, %c0_i32 : i32, i32
  }
  func.func @transform_3(%arg0: i32, %arg1: i32) -> (i32, i32) {
    %add3A = arith.constant 10 : i32
    %add3A_0 = arith.addi %arg0, %add3A : i32
    %c0_i32 = arith.constant 0 : i32
    %c0_i32_1 = arith.constant 0 : i32
    return %add3A_0, %c0_i32 : i32, i32
  }
  func.func @transform_4(%arg0: i32, %arg1: i32) -> (i32, i32) {
    %mul3A = arith.constant 10 : i32
    %mul3A_0 = arith.muli %arg1, %mul3A : i32
    %add3A = arith.addi %mul3A_0, %arg0 : i32
    %c0_i32 = arith.constant 0 : i32
    %c0_i32_1 = arith.constant 0 : i32
    return %add3A, %c0_i32 : i32, i32
  }
  func.func @transform_5(%arg0: i32, %arg1: i32) -> (i32, i32) {
    %c0_i32 = arith.constant 0 : i32
    %c0_i32_0 = arith.constant 0 : i32
    return %arg0, %c0_i32 : i32, i32
  }
}

module attributes {stable_mosaic.version = 14 : i64} {
  func.func @body(%arg0: i32, %arg1: memref<1000x128xf32, #tpu.memory_space<vmem>>, %arg2: memref<1000x128xf32, #tpu.memory_space<vmem>>, %arg3: memref<1000x128xf32, #tpu.memory_space<vmem>>, %arg4: memref<1000x128xf32, #tpu.memory_space<vmem>>, %arg5: memref<1000x1xf32, #tpu.memory_space<vmem>>, %arg6: memref<1x256xf32, #tpu.memory_space<vmem>>, %arg7: memref<256x128xf32, #tpu.memory_space<vmem>>, %arg8: memref<8x128xf32, #tpu.memory_space<vmem>>, %arg9: memref<1000x128xf32, #tpu.memory_space<vmem>>) attributes {dimension_semantics = [#tpu.dimension_semantics<arbitrary>], iteration_bounds = array<i64: 10>, scalar_prefetch = 0 : i64, scratch_operands = 0 : i64, tpu.core_type = #tpu.core_type<tc>, window_params = [{transform_indices = @transform_0, window_bounds = array<i64: 1000, 128>}, {transform_indices = @transform_1, window_bounds = array<i64: 1000, 128>}, {transform_indices = @transform_2, window_bounds = array<i64: 1000, 128>}, {transform_indices = @transform_3, window_bounds = array<i64: 1000, 128>}, {transform_indices = @transform_4, window_bounds = array<i64: 1000, 1>}, {pipeline_mode = #tpu.pipeline_mode<synchronous>, transform_indices = @transform_5, window_bounds = array<i64: 1, 256>}, {pipeline_mode = #tpu.pipeline_mode<synchronous>, transform_indices = @transform_6, window_bounds = array<i64: 256, 128>}, {pipeline_mode = #tpu.pipeline_mode<synchronous>, transform_indices = @transform_7, window_bounds = array<i64: 8, 128>}, {transform_indices = @transform_8, window_bounds = array<i64: 1000, 128>}]} {
    %get3A = arith.constant 0 : index
    %get3A_0 = arith.constant 0 : index
    %get3A_1 = vector.load %arg8[%get3A, %get3A_0] : memref<8x128xf32, #tpu.memory_space<vmem>>, vector<1x1xf32>
    %get3A_2 = vector.extract %get3A_1[0, 0] : f32 from vector<1x1xf32>
    %get3A_3 = arith.constant 0 : index
    %get3A_4 = arith.constant 0 : index
    %get3A_5 = vector.load %arg5[%get3A_3, %get3A_4] : memref<1000x1xf32, #tpu.memory_space<vmem>>, vector<1000x1xf32>
    %get3A_6 = arith.constant 0 : index
    %get3A_7 = arith.constant 0 : index
    %get3A_8 = vector.load %arg7[%get3A_6, %get3A_7] : memref<256x128xf32, #tpu.memory_space<vmem>>, vector<256x128xf32>
    %get3A_9 = arith.constant 0 : index
    %get3A_10 = arith.constant 0 : index
    %get3A_11 = vector.load %arg1[%get3A_9, %get3A_10] : memref<1000x128xf32, #tpu.memory_space<vmem>>, vector<1000x128xf32>
    %get3A_12 = arith.constant 0 : index
    %get3A_13 = arith.constant 0 : index
    %get3A_14 = vector.load %arg3[%get3A_12, %get3A_13] : memref<1000x128xf32, #tpu.memory_space<vmem>>, vector<1000x128xf32>
    %add3A = arith.addf %get3A_11, %get3A_14 : vector<1000x128xf32>
    %mul3A = vector.broadcast %get3A_5 : vector<1000x1xf32> to vector<1000x128xf32>
    %mul3A_15 = arith.mulf %mul3A, %add3A : vector<1000x128xf32>
    %get3A_16 = arith.constant 0 : index
    %get3A_17 = arith.constant 0 : index
    %get3A_18 = vector.load %arg6[%get3A_16, %get3A_17] : memref<1x256xf32, #tpu.memory_space<vmem>>, vector<1x128xf32>
    %add3A_19 = vector.broadcast %get3A_18 : vector<1x128xf32> to vector<1000x128xf32>
    %add3A_20 = arith.addf %mul3A_15, %add3A_19 : vector<1000x128xf32>
    %ge3A = arith.constant 0.000000e+00 : f32
    %ge3A_21 = vector.broadcast %ge3A : f32 to vector<1000x128xf32>
    %ge3A_22 = arith.cmpf oge, %add3A_20, %ge3A_21 : vector<1000x128xf32>
    %mul3A_23 = vector.broadcast %get3A_2 : f32 to vector<1000x128xf32>
    %mul3A_24 = arith.mulf %mul3A_23, %add3A_20 : vector<1000x128xf32>
    %select_n3A = arith.select %ge3A_22, %add3A_20, %mul3A_24 : vector<1000x128xi1>, vector<1000x128xf32>
    %get3A_25 = arith.constant 0 : index
    %get3A_26 = arith.constant 0 : index
    %get3A_27 = vector.load %arg2[%get3A_25, %get3A_26] : memref<1000x128xf32, #tpu.memory_space<vmem>>, vector<1000x128xf32>
    %get3A_28 = arith.constant 0 : index
    %get3A_29 = arith.constant 0 : index
    %get3A_30 = vector.load %arg4[%get3A_28, %get3A_29] : memref<1000x128xf32, #tpu.memory_space<vmem>>, vector<1000x128xf32>
    %add3A_31 = arith.addf %get3A_27, %get3A_30 : vector<1000x128xf32>
    %mul3A_32 = vector.broadcast %get3A_5 : vector<1000x1xf32> to vector<1000x128xf32>
    %mul3A_33 = arith.mulf %mul3A_32, %add3A_31 : vector<1000x128xf32>
    %get3A_34 = arith.constant 0 : index
    %get3A_35 = arith.constant 128 : index
    %get3A_36 = vector.load %arg6[%get3A_34, %get3A_35] : memref<1x256xf32, #tpu.memory_space<vmem>>, vector<1x128xf32>
    %add3A_37 = vector.broadcast %get3A_36 : vector<1x128xf32> to vector<1000x128xf32>
    %add3A_38 = arith.addf %mul3A_33, %add3A_37 : vector<1000x128xf32>
    %ge3A_39 = arith.constant 0.000000e+00 : f32
    %ge3A_40 = vector.broadcast %ge3A_39 : f32 to vector<1000x128xf32>
    %ge3A_41 = arith.cmpf oge, %add3A_38, %ge3A_40 : vector<1000x128xf32>
    %mul3A_42 = vector.broadcast %get3A_2 : f32 to vector<1000x128xf32>
    %mul3A_43 = arith.mulf %mul3A_42, %add3A_38 : vector<1000x128xf32>
    %select_n3A_44 = arith.select %ge3A_41, %add3A_38, %mul3A_43 : vector<1000x128xi1>, vector<1000x128xf32>
    %slice3A = vector.extract_strided_slice %get3A_8 {offsets = [0, 0], sizes = [128, 128], strides = [1, 1]} : vector<256x128xf32> to vector<128x128xf32>
    %dot_general3A = arith.constant dense<0.000000e+00> : vector<1000x128xf32>
    %dot_general3A_45 = tpu.matmul %select_n3A, %slice3A, %dot_general3A {dimension_numbers = #tpu.dot_dimension_numbers<[1], [0], [0], [1], [0, 0, 1, 1], [], []>, transpose_lhs_hint = false} : vector<1000x128xf32>, vector<128x128xf32>, vector<1000x128xf32> -> vector<1000x128xf32>
    %slice3A_46 = vector.extract_strided_slice %get3A_8 {offsets = [128, 0], sizes = [128, 128], strides = [1, 1]} : vector<256x128xf32> to vector<128x128xf32>
    %dot_general3A_47 = arith.constant dense<0.000000e+00> : vector<1000x128xf32>
    %dot_general3A_48 = tpu.matmul %select_n3A_44, %slice3A_46, %dot_general3A_47 {dimension_numbers = #tpu.dot_dimension_numbers<[1], [0], [0], [1], [0, 0, 1, 1], [], []>, transpose_lhs_hint = false} : vector<1000x128xf32>, vector<128x128xf32>, vector<1000x128xf32> -> vector<1000x128xf32>
    %add3A_49 = arith.addf %dot_general3A_45, %dot_general3A_48 : vector<1000x128xf32>
    %mul3A_50 = vector.broadcast %get3A_5 : vector<1000x1xf32> to vector<1000x128xf32>
    %mul3A_51 = arith.mulf %mul3A_50, %add3A_49 : vector<1000x128xf32>
    %swap3A = arith.constant 0 : index
    %swap3A_52 = arith.constant 0 : index
    %swap3A_53 = vector.load %arg9[%swap3A, %swap3A_52] : memref<1000x128xf32, #tpu.memory_space<vmem>>, vector<1000x128xf32>
    tpu.vector_store %arg9[%swap3A, %swap3A_52], %mul3A_51 {strides = array<i32>} : memref<1000x128xf32, #tpu.memory_space<vmem>>, vector<1000x128xf32>,
    return
  }
  func.func @transform_0(%arg0: i32) -> (i32, i32) {
    %c0_i32 = arith.constant 0 : i32
    %c0_i32_0 = arith.constant 0 : i32
    return %arg0, %c0_i32 : i32, i32
  }
  func.func @transform_1(%arg0: i32) -> (i32, i32) {
    %add3A = arith.constant 10 : i32
    %add3A_0 = arith.addi %arg0, %add3A : i32
    %c0_i32 = arith.constant 0 : i32
    %c0_i32_1 = arith.constant 0 : i32
    return %add3A_0, %c0_i32 : i32, i32
  }
  func.func @transform_2(%arg0: i32) -> (i32, i32) {
    %c0_i32 = arith.constant 0 : i32
    %c0_i32_0 = arith.constant 0 : i32
    return %arg0, %c0_i32 : i32, i32
  }
  func.func @transform_3(%arg0: i32) -> (i32, i32) {
    %add3A = arith.constant 10 : i32
    %add3A_0 = arith.addi %arg0, %add3A : i32
    %c0_i32 = arith.constant 0 : i32
    %c0_i32_1 = arith.constant 0 : i32
    return %add3A_0, %c0_i32 : i32, i32
  }
  func.func @transform_4(%arg0: i32) -> (i32, i32) {
    %c0_i32 = arith.constant 0 : i32
    %c0_i32_0 = arith.constant 0 : i32
    return %arg0, %c0_i32 : i32, i32
  }
  func.func @transform_5(%arg0: i32) -> (i32, i32) {
    %c0_i32 = arith.constant 0 : i32
    %c0_i32_0 = arith.constant 0 : i32
    %c0_i32_1 = arith.constant 0 : i32
    return %c0_i32, %c0_i32_0 : i32, i32
  }
  func.func @transform_6(%arg0: i32) -> (i32, i32) {
    %c0_i32 = arith.constant 0 : i32
    %c0_i32_0 = arith.constant 0 : i32
    %c0_i32_1 = arith.constant 0 : i32
    return %c0_i32, %c0_i32_0 : i32, i32
  }
  func.func @transform_7(%arg0: i32) -> (i32, i32) {
    %c0_i32 = arith.constant 0 : i32
    %c0_i32_0 = arith.constant 0 : i32
    %c0_i32_1 = arith.constant 0 : i32
    return %c0_i32, %c0_i32_0 : i32, i32
  }
  func.func @transform_8(%arg0: i32) -> (i32, i32) {
    %c0_i32 = arith.constant 0 : i32
    %c0_i32_0 = arith.constant 0 : i32
    return %arg0, %c0_i32 : i32, i32
  }
}

module attributes {stable_mosaic.version = 14 : i64} {
  func.func @body(%arg0: i32, %arg1: memref<1000x128xf32, #tpu.memory_space<vmem>>, %arg2: memref<1000x128xf32, #tpu.memory_space<vmem>>, %arg3: memref<1000x128xf32, #tpu.memory_space<vmem>>, %arg4: memref<1000x1xf32, #tpu.memory_space<vmem>>, %arg5: memref<1x128xf32, #tpu.memory_space<vmem>>, %arg6: memref<8x128xf32, #tpu.memory_space<vmem>>, %arg7: memref<128x128xf32, #tpu.memory_space<vmem>>, %arg8: memref<1x128xf32, #tpu.memory_space<vmem>>, %arg9: memref<128x128xf32, #tpu.memory_space<vmem>>, %arg10: memref<1x128xf32, #tpu.memory_space<vmem>>, %arg11: memref<1000x128xf32, #tpu.memory_space<vmem>>, %arg12: memref<1000x128xf32, #tpu.memory_space<vmem>>) attributes {dimension_semantics = [#tpu.dimension_semantics<arbitrary>], iteration_bounds = array<i64: 10>, scalar_prefetch = 0 : i64, scratch_operands = 0 : i64, tpu.core_type = #tpu.core_type<tc>, window_params = [{transform_indices = @transform_0, window_bounds = array<i64: 1000, 128>}, {transform_indices = @transform_1, window_bounds = array<i64: 1000, 128>}, {transform_indices = @transform_2, window_bounds = array<i64: 1000, 128>}, {transform_indices = @transform_3, window_bounds = array<i64: 1000, 1>}, {pipeline_mode = #tpu.pipeline_mode<synchronous>, transform_indices = @transform_4, window_bounds = array<i64: 1, 128>}, {pipeline_mode = #tpu.pipeline_mode<synchronous>, transform_indices = @transform_5, window_bounds = array<i64: 8, 128>}, {pipeline_mode = #tpu.pipeline_mode<synchronous>, transform_indices = @transform_6, window_bounds = array<i64: 128, 128>}, {pipeline_mode = #tpu.pipeline_mode<synchronous>, transform_indices = @transform_7, window_bounds = array<i64: 1, 128>}, {pipeline_mode = #tpu.pipeline_mode<synchronous>, transform_indices = @transform_8, window_bounds = array<i64: 128, 128>}, {pipeline_mode = #tpu.pipeline_mode<synchronous>, transform_indices = @transform_9, window_bounds = array<i64: 1, 128>}, {transform_indices = @transform_10, window_bounds = array<i64: 1000, 128>}, {transform_indices = @transform_11, window_bounds = array<i64: 1000, 128>}]} {
    %get3A = arith.constant 0 : index
    %get3A_0 = arith.constant 0 : index
    %get3A_1 = vector.load %arg6[%get3A, %get3A_0] : memref<8x128xf32, #tpu.memory_space<vmem>>, vector<1x1xf32>
    %get3A_2 = vector.extract %get3A_1[0, 0] : f32 from vector<1x1xf32>
    %get3A_3 = arith.constant 0 : index
    %get3A_4 = arith.constant 0 : index
    %get3A_5 = vector.load %arg4[%get3A_3, %get3A_4] : memref<1000x1xf32, #tpu.memory_space<vmem>>, vector<1000x1xf32>
    %get3A_6 = arith.constant 0 : index
    %get3A_7 = arith.constant 0 : index
    %get3A_8 = vector.load %arg1[%get3A_6, %get3A_7] : memref<1000x128xf32, #tpu.memory_space<vmem>>, vector<1000x128xf32>
    %get3A_9 = arith.constant 0 : index
    %get3A_10 = arith.constant 0 : index
    %get3A_11 = vector.load %arg2[%get3A_9, %get3A_10] : memref<1000x128xf32, #tpu.memory_space<vmem>>, vector<1000x128xf32>
    %add3A = arith.addf %get3A_8, %get3A_11 : vector<1000x128xf32>
    %get3A_12 = arith.constant 0 : index
    %get3A_13 = arith.constant 0 : index
    %get3A_14 = vector.load %arg3[%get3A_12, %get3A_13] : memref<1000x128xf32, #tpu.memory_space<vmem>>, vector<1000x128xf32>
    %add3A_15 = arith.addf %add3A, %get3A_14 : vector<1000x128xf32>
    %mul3A = vector.broadcast %get3A_5 : vector<1000x1xf32> to vector<1000x128xf32>
    %mul3A_16 = arith.mulf %mul3A, %add3A_15 : vector<1000x128xf32>
    %get3A_17 = arith.constant 0 : index
    %get3A_18 = arith.constant 0 : index
    %get3A_19 = vector.load %arg5[%get3A_17, %get3A_18] : memref<1x128xf32, #tpu.memory_space<vmem>>, vector<1x128xf32>
    %add3A_20 = vector.broadcast %get3A_19 : vector<1x128xf32> to vector<1000x128xf32>
    %add3A_21 = arith.addf %mul3A_16, %add3A_20 : vector<1000x128xf32>
    %ge3A = arith.constant 0.000000e+00 : f32
    %ge3A_22 = vector.broadcast %ge3A : f32 to vector<1000x128xf32>
    %ge3A_23 = arith.cmpf oge, %add3A_21, %ge3A_22 : vector<1000x128xf32>
    %mul3A_24 = vector.broadcast %get3A_2 : f32 to vector<1000x128xf32>
    %mul3A_25 = arith.mulf %mul3A_24, %add3A_21 : vector<1000x128xf32>
    %select_n3A = arith.select %ge3A_23, %add3A_21, %mul3A_25 : vector<1000x128xi1>, vector<1000x128xf32>
    %swap3A = arith.constant 0 : index
    %swap3A_26 = arith.constant 0 : index
    %swap3A_27 = vector.load %arg11[%swap3A, %swap3A_26] : memref<1000x128xf32, #tpu.memory_space<vmem>>, vector<1000x128xf32>
    tpu.vector_store %arg11[%swap3A, %swap3A_26], %select_n3A {strides = array<i32>} : memref<1000x128xf32, #tpu.memory_space<vmem>>, vector<1000x128xf32>,
    %get3A_28 = arith.constant 0 : index
    %get3A_29 = arith.constant 0 : index
    %get3A_30 = vector.load %arg7[%get3A_28, %get3A_29] : memref<128x128xf32, #tpu.memory_space<vmem>>, vector<128x128xf32>
    %dot_general3A = arith.constant dense<0.000000e+00> : vector<1000x128xf32>
    %dot_general3A_31 = tpu.matmul %select_n3A, %get3A_30, %dot_general3A {dimension_numbers = #tpu.dot_dimension_numbers<[1], [0], [0], [1], [0, 0, 1, 1], [], []>, transpose_lhs_hint = false} : vector<1000x128xf32>, vector<128x128xf32>, vector<1000x128xf32> -> vector<1000x128xf32>
    %get3A_32 = arith.constant 0 : index
    %get3A_33 = arith.constant 0 : index
    %get3A_34 = vector.load %arg8[%get3A_32, %get3A_33] : memref<1x128xf32, #tpu.memory_space<vmem>>, vector<1x128xf32>
    %add3A_35 = vector.broadcast %get3A_34 : vector<1x128xf32> to vector<1000x128xf32>
    %add3A_36 = arith.addf %dot_general3A_31, %add3A_35 : vector<1000x128xf32>
    %max3A = arith.constant 0.000000e+00 : f32
    %max3A_37 = vector.broadcast %max3A : f32 to vector<1000x128xf32>
    %max3A_38 = arith.maximumf %add3A_36, %max3A_37 : vector<1000x128xf32>
    %get3A_39 = arith.constant 0 : index
    %get3A_40 = arith.constant 0 : index
    %get3A_41 = vector.load %arg9[%get3A_39, %get3A_40] : memref<128x128xf32, #tpu.memory_space<vmem>>, vector<128x128xf32>
    %dot_general3A_42 = arith.constant dense<0.000000e+00> : vector<1000x128xf32>
    %dot_general3A_43 = tpu.matmul %max3A_38, %get3A_41, %dot_general3A_42 {dimension_numbers = #tpu.dot_dimension_numbers<[1], [0], [0], [1], [0, 0, 1, 1], [], []>, transpose_lhs_hint = false} : vector<1000x128xf32>, vector<128x128xf32>, vector<1000x128xf32> -> vector<1000x128xf32>
    %get3A_44 = arith.constant 0 : index
    %get3A_45 = arith.constant 0 : index
    %get3A_46 = vector.load %arg10[%get3A_44, %get3A_45] : memref<1x128xf32, #tpu.memory_space<vmem>>, vector<1x128xf32>
    %add3A_47 = vector.broadcast %get3A_46 : vector<1x128xf32> to vector<1000x128xf32>
    %add3A_48 = arith.addf %dot_general3A_43, %add3A_47 : vector<1000x128xf32>
    %swap3A_49 = arith.constant 0 : index
    %swap3A_50 = arith.constant 0 : index
    %swap3A_51 = vector.load %arg12[%swap3A_49, %swap3A_50] : memref<1000x128xf32, #tpu.memory_space<vmem>>, vector<1000x128xf32>
    tpu.vector_store %arg12[%swap3A_49, %swap3A_50], %add3A_48 {strides = array<i32>} : memref<1000x128xf32, #tpu.memory_space<vmem>>, vector<1000x128xf32>,
    return
  }
  func.func @transform_0(%arg0: i32) -> (i32, i32) {
    %c0_i32 = arith.constant 0 : i32
    %c0_i32_0 = arith.constant 0 : i32
    return %arg0, %c0_i32 : i32, i32
  }
  func.func @transform_1(%arg0: i32) -> (i32, i32) {
    %add3A = arith.constant 10 : i32
    %add3A_0 = arith.addi %arg0, %add3A : i32
    %c0_i32 = arith.constant 0 : i32
    %c0_i32_1 = arith.constant 0 : i32
    return %add3A_0, %c0_i32 : i32, i32
  }
  func.func @transform_2(%arg0: i32) -> (i32, i32) {
    %c0_i32 = arith.constant 0 : i32
    %c0_i32_0 = arith.constant 0 : i32
    return %arg0, %c0_i32 : i32, i32
  }
  func.func @transform_3(%arg0: i32) -> (i32, i32) {
    %c0_i32 = arith.constant 0 : i32
    %c0_i32_0 = arith.constant 0 : i32
    return %arg0, %c0_i32 : i32, i32
  }
  func.func @transform_4(%arg0: i32) -> (i32, i32) {
    %c0_i32 = arith.constant 0 : i32
    %c0_i32_0 = arith.constant 0 : i32
    %c0_i32_1 = arith.constant 0 : i32
    return %c0_i32, %c0_i32_0 : i32, i32
  }
  func.func @transform_5(%arg0: i32) -> (i32, i32) {
    %c0_i32 = arith.constant 0 : i32
    %c0_i32_0 = arith.constant 0 : i32
    %c0_i32_1 = arith.constant 0 : i32
    return %c0_i32, %c0_i32_0 : i32, i32
  }
  func.func @transform_6(%arg0: i32) -> (i32, i32) {
    %c0_i32 = arith.constant 0 : i32
    %c0_i32_0 = arith.constant 0 : i32
    %c0_i32_1 = arith.constant 0 : i32
    return %c0_i32, %c0_i32_0 : i32, i32
  }
  func.func @transform_7(%arg0: i32) -> (i32, i32) {
    %c0_i32 = arith.constant 0 : i32
    %c0_i32_0 = arith.constant 0 : i32
    %c0_i32_1 = arith.constant 0 : i32
    return %c0_i32, %c0_i32_0 : i32, i32
  }
  func.func @transform_8(%arg0: i32) -> (i32, i32) {
    %c0_i32 = arith.constant 0 : i32
    %c0_i32_0 = arith.constant 0 : i32
    %c0_i32_1 = arith.constant 0 : i32
    return %c0_i32, %c0_i32_0 : i32, i32
  }
  func.func @transform_9(%arg0: i32) -> (i32, i32) {
    %c0_i32 = arith.constant 0 : i32
    %c0_i32_0 = arith.constant 0 : i32
    %c0_i32_1 = arith.constant 0 : i32
    return %c0_i32, %c0_i32_0 : i32, i32
  }
  func.func @transform_10(%arg0: i32) -> (i32, i32) {
    %c0_i32 = arith.constant 0 : i32
    %c0_i32_0 = arith.constant 0 : i32
    return %arg0, %c0_i32 : i32, i32
  }
  func.func @transform_11(%arg0: i32) -> (i32, i32) {
    %c0_i32 = arith.constant 0 : i32
    %c0_i32_0 = arith.constant 0 : i32
    return %arg0, %c0_i32 : i32, i32
  }
}

</mosaic_0001>

<sc_bundles>
// kernel: kernel.11.cloned.1.call-start
scs
__scs_entry_jumppad:
0x0: {  	(pc) =	sbr.rel $0x88, $3  }
0x1: {  	(tag) =	ssettag $0x0;
	lr =	simm.s32 $0x1  }
0x2: {  	[smem:$0x3F96] =	sst lr;
	_ =	strace $0xD0000000  }
0x3: {  	_ = 	snop  }
0x4: {  	_ = 	snop  }
0x5: {  	_ = 	snop  }
0x6: {  	_ = 	snop  }
0x7: {  	_ = 	snop  }
__scs_overlays_trampoline_lowered:
0x8: {  	[smem:$0x3FA5] =	sst s0  }
0x9: {  	[smem:$0x3FA6] =	sst s1  }
0xa: {  	[smem:$0x3FA7] =	sst s2  }
0xb: {  	[smem:$0x3FA8] =	sst s3  }
0xc: {  	[smem:$0x3FA9] =	sst s4  }
0xd: {  	[smem:$0x3FAA] =	sst s5  }
0xe: {  	[smem:$0x3FAB] =	sst s6  }
0xf: {  	[smem:$0x3FAC] =	sst s7  }
0x10: {  	[smem:$0x3FAD] =	sst s8  }
0x11: {  	[smem:$0x3FAE] =	sst s9;
	s0 =	simm.s32 @!p0 $0x0  }
0x12: {  	s1 =	sld [smem:$0x3F94];
	s0 =	simm.s32 @p0 $0x1  }
0x13: {  	[smem:$0x3FAF] =	sst s0;
	s0 =	simm.s32 @!p1 $0x0  }
0x14: {  	s2 =	sld [smem:$0x3F93];
	s0 =	simm.s32 @p1 $0x1  }
0x15: {  	[smem:$0x3FB0] =	sst s0;
	s0 =	simm.s32 @!p2 $0x0  }
0x16: {  	s3 =	sld [smem:$0x3FDB];
	s0 =	simm.s32 @p2 $0x1  }
0x17: {  	s4 =	simm.s32 $0x1BF5;
	[smem:$0x3FB2] =	sst s0  }
0x18: {  	s0 =	sld [smem:$0x3F95];
	_ =	swait.ge [sflag:s4], $0x0  }
0x19: {  	s7 =	sld [smem:$0x3F96]  }
0x1a: {  	s8 =	sadd.s32 $0xFFFFE003, lr  }
0x1b: {  	s9 =	sadd.s32 $0xFFFFFEF7, lr;
	s5 =	simm.s32 $0xFFFFFFFF;
	p2 =	slt.u32 s8, $0xFFFFF086  }
0x1c: {  	p1 =	slt.u32 s9, $0xF7A;
	s5 =	simm.s32 @!p2 $0x0  }
0x1d: {  	s5 =	simm.s32 @p1 $0x1;
	p0 =	seq.s32 s7, s2  }
0x1e: {  	s7 =	smul.u32 @!p0 $0xF7A, s2;
	p2 =	seq.s32 @!p0 s5, $0x0  }
0x1f: {  	s9 =	smul.u32 $0xF7A, s1;
	s8 =	simm.s32 @!p0 $0x1BF5;
	p2 =	por !p2, p0  }
0x20: {  	[sflag:s8] =	ssyncset.s32 @!p0 $0xFFFFF086;
	s6 =	sadd.s32 @!p0 s3, s7;
	s7 =	simm.s32 @!p0 $0x108  }
0x21: {  	s3 =	sadd.s32 s3, s9;
	s6 =	sadd.s32 @!p0 $0x88, s6;
	s7 =	simm.s32 @p2 $0x1082  }
0x22: {  	[simem:s7], [sflag:s8] =	dma.local @!p0 [hbm:s6], $0xF7A  }
0x23: {  	s9 =	sor.u32 $0xD0000000, s2;
	s6 =	simm.s32 $0x108;
	_ =	swait.ge @!p0 [sflag:s8], $0x0  }
0x24: {  	s3 =	sadd.s32 $0x88, s3;
	s6 =	simm.s32 @!p1 $0x1082;
	[sflag:s4] =	ssyncset.s32 $0xFFFFF086  }
0x25: {  	[simem:s6], [sflag:s4] =	dma.local [hbm:s3], $0xF7A  }
0x26: {  	[smem:$0x3F96] =	sst s1;
	(tag) =	ssettag s2;
	_ =	strace s9  }
0x27: {  	s1 =	sld [smem:$0x3FA6]  }
0x28: {  	s2 =	sld [smem:$0x3FA7]  }
0x29: {  	s4 =	sld [smem:$0x3FA9]  }
0x2a: {  	p0 =	seq.s32 s5, $0x0;
	s5 =	sld [smem:$0x3FAA]  }
0x2b: {  	s6 =	sld [smem:$0x3FAB]  }
0x2c: {  	s7 =	sld [smem:$0x3FAC]  }
0x2d: {  	s3 =	simm.s32 $0x108;
	s8 =	sld [smem:$0x3FAD]  }
0x2e: {  	s3 =	simm.s32 @!p0 $0x1082;
	s9 =	sld [smem:$0x3FAE]  }
0x2f: {  	lr =	sadd.s32 s0, s3;
	s0 =	sld [smem:$0x3FA5]  }
0x30: {  	s3 =	sld [smem:$0x3FA8]  }
0x31: {  	[smem:$0x3FB1] =	sst s10  }
0x32: {  	s10 =	sld [smem:$0x3FAF];
	_ =	sdelay $0x3  }
0x33: {  	p0 =	seq.s32 s10, $0x1;
	s10 =	sld [smem:$0x3FB1];
	_ =	sdelay $0x3  }
0x34: {  	[smem:$0x3FB1] =	sst s10  }
0x35: {  	s10 =	sld [smem:$0x3FB0];
	_ =	sdelay $0x3  }
0x36: {  	p1 =	seq.s32 s10, $0x1;
	s10 =	sld [smem:$0x3FB1];
	_ =	sdelay $0x3  }
0x37: {  	[smem:$0x3FB1] =	sst s10  }
0x38: {  	s10 =	sld [smem:$0x3FB2]  }
0x39: {  	_ = 	snop;
	(pc) =	sbr.ind lr, $3  }
0x3a: {  	_ = 	snop  }
0x3b: {  	_ = 	snop  }
0x3c: {  	p2 =	seq.s32 s10, $0x1;
	s10 =	sld [smem:$0x3FB1]  }
0x3d: {  	_ =	shalt  }
0x3e: {  	_ =	shalt  }
0x3f: {  	_ =	shalt  }
0x40: {  	_ =	shalt  }
0x41: {  	_ =	shalt  }
0x42: {  	_ =	shalt  }
0x43: {  	_ =	shalt  }
0x44: {  	_ =	shalt  }
0x45: {  	_ =	shalt  }
0x46: {  	_ =	shalt  }
0x47: {  	_ =	shalt  }
0x48: {  	_ =	shalt  }
0x49: {  	_ =	shalt  }
0x4a: {  	_ =	shalt  }
0x4b: {  	_ =	shalt  }
0x4c: {  	_ =	shalt  }
0x4d: {  	_ =	shalt  }
0x4e: {  	_ =	shalt  }
0x4f: {  	_ =	shalt  }
0x50: {  	_ =	shalt  }
0x51: {  	_ =	shalt  }
0x52: {  	_ =	shalt  }
0x53: {  	_ =	shalt  }
0x54: {  	_ =	shalt  }
0x55: {  	_ =	shalt  }
0x56: {  	_ =	shalt  }
0x57: {  	_ =	shalt  }
0x58: {  	_ =	shalt  }
0x59: {  	_ =	shalt  }
0x5a: {  	_ =	shalt  }
0x5b: {  	_ =	shalt  }
0x5c: {  	_ =	shalt  }
0x5d: {  	_ =	shalt  }
0x5e: {  	_ =	shalt  }
0x5f: {  	_ =	shalt  }
0x60: {  	_ =	shalt  }
0x61: {  	_ =	shalt  }
0x62: {  	_ =	shalt  }
0x63: {  	_ =	shalt  }
0x64: {  	_ =	shalt  }
0x65: {  	_ =	shalt  }
0x66: {  	_ =	shalt  }
0x67: {  	_ =	shalt  }
0x68: {  	_ =	shalt  }
0x69: {  	_ =	shalt  }
0x6a: {  	_ =	shalt  }
0x6b: {  	_ =	shalt  }
0x6c: {  	_ =	shalt  }
0x6d: {  	_ =	shalt  }
0x6e: {  	_ =	shalt  }
0x6f: {  	_ =	shalt  }
0x70: {  	_ =	shalt  }
0x71: {  	_ =	shalt  }
0x72: {  	_ =	shalt  }
0x73: {  	_ =	shalt  }
0x74: {  	_ =	shalt  }
0x75: {  	_ =	shalt  }
0x76: {  	_ =	shalt  }
0x77: {  	_ =	shalt  }
0x78: {  	_ =	shalt  }
0x79: {  	_ =	shalt  }
0x7a: {  	_ =	shalt  }
0x7b: {  	_ =	shalt  }
0x7c: {  	_ =	shalt  }
0x7d: {  	_ =	shalt  }
0x7e: {  	_ =	shalt  }
0x7f: {  	_ =	shalt  }
0x80: {  	_ =	shalt  }
0x81: {  	_ =	shalt  }
0x82: {  	_ =	shalt  }
0x83: {  	_ =	shalt  }
0x84: {  	_ =	shalt  }
0x85: {  	_ =	shalt  }
0x86: {  	_ =	shalt  }
0x87: {  	_ =	shalt  }
.Lfunc_end0:
.L_simem_size_0:
called_computation.1_lowered:
.L_overlay_start_0:
0x88: {  	s2 =	sld [smem:$0x3FD9]  }
0x89: {  	s3 =	sld [smem:$0x3FFE];
	_ =	sdelay $0x1  }
0x8a: {  	s1 =	srdreg.scid  }
0x8b: {  	s0 =	sand.u32 $0x1, s1  }
0x8c: {  	s16 =	sshll.u32 s0, $0xA;
	s2 =	sadd.s32 s3, s2  }
0x8d: {  	s2 =	sadd.s32 s2, s16  }
0x8e: {  	[smem:$0x3FBD] =	sst s2  }
0x8f: {  	_ = 	snop  }
0x90: {  	(tm) =	ssettm $0x1  }
0x91: {  	s17 =	sld [smem:$0x3FFB];
	_ =	sdelay $0x3  }
0x92: {  	_ =	strace s17  }
0x93: {  	s2 =	sld [smem:$0x3FFC];
	_ =	sdelay $0x3  }
0x94: {  	_ =	strace s2  }
0x95: {  	s2 =	sld [smem:$0x3FFD];
	_ =	sdelay $0x3  }
0x96: {  	_ =	strace s2  }
0x97: {  	_ =	strace $0x8FFFFFFF  }
0x98: {  	s18 =	sld [smem:$0x3FDB];
	_ =	sdelay $0x1  }
0x99: {  	s19 =	simm.s32 $_scs_section_size  }
0x9a: {  	s4 =	simm.s32 $_size__tile_overlayer_lowered;
	s5 =	simm.s32 $_tile_overlayer_lowered  }
0x9b: {  	s22 =	simm.s32 $0x1BFF;
	s21 =	sshll.u32 s5, $0x1;
	s2 =	sadd.s32 s19, s18  }
0x9c: {  	s6 =	simm.s32 $0x0;
	s20 =	sshll.u32 s4, $0x1;
	s4 =	sadd.s32 s21, s2  }
0x9d: {  	[timem:s6], [sflag:s22] =	dma.local [hbm:s4], s20  }
0x9e: {  	_ =	swait.ge [sflag:s22], s20  }
0x9f: {  	s3 =	ssub.s32 $0x0, s20;
	[sflag:s22] =	ssyncset.done $0x0  }
0xa0: {  	[sflag:s22] =	ssyncadd.s32 s3;
	_ =	sdelay $0x1  }
0xa1: {  	s23 =	simm.s32 $0x1B8B  }
0xa2: {  	_ =	swait.ge [sflag:s23], $0x1  }
0xa3: {  	[sflag:s23] =	ssyncset.done $0x0  }
0xa4: {  	s25 =	simm.s32 $0x1B8E;
	s24 =	sld [smem:$0x3FFE];
	[sflag:s23] =	ssyncadd.s32 $0xFFFFFFFF  }
0xa5: {  	s26 =	simm.s32 $execute0_lowered;
	[smem:$0x3FD2] =	sst s25  }
0xa6: {  	s4 =	sshll.u32 s26, $0x1;
	_ =	strace $0x80000049;
	[dreg:$0x1] =	wrdreg $0xFFFFFFFF  }
0xa7: {  	s28 =	simm.s32 $_size_execute0_lowered;
	s2 =	sadd.s32 s2, s4;
	[dreg:$0x0] =	wrdreg $0x0  }
0xa8: {  	s4 =	sshll.u32 s28, $0x1;
	[dreg:$0x2] =	wrdreg s2  }
0xa9: {  	[dreg:$0x3] =	wrdreg s4  }
0xaa: {  	[dreg:$0x4] =	wrdreg $0xC0  }
0xab: {  	_ =	task [dreg:s6], $0x5FFFF  }
0xac: {  	[dreg:$0x1] =	wrdreg $0xFFFFFFFF  }
0xad: {  	[dreg:$0x0] =	wrdreg $0x60  }
0xae: {  	[dreg:$0x2] =	wrdreg s24  }
0xaf: {  	[dreg:$0x3] =	wrdreg $0xC0000  }
0xb0: {  	[dreg:$0x4] =	wrdreg $0x9  }
0xb1: {  	_ =	task.clear_ibuf [dreg:s6], $0x5FFFF;
	_ =	strace $0x90000049  }
0xb2: {  	s29 =	simm.s32 $0x9;
	_ =	strace $0x8000004B  }
0xb3: {  	_ =	swait.ge [sflag:s29], $0x1  }
0xb4: {  	[sflag:s29] =	ssyncadd.s32 $0xFFFFFFFF  }
0xb5: {  	_ =	strace $0x9000004B  }
0xb6: {  	_ =	sfence  }
0xb7: {  	s30 =	sld [smem:$0x0];
	_ =	sdelay $0x2  }
0xb8: {  	s31 =	sshll.u32 s1, $0xD;
	s1 =	sshrl.u32 s1, $0x2  }
0xb9: {  	s3 =	sand.u32 $0x4000, s31;
	s1 =	sadd.s32 s1, s30  }
0xba: {  	s0 =	sor.u32 s3, s0;
	s1 =	sshll.u32 s1, $0x11  }
0xbb: {  	s0 =	sor.u32 s1, s0  }
0xbc: {  	s0 =	sadd.s32 $0x8F2B, s0  }
0xbd: {  	[sflag:s0] =	ssyncadd.remote.s32 $0x1  }
0xbe: {  	_ =	sfence.sel $0xFFFF  }
0xbf: {  	[dreg:$0x0] =	wrdreg $0xFFFFFFFF;
	(pc) =	sbr.abs _section_cstart, $3  }
0xc0: {  	[dreg:$0x1] =	wrdreg $0xFFFFFFFF  }
0xc1: {  	_ =	task.clear_ibuf [dreg:s6], $0x2FFFF;
	_ =	strace $0x9FFFFFFF  }
0xc2: {  	(tm) =	ssettm $0x7FFFFFFF  }
0xc3: {  	_ =	shalt  }
tec
execute0_lowered:
.L_overlay_start_1:
0x0: {  	(tag) =	ssettag $0x1  }
0x1: {  	s0 =	rddreg [dreg:$0x0]  }
0x2: {  	s1 =	rddreg [dreg:$0x1];
	s3 =	simm.s32 $0x0;
	s2 =	srdreg.scid  }
0x3: {  	s19 =	stileid.u32;
	s28 =	simm.s32 $0x5;
	s29 =	simm.s32 $0x80  }
0x4: {  	s30 =	simm.s32 $0x2000;
	s31 =	simm.s32 $0x2100;
	[smem:$0x7FF] =	sst s3  }
0x5: {  	s2 =	sand.u32 $0x1, s2;
	s4 =	sadd.s32 $0x2AE00, s0;
	s7 =	smul.u32 $0x270, s19  }
0x6: {  	s5 =	sadd.s32 $0x2E00, s0;
	s9 =	smul.u32 $0x4E000, s19;
	s0 =	sadd.s32 $0x79000, s0  }
0x7: {  	s12 =	smul.u32 $0xA000, s19;
	p0 =	sne.s32 s19, $0xF;
	s19 =	simm.s32 $0x200  }
0x8: {  	_ =	strace $0x8000004A;
	s6 =	ssub.s32 $0x2, s2;
	s21 =	smul.u32 $0xA0000, s2  }
0x9: {  	s8 =	sshrl.u32 s6, $0x1;
	s9 =	sshrl.u32 s9, $0x2;
	s13 =	sadd.s32 $0xD0, s7  }
0xa: {  	s20 =	sadd.s32 $0x138, s7;
	s15 =	sadd.s32 $0x1A0, s7;
	s16 =	sadd.s32 $0x208, s7  }
0xb: {  	s6 =	ssub.s32 s6, s8;
	s8 =	sadd.s32 $0x68, s7;
	s22 =	sadd.s32 s9, s1  }
0xc: {  	s18 =	sshll.u32 s13, $0x7;
	s11 =	sshll.u32 s20, $0x7;
	s23 =	sshll.u32 s15, $0x7  }
0xd: {  	s14 =	sshll.u32 s16, $0x7;
	s10 =	sshll.u32 s8, $0x7;
	s9 =	sadd.s32 s18, s1  }
0xe: {  	s11 =	sadd.s32 s11, s1;
	s18 =	smul.u32 $0x2710, s2;
	[dreg:$0x4] =	wrdreg s9  }
0xf: {  	s24 =	sadd.s32 s23, s1;
	s2 =	smul.u32 $0x138800, s2;
	[dreg:$0x5] =	wrdreg s11  }
0x10: {  	s17 =	sadd.s32 s10, s1;
	[dreg:$0x6] =	wrdreg s24;
	s11 =	sadd.s32 s14, s1  }
0x11: {  	[dreg:$0x3] =	wrdreg s17;
	s17 =	sadd.s32 s12, s21;
	s12 =	sadd.s32 $0x138000, s1  }
0x12: {  	s7 =	sadd.s32 s7, s18;
	s8 =	sadd.s32 s18, s8;
	s13 =	sadd.s32 s18, s13  }
0x13: {  	s20 =	sadd.s32 s18, s20;
	s23 =	sadd.s32 s18, s15;
	s24 =	sadd.s32 s18, s16  }
0x14: {  	s2 =	sshrl.u32 s2, $0x3;
	s15 =	simm.s32 $0x2200;
	s16 =	simm.s32 $0x2180  }
0x15: {  	s18 =	simm.s32 $0x100;
	s25 =	sshrl.u32 s17, $0x3;
	s14 =	sadd.s32 $0x2000, s17  }
0x16: {  	s7 =	sshll.u32 s7, $0x4;
	s10 =	sshll.u32 s8, $0x4;
	s17 =	sshll.u32 s13, $0x4  }
0x17: {  	s21 =	sshll.u32 s20, $0x4;
	s8 =	sshll.u32 s24, $0x4;
	s26 =	sadd.s32 s5, s25  }
0x18: {  	s24 =	simm.s32 $0x1;
	s7 =	sadd.s32 s0, s7;
	[dreg:$0x7] =	wrdreg s26  }
0x19: {  	s13 =	simm.s32 $0x3;
	s25 =	sadd.s32 s0, s8;
	[dreg:$0x8] =	wrdreg s7  }
0x1a: {  	s20 =	simm.s32 $0x180;
	s7 =	sadd.s32 s0, s10;
	[dreg:$0xd] =	wrdreg s25  }
0x1b: {  	s26 =	smax.u32 s6, $0x1;
	s25 =	simm.s32 $0x2;
	[dreg:$0x9] =	wrdreg s7  }
0x1c: {  	s7 =	sadd.s32 s0, s17;
	[dreg:$0xf] =	wrdreg s26;
	s26 =	simm.s32 $0x6  }
.Ltmp0:
0x1d: {  	[dreg:$0xa] =	wrdreg s7;
	s7 =	sadd.s32 s0, s21;
	(pc) =	sbr.rel .LBB2_1-.Ltmp0, $4  }
0x1e: {  	s17 =	simm.s32 $0x4;
	[dreg:$0xb] =	wrdreg s7;
	s7 =	sshll.u32 s23, $0x4  }
0x1f: {  	s21 =	simm.s32 $0x0;
	s7 =	sadd.s32 s0, s7;
	s0 =	sadd.s32 s0, s2  }
0x20: {  	s23 =	simm.s32 $0x4000;
	[dreg:$0xc] =	wrdreg s7;
	s0 =	sadd.s32 $0x27000, s0  }
0x21: {  	v0 =	vimm.f32 $0.0e+00;
	s2 =	simm.s32 $0x2080;
	[dreg:$0xe] =	wrdreg s0;
	s0 =	simm.s32 $0x8000  }
.LBB2_14:
0x22: {  	[bflag:$0x0] =	sbarrier.arrive $0xFFFF  }
0x23: {  	[tilespmem:s23], [sflag:$0x6] =	stream.linear.gather [spmem:s10], $0x3400, $0x38;
	[tilespmem:$0x1FA80] =	vst v63  }
0x24: {  	_ =	swait.ge [sflag:s26], $0x3400  }
0x25: {  	[sflag:s26] =	ssyncset.done $0x0  }
0x26: {  	s6 =	rddreg [dreg:$0x8];
	[sflag:s26] =	ssyncadd.s32 $0xFFFFCC00  }
0x27: {  	[hbm4b:s6+s3] =	stream.linear.scatter [tilespmem:s23], [sflag:$0x3], $0x3400, $0x38;
	[tilespmem:$0x1FA80] =	vst v63  }
0x28: {  	s9 =	rddreg [dreg:$0x3]  }
0x29: {  	[tilespmem:s0], [sflag:$0x6] =	stream.linear.gather [spmem:s9], $0x3400, $0x38;
	[tilespmem:$0x1FA80] =	vst v63  }
0x2a: {  	_ =	swait.ge [sflag:s26], $0x3400  }
0x2b: {  	[sflag:s26] =	ssyncset.done $0x0  }
0x2c: {  	s22 =	smov.u32 s10;
	s10 =	rddreg [dreg:$0x9];
	[sflag:s26] =	ssyncadd.s32 $0xFFFFCC00  }
0x2d: {  	[hbm4b:s10+s3] =	stream.linear.scatter [tilespmem:s0], [sflag:$0x4], $0x3400, $0x38;
	[tilespmem:$0x1FA80] =	vst v63  }
0x2e: {  	_ =	swait.ge [sflag:s13], $0x3400  }
0x2f: {  	[sflag:s13] =	ssyncset.done $0x0  }
0x30: {  	s7 =	rddreg [dreg:$0x4];
	[sflag:s13] =	ssyncadd.s32 $0xFFFFCC00  }
0x31: {  	[tilespmem:s23], [sflag:$0x6] =	stream.linear.gather [spmem:s7], $0x3400, $0x38;
	[tilespmem:$0x1FA80] =	vst v63  }
0x32: {  	_ =	swait.ge [sflag:s26], $0x3400  }
0x33: {  	[sflag:s26] =	ssyncset.done $0x0  }
0x34: {  	s8 =	rddreg [dreg:$0xa];
	[sflag:s26] =	ssyncadd.s32 $0xFFFFCC00  }
0x35: {  	[hbm4b:s8+s3] =	stream.linear.scatter [tilespmem:s23], [sflag:$0x3], $0x3400, $0x38;
	[tilespmem:$0x1FA80] =	vst v63  }
0x36: {  	_ =	swait.ge [sflag:s17], $0x3400  }
0x37: {  	[sflag:s17] =	ssyncset.done $0x0  }
0x38: {  	s9 =	rddreg [dreg:$0x5];
	[sflag:s17] =	ssyncadd.s32 $0xFFFFCC00  }
0x39: {  	[tilespmem:s0], [sflag:$0x6] =	stream.linear.gather [spmem:s9], $0x3400, $0x38;
	[tilespmem:$0x1FA80] =	vst v63  }
0x3a: {  	_ =	swait.ge [sflag:s26], $0x3400  }
0x3b: {  	[sflag:s26] =	ssyncset.done $0x0  }
0x3c: {  	s10 =	rddreg [dreg:$0xb];
	[sflag:s26] =	ssyncadd.s32 $0xFFFFCC00  }
0x3d: {  	[hbm4b:s10+s3] =	stream.linear.scatter [tilespmem:s0], [sflag:$0x4], $0x3400, $0x38;
	[tilespmem:$0x1FA80] =	vst v63  }
0x3e: {  	_ =	swait.ge [sflag:s13], $0x3400  }
0x3f: {  	[sflag:s13] =	ssyncset.done $0x0  }
0x40: {  	s7 =	rddreg [dreg:$0x6];
	[sflag:s13] =	ssyncadd.s32 $0xFFFFCC00  }
0x41: {  	[tilespmem:s23], [sflag:$0x6] =	stream.linear.gather [spmem:s7], $0x3400, $0x38;
	[tilespmem:$0x1FA80] =	vst v63  }
0x42: {  	_ =	swait.ge [sflag:s26], $0x3400  }
0x43: {  	[sflag:s26] =	ssyncset.done $0x0  }
0x44: {  	s8 =	rddreg [dreg:$0xc];
	[sflag:s26] =	ssyncadd.s32 $0xFFFFCC00  }
0x45: {  	[hbm4b:s8+s3] =	stream.linear.scatter [tilespmem:s23], [sflag:$0x3], $0x3400, $0x38;
	[tilespmem:$0x1FA80] =	vst v63  }
0x46: {  	_ =	swait.ge [sflag:s17], $0x3400  }
0x47: {  	[sflag:s17] =	ssyncset.done $0x0  }
0x48: {  	[sflag:s17] =	ssyncadd.s32 $0xFFFFCC00  }
0x49: {  	[tilespmem:s0], [sflag:$0x6] =	stream.linear.gather [spmem:s11], $0x3400, $0x38;
	[tilespmem:$0x1FA80] =	vst v63  }
0x4a: {  	_ =	swait.ge [sflag:s26], $0x3400  }
0x4b: {  	[sflag:s26] =	ssyncset.done $0x0  }
0x4c: {  	s9 =	rddreg [dreg:$0xd];
	[sflag:s26] =	ssyncadd.s32 $0xFFFFCC00  }
0x4d: {  	[hbm4b:s9+s3] =	stream.linear.scatter [tilespmem:s0], [sflag:$0x4], $0x3400, $0x38;
	[tilespmem:$0x1FA80] =	vst v63  }
0x4e: {  	_ =	swait.ge [sflag:s13], $0x3400  }
0x4f: {  	[sflag:s13] =	ssyncset.done $0x0  }
0x50: {  	[sflag:s13] =	ssyncadd.s32 $0xFFFFCC00  }
0x51: {  	_ =	swait.ge [sflag:s17], $0x3400  }
0x52: {  	[sflag:s17] =	ssyncset.done $0x0  }
0x53: {  	s6 =	simm.s32 @!p0 $0x4000;
	s7 =	simm.s32 @!p0 $0x6;
	[sflag:s17] =	ssyncadd.s32 $0xFFFFCC00  }
0x54: {  	[tilespmem:s6], [sflag:$0x6] =	stream.linear.gather @!p0 [spmem:s12], $0x800, $0x38;
	[tilespmem:$0x1FA80] =	vst v63  }
0x55: {  	_ =	swait.ge @!p0 [sflag:s7], $0x800  }
0x56: {  	[sflag:s7] =	ssyncset.done @!p0 $0x0  }
0x57: {  	s8 =	simm.s32 @!p0 $0x0;
	s9 =	rddreg [dreg:$0xe];
	[sflag:s7] =	ssyncadd.s32 @!p0 $0xFFFFF800  }
0x58: {  	[hbm4b:s9+s8] =	stream.linear.scatter @!p0 [tilespmem:s6], [sflag:$0x6], $0x800, $0x38;
	[tilespmem:$0x1FA80] =	vst v63  }
0x59: {  	_ =	swait.ge @!p0 [sflag:s7], $0x800  }
0x5a: {  	s21 =	sadd.s32 $0x1, s21;
	s10 =	rddreg [dreg:$0xf]  }
0x5b: {  	p1 =	sne.s32 s21, s10  }
.Ltmp1:
0x5c: {  	_ = 	snop;
	(pc) =	sbr.rel @!p1 .LBB2_15-.Ltmp1, $3  }
0x5d: {  	_ =	sdelay $0x1  }
0x5e: {  	[sflag:s7] =	ssyncset.done @!p0 $0x0  }
0x5f: {  	[sflag:s7] =	ssyncadd.s32 @!p0 $0xFFFFF800  }
.LBB2_1:
0x60: {  	s6 =	sand.u32 $0xFE00, s3  }
0x61: {  	s7 =	sand.u32 $0x70, s3;
	s8 =	sshrl.u32 s6, $0x2  }
0x62: {  	s6 =	simm.s32 $0x40;
	s8 =	sor.u32 s7, s8;
	s7 =	simm.s32 $0x0  }
.LBB2_2:
0x63: {  	p1 =	sne.s32 s6, $0xFFC0  }
0x64: {  	[tilespmem:s8+$0x4000] =	vst v0;
	s7 =	sadd.s32 $0x10, s7;
	s8 =	smov.u32 s6;
	s6 =	sadd.s32 $0x40, s6  }
.Ltmp2:
0x65: {  	(pc) =	sbr.rel @p1 .LBB2_2-.Ltmp2, $4  }
0x66: {  	_ = 	snop  }
0x67: {  	s8 =	sand.u32 $0xFE00, s8  }
0x68: {  	s9 =	sand.u32 $0x70, s7;
	s8 =	sshrl.u32 s8, $0x2  }
0x69: {  	s8 =	sor.u32 s9, s8  }
0x6a: {  	[tilespmem:s8+$0x4000] =	vst v0  }
0x6b: {  	[spmem:s22] =	stream.linear.scatter [tilespmem:s23], [sflag:$0x1], $0x3400, $0x38;
	[tilespmem:$0x1FA80] =	vst v63  }
0x6c: {  	s6 =	rddreg [dreg:$0x3]  }
0x6d: {  	[spmem:s6] =	stream.linear.scatter [tilespmem:s23], [sflag:$0x2], $0x3400, $0x38;
	[tilespmem:$0x1FA80] =	vst v63  }
0x6e: {  	s10 =	smov.u32 s22;
	s22 =	rddreg [dreg:$0x4]  }
0x6f: {  	[spmem:s22] =	stream.linear.scatter [tilespmem:s23], [sflag:$0x1], $0x3400, $0x38;
	[tilespmem:$0x1FA80] =	vst v63  }
0x70: {  	s7 =	rddreg [dreg:$0x5]  }
0x71: {  	[spmem:s7] =	stream.linear.scatter [tilespmem:s23], [sflag:$0x2], $0x3400, $0x38;
	[tilespmem:$0x1FA80] =	vst v63  }
0x72: {  	s8 =	rddreg [dreg:$0x6]  }
0x73: {  	[spmem:s8] =	stream.linear.scatter [tilespmem:s23], [sflag:$0x1], $0x3400, $0x38;
	[tilespmem:$0x1FA80] =	vst v63  }
0x74: {  	_ = 	snop  }
0x75: {  	[spmem:s11] =	stream.linear.scatter [tilespmem:s23], [sflag:$0x2], $0x3400, $0x38;
	[tilespmem:$0x1FA80] =	vst v63  }
0x76: {  	_ =	swait.ge [sflag:s24], $0x3400  }
0x77: {  	[sflag:s24] =	ssyncset.done $0x0  }
0x78: {  	[sflag:s24] =	ssyncadd.s32 $0xFFFFCC00  }
0x79: {  	_ =	swait.ge [sflag:s25], $0x3400  }
0x7a: {  	[sflag:s25] =	ssyncset.done $0x0  }
0x7b: {  	[sflag:s25] =	ssyncadd.s32 $0xFFFFCC00  }
0x7c: {  	_ =	swait.ge [sflag:s24], $0x3400  }
0x7d: {  	[sflag:s24] =	ssyncset.done $0x0  }
0x7e: {  	[sflag:s24] =	ssyncadd.s32 $0xFFFFCC00  }
0x7f: {  	_ =	swait.ge [sflag:s25], $0x3400  }
0x80: {  	[sflag:s25] =	ssyncset.done $0x0  }
0x81: {  	[sflag:s25] =	ssyncadd.s32 $0xFFFFCC00  }
0x82: {  	_ =	swait.ge [sflag:s24], $0x3400  }
0x83: {  	[sflag:s24] =	ssyncset.done $0x0  }
0x84: {  	[sflag:s24] =	ssyncadd.s32 $0xFFFFCC00  }
0x85: {  	_ =	swait.ge [sflag:s25], $0x3400  }
0x86: {  	[sflag:s25] =	ssyncset.done $0x0  }
0x87: {  	s6 =	simm.s32 @!p0 $0x4000;
	[sflag:s25] =	ssyncadd.s32 $0xFFFFCC00  }
0x88: {  	[spmem:s12] =	stream.linear.scatter @!p0 [tilespmem:s6], [sflag:$0x6], $0x2800, $0x38;
	[tilespmem:$0x1FA80] =	vst v63  }
0x89: {  	s6 =	simm.s32 @!p0 $0x6  }
0x8a: {  	_ =	swait.ge @!p0 [sflag:s6], $0x2800  }
0x8b: {  	[sflag:s6] =	ssyncset.done @!p0 $0x0  }
0x8c: {  	[sflag:s6] =	ssyncadd.s32 @!p0 $0xFFFFD800  }
0x8d: {  	[bflag:$0x0] =	sbarrier.arrive $0xFFFF  }
.Ltmp3:
0x8e: {  	s22 =	simm.s32 $0x0;
	s9 =	rddreg [dreg:$0x7];
	(pc) =	sbr.rel .LBB2_4-.Ltmp3, $4  }
0x8f: {  	[tilespmem:s22], [sflag:$0x6] =	stream.linear.gather [hbm4b:s9+s22], $0x2000, $0x38;
	[tilespmem:$0x1FA80] =	vst v63  }
0x90: {  	_ =	swait.ge [sflag:s26], $0x2000  }
0x91: {  	[sflag:s26] =	ssyncset.done $0x0  }
0x92: {  	[sflag:s26] =	ssyncadd.s32 $0xFFFFE000  }
.LBB2_12:
0x93: {  	[spmem:s1] =	stream.indirect.scatter.add.f32 [tilespmem:s0], [sflag:$0x4], $0x80, s8, s29, $0xb8;
	[tilespmem:$0x1FA80] =	vst v63  }
0x94: {  	_ =	swait.ge [sflag:s17], $0x4000  }
0x95: {  	[sflag:s17] =	ssyncset.done $0x0  }
0x96: {  	[sflag:s17] =	ssyncadd.s32 $0xFFFFC000  }
.LBB2_13:
0x97: {  	s22 =	sadd.s32 $0x1, s22  }
0x98: {  	p1 =	sne.s32 s22, $0x5  }
.Ltmp4:
0x99: {  	_ = 	snop;
	(pc) =	sbr.rel @!p1 .LBB2_14-.Ltmp4, $1  }
0x9a: {  	_ =	sdelay $0x3  }
.LBB2_4:
0x9b: {  	s6 =	sand.u32 $0x1, s22  }
0x9c: {  	p1 =	seq.s32 s6, $0x1  }
.Ltmp5:
0x9d: {  	_ = 	snop;
	(pc) =	sbr.rel @p1 .LBB2_9-.Ltmp5, $1  }
0x9e: {  	_ =	sdelay $0x3  }
0x9f: {  	p1 =	seq.s32 s22, $0x0  }
0xa0: {  	s7 =	simm.s32 @!p1 $0x5  }
0xa1: {  	p2 =	seq.s32 @!p1 s22, $0x4;
	_ =	swait.ge @!p1 [sflag:s7], $0x2000  }
0xa2: {  	p2 =	por p1, !p2;
	[sflag:s7] =	ssyncset.done @!p1 $0x0  }
0xa3: {  	[sflag:s7] =	ssyncadd.s32 @!p1 $0xFFFFE000;
	s7 =	sshll.u32 @p2 s22, $0xD  }
0xa4: {  	s7 =	sadd.s32 @p2 s7, s14  }
0xa5: {  	s7 =	sshrl.u32 @p2 s7, $0x3  }
0xa6: {  	s7 =	sadd.s32 @p2 s5, s7  }
0xa7: {  	[tilespmem:s30], [sflag:$0x5] =	stream.linear.gather @p2 [hbm4b:s7+s3], $0x2000, $0x38;
	[tilespmem:$0x1FA80] =	vst v63  }
0xa8: {  	_ = 	snop  }
0xa9: {  	[tilespmem:s23], [sflag:$0x1] =	stream.indirect.gather [hbm4b:s4+s29], $0x80, s3, s29, $0xb8;
	[tilespmem:$0x1FA80] =	vst v63  }
0xaa: {  	_ =	swait.ge [sflag:s24], $0x4000  }
0xab: {  	[sflag:s24] =	ssyncset.done $0x0  }
0xac: {  	[sflag:s24] =	ssyncadd.s32 $0xFFFFC000  }
0xad: {  	[tilespmem:s0], [sflag:$0x2] =	stream.indirect.gather [hbm4b:s4+s29], $0x80, s18, s29, $0xb8;
	[tilespmem:$0x1FA80] =	vst v63  }
0xae: {  	_ = 	snop  }
0xaf: {  	[spmem:s1] =	stream.indirect.scatter.add.f32 [tilespmem:s23], [sflag:$0x3], $0x80, s29, s29, $0xb8;
	[tilespmem:$0x1FA80] =	vst v63  }
0xb0: {  	_ =	swait.ge [sflag:s25], $0x4000  }
0xb1: {  	[sflag:s25] =	ssyncset.done $0x0  }
0xb2: {  	[sflag:s25] =	ssyncadd.s32 $0xFFFFC000  }
0xb3: {  	_ =	swait.ge [sflag:s13], $0x4000  }
0xb4: {  	[sflag:s13] =	ssyncset.done $0x0  }
0xb5: {  	[sflag:s13] =	ssyncadd.s32 $0xFFFFC000  }
0xb6: {  	[tilespmem:s23], [sflag:$0x1] =	stream.indirect.gather [hbm4b:s4+s29], $0x80, s19, s29, $0xb8;
	[tilespmem:$0x1FA80] =	vst v63  }
0xb7: {  	s7 =	simm.s32 $0xFFFF9000  }
0xb8: {  	[spmem:s1] =	stream.indirect.scatter.add.f32 [tilespmem:s0], [sflag:$0x4], $0x80, s20, s29, $0xb8;
	[tilespmem:$0x1FA80] =	vst v63  }
.LBB2_6:
0xb9: {  	_ =	swait.ge [sflag:s24], $0x4000  }
0xba: {  	[sflag:s24] =	ssyncset.done $0x0  }
0xbb: {  	[sflag:s24] =	ssyncadd.s32 $0xFFFFC000  }
0xbc: {  	_ =	swait.ge [sflag:s17], $0x4000  }
0xbd: {  	s8 =	sshra.s32 s7, $0x2;
	[sflag:s17] =	ssyncset.done $0x0  }
0xbe: {  	s9 =	sadd.s32 $0x1F00, s8;
	[sflag:s17] =	ssyncadd.s32 $0xFFFFC000  }
0xbf: {  	[tilespmem:s0], [sflag:$0x2] =	stream.indirect.gather [hbm4b:s4+s29], $0x80, s9, s29, $0xb8;
	[tilespmem:$0x1FA80] =	vst v63  }
0xc0: {  	s9 =	sadd.s32 $0x1E80, s8  }
0xc1: {  	[spmem:s1] =	stream.indirect.scatter.add.f32 [tilespmem:s23], [sflag:$0x3], $0x80, s9, s29, $0xb8;
	[tilespmem:$0x1FA80] =	vst v63  }
0xc2: {  	p1 =	seq.s32 s7, $0x0;
	_ =	swait.ge [sflag:s25], $0x4000  }
.Ltmp6:
0xc3: {  	[sflag:s25] =	ssyncset.done $0x0;
	(pc) =	sbr.rel @p1 .LBB2_8-.Ltmp6, $4  }
0xc4: {  	[sflag:s25] =	ssyncadd.s32 $0xFFFFC000  }
0xc5: {  	_ =	swait.ge [sflag:s13], $0x4000  }
0xc6: {  	[sflag:s13] =	ssyncset.done $0x0  }
0xc7: {  	s9 =	sadd.s32 $0x1F80, s8;
	[sflag:s13] =	ssyncadd.s32 $0xFFFFC000  }
.Ltmp7:
0xc8: {  	(pc) =	sbr.rel .LBB2_6-.Ltmp7, $4  }
0xc9: {  	s8 =	sadd.s32 $0x2000, s8  }
0xca: {  	[tilespmem:s23], [sflag:$0x1] =	stream.indirect.gather [hbm4b:s4+s29], $0x80, s8, s29, $0xb8;
	[tilespmem:$0x1FA80] =	vst v63  }
0xcb: {  	s7 =	sadd.s32 $0x800, s7  }
0xcc: {  	[spmem:s1] =	stream.indirect.scatter.add.f32 [tilespmem:s0], [sflag:$0x4], $0x80, s9, s29, $0xb8;
	[tilespmem:$0x1FA80] =	vst v63  }
.LBB2_8:
0xcd: {  	p1 =	seq.s32 s6, $0x0  }
.Ltmp8:
0xce: {  	_ = 	snop;
	(pc) =	sbr.rel @p1 .LBB2_13-.Ltmp8, $4  }
0xcf: {  	[spmem:s1] =	stream.indirect.scatter.add.f32 [tilespmem:s0], [sflag:$0x4], $0x80, s9, s29, $0xb8;
	[tilespmem:$0x1FA80] =	vst v63  }
0xd0: {  	_ =	swait.ge [sflag:s17], $0x4000  }
0xd1: {  	[sflag:s17] =	ssyncset.done $0x0  }
0xd2: {  	[sflag:s17] =	ssyncadd.s32 $0xFFFFC000  }
.LBB2_9:
0xd3: {  	p1 =	seq.s32 s22, $0x4  }
0xd4: {  	s6 =	sshll.u32 @!p1 s22, $0xD  }
0xd5: {  	_ =	swait.ge [sflag:s28], $0x2000;
	s6 =	sadd.s32 @!p1 s6, s14  }
0xd6: {  	[sflag:s28] =	ssyncset.done $0x0;
	s6 =	sshrl.u32 @!p1 s6, $0x3  }
0xd7: {  	s7 =	simm.s32 @!p1 $0x0;
	[sflag:s28] =	ssyncadd.s32 $0xFFFFE000;
	s6 =	sadd.s32 @!p1 s5, s6  }
0xd8: {  	[tilespmem:s7], [sflag:$0x5] =	stream.linear.gather @!p1 [hbm4b:s6+s7], $0x2000, $0x38;
	[tilespmem:$0x1FA80] =	vst v63  }
0xd9: {  	_ = 	snop  }
0xda: {  	[tilespmem:s23], [sflag:$0x1] =	stream.indirect.gather [hbm4b:s4+s29], $0x80, s30, s29, $0xb8;
	[tilespmem:$0x1FA80] =	vst v63  }
0xdb: {  	_ =	swait.ge [sflag:s24], $0x4000  }
0xdc: {  	[sflag:s24] =	ssyncset.done $0x0  }
0xdd: {  	[sflag:s24] =	ssyncadd.s32 $0xFFFFC000  }
0xde: {  	[tilespmem:s0], [sflag:$0x2] =	stream.indirect.gather [hbm4b:s4+s29], $0x80, s31, s29, $0xb8;
	[tilespmem:$0x1FA80] =	vst v63  }
0xdf: {  	_ = 	snop  }
0xe0: {  	[spmem:s1] =	stream.indirect.scatter.add.f32 [tilespmem:s23], [sflag:$0x3], $0x80, s2, s29, $0xb8;
	[tilespmem:$0x1FA80] =	vst v63  }
0xe1: {  	_ =	swait.ge [sflag:s25], $0x4000  }
0xe2: {  	[sflag:s25] =	ssyncset.done $0x0  }
0xe3: {  	[sflag:s25] =	ssyncadd.s32 $0xFFFFC000  }
0xe4: {  	_ =	swait.ge [sflag:s13], $0x4000  }
0xe5: {  	[sflag:s13] =	ssyncset.done $0x0  }
0xe6: {  	[sflag:s13] =	ssyncadd.s32 $0xFFFFC000  }
0xe7: {  	[tilespmem:s23], [sflag:$0x1] =	stream.indirect.gather [hbm4b:s4+s29], $0x80, s15, s29, $0xb8;
	[tilespmem:$0x1FA80] =	vst v63  }
0xe8: {  	s6 =	simm.s32 $0xFFFF9000  }
0xe9: {  	[spmem:s1] =	stream.indirect.scatter.add.f32 [tilespmem:s0], [sflag:$0x4], $0x80, s16, s29, $0xb8;
	[tilespmem:$0x1FA80] =	vst v63  }
.LBB2_10:
0xea: {  	_ =	swait.ge [sflag:s24], $0x4000  }
0xeb: {  	[sflag:s24] =	ssyncset.done $0x0  }
0xec: {  	[sflag:s24] =	ssyncadd.s32 $0xFFFFC000  }
0xed: {  	_ =	swait.ge [sflag:s17], $0x4000  }
0xee: {  	s7 =	sshra.s32 s6, $0x2;
	[sflag:s17] =	ssyncset.done $0x0  }
0xef: {  	s8 =	sadd.s32 $0x3F00, s7;
	[sflag:s17] =	ssyncadd.s32 $0xFFFFC000  }
0xf0: {  	[tilespmem:s0], [sflag:$0x2] =	stream.indirect.gather [hbm4b:s4+s29], $0x80, s8, s29, $0xb8;
	[tilespmem:$0x1FA80] =	vst v63  }
0xf1: {  	s9 =	sadd.s32 $0x3E80, s7  }
0xf2: {  	[spmem:s1] =	stream.indirect.scatter.add.f32 [tilespmem:s23], [sflag:$0x3], $0x80, s9, s29, $0xb8;
	[tilespmem:$0x1FA80] =	vst v63  }
0xf3: {  	p1 =	seq.s32 s6, $0x0;
	_ =	swait.ge [sflag:s25], $0x4000  }
.Ltmp9:
0xf4: {  	[sflag:s25] =	ssyncset.done $0x0;
	(pc) =	sbr.rel @p1 .LBB2_12-.Ltmp9, $4  }
0xf5: {  	[sflag:s25] =	ssyncadd.s32 $0xFFFFC000  }
0xf6: {  	_ =	swait.ge [sflag:s13], $0x4000  }
0xf7: {  	[sflag:s13] =	ssyncset.done $0x0  }
0xf8: {  	s8 =	sadd.s32 $0x3F80, s7;
	[sflag:s13] =	ssyncadd.s32 $0xFFFFC000  }
.Ltmp10:
0xf9: {  	(pc) =	sbr.rel .LBB2_10-.Ltmp10, $4  }
0xfa: {  	s7 =	sadd.s32 $0x4000, s7  }
0xfb: {  	[tilespmem:s23], [sflag:$0x1] =	stream.indirect.gather [hbm4b:s4+s29], $0x80, s7, s29, $0xb8;
	[tilespmem:$0x1FA80] =	vst v63  }
0xfc: {  	s6 =	sadd.s32 $0x800, s6  }
0xfd: {  	[spmem:s1] =	stream.indirect.scatter.add.f32 [tilespmem:s0], [sflag:$0x4], $0x80, s8, s29, $0xb8;
	[tilespmem:$0x1FA80] =	vst v63  }
.LBB2_15:
0xfe: {  	_ =	sfence.sel $0x180000  }
0xff: {  	[bflag:$0x0] =	sbarrier.arrive $0xFFFF  }
0x100: {  	_ =	strace $0x9000004A  }
0x101: {  	s0 =	stileid.u32;
	[bflag:$0x2] =	sbarrier.arrive $0xFFFF  }
0x102: {  	p0 =	sne.s32 s0, $0x0;
	s0 =	rddreg [dreg:$0x2]  }
0x103: {  	s0 =	sadd.s32 @!p0 $0x100000, s0  }
0x104: {  	[sflag:s0] =	ssyncadd.tile.s32 @!p0 $0x1;
	_ =	shalt  }
.Lfunc_end2:
_tile_overlayer_lowered:
.L_overlay_start_2:
0x105: {  	(tag) =	ssettag $0x2  }
0x106: {  	s0 =	rddreg [dreg:$0x0];
	s2 =	stileid.u32  }
0x107: {  	s1 =	rddreg [dreg:$0x1];
	p0 =	sne.s32 s2, $0x0  }
0x108: {  	s3 =	rddreg [dreg:$0x2];
	[bflag:$0x3] =	sbarrier.arrive $0xFFFF;
	s2 =	simm.s32 @!p0 $0x1C06  }
0x109: {  	[timem:s3], [sflag:s2] =	dma.local @!p0 [hbm:s0], s1  }
0x10a: {  	s0 =	simm.s32 @!p0 $0x6  }
0x10b: {  	_ =	swait.ge @!p0 [sflag:s0], s1  }
0x10c: {  	s1 =	ssub.s32 @!p0 $0x0, s1;
	[sflag:s0] =	ssyncset.done @!p0 $0x0  }
0x10d: {  	[sflag:s0] =	ssyncadd.s32 @!p0 s1  }
0x10e: {  	[bflag:$0x3] =	sbarrier.arrive $0xFFFF  }
0x10f: {  	_ =	shalt  }

// kernel: kernel.14.cloned.1.call-start
scs
__scs_entry_jumppad:
0x0: {  	(pc) =	sbr.rel $0x88, $3  }
0x1: {  	(tag) =	ssettag $0x0;
	lr =	simm.s32 $0x1  }
0x2: {  	[smem:$0x3F96] =	sst lr;
	_ =	strace $0xD0000000  }
0x3: {  	_ = 	snop  }
0x4: {  	_ = 	snop  }
0x5: {  	_ = 	snop  }
0x6: {  	_ = 	snop  }
0x7: {  	_ = 	snop  }
__scs_overlays_trampoline_lowered:
0x8: {  	[smem:$0x3FA5] =	sst s0  }
0x9: {  	[smem:$0x3FA6] =	sst s1  }
0xa: {  	[smem:$0x3FA7] =	sst s2  }
0xb: {  	[smem:$0x3FA8] =	sst s3  }
0xc: {  	[smem:$0x3FA9] =	sst s4  }
0xd: {  	[smem:$0x3FAA] =	sst s5  }
0xe: {  	[smem:$0x3FAB] =	sst s6  }
0xf: {  	[smem:$0x3FAC] =	sst s7  }
0x10: {  	[smem:$0x3FAD] =	sst s8  }
0x11: {  	[smem:$0x3FAE] =	sst s9;
	s0 =	simm.s32 @!p0 $0x0  }
0x12: {  	s1 =	sld [smem:$0x3F94];
	s0 =	simm.s32 @p0 $0x1  }
0x13: {  	[smem:$0x3FAF] =	sst s0;
	s0 =	simm.s32 @!p1 $0x0  }
0x14: {  	s2 =	sld [smem:$0x3F93];
	s0 =	simm.s32 @p1 $0x1  }
0x15: {  	[smem:$0x3FB0] =	sst s0;
	s0 =	simm.s32 @!p2 $0x0  }
0x16: {  	s3 =	sld [smem:$0x3FDB];
	s0 =	simm.s32 @p2 $0x1  }
0x17: {  	s4 =	simm.s32 $0x1BF5;
	[smem:$0x3FB2] =	sst s0  }
0x18: {  	s0 =	sld [smem:$0x3F95];
	_ =	swait.ge [sflag:s4], $0x0  }
0x19: {  	s7 =	sld [smem:$0x3F96]  }
0x1a: {  	s8 =	sadd.s32 $0xFFFFE003, lr  }
0x1b: {  	s9 =	sadd.s32 $0xFFFFFEF7, lr;
	s5 =	simm.s32 $0xFFFFFFFF;
	p2 =	slt.u32 s8, $0xFFFFF086  }
0x1c: {  	p1 =	slt.u32 s9, $0xF7A;
	s5 =	simm.s32 @!p2 $0x0  }
0x1d: {  	s5 =	simm.s32 @p1 $0x1;
	p0 =	seq.s32 s7, s2  }
0x1e: {  	s7 =	smul.u32 @!p0 $0xF7A, s2;
	p2 =	seq.s32 @!p0 s5, $0x0  }
0x1f: {  	s9 =	smul.u32 $0xF7A, s1;
	s8 =	simm.s32 @!p0 $0x1BF5;
	p2 =	por !p2, p0  }
0x20: {  	[sflag:s8] =	ssyncset.s32 @!p0 $0xFFFFF086;
	s6 =	sadd.s32 @!p0 s3, s7;
	s7 =	simm.s32 @!p0 $0x108  }
0x21: {  	s3 =	sadd.s32 s3, s9;
	s6 =	sadd.s32 @!p0 $0x88, s6;
	s7 =	simm.s32 @p2 $0x1082  }
0x22: {  	[simem:s7], [sflag:s8] =	dma.local @!p0 [hbm:s6], $0xF7A  }
0x23: {  	s9 =	sor.u32 $0xD0000000, s2;
	s6 =	simm.s32 $0x108;
	_ =	swait.ge @!p0 [sflag:s8], $0x0  }
0x24: {  	s3 =	sadd.s32 $0x88, s3;
	s6 =	simm.s32 @!p1 $0x1082;
	[sflag:s4] =	ssyncset.s32 $0xFFFFF086  }
0x25: {  	[simem:s6], [sflag:s4] =	dma.local [hbm:s3], $0xF7A  }
0x26: {  	[smem:$0x3F96] =	sst s1;
	(tag) =	ssettag s2;
	_ =	strace s9  }
0x27: {  	s1 =	sld [smem:$0x3FA6]  }
0x28: {  	s2 =	sld [smem:$0x3FA7]  }
0x29: {  	s4 =	sld [smem:$0x3FA9]  }
0x2a: {  	p0 =	seq.s32 s5, $0x0;
	s5 =	sld [smem:$0x3FAA]  }
0x2b: {  	s6 =	sld [smem:$0x3FAB]  }
0x2c: {  	s7 =	sld [smem:$0x3FAC]  }
0x2d: {  	s3 =	simm.s32 $0x108;
	s8 =	sld [smem:$0x3FAD]  }
0x2e: {  	s3 =	simm.s32 @!p0 $0x1082;
	s9 =	sld [smem:$0x3FAE]  }
0x2f: {  	lr =	sadd.s32 s0, s3;
	s0 =	sld [smem:$0x3FA5]  }
0x30: {  	s3 =	sld [smem:$0x3FA8]  }
0x31: {  	[smem:$0x3FB1] =	sst s10  }
0x32: {  	s10 =	sld [smem:$0x3FAF];
	_ =	sdelay $0x3  }
0x33: {  	p0 =	seq.s32 s10, $0x1;
	s10 =	sld [smem:$0x3FB1];
	_ =	sdelay $0x3  }
0x34: {  	[smem:$0x3FB1] =	sst s10  }
0x35: {  	s10 =	sld [smem:$0x3FB0];
	_ =	sdelay $0x3  }
0x36: {  	p1 =	seq.s32 s10, $0x1;
	s10 =	sld [smem:$0x3FB1];
	_ =	sdelay $0x3  }
0x37: {  	[smem:$0x3FB1] =	sst s10  }
0x38: {  	s10 =	sld [smem:$0x3FB2]  }
0x39: {  	_ = 	snop;
	(pc) =	sbr.ind lr, $3  }
0x3a: {  	_ = 	snop  }
0x3b: {  	_ = 	snop  }
0x3c: {  	p2 =	seq.s32 s10, $0x1;
	s10 =	sld [smem:$0x3FB1]  }
0x3d: {  	_ =	shalt  }
0x3e: {  	_ =	shalt  }
0x3f: {  	_ =	shalt  }
0x40: {  	_ =	shalt  }
0x41: {  	_ =	shalt  }
0x42: {  	_ =	shalt  }
0x43: {  	_ =	shalt  }
0x44: {  	_ =	shalt  }
0x45: {  	_ =	shalt  }
0x46: {  	_ =	shalt  }
0x47: {  	_ =	shalt  }
0x48: {  	_ =	shalt  }
0x49: {  	_ =	shalt  }
0x4a: {  	_ =	shalt  }
0x4b: {  	_ =	shalt  }
0x4c: {  	_ =	shalt  }
0x4d: {  	_ =	shalt  }
0x4e: {  	_ =	shalt  }
0x4f: {  	_ =	shalt  }
0x50: {  	_ =	shalt  }
0x51: {  	_ =	shalt  }
0x52: {  	_ =	shalt  }
0x53: {  	_ =	shalt  }
0x54: {  	_ =	shalt  }
0x55: {  	_ =	shalt  }
0x56: {  	_ =	shalt  }
0x57: {  	_ =	shalt  }
0x58: {  	_ =	shalt  }
0x59: {  	_ =	shalt  }
0x5a: {  	_ =	shalt  }
0x5b: {  	_ =	shalt  }
0x5c: {  	_ =	shalt  }
0x5d: {  	_ =	shalt  }
0x5e: {  	_ =	shalt  }
0x5f: {  	_ =	shalt  }
0x60: {  	_ =	shalt  }
0x61: {  	_ =	shalt  }
0x62: {  	_ =	shalt  }
0x63: {  	_ =	shalt  }
0x64: {  	_ =	shalt  }
0x65: {  	_ =	shalt  }
0x66: {  	_ =	shalt  }
0x67: {  	_ =	shalt  }
0x68: {  	_ =	shalt  }
0x69: {  	_ =	shalt  }
0x6a: {  	_ =	shalt  }
0x6b: {  	_ =	shalt  }
0x6c: {  	_ =	shalt  }
0x6d: {  	_ =	shalt  }
0x6e: {  	_ =	shalt  }
0x6f: {  	_ =	shalt  }
0x70: {  	_ =	shalt  }
0x71: {  	_ =	shalt  }
0x72: {  	_ =	shalt  }
0x73: {  	_ =	shalt  }
0x74: {  	_ =	shalt  }
0x75: {  	_ =	shalt  }
0x76: {  	_ =	shalt  }
0x77: {  	_ =	shalt  }
0x78: {  	_ =	shalt  }
0x79: {  	_ =	shalt  }
0x7a: {  	_ =	shalt  }
0x7b: {  	_ =	shalt  }
0x7c: {  	_ =	shalt  }
0x7d: {  	_ =	shalt  }
0x7e: {  	_ =	shalt  }
0x7f: {  	_ =	shalt  }
0x80: {  	_ =	shalt  }
0x81: {  	_ =	shalt  }
0x82: {  	_ =	shalt  }
0x83: {  	_ =	shalt  }
0x84: {  	_ =	shalt  }
0x85: {  	_ =	shalt  }
0x86: {  	_ =	shalt  }
0x87: {  	_ =	shalt  }
.Lfunc_end0:
.L_simem_size_0:
called_computation.2_lowered:
.L_overlay_start_0:
0x88: {  	s2 =	sld [smem:$0x3FD9]  }
0x89: {  	s3 =	sld [smem:$0x3FFE];
	_ =	sdelay $0x1  }
0x8a: {  	s1 =	srdreg.scid  }
0x8b: {  	s0 =	sand.u32 $0x1, s1  }
0x8c: {  	s14 =	sshll.u32 s0, $0xA;
	s2 =	sadd.s32 s3, s2  }
0x8d: {  	s2 =	sadd.s32 s2, s14  }
0x8e: {  	[smem:$0x3FBD] =	sst s2  }
0x8f: {  	_ = 	snop  }
0x90: {  	s2 =	sld [smem:$0x3FD0];
	_ =	sdelay $0x2  }
0x91: {  	s15 =	simm.s32 $0xA;
	s4 =	simm.s32 $0x10  }
0x92: {  	[smem:s4], [sflag:s15] =	dma.local [hbm:s2], $0x1  }
0x93: {  	_ =	swait.eq [sflag:s15], $0x1  }
0x94: {  	[sflag:s15] =	ssyncset.done $0x0  }
0x95: {  	[sflag:s15] =	ssyncadd.s32 $0xFFFFFFFF  }
0x96: {  	s16 =	sld [smem:$0x11];
	(tm) =	ssettm $0x1  }
0x97: {  	s17 =	sld [smem:$0x3FFB];
	_ =	sdelay $0x3  }
0x98: {  	_ =	strace s17  }
0x99: {  	s3 =	sld [smem:$0x3FFC];
	_ =	sdelay $0x3  }
0x9a: {  	_ =	strace s3  }
0x9b: {  	s3 =	sld [smem:$0x3FFD];
	_ =	sdelay $0x3  }
0x9c: {  	_ =	strace s3  }
0x9d: {  	_ =	strace $0x8FFFFFFF  }
0x9e: {  	s18 =	sld [smem:$0x3FDB];
	_ =	sdelay $0x1  }
0x9f: {  	s19 =	simm.s32 $_scs_section_size  }
0xa0: {  	s5 =	simm.s32 $_size__tile_overlayer_lowered;
	s6 =	simm.s32 $_tile_overlayer_lowered  }
0xa1: {  	s22 =	simm.s32 $0x1BFF;
	s21 =	sshll.u32 s6, $0x1;
	s3 =	sadd.s32 s19, s18  }
0xa2: {  	s7 =	simm.s32 $0x0;
	s20 =	sshll.u32 s5, $0x1;
	s5 =	sadd.s32 s21, s3  }
0xa3: {  	[timem:s7], [sflag:s22] =	dma.local [hbm:s5], s20  }
0xa4: {  	_ =	swait.ge [sflag:s22], s20  }
0xa5: {  	s4 =	ssub.s32 $0x0, s20;
	[sflag:s22] =	ssyncset.done $0x0  }
0xa6: {  	[sflag:s22] =	ssyncadd.s32 s4;
	_ =	sdelay $0x1  }
0xa7: {  	s23 =	simm.s32 $0x1B8B  }
0xa8: {  	_ =	swait.ge [sflag:s23], $0x1  }
0xa9: {  	[sflag:s23] =	ssyncset.done $0x0  }
0xaa: {  	s25 =	simm.s32 $0x1B8E;
	s24 =	sld [smem:$0x3FFE];
	[sflag:s23] =	ssyncadd.s32 $0xFFFFFFFF  }
0xab: {  	s26 =	simm.s32 $execute0_lowered;
	[smem:$0x3FD2] =	sst s25  }
0xac: {  	s5 =	sshll.u32 s26, $0x1;
	_ =	strace $0x8000004C;
	[dreg:$0x1] =	wrdreg $0xFFFFFFFF  }
0xad: {  	s28 =	simm.s32 $_size_execute0_lowered;
	s3 =	sadd.s32 s3, s5;
	[dreg:$0x0] =	wrdreg $0x0  }
0xae: {  	s5 =	sshll.u32 s28, $0x1;
	[dreg:$0x2] =	wrdreg s3  }
0xaf: {  	[dreg:$0x3] =	wrdreg s5  }
0xb0: {  	[dreg:$0x4] =	wrdreg $0xC0  }
0xb1: {  	_ =	task [dreg:s7], $0x5FFFF  }
0xb2: {  	[dreg:$0x1] =	wrdreg $0xFFFFFFFF  }
0xb3: {  	[dreg:$0x0] =	wrdreg $0x60  }
0xb4: {  	[dreg:$0x2] =	wrdreg s16  }
0xb5: {  	[dreg:$0x3] =	wrdreg s24  }
0xb6: {  	[dreg:$0x4] =	wrdreg $0xA0000  }
0xb7: {  	[dreg:$0x5] =	wrdreg $0x9  }
0xb8: {  	_ =	task.clear_ibuf [dreg:s7], $0x6FFFF;
	_ =	strace $0x9000004C  }
0xb9: {  	s29 =	simm.s32 $0x9;
	_ =	strace $0x8000004E  }
0xba: {  	_ =	swait.ge [sflag:s29], $0x1  }
0xbb: {  	[sflag:s29] =	ssyncadd.s32 $0xFFFFFFFF  }
0xbc: {  	_ =	strace $0x9000004E  }
0xbd: {  	_ =	sfence  }
0xbe: {  	s30 =	sld [smem:$0x0];
	_ =	sdelay $0x2  }
0xbf: {  	s31 =	sshll.u32 s1, $0xD;
	s1 =	sshrl.u32 s1, $0x2  }
0xc0: {  	s3 =	sand.u32 $0x4000, s31;
	s1 =	sadd.s32 s1, s30  }
0xc1: {  	s0 =	sor.u32 s3, s0;
	s1 =	sshll.u32 s1, $0x11  }
0xc2: {  	s0 =	sor.u32 s1, s0  }
0xc3: {  	s0 =	sadd.s32 $0x8F2B, s0  }
0xc4: {  	[sflag:s0] =	ssyncadd.remote.s32 $0x1  }
0xc5: {  	_ =	sfence.sel $0xFFFF  }
0xc6: {  	[dreg:$0x0] =	wrdreg $0xFFFFFFFF;
	(pc) =	sbr.abs _section_cstart, $3  }
0xc7: {  	[dreg:$0x1] =	wrdreg $0xFFFFFFFF  }
0xc8: {  	_ =	task.clear_ibuf [dreg:s7], $0x2FFFF;
	_ =	strace $0x9FFFFFFF  }
0xc9: {  	(tm) =	ssettm $0x7FFFFFFF  }
tec
execute0_lowered:
.L_overlay_start_1:
0x0: {  	(tag) =	ssettag $0x1  }
0x1: {  	s0 =	rddreg [dreg:$0x0]  }
0x2: {  	s1 =	rddreg [dreg:$0x1]  }
0x3: {  	s2 =	srdreg.scid;
	s3 =	rddreg [dreg:$0x2]  }
0x4: {  	s16 =	stileid.u32;
	s4 =	simm.s32 $0x0;
	s28 =	simm.s32 $0x80  }
0x5: {  	s29 =	simm.s32 $0x1000;
	s31 =	simm.s32 $0x6000;
	s6 =	smul.u32 $0x50, s16  }
0x6: {  	s30 =	simm.s32 $0x1980;
	s2 =	sand.u32 $0x1, s2;
	s8 =	smul.u32 $0x270, s16  }
0x7: {  	[smem:$0x7FF] =	sst s4;
	s10 =	smul.u32 $0x4E000, s16;
	s11 =	sadd.s32 $0x2E00, s1  }
0x8: {  	s1 =	sadd.s32 $0x2AE00, s1;
	s23 =	sadd.s32 $0x138000, s3;
	s5 =	smul.u32 $0x500, s2  }
0x9: {  	p0 =	sne.s32 s16, $0xF;
	s7 =	ssub.s32 $0x2, s2;
	s15 =	smul.u32 $0x2710, s2  }
0xa: {  	_ =	strace $0x8000004D;
	[dreg:$0xa] =	wrdreg s23;
	s23 =	smul.u32 $0xA00, s16  }
0xb: {  	s16 =	simm.s32 $0x1D00;
	s9 =	sshrl.u32 s7, $0x1;
	s18 =	sadd.s32 $0xD0, s8  }
0xc: {  	s12 =	sadd.s32 $0x138, s8;
	s13 =	sadd.s32 $0x1A0, s8;
	s14 =	sadd.s32 $0x208, s8  }
0xd: {  	s7 =	ssub.s32 s7, s9;
	s5 =	sadd.s32 s6, s5;
	s9 =	sshrl.u32 s10, $0x2  }
0xe: {  	s10 =	sadd.s32 $0x68, s8;
	s19 =	sshll.u32 s18, $0x7;
	s20 =	sshll.u32 s12, $0x7  }
0xf: {  	s21 =	sshll.u32 s13, $0x7;
	s22 =	sshll.u32 s14, $0x7;
	s24 =	sadd.s32 s8, s15  }
0x10: {  	s26 =	sadd.s32 s15, s18;
	s18 =	sadd.s32 s15, s13;
	s13 =	simm.s32 $0x1C00  }
0x11: {  	s8 =	simm.s32 $0x0;
	s6 =	sadd.s32 s9, s3;
	s17 =	sshll.u32 s10, $0x7  }
0x12: {  	s5 =	sshll.u32 s5, $0x5;
	s25 =	sadd.s32 s15, s10;
	s10 =	sshll.u32 s26, $0x4  }
0x13: {  	s26 =	smax.u32 s7, $0x1;
	[dreg:$0x4] =	wrdreg s6;
	s6 =	sadd.s32 s17, s3  }
0x14: {  	s5 =	sadd.s32 s11, s5;
	s17 =	sadd.s32 s15, s12;
	[dreg:$0x13] =	wrdreg s26  }
0x15: {  	s26 =	simm.s32 $0x5;
	s12 =	simm.s32 $0x1A80;
	[dreg:$0x5] =	wrdreg s6  }
0x16: {  	s6 =	sadd.s32 s19, s3;
	[dreg:$0xb] =	wrdreg s5;
	s5 =	sshll.u32 s24, $0x4  }
0x17: {  	s19 =	smul.u32 $0x138800, s2;
	[dreg:$0x6] =	wrdreg s6;
	s6 =	sadd.s32 s20, s3  }
0x18: {  	s2 =	smul.u32 $0xA000, s2;
	s5 =	sadd.s32 s1, s5;
	[dreg:$0x7] =	wrdreg s6  }
0x19: {  	s6 =	sadd.s32 s21, s3;
	[dreg:$0xc] =	wrdreg s5;
	s5 =	sadd.s32 s1, s10  }
0x1a: {  	s21 =	sadd.s32 s15, s14;
	s2 =	sadd.s32 s2, s11;
	s14 =	simm.s32 $0x4  }
0x1b: {  	s10 =	simm.s32 $0x1900;
	s11 =	simm.s32 $0x1880;
	[dreg:$0x8] =	wrdreg s6  }
0x1c: {  	s15 =	simm.s32 $0x1B80;
	s6 =	sadd.s32 s22, s3;
	[dreg:$0xe] =	wrdreg s5  }
0x1d: {  	s5 =	sshll.u32 s17, $0x4;
	s22 =	sshrl.u32 s19, $0x3;
	s17 =	simm.s32 $0x1C80  }
0x1e: {  	s19 =	simm.s32 $0x1D80;
	[dreg:$0x9] =	wrdreg s6;
	s6 =	sshll.u32 s25, $0x4  }
0x1f: {  	s5 =	sadd.s32 s1, s5;
	s25 =	sadd.s32 s23, s2;
	s23 =	simm.s32 $0x1  }
0x20: {  	s2 =	simm.s32 $0x3;
	s9 =	sadd.s32 s1, s6;
	s6 =	sshll.u32 s18, $0x4  }
0x21: {  	[dreg:$0xf] =	wrdreg s5;
	s5 =	sshll.u32 s21, $0x4;
	s18 =	simm.s32 $0x1E00  }
0x22: {  	s21 =	simm.s32 $0x1E80;
	[dreg:$0xd] =	wrdreg s9;
	s20 =	sadd.s32 s1, s6  }
.Ltmp0:
0x23: {  	s6 =	sadd.s32 s1, s22;
	s1 =	sadd.s32 s1, s5;
	(pc) =	sbr.rel .LBB2_1-.Ltmp0, $4  }
0x24: {  	s22 =	simm.s32 $0x2000;
	s5 =	simm.s32 $0x1F80;
	[dreg:$0x10] =	wrdreg s20  }
0x25: {  	[dreg:$0x11] =	wrdreg s1;
	s24 =	sadd.s32 $0x27000, s6;
	s1 =	sadd.s32 $0x200, s25  }
0x26: {  	s25 =	simm.s32 $0x1A00;
	s20 =	simm.s32 $0x1F00;
	[dreg:$0x12] =	wrdreg s24  }
0x27: {  	v0 =	vimm.f32 $0.0e+00;
	[dreg:$0x14] =	wrdreg s1;
	s24 =	simm.s32 $0x2;
	s1 =	simm.s32 $0x1B00  }
.LBB2_8:
0x28: {  	[bflag:$0x0] =	sbarrier.arrive $0xFFFF  }
0x29: {  	s7 =	simm.s32 $0x6;
	s6 =	rddreg [dreg:$0x4]  }
0x2a: {  	[tilespmem:s22], [sflag:$0x6] =	stream.linear.gather [spmem:s6], $0x3400, $0x38;
	[tilespmem:$0x1DA80] =	vst v63  }
0x2b: {  	_ =	swait.ge [sflag:s7], $0x3400  }
0x2c: {  	[sflag:s7] =	ssyncset.done $0x0  }
0x2d: {  	s9 =	rddreg [dreg:$0xc];
	[sflag:s7] =	ssyncadd.s32 $0xFFFFCC00  }
0x2e: {  	[hbm4b:s9+s4] =	stream.linear.scatter [tilespmem:s22], [sflag:$0x3], $0x3400, $0x38;
	[tilespmem:$0x1DA80] =	vst v63  }
0x2f: {  	s8 =	rddreg [dreg:$0x5]  }
0x30: {  	[tilespmem:s31], [sflag:$0x6] =	stream.linear.gather [spmem:s8], $0x3400, $0x38;
	[tilespmem:$0x1DA80] =	vst v63  }
0x31: {  	_ =	swait.ge [sflag:s7], $0x3400  }
0x32: {  	[sflag:s7] =	ssyncset.done $0x0  }
0x33: {  	s9 =	rddreg [dreg:$0xd];
	[sflag:s7] =	ssyncadd.s32 $0xFFFFCC00  }
0x34: {  	[hbm4b:s9+s4] =	stream.linear.scatter [tilespmem:s31], [sflag:$0x4], $0x3400, $0x38;
	[tilespmem:$0x1DA80] =	vst v63  }
0x35: {  	_ =	swait.ge [sflag:s2], $0x3400  }
0x36: {  	[sflag:s2] =	ssyncset.done $0x0  }
0x37: {  	s8 =	rddreg [dreg:$0x6];
	[sflag:s2] =	ssyncadd.s32 $0xFFFFCC00  }
0x38: {  	[tilespmem:s22], [sflag:$0x6] =	stream.linear.gather [spmem:s8], $0x3400, $0x38;
	[tilespmem:$0x1DA80] =	vst v63  }
0x39: {  	_ =	swait.ge [sflag:s7], $0x3400  }
0x3a: {  	[sflag:s7] =	ssyncset.done $0x0  }
0x3b: {  	s9 =	rddreg [dreg:$0xe];
	[sflag:s7] =	ssyncadd.s32 $0xFFFFCC00  }
0x3c: {  	[hbm4b:s9+s4] =	stream.linear.scatter [tilespmem:s22], [sflag:$0x3], $0x3400, $0x38;
	[tilespmem:$0x1DA80] =	vst v63  }
0x3d: {  	_ =	swait.ge [sflag:s14], $0x3400  }
0x3e: {  	[sflag:s14] =	ssyncset.done $0x0  }
0x3f: {  	s8 =	rddreg [dreg:$0x7];
	[sflag:s14] =	ssyncadd.s32 $0xFFFFCC00  }
0x40: {  	[tilespmem:s31], [sflag:$0x6] =	stream.linear.gather [spmem:s8], $0x3400, $0x38;
	[tilespmem:$0x1DA80] =	vst v63  }
0x41: {  	_ =	swait.ge [sflag:s7], $0x3400  }
0x42: {  	[sflag:s7] =	ssyncset.done $0x0  }
0x43: {  	s9 =	rddreg [dreg:$0xf];
	[sflag:s7] =	ssyncadd.s32 $0xFFFFCC00  }
0x44: {  	[hbm4b:s9+s4] =	stream.linear.scatter [tilespmem:s31], [sflag:$0x4], $0x3400, $0x38;
	[tilespmem:$0x1DA80] =	vst v63  }
0x45: {  	_ =	swait.ge [sflag:s2], $0x3400  }
0x46: {  	[sflag:s2] =	ssyncset.done $0x0  }
0x47: {  	s8 =	rddreg [dreg:$0x8];
	[sflag:s2] =	ssyncadd.s32 $0xFFFFCC00  }
0x48: {  	[tilespmem:s22], [sflag:$0x6] =	stream.linear.gather [spmem:s8], $0x3400, $0x38;
	[tilespmem:$0x1DA80] =	vst v63  }
0x49: {  	_ =	swait.ge [sflag:s7], $0x3400  }
0x4a: {  	[sflag:s7] =	ssyncset.done $0x0  }
0x4b: {  	s9 =	rddreg [dreg:$0x10];
	[sflag:s7] =	ssyncadd.s32 $0xFFFFCC00  }
0x4c: {  	[hbm4b:s9+s4] =	stream.linear.scatter [tilespmem:s22], [sflag:$0x3], $0x3400, $0x38;
	[tilespmem:$0x1DA80] =	vst v63  }
0x4d: {  	_ =	swait.ge [sflag:s14], $0x3400  }
0x4e: {  	[sflag:s14] =	ssyncset.done $0x0  }
0x4f: {  	s8 =	rddreg [dreg:$0x9];
	[sflag:s14] =	ssyncadd.s32 $0xFFFFCC00  }
0x50: {  	[tilespmem:s31], [sflag:$0x6] =	stream.linear.gather [spmem:s8], $0x3400, $0x38;
	[tilespmem:$0x1DA80] =	vst v63  }
0x51: {  	_ =	swait.ge [sflag:s7], $0x3400  }
0x52: {  	[sflag:s7] =	ssyncset.done $0x0  }
0x53: {  	s9 =	rddreg [dreg:$0x11];
	[sflag:s7] =	ssyncadd.s32 $0xFFFFCC00  }
0x54: {  	[hbm4b:s9+s4] =	stream.linear.scatter [tilespmem:s31], [sflag:$0x4], $0x3400, $0x38;
	[tilespmem:$0x1DA80] =	vst v63  }
0x55: {  	_ =	swait.ge [sflag:s2], $0x3400  }
0x56: {  	[sflag:s2] =	ssyncset.done $0x0  }
0x57: {  	[sflag:s2] =	ssyncadd.s32 $0xFFFFCC00  }
0x58: {  	_ =	swait.ge [sflag:s14], $0x3400  }
0x59: {  	[sflag:s14] =	ssyncset.done $0x0  }
0x5a: {  	s6 =	simm.s32 @!p0 $0x2000;
	s7 =	rddreg [dreg:$0xa];
	[sflag:s14] =	ssyncadd.s32 $0xFFFFCC00  }
0x5b: {  	[tilespmem:s6], [sflag:$0x6] =	stream.linear.gather @!p0 [spmem:s7], $0x800, $0x38;
	[tilespmem:$0x1DA80] =	vst v63  }
0x5c: {  	s7 =	simm.s32 @!p0 $0x6  }
0x5d: {  	_ =	swait.ge @!p0 [sflag:s7], $0x800  }
0x5e: {  	[sflag:s7] =	ssyncset.done @!p0 $0x0  }
0x5f: {  	s8 =	simm.s32 @!p0 $0x0;
	s9 =	rddreg [dreg:$0x12];
	[sflag:s7] =	ssyncadd.s32 @!p0 $0xFFFFF800  }
0x60: {  	[hbm4b:s9+s8] =	stream.linear.scatter @!p0 [tilespmem:s6], [sflag:$0x6], $0x800, $0x38;
	[tilespmem:$0x1DA80] =	vst v63  }
0x61: {  	_ =	swait.ge @!p0 [sflag:s7], $0x800  }
0x62: {  	s6 =	rddreg [dreg:$0x15]  }
0x63: {  	s9 =	rddreg [dreg:$0x13];
	s8 =	sadd.s32 $0x1, s6  }
0x64: {  	p1 =	sne.s32 s8, s9  }
.Ltmp1:
0x65: {  	_ = 	snop;
	(pc) =	sbr.rel @!p1 .LBB2_9-.Ltmp1, $3  }
0x66: {  	_ =	sdelay $0x1  }
0x67: {  	[sflag:s7] =	ssyncset.done @!p0 $0x0  }
0x68: {  	[sflag:s7] =	ssyncadd.s32 @!p0 $0xFFFFF800  }
.LBB2_1:
0x69: {  	s6 =	sand.u32 $0xFE00, s4  }
0x6a: {  	[dreg:$0x15] =	wrdreg s8;
	s7 =	sand.u32 $0x70, s4;
	s9 =	sshrl.u32 s6, $0x2  }
0x6b: {  	s6 =	simm.s32 $0x40;
	s8 =	sor.u32 s7, s9;
	s7 =	simm.s32 $0x0  }
.LBB2_2:
0x6c: {  	p1 =	sne.s32 s6, $0xFFC0  }
0x6d: {  	[tilespmem:s8+$0x2000] =	vst v0;
	s7 =	sadd.s32 $0x10, s7;
	s8 =	smov.u32 s6;
	s6 =	sadd.s32 $0x40, s6  }
.Ltmp2:
0x6e: {  	(pc) =	sbr.rel @p1 .LBB2_2-.Ltmp2, $4  }
0x6f: {  	_ = 	snop  }
0x70: {  	s8 =	sand.u32 $0xFE00, s8  }
0x71: {  	s9 =	sand.u32 $0x70, s7;
	s8 =	sshrl.u32 s8, $0x2  }
0x72: {  	s8 =	sor.u32 s9, s8  }
0x73: {  	[tilespmem:s8+$0x2000] =	vst v0;
	s6 =	rddreg [dreg:$0x4]  }
0x74: {  	[spmem:s6] =	stream.linear.scatter [tilespmem:s22], [sflag:$0x1], $0x3400, $0x38;
	[tilespmem:$0x1DA80] =	vst v63  }
0x75: {  	s9 =	rddreg [dreg:$0x5]  }
0x76: {  	[spmem:s9] =	stream.linear.scatter [tilespmem:s22], [sflag:$0x2], $0x3400, $0x38;
	[tilespmem:$0x1DA80] =	vst v63  }
0x77: {  	s7 =	rddreg [dreg:$0x6]  }
0x78: {  	[spmem:s7] =	stream.linear.scatter [tilespmem:s22], [sflag:$0x1], $0x3400, $0x38;
	[tilespmem:$0x1DA80] =	vst v63  }
0x79: {  	s8 =	rddreg [dreg:$0x7]  }
0x7a: {  	[spmem:s8] =	stream.linear.scatter [tilespmem:s22], [sflag:$0x2], $0x3400, $0x38;
	[tilespmem:$0x1DA80] =	vst v63  }
0x7b: {  	s9 =	rddreg [dreg:$0x8]  }
0x7c: {  	[spmem:s9] =	stream.linear.scatter [tilespmem:s22], [sflag:$0x1], $0x3400, $0x38;
	[tilespmem:$0x1DA80] =	vst v63  }
0x7d: {  	s7 =	rddreg [dreg:$0x9]  }
0x7e: {  	[spmem:s7] =	stream.linear.scatter [tilespmem:s22], [sflag:$0x2], $0x3400, $0x38;
	[tilespmem:$0x1DA80] =	vst v63  }
0x7f: {  	_ =	swait.ge [sflag:s23], $0x3400  }
0x80: {  	[sflag:s23] =	ssyncset.done $0x0  }
0x81: {  	[sflag:s23] =	ssyncadd.s32 $0xFFFFCC00  }
0x82: {  	_ =	swait.ge [sflag:s24], $0x3400  }
0x83: {  	[sflag:s24] =	ssyncset.done $0x0  }
0x84: {  	[sflag:s24] =	ssyncadd.s32 $0xFFFFCC00  }
0x85: {  	_ =	swait.ge [sflag:s23], $0x3400  }
0x86: {  	[sflag:s23] =	ssyncset.done $0x0  }
0x87: {  	[sflag:s23] =	ssyncadd.s32 $0xFFFFCC00  }
0x88: {  	_ =	swait.ge [sflag:s24], $0x3400  }
0x89: {  	[sflag:s24] =	ssyncset.done $0x0  }
0x8a: {  	[sflag:s24] =	ssyncadd.s32 $0xFFFFCC00  }
0x8b: {  	_ =	swait.ge [sflag:s23], $0x3400  }
0x8c: {  	[sflag:s23] =	ssyncset.done $0x0  }
0x8d: {  	[sflag:s23] =	ssyncadd.s32 $0xFFFFCC00  }
0x8e: {  	_ =	swait.ge [sflag:s24], $0x3400  }
0x8f: {  	[sflag:s24] =	ssyncset.done $0x0  }
0x90: {  	s6 =	simm.s32 @!p0 $0x2000;
	s7 =	rddreg [dreg:$0xa];
	[sflag:s24] =	ssyncadd.s32 $0xFFFFCC00  }
0x91: {  	[spmem:s7] =	stream.linear.scatter @!p0 [tilespmem:s6], [sflag:$0x6], $0x2800, $0x38;
	[tilespmem:$0x1DA80] =	vst v63  }
0x92: {  	s6 =	simm.s32 @!p0 $0x6  }
0x93: {  	_ =	swait.ge @!p0 [sflag:s6], $0x2800  }
0x94: {  	[sflag:s6] =	ssyncset.done @!p0 $0x0  }
0x95: {  	[sflag:s6] =	ssyncadd.s32 @!p0 $0xFFFFD800  }
0x96: {  	s9 =	simm.s32 $0x6;
	[bflag:$0x0] =	sbarrier.arrive $0xFFFF  }
.Ltmp3:
0x97: {  	s6 =	simm.s32 $0x0;
	s8 =	rddreg [dreg:$0xb];
	(pc) =	sbr.rel .LBB2_4-.Ltmp3, $4  }
0x98: {  	[tilespmem:s6], [sflag:$0x6] =	stream.linear.gather [hbm4b:s8+s6], $0x1000, $0x38;
	[tilespmem:$0x1DA80] =	vst v63  }
0x99: {  	_ =	swait.ge [sflag:s9], $0x1000  }
0x9a: {  	[sflag:s9] =	ssyncset.done $0x0  }
0x9b: {  	s7 =	rddreg [dreg:$0x14];
	[sflag:s9] =	ssyncadd.s32 $0xFFFFF000  }
.LBB2_6:
0x9c: {  	_ =	swait.ge [sflag:s26], $0x1000  }
0x9d: {  	p1 =	seq.s32 s6, $0x4;
	[sflag:s26] =	ssyncset.done $0x0  }
0x9e: {  	s8 =	simm.s32 @!p1 $0x0;
	[sflag:s26] =	ssyncadd.s32 $0xFFFFF000  }
0x9f: {  	[tilespmem:s8], [sflag:$0x5] =	stream.linear.gather @!p1 [hbm4b:s7+s8], $0x1000, $0x38;
	[tilespmem:$0x1DA80] =	vst v63  }
0xa0: {  	_ = 	snop  }
0xa1: {  	[tilespmem:s22], [sflag:$0x1] =	stream.indirect.gather [hbm4b:s0+s28], $0x80, s29, s28, $0xb8;
	[tilespmem:$0x1DA80] =	vst v63  }
0xa2: {  	_ =	swait.ge [sflag:s23], $0x4000  }
0xa3: {  	[sflag:s23] =	ssyncset.done $0x0  }
0xa4: {  	s9 =	simm.s32 $0x1100;
	[sflag:s23] =	ssyncadd.s32 $0xFFFFC000  }
0xa5: {  	[tilespmem:s31], [sflag:$0x2] =	stream.indirect.gather [hbm4b:s0+s28], $0x80, s9, s28, $0xb8;
	[tilespmem:$0x1DA80] =	vst v63  }
0xa6: {  	s9 =	simm.s32 $0x1080  }
0xa7: {  	[spmem:s3] =	stream.indirect.scatter.add.f32 [tilespmem:s22], [sflag:$0x3], $0x80, s9, s28, $0xb8;
	[tilespmem:$0x1DA80] =	vst v63  }
0xa8: {  	_ =	swait.ge [sflag:s24], $0x4000  }
0xa9: {  	[sflag:s24] =	ssyncset.done $0x0  }
0xaa: {  	[sflag:s24] =	ssyncadd.s32 $0xFFFFC000  }
0xab: {  	_ =	swait.ge [sflag:s2], $0x4000  }
0xac: {  	[sflag:s2] =	ssyncset.done $0x0  }
0xad: {  	s9 =	simm.s32 $0x1200;
	[sflag:s2] =	ssyncadd.s32 $0xFFFFC000  }
0xae: {  	[tilespmem:s22], [sflag:$0x1] =	stream.indirect.gather [hbm4b:s0+s28], $0x80, s9, s28, $0xb8;
	[tilespmem:$0x1DA80] =	vst v63  }
0xaf: {  	s9 =	simm.s32 $0x1180  }
0xb0: {  	[spmem:s3] =	stream.indirect.scatter.add.f32 [tilespmem:s31], [sflag:$0x4], $0x80, s9, s28, $0xb8;
	[tilespmem:$0x1DA80] =	vst v63  }
0xb1: {  	_ =	swait.ge [sflag:s23], $0x4000  }
0xb2: {  	[sflag:s23] =	ssyncset.done $0x0  }
0xb3: {  	[sflag:s23] =	ssyncadd.s32 $0xFFFFC000  }
0xb4: {  	_ =	swait.ge [sflag:s14], $0x4000  }
0xb5: {  	[sflag:s14] =	ssyncset.done $0x0  }
0xb6: {  	s9 =	simm.s32 $0x1300;
	[sflag:s14] =	ssyncadd.s32 $0xFFFFC000  }
0xb7: {  	[tilespmem:s31], [sflag:$0x2] =	stream.indirect.gather [hbm4b:s0+s28], $0x80, s9, s28, $0xb8;
	[tilespmem:$0x1DA80] =	vst v63  }
0xb8: {  	s9 =	simm.s32 $0x1280  }
0xb9: {  	[spmem:s3] =	stream.indirect.scatter.add.f32 [tilespmem:s22], [sflag:$0x3], $0x80, s9, s28, $0xb8;
	[tilespmem:$0x1DA80] =	vst v63  }
0xba: {  	_ =	swait.ge [sflag:s24], $0x4000  }
0xbb: {  	[sflag:s24] =	ssyncset.done $0x0  }
0xbc: {  	[sflag:s24] =	ssyncadd.s32 $0xFFFFC000  }
0xbd: {  	_ =	swait.ge [sflag:s2], $0x4000  }
0xbe: {  	[sflag:s2] =	ssyncset.done $0x0  }
0xbf: {  	s9 =	simm.s32 $0x1400;
	[sflag:s2] =	ssyncadd.s32 $0xFFFFC000  }
0xc0: {  	[tilespmem:s22], [sflag:$0x1] =	stream.indirect.gather [hbm4b:s0+s28], $0x80, s9, s28, $0xb8;
	[tilespmem:$0x1DA80] =	vst v63  }
0xc1: {  	s9 =	simm.s32 $0x1380  }
0xc2: {  	[spmem:s3] =	stream.indirect.scatter.add.f32 [tilespmem:s31], [sflag:$0x4], $0x80, s9, s28, $0xb8;
	[tilespmem:$0x1DA80] =	vst v63  }
0xc3: {  	_ =	swait.ge [sflag:s23], $0x4000  }
0xc4: {  	[sflag:s23] =	ssyncset.done $0x0  }
0xc5: {  	[sflag:s23] =	ssyncadd.s32 $0xFFFFC000  }
0xc6: {  	_ =	swait.ge [sflag:s14], $0x4000  }
0xc7: {  	[sflag:s14] =	ssyncset.done $0x0  }
0xc8: {  	s9 =	simm.s32 $0x1500;
	[sflag:s14] =	ssyncadd.s32 $0xFFFFC000  }
0xc9: {  	[tilespmem:s31], [sflag:$0x2] =	stream.indirect.gather [hbm4b:s0+s28], $0x80, s9, s28, $0xb8;
	[tilespmem:$0x1DA80] =	vst v63  }
0xca: {  	s9 =	simm.s32 $0x1480  }
0xcb: {  	[spmem:s3] =	stream.indirect.scatter.add.f32 [tilespmem:s22], [sflag:$0x3], $0x80, s9, s28, $0xb8;
	[tilespmem:$0x1DA80] =	vst v63  }
0xcc: {  	_ =	swait.ge [sflag:s24], $0x4000  }
0xcd: {  	[sflag:s24] =	ssyncset.done $0x0  }
0xce: {  	[sflag:s24] =	ssyncadd.s32 $0xFFFFC000  }
0xcf: {  	_ =	swait.ge [sflag:s2], $0x4000  }
0xd0: {  	[sflag:s2] =	ssyncset.done $0x0  }
0xd1: {  	s9 =	simm.s32 $0x1600;
	[sflag:s2] =	ssyncadd.s32 $0xFFFFC000  }
0xd2: {  	[tilespmem:s22], [sflag:$0x1] =	stream.indirect.gather [hbm4b:s0+s28], $0x80, s9, s28, $0xb8;
	[tilespmem:$0x1DA80] =	vst v63  }
0xd3: {  	s9 =	simm.s32 $0x1580  }
0xd4: {  	[spmem:s3] =	stream.indirect.scatter.add.f32 [tilespmem:s31], [sflag:$0x4], $0x80, s9, s28, $0xb8;
	[tilespmem:$0x1DA80] =	vst v63  }
0xd5: {  	_ =	swait.ge [sflag:s23], $0x4000  }
0xd6: {  	[sflag:s23] =	ssyncset.done $0x0  }
0xd7: {  	[sflag:s23] =	ssyncadd.s32 $0xFFFFC000  }
0xd8: {  	_ =	swait.ge [sflag:s14], $0x4000  }
0xd9: {  	[sflag:s14] =	ssyncset.done $0x0  }
0xda: {  	s9 =	simm.s32 $0x1700;
	[sflag:s14] =	ssyncadd.s32 $0xFFFFC000  }
0xdb: {  	[tilespmem:s31], [sflag:$0x2] =	stream.indirect.gather [hbm4b:s0+s28], $0x80, s9, s28, $0xb8;
	[tilespmem:$0x1DA80] =	vst v63  }
0xdc: {  	s9 =	simm.s32 $0x1680  }
0xdd: {  	[spmem:s3] =	stream.indirect.scatter.add.f32 [tilespmem:s22], [sflag:$0x3], $0x80, s9, s28, $0xb8;
	[tilespmem:$0x1DA80] =	vst v63  }
0xde: {  	_ =	swait.ge [sflag:s24], $0x4000  }
0xdf: {  	[sflag:s24] =	ssyncset.done $0x0  }
0xe0: {  	[sflag:s24] =	ssyncadd.s32 $0xFFFFC000  }
0xe1: {  	_ =	swait.ge [sflag:s2], $0x4000  }
0xe2: {  	[sflag:s2] =	ssyncset.done $0x0  }
0xe3: {  	s9 =	simm.s32 $0x1800;
	[sflag:s2] =	ssyncadd.s32 $0xFFFFC000  }
0xe4: {  	[tilespmem:s22], [sflag:$0x1] =	stream.indirect.gather [hbm4b:s0+s28], $0x80, s9, s28, $0xb8;
	[tilespmem:$0x1DA80] =	vst v63  }
0xe5: {  	s9 =	simm.s32 $0x1780  }
0xe6: {  	[spmem:s3] =	stream.indirect.scatter.add.f32 [tilespmem:s31], [sflag:$0x4], $0x80, s9, s28, $0xb8;
	[tilespmem:$0x1DA80] =	vst v63  }
0xe7: {  	_ =	swait.ge [sflag:s23], $0x4000  }
0xe8: {  	[sflag:s23] =	ssyncset.done $0x0  }
0xe9: {  	[sflag:s23] =	ssyncadd.s32 $0xFFFFC000  }
0xea: {  	_ =	swait.ge [sflag:s14], $0x4000  }
0xeb: {  	[sflag:s14] =	ssyncset.done $0x0  }
0xec: {  	[sflag:s14] =	ssyncadd.s32 $0xFFFFC000  }
0xed: {  	[tilespmem:s31], [sflag:$0x2] =	stream.indirect.gather [hbm4b:s0+s28], $0x80, s10, s28, $0xb8;
	[tilespmem:$0x1DA80] =	vst v63  }
0xee: {  	_ = 	snop  }
0xef: {  	[spmem:s3] =	stream.indirect.scatter.add.f32 [tilespmem:s22], [sflag:$0x3], $0x80, s11, s28, $0xb8;
	[tilespmem:$0x1DA80] =	vst v63  }
0xf0: {  	_ =	swait.ge [sflag:s24], $0x4000  }
0xf1: {  	[sflag:s24] =	ssyncset.done $0x0  }
0xf2: {  	[sflag:s24] =	ssyncadd.s32 $0xFFFFC000  }
0xf3: {  	_ =	swait.ge [sflag:s2], $0x4000  }
0xf4: {  	[sflag:s2] =	ssyncset.done $0x0  }
0xf5: {  	[sflag:s2] =	ssyncadd.s32 $0xFFFFC000  }
0xf6: {  	[tilespmem:s22], [sflag:$0x1] =	stream.indirect.gather [hbm4b:s0+s28], $0x80, s25, s28, $0xb8;
	[tilespmem:$0x1DA80] =	vst v63  }
0xf7: {  	_ = 	snop  }
0xf8: {  	[spmem:s3] =	stream.indirect.scatter.add.f32 [tilespmem:s31], [sflag:$0x4], $0x80, s30, s28, $0xb8;
	[tilespmem:$0x1DA80] =	vst v63  }
0xf9: {  	_ =	swait.ge [sflag:s23], $0x4000  }
0xfa: {  	[sflag:s23] =	ssyncset.done $0x0  }
0xfb: {  	[sflag:s23] =	ssyncadd.s32 $0xFFFFC000  }
0xfc: {  	_ =	swait.ge [sflag:s14], $0x4000  }
0xfd: {  	[sflag:s14] =	ssyncset.done $0x0  }
0xfe: {  	[sflag:s14] =	ssyncadd.s32 $0xFFFFC000  }
0xff: {  	[tilespmem:s31], [sflag:$0x2] =	stream.indirect.gather [hbm4b:s0+s28], $0x80, s1, s28, $0xb8;
	[tilespmem:$0x1DA80] =	vst v63  }
0x100: {  	_ = 	snop  }
0x101: {  	[spmem:s3] =	stream.indirect.scatter.add.f32 [tilespmem:s22], [sflag:$0x3], $0x80, s12, s28, $0xb8;
	[tilespmem:$0x1DA80] =	vst v63  }
0x102: {  	_ =	swait.ge [sflag:s24], $0x4000  }
0x103: {  	[sflag:s24] =	ssyncset.done $0x0  }
0x104: {  	[sflag:s24] =	ssyncadd.s32 $0xFFFFC000  }
0x105: {  	_ =	swait.ge [sflag:s2], $0x4000  }
0x106: {  	[sflag:s2] =	ssyncset.done $0x0  }
0x107: {  	[sflag:s2] =	ssyncadd.s32 $0xFFFFC000  }
0x108: {  	[tilespmem:s22], [sflag:$0x1] =	stream.indirect.gather [hbm4b:s0+s28], $0x80, s13, s28, $0xb8;
	[tilespmem:$0x1DA80] =	vst v63  }
0x109: {  	_ = 	snop  }
0x10a: {  	[spmem:s3] =	stream.indirect.scatter.add.f32 [tilespmem:s31], [sflag:$0x4], $0x80, s15, s28, $0xb8;
	[tilespmem:$0x1DA80] =	vst v63  }
0x10b: {  	_ =	swait.ge [sflag:s23], $0x4000  }
0x10c: {  	[sflag:s23] =	ssyncset.done $0x0  }
0x10d: {  	[sflag:s23] =	ssyncadd.s32 $0xFFFFC000  }
0x10e: {  	_ =	swait.ge [sflag:s14], $0x4000  }
0x10f: {  	[sflag:s14] =	ssyncset.done $0x0  }
0x110: {  	[sflag:s14] =	ssyncadd.s32 $0xFFFFC000  }
0x111: {  	[tilespmem:s31], [sflag:$0x2] =	stream.indirect.gather [hbm4b:s0+s28], $0x80, s16, s28, $0xb8;
	[tilespmem:$0x1DA80] =	vst v63  }
0x112: {  	_ = 	snop  }
0x113: {  	[spmem:s3] =	stream.indirect.scatter.add.f32 [tilespmem:s22], [sflag:$0x3], $0x80, s17, s28, $0xb8;
	[tilespmem:$0x1DA80] =	vst v63  }
0x114: {  	_ =	swait.ge [sflag:s24], $0x4000  }
0x115: {  	[sflag:s24] =	ssyncset.done $0x0  }
0x116: {  	[sflag:s24] =	ssyncadd.s32 $0xFFFFC000  }
0x117: {  	_ =	swait.ge [sflag:s2], $0x4000  }
0x118: {  	[sflag:s2] =	ssyncset.done $0x0  }
0x119: {  	[sflag:s2] =	ssyncadd.s32 $0xFFFFC000  }
0x11a: {  	[tilespmem:s22], [sflag:$0x1] =	stream.indirect.gather [hbm4b:s0+s28], $0x80, s18, s28, $0xb8;
	[tilespmem:$0x1DA80] =	vst v63  }
0x11b: {  	_ = 	snop  }
0x11c: {  	[spmem:s3] =	stream.indirect.scatter.add.f32 [tilespmem:s31], [sflag:$0x4], $0x80, s19, s28, $0xb8;
	[tilespmem:$0x1DA80] =	vst v63  }
0x11d: {  	_ =	swait.ge [sflag:s23], $0x4000  }
0x11e: {  	[sflag:s23] =	ssyncset.done $0x0  }
0x11f: {  	[sflag:s23] =	ssyncadd.s32 $0xFFFFC000  }
0x120: {  	_ =	swait.ge [sflag:s14], $0x4000  }
0x121: {  	[sflag:s14] =	ssyncset.done $0x0  }
0x122: {  	[sflag:s14] =	ssyncadd.s32 $0xFFFFC000  }
0x123: {  	[tilespmem:s31], [sflag:$0x2] =	stream.indirect.gather [hbm4b:s0+s28], $0x80, s20, s28, $0xb8;
	[tilespmem:$0x1DA80] =	vst v63  }
0x124: {  	_ = 	snop  }
0x125: {  	[spmem:s3] =	stream.indirect.scatter.add.f32 [tilespmem:s22], [sflag:$0x3], $0x80, s21, s28, $0xb8;
	[tilespmem:$0x1DA80] =	vst v63  }
0x126: {  	_ =	swait.ge [sflag:s24], $0x4000  }
0x127: {  	[sflag:s24] =	ssyncset.done $0x0  }
0x128: {  	[sflag:s24] =	ssyncadd.s32 $0xFFFFC000  }
0x129: {  	_ =	swait.ge [sflag:s2], $0x4000  }
0x12a: {  	[sflag:s2] =	ssyncset.done $0x0  }
0x12b: {  	[sflag:s2] =	ssyncadd.s32 $0xFFFFC000  }
0x12c: {  	[spmem:s3] =	stream.indirect.scatter.add.f32 [tilespmem:s31], [sflag:$0x4], $0x80, s5, s28, $0xb8;
	[tilespmem:$0x1DA80] =	vst v63  }
0x12d: {  	_ =	swait.ge [sflag:s14], $0x4000  }
0x12e: {  	[sflag:s14] =	ssyncset.done $0x0  }
0x12f: {  	[sflag:s14] =	ssyncadd.s32 $0xFFFFC000  }
.LBB2_7:
0x130: {  	s6 =	sadd.s32 $0x1, s6  }
0x131: {  	p1 =	sne.s32 s6, $0x5  }
.Ltmp4:
0x132: {  	_ = 	snop;
	(pc) =	sbr.rel @!p1 .LBB2_8-.Ltmp4, $2  }
0x133: {  	_ =	sdelay $0x2  }
0x134: {  	s7 =	sadd.s32 $0x200, s7  }
.LBB2_4:
0x135: {  	s8 =	sand.u32 $0x1, s6  }
0x136: {  	p1 =	seq.s32 s8, $0x1  }
.Ltmp5:
0x137: {  	_ = 	snop;
	(pc) =	sbr.rel @p1 .LBB2_6-.Ltmp5, $1  }
0x138: {  	_ =	sdelay $0x3  }
0x139: {  	p1 =	seq.s32 s6, $0x0  }
0x13a: {  	s9 =	simm.s32 @!p1 $0x5  }
0x13b: {  	_ =	swait.ge @!p1 [sflag:s9], $0x1000  }
0x13c: {  	p2 =	seq.s32 @!p1 s6, $0x4;
	[sflag:s9] =	ssyncset.done @!p1 $0x0  }
0x13d: {  	p2 =	por p1, !p2;
	[sflag:s9] =	ssyncadd.s32 @!p1 $0xFFFFF000  }
0x13e: {  	[tilespmem:s29], [sflag:$0x5] =	stream.linear.gather @p2 [hbm4b:s7+s4], $0x1000, $0x38;
	[tilespmem:$0x1DA80] =	vst v63  }
0x13f: {  	_ = 	snop  }
0x140: {  	[tilespmem:s22], [sflag:$0x1] =	stream.indirect.gather [hbm4b:s0+s28], $0x80, s4, s28, $0xb8;
	[tilespmem:$0x1DA80] =	vst v63  }
0x141: {  	_ =	swait.ge [sflag:s23], $0x4000  }
0x142: {  	[sflag:s23] =	ssyncset.done $0x0  }
0x143: {  	s9 =	simm.s32 $0x100;
	[sflag:s23] =	ssyncadd.s32 $0xFFFFC000  }
0x144: {  	[tilespmem:s31], [sflag:$0x2] =	stream.indirect.gather [hbm4b:s0+s28], $0x80, s9, s28, $0xb8;
	[tilespmem:$0x1DA80] =	vst v63  }
0x145: {  	_ = 	snop  }
0x146: {  	[spmem:s3] =	stream.indirect.scatter.add.f32 [tilespmem:s22], [sflag:$0x3], $0x80, s28, s28, $0xb8;
	[tilespmem:$0x1DA80] =	vst v63  }
0x147: {  	_ =	swait.ge [sflag:s24], $0x4000  }
0x148: {  	[sflag:s24] =	ssyncset.done $0x0  }
0x149: {  	[sflag:s24] =	ssyncadd.s32 $0xFFFFC000  }
0x14a: {  	_ =	swait.ge [sflag:s2], $0x4000  }
0x14b: {  	[sflag:s2] =	ssyncset.done $0x0  }
0x14c: {  	s9 =	simm.s32 $0x200;
	[sflag:s2] =	ssyncadd.s32 $0xFFFFC000  }
0x14d: {  	[tilespmem:s22], [sflag:$0x1] =	stream.indirect.gather [hbm4b:s0+s28], $0x80, s9, s28, $0xb8;
	[tilespmem:$0x1DA80] =	vst v63  }
0x14e: {  	s9 =	simm.s32 $0x180  }
0x14f: {  	[spmem:s3] =	stream.indirect.scatter.add.f32 [tilespmem:s31], [sflag:$0x4], $0x80, s9, s28, $0xb8;
	[tilespmem:$0x1DA80] =	vst v63  }
0x150: {  	_ =	swait.ge [sflag:s23], $0x4000  }
0x151: {  	[sflag:s23] =	ssyncset.done $0x0  }
0x152: {  	[sflag:s23] =	ssyncadd.s32 $0xFFFFC000  }
0x153: {  	_ =	swait.ge [sflag:s14], $0x4000  }
0x154: {  	[sflag:s14] =	ssyncset.done $0x0  }
0x155: {  	s9 =	simm.s32 $0x300;
	[sflag:s14] =	ssyncadd.s32 $0xFFFFC000  }
0x156: {  	[tilespmem:s31], [sflag:$0x2] =	stream.indirect.gather [hbm4b:s0+s28], $0x80, s9, s28, $0xb8;
	[tilespmem:$0x1DA80] =	vst v63  }
0x157: {  	s9 =	simm.s32 $0x280  }
0x158: {  	[spmem:s3] =	stream.indirect.scatter.add.f32 [tilespmem:s22], [sflag:$0x3], $0x80, s9, s28, $0xb8;
	[tilespmem:$0x1DA80] =	vst v63  }
0x159: {  	_ =	swait.ge [sflag:s24], $0x4000  }
0x15a: {  	[sflag:s24] =	ssyncset.done $0x0  }
0x15b: {  	[sflag:s24] =	ssyncadd.s32 $0xFFFFC000  }
0x15c: {  	_ =	swait.ge [sflag:s2], $0x4000  }
0x15d: {  	[sflag:s2] =	ssyncset.done $0x0  }
0x15e: {  	s9 =	simm.s32 $0x400;
	[sflag:s2] =	ssyncadd.s32 $0xFFFFC000  }
0x15f: {  	[tilespmem:s22], [sflag:$0x1] =	stream.indirect.gather [hbm4b:s0+s28], $0x80, s9, s28, $0xb8;
	[tilespmem:$0x1DA80] =	vst v63  }
0x160: {  	s9 =	simm.s32 $0x380  }
0x161: {  	[spmem:s3] =	stream.indirect.scatter.add.f32 [tilespmem:s31], [sflag:$0x4], $0x80, s9, s28, $0xb8;
	[tilespmem:$0x1DA80] =	vst v63  }
0x162: {  	_ =	swait.ge [sflag:s23], $0x4000  }
0x163: {  	[sflag:s23] =	ssyncset.done $0x0  }
0x164: {  	[sflag:s23] =	ssyncadd.s32 $0xFFFFC000  }
0x165: {  	_ =	swait.ge [sflag:s14], $0x4000  }
0x166: {  	[sflag:s14] =	ssyncset.done $0x0  }
0x167: {  	s9 =	simm.s32 $0x500;
	[sflag:s14] =	ssyncadd.s32 $0xFFFFC000  }
0x168: {  	[tilespmem:s31], [sflag:$0x2] =	stream.indirect.gather [hbm4b:s0+s28], $0x80, s9, s28, $0xb8;
	[tilespmem:$0x1DA80] =	vst v63  }
0x169: {  	s9 =	simm.s32 $0x480  }
0x16a: {  	[spmem:s3] =	stream.indirect.scatter.add.f32 [tilespmem:s22], [sflag:$0x3], $0x80, s9, s28, $0xb8;
	[tilespmem:$0x1DA80] =	vst v63  }
0x16b: {  	_ =	swait.ge [sflag:s24], $0x4000  }
0x16c: {  	[sflag:s24] =	ssyncset.done $0x0  }
0x16d: {  	[sflag:s24] =	ssyncadd.s32 $0xFFFFC000  }
0x16e: {  	_ =	swait.ge [sflag:s2], $0x4000  }
0x16f: {  	[sflag:s2] =	ssyncset.done $0x0  }
0x170: {  	s9 =	simm.s32 $0x600;
	[sflag:s2] =	ssyncadd.s32 $0xFFFFC000  }
0x171: {  	[tilespmem:s22], [sflag:$0x1] =	stream.indirect.gather [hbm4b:s0+s28], $0x80, s9, s28, $0xb8;
	[tilespmem:$0x1DA80] =	vst v63  }
0x172: {  	s9 =	simm.s32 $0x580  }
0x173: {  	[spmem:s3] =	stream.indirect.scatter.add.f32 [tilespmem:s31], [sflag:$0x4], $0x80, s9, s28, $0xb8;
	[tilespmem:$0x1DA80] =	vst v63  }
0x174: {  	_ =	swait.ge [sflag:s23], $0x4000  }
0x175: {  	[sflag:s23] =	ssyncset.done $0x0  }
0x176: {  	[sflag:s23] =	ssyncadd.s32 $0xFFFFC000  }
0x177: {  	_ =	swait.ge [sflag:s14], $0x4000  }
0x178: {  	[sflag:s14] =	ssyncset.done $0x0  }
0x179: {  	s9 =	simm.s32 $0x700;
	[sflag:s14] =	ssyncadd.s32 $0xFFFFC000  }
0x17a: {  	[tilespmem:s31], [sflag:$0x2] =	stream.indirect.gather [hbm4b:s0+s28], $0x80, s9, s28, $0xb8;
	[tilespmem:$0x1DA80] =	vst v63  }
0x17b: {  	s9 =	simm.s32 $0x680  }
0x17c: {  	[spmem:s3] =	stream.indirect.scatter.add.f32 [tilespmem:s22], [sflag:$0x3], $0x80, s9, s28, $0xb8;
	[tilespmem:$0x1DA80] =	vst v63  }
0x17d: {  	_ =	swait.ge [sflag:s24], $0x4000  }
0x17e: {  	[sflag:s24] =	ssyncset.done $0x0  }
0x17f: {  	[sflag:s24] =	ssyncadd.s32 $0xFFFFC000  }
0x180: {  	_ =	swait.ge [sflag:s2], $0x4000  }
0x181: {  	[sflag:s2] =	ssyncset.done $0x0  }
0x182: {  	s9 =	simm.s32 $0x800;
	[sflag:s2] =	ssyncadd.s32 $0xFFFFC000  }
0x183: {  	[tilespmem:s22], [sflag:$0x1] =	stream.indirect.gather [hbm4b:s0+s28], $0x80, s9, s28, $0xb8;
	[tilespmem:$0x1DA80] =	vst v63  }
0x184: {  	s9 =	simm.s32 $0x780  }
0x185: {  	[spmem:s3] =	stream.indirect.scatter.add.f32 [tilespmem:s31], [sflag:$0x4], $0x80, s9, s28, $0xb8;
	[tilespmem:$0x1DA80] =	vst v63  }
0x186: {  	_ =	swait.ge [sflag:s23], $0x4000  }
0x187: {  	[sflag:s23] =	ssyncset.done $0x0  }
0x188: {  	[sflag:s23] =	ssyncadd.s32 $0xFFFFC000  }
0x189: {  	_ =	swait.ge [sflag:s14], $0x4000  }
0x18a: {  	[sflag:s14] =	ssyncset.done $0x0  }
0x18b: {  	s9 =	simm.s32 $0x900;
	[sflag:s14] =	ssyncadd.s32 $0xFFFFC000  }
0x18c: {  	[tilespmem:s31], [sflag:$0x2] =	stream.indirect.gather [hbm4b:s0+s28], $0x80, s9, s28, $0xb8;
	[tilespmem:$0x1DA80] =	vst v63  }
0x18d: {  	s9 =	simm.s32 $0x880  }
0x18e: {  	[spmem:s3] =	stream.indirect.scatter.add.f32 [tilespmem:s22], [sflag:$0x3], $0x80, s9, s28, $0xb8;
	[tilespmem:$0x1DA80] =	vst v63  }
0x18f: {  	_ =	swait.ge [sflag:s24], $0x4000  }
0x190: {  	[sflag:s24] =	ssyncset.done $0x0  }
0x191: {  	[sflag:s24] =	ssyncadd.s32 $0xFFFFC000  }
0x192: {  	_ =	swait.ge [sflag:s2], $0x4000  }
0x193: {  	[sflag:s2] =	ssyncset.done $0x0  }
0x194: {  	s9 =	simm.s32 $0xA00;
	[sflag:s2] =	ssyncadd.s32 $0xFFFFC000  }
0x195: {  	[tilespmem:s22], [sflag:$0x1] =	stream.indirect.gather [hbm4b:s0+s28], $0x80, s9, s28, $0xb8;
	[tilespmem:$0x1DA80] =	vst v63  }
0x196: {  	s9 =	simm.s32 $0x980  }
0x197: {  	[spmem:s3] =	stream.indirect.scatter.add.f32 [tilespmem:s31], [sflag:$0x4], $0x80, s9, s28, $0xb8;
	[tilespmem:$0x1DA80] =	vst v63  }
0x198: {  	_ =	swait.ge [sflag:s23], $0x4000  }
0x199: {  	[sflag:s23] =	ssyncset.done $0x0  }
0x19a: {  	[sflag:s23] =	ssyncadd.s32 $0xFFFFC000  }
0x19b: {  	_ =	swait.ge [sflag:s14], $0x4000  }
0x19c: {  	[sflag:s14] =	ssyncset.done $0x0  }
0x19d: {  	s9 =	simm.s32 $0xB00;
	[sflag:s14] =	ssyncadd.s32 $0xFFFFC000  }
0x19e: {  	[tilespmem:s31], [sflag:$0x2] =	stream.indirect.gather [hbm4b:s0+s28], $0x80, s9, s28, $0xb8;
	[tilespmem:$0x1DA80] =	vst v63  }
0x19f: {  	s9 =	simm.s32 $0xA80  }
0x1a0: {  	[spmem:s3] =	stream.indirect.scatter.add.f32 [tilespmem:s22], [sflag:$0x3], $0x80, s9, s28, $0xb8;
	[tilespmem:$0x1DA80] =	vst v63  }
0x1a1: {  	_ =	swait.ge [sflag:s24], $0x4000  }
0x1a2: {  	[sflag:s24] =	ssyncset.done $0x0  }
0x1a3: {  	[sflag:s24] =	ssyncadd.s32 $0xFFFFC000  }
0x1a4: {  	_ =	swait.ge [sflag:s2], $0x4000  }
0x1a5: {  	[sflag:s2] =	ssyncset.done $0x0  }
0x1a6: {  	s9 =	simm.s32 $0xC00;
	[sflag:s2] =	ssyncadd.s32 $0xFFFFC000  }
0x1a7: {  	[tilespmem:s22], [sflag:$0x1] =	stream.indirect.gather [hbm4b:s0+s28], $0x80, s9, s28, $0xb8;
	[tilespmem:$0x1DA80] =	vst v63  }
0x1a8: {  	s9 =	simm.s32 $0xB80  }
0x1a9: {  	[spmem:s3] =	stream.indirect.scatter.add.f32 [tilespmem:s31], [sflag:$0x4], $0x80, s9, s28, $0xb8;
	[tilespmem:$0x1DA80] =	vst v63  }
0x1aa: {  	_ =	swait.ge [sflag:s23], $0x4000  }
0x1ab: {  	[sflag:s23] =	ssyncset.done $0x0  }
0x1ac: {  	[sflag:s23] =	ssyncadd.s32 $0xFFFFC000  }
0x1ad: {  	_ =	swait.ge [sflag:s14], $0x4000  }
0x1ae: {  	[sflag:s14] =	ssyncset.done $0x0  }
0x1af: {  	s9 =	simm.s32 $0xD00;
	[sflag:s14] =	ssyncadd.s32 $0xFFFFC000  }
0x1b0: {  	[tilespmem:s31], [sflag:$0x2] =	stream.indirect.gather [hbm4b:s0+s28], $0x80, s9, s28, $0xb8;
	[tilespmem:$0x1DA80] =	vst v63  }
0x1b1: {  	s9 =	simm.s32 $0xC80  }
0x1b2: {  	[spmem:s3] =	stream.indirect.scatter.add.f32 [tilespmem:s22], [sflag:$0x3], $0x80, s9, s28, $0xb8;
	[tilespmem:$0x1DA80] =	vst v63  }
0x1b3: {  	_ =	swait.ge [sflag:s24], $0x4000  }
0x1b4: {  	[sflag:s24] =	ssyncset.done $0x0  }
0x1b5: {  	[sflag:s24] =	ssyncadd.s32 $0xFFFFC000  }
0x1b6: {  	_ =	swait.ge [sflag:s2], $0x4000  }
0x1b7: {  	[sflag:s2] =	ssyncset.done $0x0  }
0x1b8: {  	s9 =	simm.s32 $0xE00;
	[sflag:s2] =	ssyncadd.s32 $0xFFFFC000  }
0x1b9: {  	[tilespmem:s22], [sflag:$0x1] =	stream.indirect.gather [hbm4b:s0+s28], $0x80, s9, s28, $0xb8;
	[tilespmem:$0x1DA80] =	vst v63  }
0x1ba: {  	s9 =	simm.s32 $0xD80  }
0x1bb: {  	[spmem:s3] =	stream.indirect.scatter.add.f32 [tilespmem:s31], [sflag:$0x4], $0x80, s9, s28, $0xb8;
	[tilespmem:$0x1DA80] =	vst v63  }
0x1bc: {  	_ =	swait.ge [sflag:s23], $0x4000  }
0x1bd: {  	[sflag:s23] =	ssyncset.done $0x0  }
0x1be: {  	[sflag:s23] =	ssyncadd.s32 $0xFFFFC000  }
0x1bf: {  	_ =	swait.ge [sflag:s14], $0x4000  }
0x1c0: {  	[sflag:s14] =	ssyncset.done $0x0  }
0x1c1: {  	s9 =	simm.s32 $0xF00;
	[sflag:s14] =	ssyncadd.s32 $0xFFFFC000  }
0x1c2: {  	[tilespmem:s31], [sflag:$0x2] =	stream.indirect.gather [hbm4b:s0+s28], $0x80, s9, s28, $0xb8;
	[tilespmem:$0x1DA80] =	vst v63  }
0x1c3: {  	s9 =	simm.s32 $0xE80  }
0x1c4: {  	[spmem:s3] =	stream.indirect.scatter.add.f32 [tilespmem:s22], [sflag:$0x3], $0x80, s9, s28, $0xb8;
	[tilespmem:$0x1DA80] =	vst v63  }
0x1c5: {  	_ =	swait.ge [sflag:s24], $0x4000  }
0x1c6: {  	[sflag:s24] =	ssyncset.done $0x0  }
0x1c7: {  	[sflag:s24] =	ssyncadd.s32 $0xFFFFC000  }
0x1c8: {  	_ =	swait.ge [sflag:s2], $0x4000  }
0x1c9: {  	[sflag:s2] =	ssyncset.done $0x0  }
0x1ca: {  	p1 =	seq.s32 s8, $0x0;
	s9 =	simm.s32 $0xF80;
	[sflag:s2] =	ssyncadd.s32 $0xFFFFC000  }
0x1cb: {  	[spmem:s3] =	stream.indirect.scatter.add.f32 [tilespmem:s31], [sflag:$0x4], $0x80, s9, s28, $0xb8;
	[tilespmem:$0x1DA80] =	vst v63  }
.Ltmp6:
0x1cc: {  	_ = 	snop;
	(pc) =	sbr.rel @p1 .LBB2_7-.Ltmp6, $4  }
.Ltmp7:
0x1cd: {  	_ = 	snop;
	(pc) =	sbr.rel @!p1 .LBB2_6-.Ltmp7, $4  }
0x1ce: {  	_ =	swait.ge [sflag:s14], $0x4000  }
0x1cf: {  	[sflag:s14] =	ssyncset.done $0x0  }
0x1d0: {  	[sflag:s14] =	ssyncadd.s32 $0xFFFFC000  }
0x1d1: {  	_ = 	snop  }
.LBB2_9:
0x1d2: {  	_ =	sfence.sel $0x180000  }
0x1d3: {  	[bflag:$0x0] =	sbarrier.arrive $0xFFFF  }
0x1d4: {  	_ =	strace $0x9000004D  }
0x1d5: {  	s0 =	stileid.u32;
	[bflag:$0x2] =	sbarrier.arrive $0xFFFF  }
0x1d6: {  	p0 =	sne.s32 s0, $0x0;
	s0 =	rddreg [dreg:$0x3]  }
0x1d7: {  	s0 =	sadd.s32 @!p0 $0x100000, s0  }
0x1d8: {  	[sflag:s0] =	ssyncadd.tile.s32 @!p0 $0x1;
	_ =	shalt  }
.Lfunc_end2:
_tile_overlayer_lowered:
.L_overlay_start_2:
0x1d9: {  	(tag) =	ssettag $0x2  }
0x1da: {  	s0 =	rddreg [dreg:$0x0];
	s2 =	stileid.u32  }
0x1db: {  	s1 =	rddreg [dreg:$0x1];
	p0 =	sne.s32 s2, $0x0  }
0x1dc: {  	s3 =	rddreg [dreg:$0x2];
	[bflag:$0x3] =	sbarrier.arrive $0xFFFF;
	s2 =	simm.s32 @!p0 $0x1C06  }
0x1dd: {  	[timem:s3], [sflag:s2] =	dma.local @!p0 [hbm:s0], s1  }
0x1de: {  	s0 =	simm.s32 @!p0 $0x6  }
0x1df: {  	_ =	swait.ge @!p0 [sflag:s0], s1  }
0x1e0: {  	s1 =	ssub.s32 @!p0 $0x0, s1;
	[sflag:s0] =	ssyncset.done @!p0 $0x0  }
0x1e1: {  	[sflag:s0] =	ssyncadd.s32 @!p0 s1  }
0x1e2: {  	[bflag:$0x3] =	sbarrier.arrive $0xFFFF  }
0x1e3: {  	_ =	shalt  }

// kernel: kernel.8.cloned.1.call-start
scs
__scs_entry_jumppad:
0x0: {  	(pc) =	sbr.rel $0x88, $3  }
0x1: {  	(tag) =	ssettag $0x0;
	lr =	simm.s32 $0x1  }
0x2: {  	[smem:$0x3F96] =	sst lr;
	_ =	strace $0xD0000000  }
0x3: {  	_ = 	snop  }
0x4: {  	_ = 	snop  }
0x5: {  	_ = 	snop  }
0x6: {  	_ = 	snop  }
0x7: {  	_ = 	snop  }
__scs_overlays_trampoline_lowered:
0x8: {  	[smem:$0x3FA5] =	sst s0  }
0x9: {  	[smem:$0x3FA6] =	sst s1  }
0xa: {  	[smem:$0x3FA7] =	sst s2  }
0xb: {  	[smem:$0x3FA8] =	sst s3  }
0xc: {  	[smem:$0x3FA9] =	sst s4  }
0xd: {  	[smem:$0x3FAA] =	sst s5  }
0xe: {  	[smem:$0x3FAB] =	sst s6  }
0xf: {  	[smem:$0x3FAC] =	sst s7  }
0x10: {  	[smem:$0x3FAD] =	sst s8  }
0x11: {  	[smem:$0x3FAE] =	sst s9;
	s0 =	simm.s32 @!p0 $0x0  }
0x12: {  	s1 =	sld [smem:$0x3F94];
	s0 =	simm.s32 @p0 $0x1  }
0x13: {  	[smem:$0x3FAF] =	sst s0;
	s0 =	simm.s32 @!p1 $0x0  }
0x14: {  	s2 =	sld [smem:$0x3F93];
	s0 =	simm.s32 @p1 $0x1  }
0x15: {  	[smem:$0x3FB0] =	sst s0;
	s0 =	simm.s32 @!p2 $0x0  }
0x16: {  	s3 =	sld [smem:$0x3FDB];
	s0 =	simm.s32 @p2 $0x1  }
0x17: {  	s4 =	simm.s32 $0x1BF5;
	[smem:$0x3FB2] =	sst s0  }
0x18: {  	s0 =	sld [smem:$0x3F95];
	_ =	swait.ge [sflag:s4], $0x0  }
0x19: {  	s7 =	sld [smem:$0x3F96]  }
0x1a: {  	s8 =	sadd.s32 $0xFFFFE003, lr  }
0x1b: {  	s9 =	sadd.s32 $0xFFFFFEF7, lr;
	s5 =	simm.s32 $0xFFFFFFFF;
	p2 =	slt.u32 s8, $0xFFFFF086  }
0x1c: {  	p1 =	slt.u32 s9, $0xF7A;
	s5 =	simm.s32 @!p2 $0x0  }
0x1d: {  	s5 =	simm.s32 @p1 $0x1;
	p0 =	seq.s32 s7, s2  }
0x1e: {  	s7 =	smul.u32 @!p0 $0xF7A, s2;
	p2 =	seq.s32 @!p0 s5, $0x0  }
0x1f: {  	s9 =	smul.u32 $0xF7A, s1;
	s8 =	simm.s32 @!p0 $0x1BF5;
	p2 =	por !p2, p0  }
0x20: {  	[sflag:s8] =	ssyncset.s32 @!p0 $0xFFFFF086;
	s6 =	sadd.s32 @!p0 s3, s7;
	s7 =	simm.s32 @!p0 $0x108  }
0x21: {  	s3 =	sadd.s32 s3, s9;
	s6 =	sadd.s32 @!p0 $0x88, s6;
	s7 =	simm.s32 @p2 $0x1082  }
0x22: {  	[simem:s7], [sflag:s8] =	dma.local @!p0 [hbm:s6], $0xF7A  }
0x23: {  	s9 =	sor.u32 $0xD0000000, s2;
	s6 =	simm.s32 $0x108;
	_ =	swait.ge @!p0 [sflag:s8], $0x0  }
0x24: {  	s3 =	sadd.s32 $0x88, s3;
	s6 =	simm.s32 @!p1 $0x1082;
	[sflag:s4] =	ssyncset.s32 $0xFFFFF086  }
0x25: {  	[simem:s6], [sflag:s4] =	dma.local [hbm:s3], $0xF7A  }
0x26: {  	[smem:$0x3F96] =	sst s1;
	(tag) =	ssettag s2;
	_ =	strace s9  }
0x27: {  	s1 =	sld [smem:$0x3FA6]  }
0x28: {  	s2 =	sld [smem:$0x3FA7]  }
0x29: {  	s4 =	sld [smem:$0x3FA9]  }
0x2a: {  	p0 =	seq.s32 s5, $0x0;
	s5 =	sld [smem:$0x3FAA]  }
0x2b: {  	s6 =	sld [smem:$0x3FAB]  }
0x2c: {  	s7 =	sld [smem:$0x3FAC]  }
0x2d: {  	s3 =	simm.s32 $0x108;
	s8 =	sld [smem:$0x3FAD]  }
0x2e: {  	s3 =	simm.s32 @!p0 $0x1082;
	s9 =	sld [smem:$0x3FAE]  }
0x2f: {  	lr =	sadd.s32 s0, s3;
	s0 =	sld [smem:$0x3FA5]  }
0x30: {  	s3 =	sld [smem:$0x3FA8]  }
0x31: {  	[smem:$0x3FB1] =	sst s10  }
0x32: {  	s10 =	sld [smem:$0x3FAF];
	_ =	sdelay $0x3  }
0x33: {  	p0 =	seq.s32 s10, $0x1;
	s10 =	sld [smem:$0x3FB1];
	_ =	sdelay $0x3  }
0x34: {  	[smem:$0x3FB1] =	sst s10  }
0x35: {  	s10 =	sld [smem:$0x3FB0];
	_ =	sdelay $0x3  }
0x36: {  	p1 =	seq.s32 s10, $0x1;
	s10 =	sld [smem:$0x3FB1];
	_ =	sdelay $0x3  }
0x37: {  	[smem:$0x3FB1] =	sst s10  }
0x38: {  	s10 =	sld [smem:$0x3FB2]  }
0x39: {  	_ = 	snop;
	(pc) =	sbr.ind lr, $3  }
0x3a: {  	_ = 	snop  }
0x3b: {  	_ = 	snop  }
0x3c: {  	p2 =	seq.s32 s10, $0x1;
	s10 =	sld [smem:$0x3FB1]  }
0x3d: {  	_ =	shalt  }
0x3e: {  	_ =	shalt  }
0x3f: {  	_ =	shalt  }
0x40: {  	_ =	shalt  }
0x41: {  	_ =	shalt  }
0x42: {  	_ =	shalt  }
0x43: {  	_ =	shalt  }
0x44: {  	_ =	shalt  }
0x45: {  	_ =	shalt  }
0x46: {  	_ =	shalt  }
0x47: {  	_ =	shalt  }
0x48: {  	_ =	shalt  }
0x49: {  	_ =	shalt  }
0x4a: {  	_ =	shalt  }
0x4b: {  	_ =	shalt  }
0x4c: {  	_ =	shalt  }
0x4d: {  	_ =	shalt  }
0x4e: {  	_ =	shalt  }
0x4f: {  	_ =	shalt  }
0x50: {  	_ =	shalt  }
0x51: {  	_ =	shalt  }
0x52: {  	_ =	shalt  }
0x53: {  	_ =	shalt  }
0x54: {  	_ =	shalt  }
0x55: {  	_ =	shalt  }
0x56: {  	_ =	shalt  }
0x57: {  	_ =	shalt  }
0x58: {  	_ =	shalt  }
0x59: {  	_ =	shalt  }
0x5a: {  	_ =	shalt  }
0x5b: {  	_ =	shalt  }
0x5c: {  	_ =	shalt  }
0x5d: {  	_ =	shalt  }
0x5e: {  	_ =	shalt  }
0x5f: {  	_ =	shalt  }
0x60: {  	_ =	shalt  }
0x61: {  	_ =	shalt  }
0x62: {  	_ =	shalt  }
0x63: {  	_ =	shalt  }
0x64: {  	_ =	shalt  }
0x65: {  	_ =	shalt  }
0x66: {  	_ =	shalt  }
0x67: {  	_ =	shalt  }
0x68: {  	_ =	shalt  }
0x69: {  	_ =	shalt  }
0x6a: {  	_ =	shalt  }
0x6b: {  	_ =	shalt  }
0x6c: {  	_ =	shalt  }
0x6d: {  	_ =	shalt  }
0x6e: {  	_ =	shalt  }
0x6f: {  	_ =	shalt  }
0x70: {  	_ =	shalt  }
0x71: {  	_ =	shalt  }
0x72: {  	_ =	shalt  }
0x73: {  	_ =	shalt  }
0x74: {  	_ =	shalt  }
0x75: {  	_ =	shalt  }
0x76: {  	_ =	shalt  }
0x77: {  	_ =	shalt  }
0x78: {  	_ =	shalt  }
0x79: {  	_ =	shalt  }
0x7a: {  	_ =	shalt  }
0x7b: {  	_ =	shalt  }
0x7c: {  	_ =	shalt  }
0x7d: {  	_ =	shalt  }
0x7e: {  	_ =	shalt  }
0x7f: {  	_ =	shalt  }
0x80: {  	_ =	shalt  }
0x81: {  	_ =	shalt  }
0x82: {  	_ =	shalt  }
0x83: {  	_ =	shalt  }
0x84: {  	_ =	shalt  }
0x85: {  	_ =	shalt  }
0x86: {  	_ =	shalt  }
0x87: {  	_ =	shalt  }
.Lfunc_end0:
.L_simem_size_0:
called_computation_lowered:
.L_overlay_start_0:
0x88: {  	s2 =	sld [smem:$0x3FD9]  }
0x89: {  	s3 =	sld [smem:$0x3FFE];
	_ =	sdelay $0x1  }
0x8a: {  	s1 =	srdreg.scid  }
0x8b: {  	s0 =	sand.u32 $0x1, s1  }
0x8c: {  	s15 =	sshll.u32 s0, $0xA;
	s2 =	sadd.s32 s3, s2  }
0x8d: {  	s2 =	sadd.s32 s2, s15  }
0x8e: {  	[smem:$0x3FBD] =	sst s2  }
0x8f: {  	_ = 	snop  }
0x90: {  	s2 =	sld [smem:$0x3FD0];
	_ =	sdelay $0x2  }
0x91: {  	s16 =	simm.s32 $0xA;
	s4 =	simm.s32 $0x10  }
0x92: {  	[smem:s4], [sflag:s16] =	dma.local [hbm:s2], $0x1  }
0x93: {  	_ =	swait.eq [sflag:s16], $0x1  }
0x94: {  	[sflag:s16] =	ssyncset.done $0x0  }
0x95: {  	s17 =	sld [smem:$0x10];
	[sflag:s16] =	ssyncadd.s32 $0xFFFFFFFF  }
0x96: {  	s18 =	sld [smem:$0x11];
	(tm) =	ssettm $0x1  }
0x97: {  	s19 =	sld [smem:$0x3FFB];
	_ =	sdelay $0x3  }
0x98: {  	_ =	strace s19  }
0x99: {  	s4 =	sld [smem:$0x3FFC];
	_ =	sdelay $0x3  }
0x9a: {  	_ =	strace s4  }
0x9b: {  	s4 =	sld [smem:$0x3FFD];
	_ =	sdelay $0x3  }
0x9c: {  	_ =	strace s4  }
0x9d: {  	_ =	strace $0x8FFFFFFF  }
0x9e: {  	s20 =	sld [smem:$0x3FDB];
	_ =	sdelay $0x1  }
0x9f: {  	s5 =	simm.s32 $_scs_section_size  }
0xa0: {  	s6 =	simm.s32 $_size__tile_overlayer_lowered;
	s7 =	simm.s32 $_tile_overlayer_lowered  }
0xa1: {  	s23 =	simm.s32 $0x1BFF;
	s22 =	sshll.u32 s7, $0x1;
	s4 =	sadd.s32 s5, s20  }
0xa2: {  	s8 =	simm.s32 $0x0;
	s21 =	sshll.u32 s6, $0x1;
	s6 =	sadd.s32 s22, s4  }
0xa3: {  	[timem:s8], [sflag:s23] =	dma.local [hbm:s6], s21  }
0xa4: {  	_ =	swait.ge [sflag:s23], s21  }
0xa5: {  	s5 =	ssub.s32 $0x0, s21;
	[sflag:s23] =	ssyncset.done $0x0  }
0xa6: {  	[sflag:s23] =	ssyncadd.s32 s5;
	_ =	sdelay $0x1  }
0xa7: {  	s24 =	simm.s32 $0x1B8B  }
0xa8: {  	_ =	swait.ge [sflag:s24], $0x1  }
0xa9: {  	[sflag:s24] =	ssyncset.done $0x0  }
0xaa: {  	s25 =	simm.s32 $0x1B8E;
	[sflag:s24] =	ssyncadd.s32 $0xFFFFFFFF  }
0xab: {  	s26 =	simm.s32 $execute0_lowered;
	[smem:$0x3FD2] =	sst s25  }
0xac: {  	s5 =	sshll.u32 s26, $0x1;
	_ =	strace $0x80000046;
	[dreg:$0x1] =	wrdreg $0xFFFFFFFF  }
0xad: {  	s28 =	simm.s32 $_size_execute0_lowered;
	s4 =	sadd.s32 s4, s5;
	[dreg:$0x0] =	wrdreg $0x0  }
0xae: {  	s5 =	sshll.u32 s28, $0x1;
	[dreg:$0x2] =	wrdreg s4  }
0xaf: {  	[dreg:$0x3] =	wrdreg s5  }
0xb0: {  	[dreg:$0x4] =	wrdreg $0xC0  }
0xb1: {  	_ =	task [dreg:s8], $0x5FFFF  }
0xb2: {  	[dreg:$0x1] =	wrdreg $0xFFFFFFFF  }
0xb3: {  	[dreg:$0x0] =	wrdreg $0x60  }
0xb4: {  	[dreg:$0x2] =	wrdreg s18  }
0xb5: {  	[dreg:$0x3] =	wrdreg s17  }
0xb6: {  	[dreg:$0x4] =	wrdreg $0x52800  }
0xb7: {  	[dreg:$0x5] =	wrdreg $0x9  }
0xb8: {  	_ =	task.clear_ibuf [dreg:s8], $0x6FFFF;
	_ =	strace $0x90000046  }
0xb9: {  	s29 =	simm.s32 $0x9;
	_ =	strace $0x80000048  }
0xba: {  	_ =	swait.ge [sflag:s29], $0x1  }
0xbb: {  	[sflag:s29] =	ssyncadd.s32 $0xFFFFFFFF  }
0xbc: {  	_ =	strace $0x90000048  }
0xbd: {  	_ =	sfence  }
0xbe: {  	s30 =	sld [smem:$0x0];
	_ =	sdelay $0x2  }
0xbf: {  	s31 =	sshll.u32 s1, $0xD;
	s1 =	sshrl.u32 s1, $0x2  }
0xc0: {  	s3 =	sand.u32 $0x4000, s31;
	s1 =	sadd.s32 s1, s30  }
0xc1: {  	s0 =	sor.u32 s3, s0;
	s1 =	sshll.u32 s1, $0x11  }
0xc2: {  	s0 =	sor.u32 s1, s0  }
0xc3: {  	s0 =	sadd.s32 $0x8F2B, s0  }
0xc4: {  	[sflag:s0] =	ssyncadd.remote.s32 $0x1  }
0xc5: {  	_ =	sfence.sel $0xFFFF  }
0xc6: {  	[dreg:$0x0] =	wrdreg $0xFFFFFFFF;
	(pc) =	sbr.abs _section_cstart, $3  }
0xc7: {  	[dreg:$0x1] =	wrdreg $0xFFFFFFFF  }
0xc8: {  	_ =	task.clear_ibuf [dreg:s8], $0x2FFFF;
	_ =	strace $0x9FFFFFFF  }
0xc9: {  	(tm) =	ssettm $0x7FFFFFFF  }
tec
execute0_lowered:
.L_overlay_start_1:
0x0: {  	(tag) =	ssettag $0x1  }
0x1: {  	s3 =	rddreg [dreg:$0x0];
	s0 =	srdreg.scid  }
0x2: {  	s10 =	stileid.u32;
	s5 =	rddreg [dreg:$0x1]  }
0x3: {  	s1 =	rddreg [dreg:$0x2];
	s6 =	smul.u32 $0xA00, s10  }
0x4: {  	s4 =	sand.u32 $0x1, s0;
	s30 =	sshll.u32 s10, $0x1;
	s31 =	smul.u32 $0xA0, s10  }
0x5: {  	p0 =	sne.s32 s10, $0x0;
	s10 =	simm.s32 $0x0;
	s9 =	smul.u32 $0x4E2, s4  }
0x6: {  	s2 =	ssub.s32 $0x2, s4;
	s0 =	sor.u32 s4, s30;
	s11 =	smul.u32 $0x50, s4  }
0x7: {  	s7 =	sshrl.u32 s2, $0x1;
	s8 =	smul.u32 $0x500, s0;
	s0 =	rddreg [dreg:$0x3]  }
0x8: {  	s6 =	sshrl.u32 s6, $0x2;
	s7 =	ssub.s32 s2, s7;
	s2 =	simm.s32 $0x0  }
0x9: {  	s4 =	sadd.s32 s6, s1;
	s5 =	sadd.s32 s5, s9;
	s9 =	simm.s32 $0x5  }
0xa: {  	s3 =	sadd.s32 s3, s8;
	[smem:$0x7FF] =	sst s2;
	s6 =	smax.u32 s7, $0x1  }
0xb: {  	v0 =	vimm.f32 $0.0e+00;
	v1 =	vimm.f32 $1.000000000e+00;
	s7 =	sadd.s32 s11, s31;
	s8 =	simm.s32 $0x5000;
	_ =	strace $0x80000047  }
.LBB2_1:
0xc: {  	[tilespmem:$0x5000] =	vst v0  }
0xd: {  	[tilespmem:$0x5010] =	vst v0  }
0xe: {  	[tilespmem:$0x5020] =	vst v0  }
0xf: {  	[tilespmem:$0x5030] =	vst v0  }
0x10: {  	[tilespmem:$0x5040] =	vst v0  }
0x11: {  	[tilespmem:$0x5050] =	vst v0  }
0x12: {  	[tilespmem:$0x5060] =	vst v0  }
0x13: {  	[tilespmem:$0x5070] =	vst v0  }
0x14: {  	[tilespmem:$0x5080] =	vst v0  }
0x15: {  	[tilespmem:$0x5090] =	vst v0  }
0x16: {  	[tilespmem:$0x50A0] =	vst v0  }
0x17: {  	[tilespmem:$0x50B0] =	vst v0  }
0x18: {  	[tilespmem:$0x50C0] =	vst v0  }
0x19: {  	[tilespmem:$0x50D0] =	vst v0  }
0x1a: {  	[tilespmem:$0x50E0] =	vst v0  }
0x1b: {  	[tilespmem:$0x50F0] =	vst v0  }
0x1c: {  	[tilespmem:$0x5100] =	vst v0  }
0x1d: {  	[tilespmem:$0x5110] =	vst v0  }
0x1e: {  	[tilespmem:$0x5120] =	vst v0  }
0x1f: {  	[tilespmem:$0x5130] =	vst v0  }
0x20: {  	[tilespmem:$0x5140] =	vst v0  }
0x21: {  	[tilespmem:$0x5150] =	vst v0  }
0x22: {  	[tilespmem:$0x5160] =	vst v0  }
0x23: {  	[tilespmem:$0x5170] =	vst v0  }
0x24: {  	[tilespmem:$0x5180] =	vst v0  }
0x25: {  	[tilespmem:$0x5190] =	vst v0  }
0x26: {  	[tilespmem:$0x51A0] =	vst v0  }
0x27: {  	[tilespmem:$0x51B0] =	vst v0  }
0x28: {  	[tilespmem:$0x51C0] =	vst v0  }
0x29: {  	[tilespmem:$0x51D0] =	vst v0  }
0x2a: {  	[tilespmem:$0x51E0] =	vst v0  }
0x2b: {  	[tilespmem:$0x51F0] =	vst v0  }
0x2c: {  	[tilespmem:$0x5200] =	vst v0  }
0x2d: {  	[tilespmem:$0x5210] =	vst v0  }
0x2e: {  	[tilespmem:$0x5220] =	vst v0  }
0x2f: {  	[tilespmem:$0x5230] =	vst v0  }
0x30: {  	[tilespmem:$0x5240] =	vst v0  }
0x31: {  	[tilespmem:$0x5250] =	vst v0  }
0x32: {  	[tilespmem:$0x5260] =	vst v0  }
0x33: {  	[tilespmem:$0x5270] =	vst v0  }
0x34: {  	[spmem:s4] =	stream.linear.scatter [tilespmem:s8], [sflag:$0x5], $0x280, $0x38;
	[tilespmem:$0x5500] =	vst v63  }
0x35: {  	_ =	swait.ge [sflag:s9], $0x280  }
0x36: {  	[sflag:s9] =	ssyncset.done $0x0  }
0x37: {  	[sflag:s9] =	ssyncadd.s32 $0xFFFFFD80  }
0x38: {  	[tilespmem:$0x2800] =	vst v1  }
0x39: {  	[tilespmem:$0x2810] =	vst v1  }
0x3a: {  	[tilespmem:$0x2820] =	vst v1  }
0x3b: {  	[tilespmem:$0x2830] =	vst v1  }
0x3c: {  	[tilespmem:$0x2840] =	vst v1  }
0x3d: {  	[tilespmem:$0x2850] =	vst v1  }
0x3e: {  	[tilespmem:$0x2860] =	vst v1  }
0x3f: {  	[tilespmem:$0x2870] =	vst v1  }
0x40: {  	[tilespmem:s2], [sflag:$0x5] =	stream.linear.gather [hbm4b:s3+s2], $0x2800, $0x38;
	[tilespmem:$0x5500] =	vst v63  }
0x41: {  	s11 =	sadd.s32 $0x0, s7;
	_ =	swait.ge [sflag:s9], $0x2800  }
0x42: {  	p1 =	sgt.u32 s11, $0x9C3;
	[sflag:s9] =	ssyncset.done $0x0  }
0x43: {  	s11 =	simm.s32 @!p1 $0x0;
	[sflag:s9] =	ssyncadd.s32 $0xFFFFD800  }
0x44: {  	s12 =	simm.s32 @!p1 $0x80;
	s13 =	simm.s32 @!p1 $0x2800;
	[bflag:$0x0] =	sbarrier.arrive $0xFFFF  }
0x45: {  	[spmem:s1] =	stream.indirect.scatter.add.f32 @!p1 [tilespmem:s13], [sflag:$0x1], $0x1, s11, s12, $0xb8;
	[tilespmem:$0x5500] =	vst v63  }
0x46: {  	s11 =	simm.s32 @!p1 $0x80;
	p1 =	por p1, p1  }
0x47: {  	[spmem:s1] =	stream.indirect.scatter.add.f32 @!p1 [tilespmem:s13], [sflag:$0x2], $0x1, s11, s12, $0xb8;
	[tilespmem:$0x5500] =	vst v63  }
0x48: {  	s11 =	simm.s32 @!p1 $0x100  }
0x49: {  	[spmem:s1] =	stream.indirect.scatter.add.f32 @!p1 [tilespmem:s13], [sflag:$0x3], $0x1, s11, s12, $0xb8;
	[tilespmem:$0x5500] =	vst v63  }
0x4a: {  	s14 =	simm.s32 @!p1 $0x1;
	s11 =	simm.s32 $0x180  }
0x4b: {  	[spmem:s1] =	stream.indirect.scatter.add.f32 @!p1 [tilespmem:s13], [sflag:$0x4], $0x1, s11, s12, $0xb8;
	[tilespmem:$0x5500] =	vst v63  }
0x4c: {  	_ =	swait.ge @!p1 [sflag:s14], $0x80  }
0x4d: {  	[sflag:s14] =	ssyncset.done @!p1 $0x0  }
0x4e: {  	s11 =	simm.s32 @!p1 $0x2;
	[sflag:s14] =	ssyncadd.s32 @!p1 $0xFFFFFF80  }
0x4f: {  	_ =	swait.ge @!p1 [sflag:s11], $0x80  }
0x50: {  	[sflag:s11] =	ssyncset.done @!p1 $0x0  }
0x51: {  	[sflag:s11] =	ssyncadd.s32 @!p1 $0xFFFFFF80;
	s11 =	simm.s32 @!p1 $0x3  }
0x52: {  	_ =	swait.ge @!p1 [sflag:s11], $0x80  }
0x53: {  	s31 =	sadd.s32 $0x4, s7;
	[sflag:s11] =	ssyncset.done @!p1 $0x0  }
0x54: {  	p3 =	sgt.u32 s31, $0x9C3;
	s13 =	simm.s32 @!p1 $0x4;
	[sflag:s11] =	ssyncadd.s32 @!p1 $0xFFFFFF80  }
0x55: {  	s12 =	simm.s32 $0x8;
	s11 =	simm.s32 $0x380;
	_ =	swait.ge @!p1 [sflag:s13], $0x80  }
.LBB2_2:
0x56: {  	s14 =	sadd.s32 @!p3 $0xFFFFFE80, s11  }
0x57: {  	s15 =	simm.s32 @!p3 $0x80;
	[sflag:s13] =	ssyncset.done @!p1 $0x0;
	s16 =	smov.u32 s12  }
0x58: {  	s12 =	sadd.s32 $0x4, s12;
	s17 =	simm.s32 @!p3 $0x2800;
	[sflag:s13] =	ssyncadd.s32 @!p1 $0xFFFFFF80  }
0x59: {  	[spmem:s1] =	stream.indirect.scatter.add.f32 @!p3 [tilespmem:s17], [sflag:$0x1], $0x1, s14, s15, $0xb8;
	[tilespmem:$0x5500] =	vst v63  }
0x5a: {  	p2 =	sne.s32 s12, $0x50;
	s13 =	sadd.s32 @!p3 $0xFFFFFF00, s11;
	p1 =	por p3, p3  }
0x5b: {  	[spmem:s1] =	stream.indirect.scatter.add.f32 @!p1 [tilespmem:s17], [sflag:$0x2], $0x1, s13, s15, $0xb8;
	[tilespmem:$0x5500] =	vst v63  }
0x5c: {  	s13 =	sadd.s32 @!p1 $0xFFFFFF80, s11  }
0x5d: {  	[spmem:s1] =	stream.indirect.scatter.add.f32 @!p1 [tilespmem:s17], [sflag:$0x3], $0x1, s13, s15, $0xb8;
	[tilespmem:$0x5500] =	vst v63  }
0x5e: {  	s13 =	simm.s32 @!p1 $0x1  }
0x5f: {  	[spmem:s1] =	stream.indirect.scatter.add.f32 @!p1 [tilespmem:s17], [sflag:$0x4], $0x1, s11, s15, $0xb8;
	[tilespmem:$0x5500] =	vst v63  }
0x60: {  	_ =	swait.ge @!p1 [sflag:s13], $0x80  }
0x61: {  	[sflag:s13] =	ssyncset.done @!p1 $0x0  }
0x62: {  	[sflag:s13] =	ssyncadd.s32 @!p1 $0xFFFFFF80;
	s13 =	simm.s32 @!p1 $0x2  }
0x63: {  	_ =	swait.ge @!p1 [sflag:s13], $0x80  }
0x64: {  	[sflag:s13] =	ssyncset.done @!p1 $0x0  }
.Ltmp0:
0x65: {  	[sflag:s13] =	ssyncadd.s32 @!p1 $0xFFFFFF80;
	s13 =	simm.s32 @!p1 $0x3;
	(pc) =	sbr.rel @p2 .LBB2_2-.Ltmp0, $4  }
0x66: {  	_ =	swait.ge @!p1 [sflag:s13], $0x80  }
0x67: {  	[sflag:s13] =	ssyncset.done @!p1 $0x0  }
0x68: {  	s14 =	sadd.s32 s16, s7;
	[sflag:s13] =	ssyncadd.s32 @!p1 $0xFFFFFF80;
	s13 =	simm.s32 @!p1 $0x4  }
0x69: {  	p3 =	sgt.u32 s14, $0x9C3;
	s11 =	sadd.s32 $0x200, s11;
	_ =	swait.ge @!p1 [sflag:s13], $0x80  }
0x6a: {  	s12 =	sadd.s32 @!p3 $0xFFFFFE80, s11;
	[sflag:s13] =	ssyncset.done @!p1 $0x0  }
0x6b: {  	s14 =	simm.s32 @!p3 $0x80;
	s15 =	simm.s32 @!p3 $0x2800;
	[sflag:s13] =	ssyncadd.s32 @!p1 $0xFFFFFF80  }
0x6c: {  	[spmem:s1] =	stream.indirect.scatter.add.f32 @!p3 [tilespmem:s15], [sflag:$0x1], $0x1, s12, s14, $0xb8;
	[tilespmem:$0x5500] =	vst v63  }
0x6d: {  	p1 =	por p3, p3;
	s12 =	sadd.s32 @!p3 $0xFFFFFF00, s11  }
0x6e: {  	[spmem:s1] =	stream.indirect.scatter.add.f32 @!p1 [tilespmem:s15], [sflag:$0x2], $0x1, s12, s14, $0xb8;
	[tilespmem:$0x5500] =	vst v63  }
0x6f: {  	s12 =	sadd.s32 @!p1 $0xFFFFFF80, s11  }
0x70: {  	[spmem:s1] =	stream.indirect.scatter.add.f32 @!p1 [tilespmem:s15], [sflag:$0x3], $0x1, s12, s14, $0xb8;
	[tilespmem:$0x5500] =	vst v63  }
0x71: {  	s12 =	simm.s32 @!p1 $0x1  }
0x72: {  	[spmem:s1] =	stream.indirect.scatter.add.f32 @!p1 [tilespmem:s15], [sflag:$0x4], $0x1, s11, s14, $0xb8;
	[tilespmem:$0x5500] =	vst v63  }
0x73: {  	_ =	swait.ge @!p1 [sflag:s12], $0x80  }
0x74: {  	[sflag:s12] =	ssyncset.done @!p1 $0x0  }
0x75: {  	s11 =	simm.s32 @!p1 $0x2;
	[sflag:s12] =	ssyncadd.s32 @!p1 $0xFFFFFF80  }
0x76: {  	_ =	swait.ge @!p1 [sflag:s11], $0x80  }
0x77: {  	[sflag:s11] =	ssyncset.done @!p1 $0x0  }
0x78: {  	[sflag:s11] =	ssyncadd.s32 @!p1 $0xFFFFFF80;
	s11 =	simm.s32 @!p1 $0x3  }
0x79: {  	_ =	swait.ge @!p1 [sflag:s11], $0x80  }
0x7a: {  	[sflag:s11] =	ssyncset.done @!p1 $0x0  }
0x7b: {  	[sflag:s11] =	ssyncadd.s32 @!p1 $0xFFFFFF80;
	s11 =	simm.s32 @!p1 $0x4  }
0x7c: {  	_ =	swait.ge @!p1 [sflag:s11], $0x80  }
0x7d: {  	[sflag:s11] =	ssyncset.done @!p1 $0x0  }
0x7e: {  	[sflag:s11] =	ssyncadd.s32 @!p1 $0xFFFFFF80  }
0x7f: {  	s12 =	simm.s32 @!p0 $0x5;
	s11 =	simm.s32 @!p0 $0x2880;
	[bflag:$0x0] =	sbarrier.arrive $0xFFFF  }
0x80: {  	[tilespmem:s11], [sflag:$0x5] =	stream.linear.gather @!p0 [spmem:s1], $0x2710, $0x38;
	[tilespmem:$0x5500] =	vst v63  }
0x81: {  	s10 =	sadd.s32 $0x1, s10;
	_ =	swait.ge @!p0 [sflag:s12], $0x2710  }
0x82: {  	p1 =	sne.s32 s10, s6;
	[sflag:s12] =	ssyncset.done @!p0 $0x0  }
.Ltmp1:
0x83: {  	s13 =	simm.s32 @!p0 $0x0;
	[sflag:s12] =	ssyncadd.s32 @!p0 $0xFFFFD8F0;
	(pc) =	sbr.rel @p1 .LBB2_1-.Ltmp1, $4  }
0x84: {  	[hbm4b:s5+s13] =	stream.linear.scatter @!p0 [tilespmem:s11], [sflag:$0x5], $0x2710, $0x38;
	[tilespmem:$0x5500] =	vst v63  }
0x85: {  	_ =	swait.ge @!p0 [sflag:s12], $0x2710  }
0x86: {  	[sflag:s12] =	ssyncset.done @!p0 $0x0  }
0x87: {  	[sflag:s12] =	ssyncadd.s32 @!p0 $0xFFFFD8F0  }
0x88: {  	_ =	sfence.sel $0x180000  }
0x89: {  	[bflag:$0x0] =	sbarrier.arrive $0xFFFF  }
0x8a: {  	_ =	strace $0x90000047  }
0x8b: {  	s0 =	sadd.s32 @!p0 $0x100000, s0;
	[bflag:$0x2] =	sbarrier.arrive $0xFFFF  }
0x8c: {  	[sflag:s0] =	ssyncadd.tile.s32 @!p0 $0x1;
	_ =	shalt  }
.Lfunc_end2:
_tile_overlayer_lowered:
.L_overlay_start_2:
0x8d: {  	(tag) =	ssettag $0x2  }
0x8e: {  	s0 =	rddreg [dreg:$0x0];
	s2 =	stileid.u32  }
0x8f: {  	s1 =	rddreg [dreg:$0x1];
	p0 =	sne.s32 s2, $0x0  }
0x90: {  	s3 =	rddreg [dreg:$0x2];
	[bflag:$0x3] =	sbarrier.arrive $0xFFFF;
	s2 =	simm.s32 @!p0 $0x1C05  }
0x91: {  	[timem:s3], [sflag:s2] =	dma.local @!p0 [hbm:s0], s1  }
0x92: {  	s0 =	simm.s32 @!p0 $0x5  }
0x93: {  	_ =	swait.ge @!p0 [sflag:s0], s1  }
0x94: {  	s1 =	ssub.s32 @!p0 $0x0, s1;
	[sflag:s0] =	ssyncset.done @!p0 $0x0  }
0x95: {  	[sflag:s0] =	ssyncadd.s32 @!p0 s1  }
0x96: {  	[bflag:$0x3] =	sbarrier.arrive $0xFFFF  }
0x97: {  	_ =	shalt  }

</sc_bundles>
